<compile_context>
chip_gen: v7x
topology: tpu7x:2x2x1
jax: 0.10.2.dev20260603
libtpu: 0.0.44.dev20260713+nightly
codegen_flags: <defaults>
</compile_context>

<pallas_src>
import jax
import jax.numpy as jnp
from jax import lax
from jax.experimental import pallas as pl
from jax.experimental.pallas import tpu as pltpu
from jax.experimental.pallas import tpu_sc as plsc


_ROWS = 64
_COLS = 1_000_000
_BLOCK_C = 4096
_LANES = 128
_INT_MAX = 0x7FFFFFFF

_SC_CHUNK = 16384
_TC_BLOCKS = 192
_TC_COLS = _TC_BLOCKS * _BLOCK_C
_SC_NCH = 13
_SC_COLS = _SC_NCH * _SC_CHUNK
_TAIL_START = _TC_COLS + _SC_COLS
_TAIL = _COLS - _TAIL_START
_TAIL_CH = (_TAIL + _LANES - 1) // _LANES

_NC = 2
_NW = 32
_ROWS_PER_W = _ROWS // _NW

_K0 = 0
_K1 = 42
_K2 = _K0 ^ _K1 ^ 0x1BD11BDA

_ROT = ((13, 15, 26, 6), (17, 29, 16, 24))
_ADDS = ((1, 2, 1), (2, 0, 2), (0, 1, 3), (1, 2, 4), (2, 0, 5))

_CLN_IN = (0.9999998211860657, -0.5000069737434387, 0.3333568871021271,
           -0.24957780539989471, 0.19885361194610596, -0.17363153398036957,
           0.1633855551481247, -0.09913656115531921)
_CLN_OUT = (1.0000041723251343, -0.5000144839286804, 0.33298954367637634,
            -0.24898120760917664, 0.20673835277557373, -0.1877920776605606,
            0.11449082940816879)
_CP = (1.0, -0.5000001192092896, 0.33332598209381104, -0.2502099275588989,
       0.19696438312530518, -0.19059066474437714, 0.040718723088502884,
       -0.33426347374916077)
_LN2 = 0.6931471805599453
_SQRT2 = 1.4142135
_TINY = 1.1754943508222875e-38


def _threefry_bits(counter):
  ks = (jnp.uint32(_K0), jnp.uint32(_K1), jnp.uint32(_K2))
  x0 = jnp.zeros_like(counter) + ks[0]
  x1 = counter + ks[1]
  for g, (a, b, c) in enumerate(_ADDS):
    for r in _ROT[g % 2]:
      x0 = x0 + x1
      x1 = ((x1 << jnp.uint32(r)) | (x1 >> jnp.uint32(32 - r))) ^ x0
    x0 = x0 + ks[a]
    x1 = x1 + ks[b] + jnp.uint32(c)
  return x0 ^ x1


def _gumbel_from_bits(bits):
  tiny = jnp.float32(_TINY)
  float_bits = (bits >> jnp.uint32(9)) | jnp.uint32(0x3F800000)
  floats = lax.bitcast_convert_type(float_bits, jnp.float32) - jnp.float32(1.0)
  u = jnp.maximum(tiny, floats * (jnp.float32(1.0) - tiny) + tiny)
  return -jnp.log(-jnp.log(u))


def _block_gumbel(rows, cols, shape, col):
  r = lax.broadcasted_iota(jnp.uint32, shape, 0)
  counter = r * jnp.uint32(cols) + col
  return _gumbel_from_bits(_threefry_bits(counter))


def _chunk_reduce(vals, coli):
  m = jnp.max(vals, axis=1)
  idx = jnp.min(jnp.where(vals == m[:, None, :], coli, _INT_MAX), axis=1)
  return m, idx



def _tc_body(rows, cols, block_c):
  chunks = block_c // _LANES

  def body(x_ref, oval_ref, oidx_ref):
    i = pl.program_id(0)

    @pl.when(i == 0)
    def _init():
      oval_ref[...] = jnp.full((rows, _LANES), -jnp.inf, jnp.float32)
      oidx_ref[...] = jnp.zeros((rows, _LANES), jnp.int32)

    shape = (rows, chunks, _LANES)
    ch = lax.broadcasted_iota(jnp.uint32, shape, 1)
    ln = lax.broadcasted_iota(jnp.uint32, shape, 2)
    col = jnp.uint32(i) * jnp.uint32(block_c) + ch * jnp.uint32(_LANES) + ln
    vals = x_ref[...].reshape(shape) + _block_gumbel(rows, cols, shape, col)
    m, idx = _chunk_reduce(vals, col.astype(jnp.int32))

    sval = oval_ref[...]
    sidx = oidx_ref[...]
    better = (m > sval) | ((m == sval) & (idx < sidx))
    oval_ref[...] = jnp.where(better, m, sval)
    oidx_ref[...] = jnp.where(better, idx, sidx)

  return body


def _copy_body(x_ref, out_ref):
  out_ref[...] = x_ref[...].reshape(out_ref.shape)


def _merge_body(rows, cols, tail_start, tail_ch):
  def body(xt_ref, mval_ref, midx_ref, scv_ref, sci_ref, out_ref):
    shape = (rows, tail_ch, _LANES)
    ch = lax.broadcasted_iota(jnp.uint32, shape, 1)
    ln = lax.broadcasted_iota(jnp.uint32, shape, 2)
    col = jnp.uint32(tail_start) + ch * jnp.uint32(_LANES) + ln
    vals = xt_ref[...].reshape(shape) + _block_gumbel(rows, cols, shape, col)
    vals = jnp.where(col < jnp.uint32(cols), vals, -jnp.inf)
    tm, tidx = _chunk_reduce(vals, col.astype(jnp.int32))

    mv = mval_ref[...]
    mi = midx_ref[...]
    better = (tm > mv) | ((tm == mv) & (tidx < mi))
    v = jnp.where(better, tm, mv)
    ix = jnp.where(better, tidx, mi)
    tmax = jnp.max(v, axis=1)
    tcidx = jnp.min(jnp.where(v == tmax[:, None], ix, _INT_MAX), axis=1)

    sv = scv_ref[...]
    si = sci_ref[...]
    smax = jnp.max(sv, axis=1)
    sidx = jnp.min(jnp.where(sv == smax[:, None], si, _INT_MAX), axis=1)

    better2 = (smax > tmax) | ((smax == tmax) & (sidx < tcidx))
    first = jnp.where(better2, sidx, tcidx)
    out_ref[...] = first.reshape(1, rows)

  return body



def _sc_ln(y, coefs):
  b = lax.bitcast_convert_type(y, jnp.int32)
  e = lax.shift_right_logical(b, 23) - 127
  vb = (b & 0x7FFFFF) | 0x3F800000
  v = lax.bitcast_convert_type(vb, jnp.float32)
  big = v >= jnp.float32(_SQRT2)
  v = jnp.where(big, v * jnp.float32(0.5), v)
  e = jnp.where(big, e + 1, e)
  d = v - jnp.float32(1.0)
  acc = jnp.full_like(d, coefs[-1])
  for c in coefs[-2::-1]:
    acc = acc * d + jnp.float32(c)
  lnv = acc * d
  return e.astype(jnp.float32) * jnp.float32(_LN2) + lnv


def _sc_gumbel(bits):
  m = lax.shift_right_logical(bits, 9)
  mf = m.astype(jnp.float32)
  u = jnp.maximum(mf * jnp.float32(2.0 ** -23), jnp.float32(_TINY))
  w = (mf - jnp.float32(2.0 ** 23)) * jnp.float32(2.0 ** -23)
  accp = jnp.full_like(w, _CP[-1])
  for c in _CP[-2::-1]:
    accp = accp * w + jnp.float32(c)
  t_a = -(w * accp)
  t_b = -_sc_ln(u, _CLN_IN)
  t = jnp.where(m >= (3 << 21), t_a, t_b)
  return -_sc_ln(t, _CLN_OUT)


def _sc_threefry_bits_i32(counter):
  ks = (jnp.int32(_K0), jnp.int32(_K1), jnp.int32(_K2))
  x0 = jnp.zeros_like(counter) + ks[0]
  x1 = counter + ks[1]
  for g, (a, b, c) in enumerate(_ADDS):
    for r in _ROT[g % 2]:
      x0 = x0 + x1
      x1 = ((x1 << r) | lax.shift_right_logical(x1, 32 - r)) ^ x0
    x0 = x0 + ks[a]
    x1 = x1 + ks[b] + jnp.int32(c)
  return x0 ^ x1


def _sc_body(x1d_ref, outv_ref, outi_ref, buf_ref, bv16_ref, bi16_ref, sem):
  wid = lax.axis_index("s") * _NC + lax.axis_index("c")
  grp = wid // 4
  q = wid % 4
  iota = lax.iota(jnp.int32, 16)

  for rr in range(_ROWS_PER_W):
    sr = 2 * q + rr
    row = 8 * grp + sr
    carry = (jnp.full((16,), -jnp.inf, jnp.float32),
             jnp.zeros((16,), jnp.int32))

    def stage_off(j, grp=grp, sr=sr):
      return ((grp * _SC_NCH + j) * 8 + sr) * _SC_CHUNK

    pltpu.make_async_copy(x1d_ref.at[pl.ds(stage_off(0), _SC_CHUNK)],
                          buf_ref.at[pl.ds(0, _SC_CHUNK)], sem).start()

    def chunk_body(j, c2, row=row):
      par = (j & 1) * _SC_CHUNK
      pltpu.make_async_copy(x1d_ref.at[pl.ds(0, _SC_CHUNK)],
                            buf_ref.at[pl.ds(par, _SC_CHUNK)], sem).wait()

      @pl.when(j + 1 < _SC_NCH)
      def _prefetch():
        npar = ((j + 1) & 1) * _SC_CHUNK
        pltpu.make_async_copy(
            x1d_ref.at[pl.ds(stage_off(j + 1), _SC_CHUNK)],
            buf_ref.at[pl.ds(npar, _SC_CHUNK)], sem).start()

      col0 = _TC_COLS + j * _SC_CHUNK
      base_flat = row * _COLS + col0

      def vec_body(v, c3):
        bv, bi = c3
        xv = buf_ref[pl.ds(par + v * 16, 16)]
        cnt = (base_flat + v * 16) + iota
        g = _sc_gumbel(_sc_threefry_bits_i32(cnt))
        val = xv + g
        ci = (col0 + v * 16) + iota
        pred = val > bv
        return (jnp.where(pred, val, bv), jnp.where(pred, ci, bi))

      return lax.fori_loop(0, _SC_CHUNK // 16, vec_body, c2, unroll=4)

    bv, bi = lax.fori_loop(0, _SC_NCH, chunk_body, carry)

    bv16_ref[...] = bv
    bi16_ref[...] = bi
    pltpu.sync_copy(bv16_ref, outv_ref.at[pl.ds(row * 16, 16)])
    pltpu.sync_copy(bi16_ref, outi_ref.at[pl.ds(row * 16, 16)])


def _sc_partials(x1d):
  run = pl.kernel(
      _sc_body,
      out_type=(jax.ShapeDtypeStruct((_ROWS * 16,), jnp.float32),
                jax.ShapeDtypeStruct((_ROWS * 16,), jnp.int32)),
      mesh=plsc.VectorSubcoreMesh(
          core_axis_name="c", subcore_axis_name="s", num_cores=_NC),
      scratch_types=(pltpu.VMEM((2 * _SC_CHUNK,), jnp.float32),
                     pltpu.VMEM((16,), jnp.float32),
                     pltpu.VMEM((16,), jnp.int32),
                     pltpu.SemaphoreType.DMA),
  )
  return run(x1d)



def _run(x, rows, cols, block_c):
  x_sc = pl.pallas_call(
      _copy_body,
      grid=(rows // 8, _SC_NCH),
      in_specs=[pl.BlockSpec((8, _SC_CHUNK),
                             lambda i, j: (i, _TC_COLS // _SC_CHUNK + j))],
      out_specs=pl.BlockSpec((8 * _SC_CHUNK,), lambda i, j: (i * _SC_NCH + j,)),
      out_shape=jax.ShapeDtypeStruct((rows * _SC_COLS,), jnp.float32),
  )(x)

  scv, sci = _sc_partials(x_sc)
  scv = scv.reshape(rows, 16)
  sci = sci.reshape(rows, 16)

  mval, midx = pl.pallas_call(
      _tc_body(rows, cols, block_c),
      grid=(_TC_BLOCKS,),
      in_specs=[pl.BlockSpec((rows, block_c), lambda i: (0, i))],
      out_specs=[pl.BlockSpec((rows, _LANES), lambda i: (0, 0)),
                 pl.BlockSpec((rows, _LANES), lambda i: (0, 0))],
      out_shape=[jax.ShapeDtypeStruct((rows, _LANES), jnp.float32),
                 jax.ShapeDtypeStruct((rows, _LANES), jnp.int32)],
  )(x)

  xt = x[:, _TAIL_START:]
  pad = _TAIL_CH * _LANES - _TAIL
  if pad:
    xt = jnp.concatenate(
        [xt, jnp.full((rows, pad), -jnp.inf, jnp.float32)], axis=1)

  out = pl.pallas_call(
      _merge_body(rows, cols, _TAIL_START, _TAIL_CH),
      in_specs=[pl.BlockSpec(xt.shape, lambda: (0, 0)),
                pl.BlockSpec((rows, _LANES), lambda: (0, 0)),
                pl.BlockSpec((rows, _LANES), lambda: (0, 0)),
                pl.BlockSpec((rows, 16), lambda: (0, 0)),
                pl.BlockSpec((rows, 16), lambda: (0, 0))],
      out_specs=pl.BlockSpec((1, rows), lambda: (0, 0)),
      out_shape=jax.ShapeDtypeStruct((1, rows), jnp.int32),
  )(xt, mval, midx, scv, sci)
  return out.reshape(rows)


@jax.jit
def kernel(x):
  return _run(x, _ROWS, _COLS, _BLOCK_C)

# --- scband reference (transcript-rebuilt; emitter-appended) ---
"""Pipeline reference for scband-my-model-61933428414309 (READ-ONLY COPY).

The authoritative reference and input builder live on the scoring server;
editing this copy changes nothing except your own understanding.
"""

import jax, jax.numpy as jnp
import numpy as np


def setup_inputs(seed: int = 0) -> dict:
    key = jax.random.key(seed)
    x = jax.random.normal(key, (64, 1000000), dtype=jnp.float32)
    return {"x": x}


def reference(x):
    # Faithful translation of: softmax(x) -> Categorical(probs).sample()
    probs = jax.nn.softmax(x, axis=-1)
    # Categorical sampling from probs == gumbel-max over log-probs;
    # jax.random.categorical consumes logits = log(probs).
    sample_key = jax.random.key(42)
    samples = jax.random.categorical(sample_key, jnp.log(probs), axis=-1)
    return samples

if __name__ == "__main__":
    import jax
    _d = setup_inputs()
    print(jax.jit(kernel)(*tuple(_d.values())))

</pallas_src>

<mosaic_0001>
#map = affine_map<(d0, d1) -> (0)>
module attributes {stable_mosaic.version = 14 : i64} {
  func.func @_sc_body(%arg0: i32, %arg1: i32, %arg2: memref<13631488xf32, #tpu.memory_space<hbm>>, %arg3: memref<1024xf32, #tpu.memory_space<hbm>>, %arg4: memref<1024xi32, #tpu.memory_space<hbm>>, %arg5: memref<32768xf32, #tpu.memory_space<vmem>>, %arg6: memref<16xf32, #tpu.memory_space<vmem>>, %arg7: memref<16xi32, #tpu.memory_space<vmem>>, %arg8: memref<!tpu.dma_semaphore, #tpu.memory_space<semaphore_mem>>) attributes {dimension_semantics = [#tpu.dimension_semantics<core_parallel>, #tpu.dimension_semantics<subcore_parallel>], iteration_bounds = array<i64: 2, 16>, scalar_prefetch = 0 : i64, scratch_operands = 4 : i64, tpu.core_type = #tpu.core_type<sc_vector_subcore>, window_params = [{transform_indices = #map}, {transform_indices = #map}, {transform_indices = #map}]} {
    %mul3A = arith.constant 2 : i32
    %mul3A_0 = arith.muli %arg1, %mul3A : i32
    %add3A = arith.addi %mul3A_0, %arg0 : i32
    %jit3A = arith.constant 4 : i32
    %div3A = arith.divsi %add3A, %jit3A : i32
    %sign3A = arith.constant 0 : i32
    %sign3A_1 = arith.cmpi sgt, %add3A, %sign3A : i32
    %sign3A_2 = arith.extui %sign3A_1 : i1 to i32
    %sign3A_3 = arith.constant 0 : i32
    %sign3A_4 = arith.cmpi slt, %add3A, %sign3A_3 : i32
    %sign3A_5 = arith.extui %sign3A_4 : i1 to i32
    %sign3A_6 = arith.subi %sign3A_2, %sign3A_5 : i32
    %sign3A_7 = arith.constant 0 : i32
    %sign3A_8 = arith.cmpi sgt, %jit3A, %sign3A_7 : i32
    %sign3A_9 = arith.extui %sign3A_8 : i1 to i32
    %sign3A_10 = arith.constant 0 : i32
    %sign3A_11 = arith.cmpi slt, %jit3A, %sign3A_10 : i32
    %sign3A_12 = arith.extui %sign3A_11 : i1 to i32
    %sign3A_13 = arith.subi %sign3A_9, %sign3A_12 : i32
    %ne3A = arith.cmpi ne, %sign3A_6, %sign3A_13 : i32
    %rem3A = arith.remsi %add3A, %jit3A : i32
    %ne3A_14 = arith.constant 0 : i32
    %ne3A_15 = arith.cmpi ne, %rem3A, %ne3A_14 : i32
    %and3A = arith.andi %ne3A, %ne3A_15 : i1
    %sub3A = arith.constant 1 : i32
    %sub3A_16 = arith.subi %div3A, %sub3A : i32
    %select_n3A = arith.select %and3A, %sub3A_16, %div3A : i32
    %jit3A_17 = arith.constant 4 : i32
    %eq3A = arith.constant 0 : i32
    %eq3A_18 = arith.cmpi eq, %jit3A_17, %eq3A : i32
    %jit3A_19 = arith.constant 1 : i32
    %select_n3A_20 = arith.select %eq3A_18, %jit3A_19, %jit3A_17 : i32
    %rem3A_21 = arith.remsi %add3A, %select_n3A_20 : i32
    %ne3A_22 = arith.constant 0 : i32
    %ne3A_23 = arith.cmpi ne, %rem3A_21, %ne3A_22 : i32
    %lt3A = arith.constant 0 : i32
    %lt3A_24 = arith.cmpi slt, %rem3A_21, %lt3A : i32
    %lt3A_25 = arith.constant 0 : i32
    %lt3A_26 = arith.cmpi slt, %select_n3A_20, %lt3A_25 : i32
    %ne3A_27 = arith.xori %lt3A_24, %lt3A_26 : i1
    %and3A_28 = arith.andi %ne3A_27, %ne3A_23 : i1
    %add3A_29 = arith.addi %rem3A_21, %select_n3A_20 : i32
    %select_n3A_30 = arith.select %and3A_28, %add3A_29, %rem3A_21 : i32
    %iota3A = tpu.iota {dimensions = array<i32: 0>} : vector<16xi32>
    %mul3A_31 = arith.constant 2 : i32
    %mul3A_32 = arith.muli %mul3A_31, %select_n3A_30 : i32
    %add3A_33 = arith.constant 0 : i32
    %add3A_34 = arith.addi %mul3A_32, %add3A_33 : i32
    %mul3A_35 = arith.constant 8 : i32
    %mul3A_36 = arith.muli %mul3A_35, %select_n3A : i32
    %add3A_37 = arith.addi %mul3A_36, %add3A_34 : i32
    %broadcast_in_dim3A = arith.constant 0xFF800000 : f32
    %broadcast_in_dim3A_38 = vector.broadcast %broadcast_in_dim3A : f32 to vector<16xf32>
    %broadcast_in_dim3A_39 = arith.constant 0 : i32
    %broadcast_in_dim3A_40 = vector.broadcast %broadcast_in_dim3A_39 : i32 to vector<16xi32>
    %mul3A_41 = arith.constant 13 : i32
    %mul3A_42 = arith.muli %select_n3A, %mul3A_41 : i32
    %add3A_43 = arith.constant 0 : i32
    %add3A_44 = arith.addi %mul3A_42, %add3A_43 : i32
    %mul3A_45 = arith.constant 8 : i32
    %mul3A_46 = arith.muli %add3A_44, %mul3A_45 : i32
    %add3A_47 = arith.addi %mul3A_46, %add3A_34 : i32
    %mul3A_48 = arith.constant 16384 : i32
    %mul3A_49 = arith.muli %add3A_47, %mul3A_48 : i32
    %dma_start3A = arith.constant 0 : i32
    %dma_start3A_50 = tpu.memref_slice %arg5[%dma_start3A] : memref<32768xf32, #tpu.memory_space<vmem>> -> memref<16384xf32, #tpu.memory_space<vmem>>
    %dma_start3A_51 = tpu.memref_slice %arg2[%mul3A_49] : memref<13631488xf32, #tpu.memory_space<hbm>> -> memref<16384xf32, #tpu.memory_space<hbm>>
    %dma_start3A_52 = arith.constant 0 : i32
    %dma_start3A_53 = tpu.memref_slice %arg5[%dma_start3A_52] : memref<32768xf32, #tpu.memory_space<vmem>> -> memref<16384xf32, #tpu.memory_space<vmem>>
    %dma_start3A_54 = tpu.memref_slice %arg2[%mul3A_49] : memref<13631488xf32, #tpu.memory_space<hbm>> -> memref<16384xf32, #tpu.memory_space<hbm>>
    tpu.enqueue_dma source(%dma_start3A_54 : memref<16384xf32, #tpu.memory_space<hbm>>) target(%dma_start3A_53 : memref<16384xf32, #tpu.memory_space<vmem>>) target_semaphore(%arg8 : memref<!tpu.dma_semaphore, #tpu.memory_space<semaphore_mem>>)
    %scan3A = arith.constant 0 : i32
    %scan3A_55 = arith.constant 13 : i32
    %scan3A_56 = arith.addi %scan3A, %scan3A_55 : i32
    %scan3A_57 = arith.constant 1 : i32
    %scan3A_58:2 = scf.for %scan3A_115 = %scan3A to %scan3A_56 step %scan3A_57 iter_args(%scan3A_116 = %broadcast_in_dim3A_38, %scan3A_117 = %broadcast_in_dim3A_40) -> (vector<16xf32>, vector<16xi32>)  : i32 {
      %and3A_118 = arith.constant 1 : i32
      %and3A_119 = arith.andi %scan3A_115, %and3A_118 : i32
      %mul3A_120 = arith.constant 16384 : i32
      %mul3A_121 = arith.muli %and3A_119, %mul3A_120 : i32
      %dma_wait3A = tpu.memref_slice %arg5[%mul3A_121] : memref<32768xf32, #tpu.memory_space<vmem>> -> memref<16384xf32, #tpu.memory_space<vmem>>
      %dma_wait3A_122 = arith.constant 0 : i32
      %dma_wait3A_123 = tpu.memref_slice %arg2[%dma_wait3A_122] : memref<13631488xf32, #tpu.memory_space<hbm>> -> memref<16384xf32, #tpu.memory_space<hbm>>
      %dma_wait3A_124 = tpu.memref_slice %arg5[%mul3A_121] : memref<32768xf32, #tpu.memory_space<vmem>> -> memref<16384xf32, #tpu.memory_space<vmem>>
      %dma_wait3A_125 = arith.constant 0 : i32
      %dma_wait3A_126 = tpu.memref_slice %arg2[%dma_wait3A_125] : memref<13631488xf32, #tpu.memory_space<hbm>> -> memref<16384xf32, #tpu.memory_space<hbm>>
      tpu.wait_dma2 semaphore(%arg8 : memref<!tpu.dma_semaphore, #tpu.memory_space<semaphore_mem>>) src(%dma_wait3A_126 : memref<16384xf32, #tpu.memory_space<hbm>>) dst(%dma_wait3A_124 : memref<16384xf32, #tpu.memory_space<vmem>>)
      %add3A_127 = arith.constant 1 : i32
      %add3A_128 = arith.addi %scan3A_115, %add3A_127 : i32
      %lt3A_129 = arith.constant 13 : i32
      %lt3A_130 = arith.cmpi slt, %add3A_128, %lt3A_129 : i32
      %convert_element_type3A = arith.extui %lt3A_130 : i1 to i32
      %cond3A = arith.constant 0 : i32
      %cond3A_131 = arith.cmpi ne, %convert_element_type3A, %cond3A : i32
      scf.if %cond3A_131 {
        %add3A_145 = arith.constant 1 : i32
        %add3A_146 = arith.addi %scan3A_115, %add3A_145 : i32
        %and3A_147 = arith.constant 1 : i32
        %and3A_148 = arith.andi %add3A_146, %and3A_147 : i32
        %mul3A_149 = arith.constant 16384 : i32
        %mul3A_150 = arith.muli %and3A_148, %mul3A_149 : i32
        %add3A_151 = arith.constant 1 : i32
        %add3A_152 = arith.addi %scan3A_115, %add3A_151 : i32
        %mul3A_153 = arith.constant 13 : i32
        %mul3A_154 = arith.muli %select_n3A, %mul3A_153 : i32
        %add3A_155 = arith.addi %mul3A_154, %add3A_152 : i32
        %mul3A_156 = arith.constant 8 : i32
        %mul3A_157 = arith.muli %add3A_155, %mul3A_156 : i32
        %add3A_158 = arith.addi %mul3A_157, %add3A_34 : i32
        %mul3A_159 = arith.constant 16384 : i32
        %mul3A_160 = arith.muli %add3A_158, %mul3A_159 : i32
        %dma_start3A_161 = tpu.memref_slice %arg5[%mul3A_150] : memref<32768xf32, #tpu.memory_space<vmem>> -> memref<16384xf32, #tpu.memory_space<vmem>>
        %dma_start3A_162 = tpu.memref_slice %arg2[%mul3A_160] : memref<13631488xf32, #tpu.memory_space<hbm>> -> memref<16384xf32, #tpu.memory_space<hbm>>
        %dma_start3A_163 = tpu.memref_slice %arg5[%mul3A_150] : memref<32768xf32, #tpu.memory_space<vmem>> -> memref<16384xf32, #tpu.memory_space<vmem>>
        %dma_start3A_164 = tpu.memref_slice %arg2[%mul3A_160] : memref<13631488xf32, #tpu.memory_space<hbm>> -> memref<16384xf32, #tpu.memory_space<hbm>>
        tpu.enqueue_dma source(%dma_start3A_164 : memref<16384xf32, #tpu.memory_space<hbm>>) target(%dma_start3A_163 : memref<16384xf32, #tpu.memory_space<vmem>>) target_semaphore(%arg8 : memref<!tpu.dma_semaphore, #tpu.memory_space<semaphore_mem>>)
      } else {
      }
      %mul3A_132 = arith.constant 16384 : i32
      %mul3A_133 = arith.muli %scan3A_115, %mul3A_132 : i32
      %add3A_134 = arith.constant 786432 : i32
      %add3A_135 = arith.addi %add3A_134, %mul3A_133 : i32
      %mul3A_136 = arith.constant 1000000 : i32
      %mul3A_137 = arith.muli %add3A_37, %mul3A_136 : i32
      %add3A_138 = arith.addi %mul3A_137, %add3A_135 : i32
      %scan3A_139 = arith.constant 0 : i32
      %scan3A_140 = arith.constant 1024 : i32
      %scan3A_141 = arith.addi %scan3A_139, %scan3A_140 : i32
      %scan3A_142 = arith.constant 4 : i32
      %scan3A_143:2 = scf.for %scan3A_145 = %scan3A_139 to %scan3A_141 step %scan3A_142 iter_args(%scan3A_146 = %scan3A_116, %scan3A_147 = %scan3A_117) -> (vector<16xf32>, vector<16xi32>)  : i32 {
        %mul3A_148 = arith.constant 16 : i32
        %mul3A_149 = arith.muli %scan3A_145, %mul3A_148 : i32
        %add3A_150 = arith.addi %mul3A_121, %mul3A_149 : i32
        %get3A = arith.index_cast %add3A_150 : i32 to index
        %get3A_151 = tpu.vector_load %arg5[%get3A] {strides = array<i32>} : memref<32768xf32, #tpu.memory_space<vmem>>, vector<16xf32>,
        %get3A_152 = vector.shape_cast %get3A_151 : vector<16xf32> to vector<16xf32>
        %mul3A_153 = arith.constant 16 : i32
        %mul3A_154 = arith.muli %scan3A_145, %mul3A_153 : i32
        %add3A_155 = arith.addi %add3A_138, %mul3A_154 : i32
        %add3A_156 = vector.broadcast %add3A_155 : i32 to vector<16xi32>
        %add3A_157 = arith.addi %add3A_156, %iota3A : vector<16xi32>
        %broadcast_in_dim3A_158 = arith.constant 0 : i32
        %broadcast_in_dim3A_159 = vector.broadcast %broadcast_in_dim3A_158 : i32 to vector<16xi32>
        %add3A_160 = arith.constant 0 : i32
        %add3A_161 = vector.broadcast %add3A_160 : i32 to vector<16xi32>
        %add3A_162 = arith.addi %broadcast_in_dim3A_159, %add3A_161 : vector<16xi32>
        %add3A_163 = arith.constant 42 : i32
        %add3A_164 = vector.broadcast %add3A_163 : i32 to vector<16xi32>
        %add3A_165 = arith.addi %add3A_157, %add3A_164 : vector<16xi32>
        %add3A_166 = arith.addi %add3A_162, %add3A_165 : vector<16xi32>
        %shift_left3A = arith.constant 13 : i32
        %shift_left3A_167 = vector.broadcast %shift_left3A : i32 to vector<16xi32>
        %shift_left3A_168 = arith.shli %add3A_165, %shift_left3A_167 : vector<16xi32>
        %shift_right_logical3A = arith.constant 19 : i32
        %shift_right_logical3A_169 = vector.broadcast %shift_right_logical3A : i32 to vector<16xi32>
        %shift_right_logical3A_170 = arith.shrui %add3A_165, %shift_right_logical3A_169 : vector<16xi32>
        %or3A = arith.ori %shift_left3A_168, %shift_right_logical3A_170 : vector<16xi32>
        %xor3A = arith.xori %or3A, %add3A_166 : vector<16xi32>
        %add3A_171 = arith.addi %add3A_166, %xor3A : vector<16xi32>
        %shift_left3A_172 = arith.constant 15 : i32
        %shift_left3A_173 = vector.broadcast %shift_left3A_172 : i32 to vector<16xi32>
        %shift_left3A_174 = arith.shli %xor3A, %shift_left3A_173 : vector<16xi32>
        %shift_right_logical3A_175 = arith.constant 17 : i32
        %shift_right_logical3A_176 = vector.broadcast %shift_right_logical3A_175 : i32 to vector<16xi32>
        %shift_right_logical3A_177 = arith.shrui %xor3A, %shift_right_logical3A_176 : vector<16xi32>
        %or3A_178 = arith.ori %shift_left3A_174, %shift_right_logical3A_177 : vector<16xi32>
        %xor3A_179 = arith.xori %or3A_178, %add3A_171 : vector<16xi32>
        %add3A_180 = arith.addi %add3A_171, %xor3A_179 : vector<16xi32>
        %shift_left3A_181 = arith.constant 26 : i32
        %shift_left3A_182 = vector.broadcast %shift_left3A_181 : i32 to vector<16xi32>
        %shift_left3A_183 = arith.shli %xor3A_179, %shift_left3A_182 : vector<16xi32>
        %shift_right_logical3A_184 = arith.constant 6 : i32
        %shift_right_logical3A_185 = vector.broadcast %shift_right_logical3A_184 : i32 to vector<16xi32>
        %shift_right_logical3A_186 = arith.shrui %xor3A_179, %shift_right_logical3A_185 : vector<16xi32>
        %or3A_187 = arith.ori %shift_left3A_183, %shift_right_logical3A_186 : vector<16xi32>
        %xor3A_188 = arith.xori %or3A_187, %add3A_180 : vector<16xi32>
        %add3A_189 = arith.addi %add3A_180, %xor3A_188 : vector<16xi32>
        %shift_left3A_190 = arith.constant 6 : i32
        %shift_left3A_191 = vector.broadcast %shift_left3A_190 : i32 to vector<16xi32>
        %shift_left3A_192 = arith.shli %xor3A_188, %shift_left3A_191 : vector<16xi32>
        %shift_right_logical3A_193 = arith.constant 26 : i32
        %shift_right_logical3A_194 = vector.broadcast %shift_right_logical3A_193 : i32 to vector<16xi32>
        %shift_right_logical3A_195 = arith.shrui %xor3A_188, %shift_right_logical3A_194 : vector<16xi32>
        %or3A_196 = arith.ori %shift_left3A_192, %shift_right_logical3A_195 : vector<16xi32>
        %xor3A_197 = arith.xori %or3A_196, %add3A_189 : vector<16xi32>
        %add3A_198 = arith.constant 42 : i32
        %add3A_199 = vector.broadcast %add3A_198 : i32 to vector<16xi32>
        %add3A_200 = arith.addi %add3A_189, %add3A_199 : vector<16xi32>
        %add3A_201 = arith.constant 466689008 : i32
        %add3A_202 = vector.broadcast %add3A_201 : i32 to vector<16xi32>
        %add3A_203 = arith.addi %xor3A_197, %add3A_202 : vector<16xi32>
        %add3A_204 = arith.constant 1 : i32
        %add3A_205 = vector.broadcast %add3A_204 : i32 to vector<16xi32>
        %add3A_206 = arith.addi %add3A_203, %add3A_205 : vector<16xi32>
        %add3A_207 = arith.addi %add3A_200, %add3A_206 : vector<16xi32>
        %shift_left3A_208 = arith.constant 17 : i32
        %shift_left3A_209 = vector.broadcast %shift_left3A_208 : i32 to vector<16xi32>
        %shift_left3A_210 = arith.shli %add3A_206, %shift_left3A_209 : vector<16xi32>
        %shift_right_logical3A_211 = arith.constant 15 : i32
        %shift_right_logical3A_212 = vector.broadcast %shift_right_logical3A_211 : i32 to vector<16xi32>
        %shift_right_logical3A_213 = arith.shrui %add3A_206, %shift_right_logical3A_212 : vector<16xi32>
        %or3A_214 = arith.ori %shift_left3A_210, %shift_right_logical3A_213 : vector<16xi32>
        %xor3A_215 = arith.xori %or3A_214, %add3A_207 : vector<16xi32>
        %add3A_216 = arith.addi %add3A_207, %xor3A_215 : vector<16xi32>
        %shift_left3A_217 = arith.constant 29 : i32
        %shift_left3A_218 = vector.broadcast %shift_left3A_217 : i32 to vector<16xi32>
        %shift_left3A_219 = arith.shli %xor3A_215, %shift_left3A_218 : vector<16xi32>
        %shift_right_logical3A_220 = arith.constant 3 : i32
        %shift_right_logical3A_221 = vector.broadcast %shift_right_logical3A_220 : i32 to vector<16xi32>
        %shift_right_logical3A_222 = arith.shrui %xor3A_215, %shift_right_logical3A_221 : vector<16xi32>
        %or3A_223 = arith.ori %shift_left3A_219, %shift_right_logical3A_222 : vector<16xi32>
        %xor3A_224 = arith.xori %or3A_223, %add3A_216 : vector<16xi32>
        %add3A_225 = arith.addi %add3A_216, %xor3A_224 : vector<16xi32>
        %shift_left3A_226 = arith.constant 16 : i32
        %shift_left3A_227 = vector.broadcast %shift_left3A_226 : i32 to vector<16xi32>
        %shift_left3A_228 = arith.shli %xor3A_224, %shift_left3A_227 : vector<16xi32>
        %shift_right_logical3A_229 = arith.constant 16 : i32
        %shift_right_logical3A_230 = vector.broadcast %shift_right_logical3A_229 : i32 to vector<16xi32>
        %shift_right_logical3A_231 = arith.shrui %xor3A_224, %shift_right_logical3A_230 : vector<16xi32>
        %or3A_232 = arith.ori %shift_left3A_228, %shift_right_logical3A_231 : vector<16xi32>
        %xor3A_233 = arith.xori %or3A_232, %add3A_225 : vector<16xi32>
        %add3A_234 = arith.addi %add3A_225, %xor3A_233 : vector<16xi32>
        %shift_left3A_235 = arith.constant 24 : i32
        %shift_left3A_236 = vector.broadcast %shift_left3A_235 : i32 to vector<16xi32>
        %shift_left3A_237 = arith.shli %xor3A_233, %shift_left3A_236 : vector<16xi32>
        %shift_right_logical3A_238 = arith.constant 8 : i32
        %shift_right_logical3A_239 = vector.broadcast %shift_right_logical3A_238 : i32 to vector<16xi32>
        %shift_right_logical3A_240 = arith.shrui %xor3A_233, %shift_right_logical3A_239 : vector<16xi32>
        %or3A_241 = arith.ori %shift_left3A_237, %shift_right_logical3A_240 : vector<16xi32>
        %xor3A_242 = arith.xori %or3A_241, %add3A_234 : vector<16xi32>
        %add3A_243 = arith.constant 466689008 : i32
        %add3A_244 = vector.broadcast %add3A_243 : i32 to vector<16xi32>
        %add3A_245 = arith.addi %add3A_234, %add3A_244 : vector<16xi32>
        %add3A_246 = arith.constant 0 : i32
        %add3A_247 = vector.broadcast %add3A_246 : i32 to vector<16xi32>
        %add3A_248 = arith.addi %xor3A_242, %add3A_247 : vector<16xi32>
        %add3A_249 = arith.constant 2 : i32
        %add3A_250 = vector.broadcast %add3A_249 : i32 to vector<16xi32>
        %add3A_251 = arith.addi %add3A_248, %add3A_250 : vector<16xi32>
        %add3A_252 = arith.addi %add3A_245, %add3A_251 : vector<16xi32>
        %shift_left3A_253 = arith.constant 13 : i32
        %shift_left3A_254 = vector.broadcast %shift_left3A_253 : i32 to vector<16xi32>
        %shift_left3A_255 = arith.shli %add3A_251, %shift_left3A_254 : vector<16xi32>
        %shift_right_logical3A_256 = arith.constant 19 : i32
        %shift_right_logical3A_257 = vector.broadcast %shift_right_logical3A_256 : i32 to vector<16xi32>
        %shift_right_logical3A_258 = arith.shrui %add3A_251, %shift_right_logical3A_257 : vector<16xi32>
        %or3A_259 = arith.ori %shift_left3A_255, %shift_right_logical3A_258 : vector<16xi32>
        %xor3A_260 = arith.xori %or3A_259, %add3A_252 : vector<16xi32>
        %add3A_261 = arith.addi %add3A_252, %xor3A_260 : vector<16xi32>
        %shift_left3A_262 = arith.constant 15 : i32
        %shift_left3A_263 = vector.broadcast %shift_left3A_262 : i32 to vector<16xi32>
        %shift_left3A_264 = arith.shli %xor3A_260, %shift_left3A_263 : vector<16xi32>
        %shift_right_logical3A_265 = arith.constant 17 : i32
        %shift_right_logical3A_266 = vector.broadcast %shift_right_logical3A_265 : i32 to vector<16xi32>
        %shift_right_logical3A_267 = arith.shrui %xor3A_260, %shift_right_logical3A_266 : vector<16xi32>
        %or3A_268 = arith.ori %shift_left3A_264, %shift_right_logical3A_267 : vector<16xi32>
        %xor3A_269 = arith.xori %or3A_268, %add3A_261 : vector<16xi32>
        %add3A_270 = arith.addi %add3A_261, %xor3A_269 : vector<16xi32>
        %shift_left3A_271 = arith.constant 26 : i32
        %shift_left3A_272 = vector.broadcast %shift_left3A_271 : i32 to vector<16xi32>
        %shift_left3A_273 = arith.shli %xor3A_269, %shift_left3A_272 : vector<16xi32>
        %shift_right_logical3A_274 = arith.constant 6 : i32
        %shift_right_logical3A_275 = vector.broadcast %shift_right_logical3A_274 : i32 to vector<16xi32>
        %shift_right_logical3A_276 = arith.shrui %xor3A_269, %shift_right_logical3A_275 : vector<16xi32>
        %or3A_277 = arith.ori %shift_left3A_273, %shift_right_logical3A_276 : vector<16xi32>
        %xor3A_278 = arith.xori %or3A_277, %add3A_270 : vector<16xi32>
        %add3A_279 = arith.addi %add3A_270, %xor3A_278 : vector<16xi32>
        %shift_left3A_280 = arith.constant 6 : i32
        %shift_left3A_281 = vector.broadcast %shift_left3A_280 : i32 to vector<16xi32>
        %shift_left3A_282 = arith.shli %xor3A_278, %shift_left3A_281 : vector<16xi32>
        %shift_right_logical3A_283 = arith.constant 26 : i32
        %shift_right_logical3A_284 = vector.broadcast %shift_right_logical3A_283 : i32 to vector<16xi32>
        %shift_right_logical3A_285 = arith.shrui %xor3A_278, %shift_right_logical3A_284 : vector<16xi32>
        %or3A_286 = arith.ori %shift_left3A_282, %shift_right_logical3A_285 : vector<16xi32>
        %xor3A_287 = arith.xori %or3A_286, %add3A_279 : vector<16xi32>
        %add3A_288 = arith.constant 0 : i32
        %add3A_289 = vector.broadcast %add3A_288 : i32 to vector<16xi32>
        %add3A_290 = arith.addi %add3A_279, %add3A_289 : vector<16xi32>
        %add3A_291 = arith.constant 42 : i32
        %add3A_292 = vector.broadcast %add3A_291 : i32 to vector<16xi32>
        %add3A_293 = arith.addi %xor3A_287, %add3A_292 : vector<16xi32>
        %add3A_294 = arith.constant 3 : i32
        %add3A_295 = vector.broadcast %add3A_294 : i32 to vector<16xi32>
        %add3A_296 = arith.addi %add3A_293, %add3A_295 : vector<16xi32>
        %add3A_297 = arith.addi %add3A_290, %add3A_296 : vector<16xi32>
        %shift_left3A_298 = arith.constant 17 : i32
        %shift_left3A_299 = vector.broadcast %shift_left3A_298 : i32 to vector<16xi32>
        %shift_left3A_300 = arith.shli %add3A_296, %shift_left3A_299 : vector<16xi32>
        %shift_right_logical3A_301 = arith.constant 15 : i32
        %shift_right_logical3A_302 = vector.broadcast %shift_right_logical3A_301 : i32 to vector<16xi32>
        %shift_right_logical3A_303 = arith.shrui %add3A_296, %shift_right_logical3A_302 : vector<16xi32>
        %or3A_304 = arith.ori %shift_left3A_300, %shift_right_logical3A_303 : vector<16xi32>
        %xor3A_305 = arith.xori %or3A_304, %add3A_297 : vector<16xi32>
        %add3A_306 = arith.addi %add3A_297, %xor3A_305 : vector<16xi32>
        %shift_left3A_307 = arith.constant 29 : i32
        %shift_left3A_308 = vector.broadcast %shift_left3A_307 : i32 to vector<16xi32>
        %shift_left3A_309 = arith.shli %xor3A_305, %shift_left3A_308 : vector<16xi32>
        %shift_right_logical3A_310 = arith.constant 3 : i32
        %shift_right_logical3A_311 = vector.broadcast %shift_right_logical3A_310 : i32 to vector<16xi32>
        %shift_right_logical3A_312 = arith.shrui %xor3A_305, %shift_right_logical3A_311 : vector<16xi32>
        %or3A_313 = arith.ori %shift_left3A_309, %shift_right_logical3A_312 : vector<16xi32>
        %xor3A_314 = arith.xori %or3A_313, %add3A_306 : vector<16xi32>
        %add3A_315 = arith.addi %add3A_306, %xor3A_314 : vector<16xi32>
        %shift_left3A_316 = arith.constant 16 : i32
        %shift_left3A_317 = vector.broadcast %shift_left3A_316 : i32 to vector<16xi32>
        %shift_left3A_318 = arith.shli %xor3A_314, %shift_left3A_317 : vector<16xi32>
        %shift_right_logical3A_319 = arith.constant 16 : i32
        %shift_right_logical3A_320 = vector.broadcast %shift_right_logical3A_319 : i32 to vector<16xi32>
        %shift_right_logical3A_321 = arith.shrui %xor3A_314, %shift_right_logical3A_320 : vector<16xi32>
        %or3A_322 = arith.ori %shift_left3A_318, %shift_right_logical3A_321 : vector<16xi32>
        %xor3A_323 = arith.xori %or3A_322, %add3A_315 : vector<16xi32>
        %add3A_324 = arith.addi %add3A_315, %xor3A_323 : vector<16xi32>
        %shift_left3A_325 = arith.constant 24 : i32
        %shift_left3A_326 = vector.broadcast %shift_left3A_325 : i32 to vector<16xi32>
        %shift_left3A_327 = arith.shli %xor3A_323, %shift_left3A_326 : vector<16xi32>
        %shift_right_logical3A_328 = arith.constant 8 : i32
        %shift_right_logical3A_329 = vector.broadcast %shift_right_logical3A_328 : i32 to vector<16xi32>
        %shift_right_logical3A_330 = arith.shrui %xor3A_323, %shift_right_logical3A_329 : vector<16xi32>
        %or3A_331 = arith.ori %shift_left3A_327, %shift_right_logical3A_330 : vector<16xi32>
        %xor3A_332 = arith.xori %or3A_331, %add3A_324 : vector<16xi32>
        %add3A_333 = arith.constant 42 : i32
        %add3A_334 = vector.broadcast %add3A_333 : i32 to vector<16xi32>
        %add3A_335 = arith.addi %add3A_324, %add3A_334 : vector<16xi32>
        %add3A_336 = arith.constant 466689008 : i32
        %add3A_337 = vector.broadcast %add3A_336 : i32 to vector<16xi32>
        %add3A_338 = arith.addi %xor3A_332, %add3A_337 : vector<16xi32>
        %add3A_339 = arith.constant 4 : i32
        %add3A_340 = vector.broadcast %add3A_339 : i32 to vector<16xi32>
        %add3A_341 = arith.addi %add3A_338, %add3A_340 : vector<16xi32>
        %add3A_342 = arith.addi %add3A_335, %add3A_341 : vector<16xi32>
        %shift_left3A_343 = arith.constant 13 : i32
        %shift_left3A_344 = vector.broadcast %shift_left3A_343 : i32 to vector<16xi32>
        %shift_left3A_345 = arith.shli %add3A_341, %shift_left3A_344 : vector<16xi32>
        %shift_right_logical3A_346 = arith.constant 19 : i32
        %shift_right_logical3A_347 = vector.broadcast %shift_right_logical3A_346 : i32 to vector<16xi32>
        %shift_right_logical3A_348 = arith.shrui %add3A_341, %shift_right_logical3A_347 : vector<16xi32>
        %or3A_349 = arith.ori %shift_left3A_345, %shift_right_logical3A_348 : vector<16xi32>
        %xor3A_350 = arith.xori %or3A_349, %add3A_342 : vector<16xi32>
        %add3A_351 = arith.addi %add3A_342, %xor3A_350 : vector<16xi32>
        %shift_left3A_352 = arith.constant 15 : i32
        %shift_left3A_353 = vector.broadcast %shift_left3A_352 : i32 to vector<16xi32>
        %shift_left3A_354 = arith.shli %xor3A_350, %shift_left3A_353 : vector<16xi32>
        %shift_right_logical3A_355 = arith.constant 17 : i32
        %shift_right_logical3A_356 = vector.broadcast %shift_right_logical3A_355 : i32 to vector<16xi32>
        %shift_right_logical3A_357 = arith.shrui %xor3A_350, %shift_right_logical3A_356 : vector<16xi32>
        %or3A_358 = arith.ori %shift_left3A_354, %shift_right_logical3A_357 : vector<16xi32>
        %xor3A_359 = arith.xori %or3A_358, %add3A_351 : vector<16xi32>
        %add3A_360 = arith.addi %add3A_351, %xor3A_359 : vector<16xi32>
        %shift_left3A_361 = arith.constant 26 : i32
        %shift_left3A_362 = vector.broadcast %shift_left3A_361 : i32 to vector<16xi32>
        %shift_left3A_363 = arith.shli %xor3A_359, %shift_left3A_362 : vector<16xi32>
        %shift_right_logical3A_364 = arith.constant 6 : i32
        %shift_right_logical3A_365 = vector.broadcast %shift_right_logical3A_364 : i32 to vector<16xi32>
        %shift_right_logical3A_366 = arith.shrui %xor3A_359, %shift_right_logical3A_365 : vector<16xi32>
        %or3A_367 = arith.ori %shift_left3A_363, %shift_right_logical3A_366 : vector<16xi32>
        %xor3A_368 = arith.xori %or3A_367, %add3A_360 : vector<16xi32>
        %add3A_369 = arith.addi %add3A_360, %xor3A_368 : vector<16xi32>
        %shift_left3A_370 = arith.constant 6 : i32
        %shift_left3A_371 = vector.broadcast %shift_left3A_370 : i32 to vector<16xi32>
        %shift_left3A_372 = arith.shli %xor3A_368, %shift_left3A_371 : vector<16xi32>
        %shift_right_logical3A_373 = arith.constant 26 : i32
        %shift_right_logical3A_374 = vector.broadcast %shift_right_logical3A_373 : i32 to vector<16xi32>
        %shift_right_logical3A_375 = arith.shrui %xor3A_368, %shift_right_logical3A_374 : vector<16xi32>
        %or3A_376 = arith.ori %shift_left3A_372, %shift_right_logical3A_375 : vector<16xi32>
        %xor3A_377 = arith.xori %or3A_376, %add3A_369 : vector<16xi32>
        %add3A_378 = arith.constant 466689008 : i32
        %add3A_379 = vector.broadcast %add3A_378 : i32 to vector<16xi32>
        %add3A_380 = arith.addi %add3A_369, %add3A_379 : vector<16xi32>
        %add3A_381 = arith.constant 0 : i32
        %add3A_382 = vector.broadcast %add3A_381 : i32 to vector<16xi32>
        %add3A_383 = arith.addi %xor3A_377, %add3A_382 : vector<16xi32>
        %add3A_384 = arith.constant 5 : i32
        %add3A_385 = vector.broadcast %add3A_384 : i32 to vector<16xi32>
        %add3A_386 = arith.addi %add3A_383, %add3A_385 : vector<16xi32>
        %xor3A_387 = arith.xori %add3A_380, %add3A_386 : vector<16xi32>
        %shift_right_logical3A_388 = arith.constant 9 : i32
        %shift_right_logical3A_389 = vector.broadcast %shift_right_logical3A_388 : i32 to vector<16xi32>
        %shift_right_logical3A_390 = arith.shrui %xor3A_387, %shift_right_logical3A_389 : vector<16xi32>
        %convert_element_type3A_391 = arith.sitofp %shift_right_logical3A_390 : vector<16xi32> to vector<16xf32>
        %mul3A_392 = arith.constant 1.1920929E-7 : f32
        %mul3A_393 = vector.broadcast %mul3A_392 : f32 to vector<16xf32>
        %mul3A_394 = arith.mulf %convert_element_type3A_391, %mul3A_393 : vector<16xf32>
        %max3A = arith.constant 1.17549435E-38 : f32
        %max3A_395 = vector.broadcast %max3A : f32 to vector<16xf32>
        %max3A_396 = arith.maximumf %mul3A_394, %max3A_395 : vector<16xf32>
        %sub3A_397 = arith.constant 0x4B000000 : f32
        %sub3A_398 = vector.broadcast %sub3A_397 : f32 to vector<16xf32>
        %sub3A_399 = arith.subf %convert_element_type3A_391, %sub3A_398 : vector<16xf32>
        %mul3A_400 = arith.constant 1.1920929E-7 : f32
        %mul3A_401 = vector.broadcast %mul3A_400 : f32 to vector<16xf32>
        %mul3A_402 = arith.mulf %sub3A_399, %mul3A_401 : vector<16xf32>
        %broadcast_in_dim3A_403 = arith.constant -0.334263474 : f32
        %broadcast_in_dim3A_404 = vector.broadcast %broadcast_in_dim3A_403 : f32 to vector<16xf32>
        %mul3A_405 = arith.mulf %broadcast_in_dim3A_404, %mul3A_402 : vector<16xf32>
        %add3A_406 = arith.constant 0.0407187231 : f32
        %add3A_407 = vector.broadcast %add3A_406 : f32 to vector<16xf32>
        %add3A_408 = arith.addf %mul3A_405, %add3A_407 : vector<16xf32>
        %mul3A_409 = arith.mulf %add3A_408, %mul3A_402 : vector<16xf32>
        %add3A_410 = arith.constant -0.190590665 : f32
        %add3A_411 = vector.broadcast %add3A_410 : f32 to vector<16xf32>
        %add3A_412 = arith.addf %mul3A_409, %add3A_411 : vector<16xf32>
        %mul3A_413 = arith.mulf %add3A_412, %mul3A_402 : vector<16xf32>
        %add3A_414 = arith.constant 0.196964383 : f32
        %add3A_415 = vector.broadcast %add3A_414 : f32 to vector<16xf32>
        %add3A_416 = arith.addf %mul3A_413, %add3A_415 : vector<16xf32>
        %mul3A_417 = arith.mulf %add3A_416, %mul3A_402 : vector<16xf32>
        %add3A_418 = arith.constant -0.250209928 : f32
        %add3A_419 = vector.broadcast %add3A_418 : f32 to vector<16xf32>
        %add3A_420 = arith.addf %mul3A_417, %add3A_419 : vector<16xf32>
        %mul3A_421 = arith.mulf %add3A_420, %mul3A_402 : vector<16xf32>
        %add3A_422 = arith.constant 0.333325982 : f32
        %add3A_423 = vector.broadcast %add3A_422 : f32 to vector<16xf32>
        %add3A_424 = arith.addf %mul3A_421, %add3A_423 : vector<16xf32>
        %mul3A_425 = arith.mulf %add3A_424, %mul3A_402 : vector<16xf32>
        %add3A_426 = arith.constant -0.500000119 : f32
        %add3A_427 = vector.broadcast %add3A_426 : f32 to vector<16xf32>
        %add3A_428 = arith.addf %mul3A_425, %add3A_427 : vector<16xf32>
        %mul3A_429 = arith.mulf %add3A_428, %mul3A_402 : vector<16xf32>
        %add3A_430 = arith.constant 1.000000e+00 : f32
        %add3A_431 = vector.broadcast %add3A_430 : f32 to vector<16xf32>
        %add3A_432 = arith.addf %mul3A_429, %add3A_431 : vector<16xf32>
        %mul3A_433 = arith.mulf %mul3A_402, %add3A_432 : vector<16xf32>
        %neg3A = arith.constant 0.000000e+00 : f32
        %neg3A_434 = vector.broadcast %neg3A : f32 to vector<16xf32>
        %neg3A_435 = arith.subf %neg3A_434, %mul3A_433 : vector<16xf32>
        %bitcast_convert_type3A = tpu.bitcast %max3A_396 : vector<16xf32> -> vector<16xi32>
        %shift_right_logical3A_436 = arith.constant 23 : i32
        %shift_right_logical3A_437 = vector.broadcast %shift_right_logical3A_436 : i32 to vector<16xi32>
        %shift_right_logical3A_438 = arith.shrui %bitcast_convert_type3A, %shift_right_logical3A_437 : vector<16xi32>
        %sub3A_439 = arith.constant 127 : i32
        %sub3A_440 = vector.broadcast %sub3A_439 : i32 to vector<16xi32>
        %sub3A_441 = arith.subi %shift_right_logical3A_438, %sub3A_440 : vector<16xi32>
        %and3A_442 = arith.constant 8388607 : i32
        %and3A_443 = vector.broadcast %and3A_442 : i32 to vector<16xi32>
        %and3A_444 = arith.andi %bitcast_convert_type3A, %and3A_443 : vector<16xi32>
        %or3A_445 = arith.constant 1065353216 : i32
        %or3A_446 = vector.broadcast %or3A_445 : i32 to vector<16xi32>
        %or3A_447 = arith.ori %and3A_444, %or3A_446 : vector<16xi32>
        %bitcast_convert_type3A_448 = tpu.bitcast %or3A_447 : vector<16xi32> -> vector<16xf32>
        %ge3A = arith.constant 1.41421354 : f32
        %ge3A_449 = vector.broadcast %ge3A : f32 to vector<16xf32>
        %ge3A_450 = arith.cmpf oge, %bitcast_convert_type3A_448, %ge3A_449 : vector<16xf32>
        %mul3A_451 = arith.constant 5.000000e-01 : f32
        %mul3A_452 = vector.broadcast %mul3A_451 : f32 to vector<16xf32>
        %mul3A_453 = arith.mulf %bitcast_convert_type3A_448, %mul3A_452 : vector<16xf32>
        %select_n3A_454 = arith.select %ge3A_450, %mul3A_453, %bitcast_convert_type3A_448 : vector<16xi1>, vector<16xf32>
        %add3A_455 = arith.constant 1 : i32
        %add3A_456 = vector.broadcast %add3A_455 : i32 to vector<16xi32>
        %add3A_457 = arith.addi %sub3A_441, %add3A_456 : vector<16xi32>
        %select_n3A_458 = arith.select %ge3A_450, %add3A_457, %sub3A_441 : vector<16xi1>, vector<16xi32>
        %sub3A_459 = arith.constant 1.000000e+00 : f32
        %sub3A_460 = vector.broadcast %sub3A_459 : f32 to vector<16xf32>
        %sub3A_461 = arith.subf %select_n3A_454, %sub3A_460 : vector<16xf32>
        %broadcast_in_dim3A_462 = arith.constant -0.0991365611 : f32
        %broadcast_in_dim3A_463 = vector.broadcast %broadcast_in_dim3A_462 : f32 to vector<16xf32>
        %mul3A_464 = arith.mulf %broadcast_in_dim3A_463, %sub3A_461 : vector<16xf32>
        %add3A_465 = arith.constant 0.163385555 : f32
        %add3A_466 = vector.broadcast %add3A_465 : f32 to vector<16xf32>
        %add3A_467 = arith.addf %mul3A_464, %add3A_466 : vector<16xf32>
        %mul3A_468 = arith.mulf %add3A_467, %sub3A_461 : vector<16xf32>
        %add3A_469 = arith.constant -0.173631534 : f32
        %add3A_470 = vector.broadcast %add3A_469 : f32 to vector<16xf32>
        %add3A_471 = arith.addf %mul3A_468, %add3A_470 : vector<16xf32>
        %mul3A_472 = arith.mulf %add3A_471, %sub3A_461 : vector<16xf32>
        %add3A_473 = arith.constant 0.198853612 : f32
        %add3A_474 = vector.broadcast %add3A_473 : f32 to vector<16xf32>
        %add3A_475 = arith.addf %mul3A_472, %add3A_474 : vector<16xf32>
        %mul3A_476 = arith.mulf %add3A_475, %sub3A_461 : vector<16xf32>
        %add3A_477 = arith.constant -0.249577805 : f32
        %add3A_478 = vector.broadcast %add3A_477 : f32 to vector<16xf32>
        %add3A_479 = arith.addf %mul3A_476, %add3A_478 : vector<16xf32>
        %mul3A_480 = arith.mulf %add3A_479, %sub3A_461 : vector<16xf32>
        %add3A_481 = arith.constant 0.333356887 : f32
        %add3A_482 = vector.broadcast %add3A_481 : f32 to vector<16xf32>
        %add3A_483 = arith.addf %mul3A_480, %add3A_482 : vector<16xf32>
        %mul3A_484 = arith.mulf %add3A_483, %sub3A_461 : vector<16xf32>
        %add3A_485 = arith.constant -5.000070e-01 : f32
        %add3A_486 = vector.broadcast %add3A_485 : f32 to vector<16xf32>
        %add3A_487 = arith.addf %mul3A_484, %add3A_486 : vector<16xf32>
        %mul3A_488 = arith.mulf %add3A_487, %sub3A_461 : vector<16xf32>
        %add3A_489 = arith.constant 0.999999821 : f32
        %add3A_490 = vector.broadcast %add3A_489 : f32 to vector<16xf32>
        %add3A_491 = arith.addf %mul3A_488, %add3A_490 : vector<16xf32>
        %mul3A_492 = arith.mulf %add3A_491, %sub3A_461 : vector<16xf32>
        %convert_element_type3A_493 = arith.sitofp %select_n3A_458 : vector<16xi32> to vector<16xf32>
        %mul3A_494 = arith.constant 0.693147182 : f32
        %mul3A_495 = vector.broadcast %mul3A_494 : f32 to vector<16xf32>
        %mul3A_496 = arith.mulf %convert_element_type3A_493, %mul3A_495 : vector<16xf32>
        %add3A_497 = arith.addf %mul3A_496, %mul3A_492 : vector<16xf32>
        %neg3A_498 = arith.constant 0.000000e+00 : f32
        %neg3A_499 = vector.broadcast %neg3A_498 : f32 to vector<16xf32>
        %neg3A_500 = arith.subf %neg3A_499, %add3A_497 : vector<16xf32>
        %ge3A_501 = arith.constant 6291456 : i32
        %ge3A_502 = vector.broadcast %ge3A_501 : i32 to vector<16xi32>
        %ge3A_503 = arith.cmpi sge, %shift_right_logical3A_390, %ge3A_502 : vector<16xi32>
        %select_n3A_504 = arith.select %ge3A_503, %neg3A_435, %neg3A_500 : vector<16xi1>, vector<16xf32>
        %bitcast_convert_type3A_505 = tpu.bitcast %select_n3A_504 : vector<16xf32> -> vector<16xi32>
        %shift_right_logical3A_506 = arith.constant 23 : i32
        %shift_right_logical3A_507 = vector.broadcast %shift_right_logical3A_506 : i32 to vector<16xi32>
        %shift_right_logical3A_508 = arith.shrui %bitcast_convert_type3A_505, %shift_right_logical3A_507 : vector<16xi32>
        %sub3A_509 = arith.constant 127 : i32
        %sub3A_510 = vector.broadcast %sub3A_509 : i32 to vector<16xi32>
        %sub3A_511 = arith.subi %shift_right_logical3A_508, %sub3A_510 : vector<16xi32>
        %and3A_512 = arith.constant 8388607 : i32
        %and3A_513 = vector.broadcast %and3A_512 : i32 to vector<16xi32>
        %and3A_514 = arith.andi %bitcast_convert_type3A_505, %and3A_513 : vector<16xi32>
        %or3A_515 = arith.constant 1065353216 : i32
        %or3A_516 = vector.broadcast %or3A_515 : i32 to vector<16xi32>
        %or3A_517 = arith.ori %and3A_514, %or3A_516 : vector<16xi32>
        %bitcast_convert_type3A_518 = tpu.bitcast %or3A_517 : vector<16xi32> -> vector<16xf32>
        %ge3A_519 = arith.constant 1.41421354 : f32
        %ge3A_520 = vector.broadcast %ge3A_519 : f32 to vector<16xf32>
        %ge3A_521 = arith.cmpf oge, %bitcast_convert_type3A_518, %ge3A_520 : vector<16xf32>
        %mul3A_522 = arith.constant 5.000000e-01 : f32
        %mul3A_523 = vector.broadcast %mul3A_522 : f32 to vector<16xf32>
        %mul3A_524 = arith.mulf %bitcast_convert_type3A_518, %mul3A_523 : vector<16xf32>
        %select_n3A_525 = arith.select %ge3A_521, %mul3A_524, %bitcast_convert_type3A_518 : vector<16xi1>, vector<16xf32>
        %add3A_526 = arith.constant 1 : i32
        %add3A_527 = vector.broadcast %add3A_526 : i32 to vector<16xi32>
        %add3A_528 = arith.addi %sub3A_511, %add3A_527 : vector<16xi32>
        %select_n3A_529 = arith.select %ge3A_521, %add3A_528, %sub3A_511 : vector<16xi1>, vector<16xi32>
        %sub3A_530 = arith.constant 1.000000e+00 : f32
        %sub3A_531 = vector.broadcast %sub3A_530 : f32 to vector<16xf32>
        %sub3A_532 = arith.subf %select_n3A_525, %sub3A_531 : vector<16xf32>
        %broadcast_in_dim3A_533 = arith.constant 0.114490829 : f32
        %broadcast_in_dim3A_534 = vector.broadcast %broadcast_in_dim3A_533 : f32 to vector<16xf32>
        %mul3A_535 = arith.mulf %broadcast_in_dim3A_534, %sub3A_532 : vector<16xf32>
        %add3A_536 = arith.constant -0.187792078 : f32
        %add3A_537 = vector.broadcast %add3A_536 : f32 to vector<16xf32>
        %add3A_538 = arith.addf %mul3A_535, %add3A_537 : vector<16xf32>
        %mul3A_539 = arith.mulf %add3A_538, %sub3A_532 : vector<16xf32>
        %add3A_540 = arith.constant 0.206738353 : f32
        %add3A_541 = vector.broadcast %add3A_540 : f32 to vector<16xf32>
        %add3A_542 = arith.addf %mul3A_539, %add3A_541 : vector<16xf32>
        %mul3A_543 = arith.mulf %add3A_542, %sub3A_532 : vector<16xf32>
        %add3A_544 = arith.constant -0.248981208 : f32
        %add3A_545 = vector.broadcast %add3A_544 : f32 to vector<16xf32>
        %add3A_546 = arith.addf %mul3A_543, %add3A_545 : vector<16xf32>
        %mul3A_547 = arith.mulf %add3A_546, %sub3A_532 : vector<16xf32>
        %add3A_548 = arith.constant 0.332989544 : f32
        %add3A_549 = vector.broadcast %add3A_548 : f32 to vector<16xf32>
        %add3A_550 = arith.addf %mul3A_547, %add3A_549 : vector<16xf32>
        %mul3A_551 = arith.mulf %add3A_550, %sub3A_532 : vector<16xf32>
        %add3A_552 = arith.constant -0.500014484 : f32
        %add3A_553 = vector.broadcast %add3A_552 : f32 to vector<16xf32>
        %add3A_554 = arith.addf %mul3A_551, %add3A_553 : vector<16xf32>
        %mul3A_555 = arith.mulf %add3A_554, %sub3A_532 : vector<16xf32>
        %add3A_556 = arith.constant 1.00000417 : f32
        %add3A_557 = vector.broadcast %add3A_556 : f32 to vector<16xf32>
        %add3A_558 = arith.addf %mul3A_555, %add3A_557 : vector<16xf32>
        %mul3A_559 = arith.mulf %add3A_558, %sub3A_532 : vector<16xf32>
        %convert_element_type3A_560 = arith.sitofp %select_n3A_529 : vector<16xi32> to vector<16xf32>
        %mul3A_561 = arith.constant 0.693147182 : f32
        %mul3A_562 = vector.broadcast %mul3A_561 : f32 to vector<16xf32>
        %mul3A_563 = arith.mulf %convert_element_type3A_560, %mul3A_562 : vector<16xf32>
        %add3A_564 = arith.addf %mul3A_563, %mul3A_559 : vector<16xf32>
        %neg3A_565 = arith.constant 0.000000e+00 : f32
        %neg3A_566 = vector.broadcast %neg3A_565 : f32 to vector<16xf32>
        %neg3A_567 = arith.subf %neg3A_566, %add3A_564 : vector<16xf32>
        %add3A_568 = arith.addf %get3A_152, %neg3A_567 : vector<16xf32>
        %mul3A_569 = arith.constant 16 : i32
        %mul3A_570 = arith.muli %scan3A_145, %mul3A_569 : i32
        %add3A_571 = arith.addi %add3A_135, %mul3A_570 : i32
        %add3A_572 = vector.broadcast %add3A_571 : i32 to vector<16xi32>
        %add3A_573 = arith.addi %add3A_572, %iota3A : vector<16xi32>
        %gt3A = arith.cmpf ogt, %add3A_568, %scan3A_146 : vector<16xf32>
        %select_n3A_574 = arith.select %gt3A, %add3A_568, %scan3A_146 : vector<16xi1>, vector<16xf32>
        %select_n3A_575 = arith.select %gt3A, %add3A_573, %scan3A_147 : vector<16xi1>, vector<16xi32>
        %scan3A_576 = arith.constant 1 : i32
        %scan3A_577 = arith.addi %scan3A_145, %scan3A_576 : i32
        %mul3A_578 = arith.constant 16 : i32
        %mul3A_579 = arith.muli %scan3A_577, %mul3A_578 : i32
        %add3A_580 = arith.addi %mul3A_121, %mul3A_579 : i32
        %get3A_581 = arith.index_cast %add3A_580 : i32 to index
        %get3A_582 = tpu.vector_load %arg5[%get3A_581] {strides = array<i32>} : memref<32768xf32, #tpu.memory_space<vmem>>, vector<16xf32>,
        %get3A_583 = vector.shape_cast %get3A_582 : vector<16xf32> to vector<16xf32>
        %mul3A_584 = arith.constant 16 : i32
        %mul3A_585 = arith.muli %scan3A_577, %mul3A_584 : i32
        %add3A_586 = arith.addi %add3A_138, %mul3A_585 : i32
        %add3A_587 = vector.broadcast %add3A_586 : i32 to vector<16xi32>
        %add3A_588 = arith.addi %add3A_587, %iota3A : vector<16xi32>
        %broadcast_in_dim3A_589 = arith.constant 0 : i32
        %broadcast_in_dim3A_590 = vector.broadcast %broadcast_in_dim3A_589 : i32 to vector<16xi32>
        %add3A_591 = arith.constant 0 : i32
        %add3A_592 = vector.broadcast %add3A_591 : i32 to vector<16xi32>
        %add3A_593 = arith.addi %broadcast_in_dim3A_590, %add3A_592 : vector<16xi32>
        %add3A_594 = arith.constant 42 : i32
        %add3A_595 = vector.broadcast %add3A_594 : i32 to vector<16xi32>
        %add3A_596 = arith.addi %add3A_588, %add3A_595 : vector<16xi32>
        %add3A_597 = arith.addi %add3A_593, %add3A_596 : vector<16xi32>
        %shift_left3A_598 = arith.constant 13 : i32
        %shift_left3A_599 = vector.broadcast %shift_left3A_598 : i32 to vector<16xi32>
        %shift_left3A_600 = arith.shli %add3A_596, %shift_left3A_599 : vector<16xi32>
        %shift_right_logical3A_601 = arith.constant 19 : i32
        %shift_right_logical3A_602 = vector.broadcast %shift_right_logical3A_601 : i32 to vector<16xi32>
        %shift_right_logical3A_603 = arith.shrui %add3A_596, %shift_right_logical3A_602 : vector<16xi32>
        %or3A_604 = arith.ori %shift_left3A_600, %shift_right_logical3A_603 : vector<16xi32>
        %xor3A_605 = arith.xori %or3A_604, %add3A_597 : vector<16xi32>
        %add3A_606 = arith.addi %add3A_597, %xor3A_605 : vector<16xi32>
        %shift_left3A_607 = arith.constant 15 : i32
        %shift_left3A_608 = vector.broadcast %shift_left3A_607 : i32 to vector<16xi32>
        %shift_left3A_609 = arith.shli %xor3A_605, %shift_left3A_608 : vector<16xi32>
        %shift_right_logical3A_610 = arith.constant 17 : i32
        %shift_right_logical3A_611 = vector.broadcast %shift_right_logical3A_610 : i32 to vector<16xi32>
        %shift_right_logical3A_612 = arith.shrui %xor3A_605, %shift_right_logical3A_611 : vector<16xi32>
        %or3A_613 = arith.ori %shift_left3A_609, %shift_right_logical3A_612 : vector<16xi32>
        %xor3A_614 = arith.xori %or3A_613, %add3A_606 : vector<16xi32>
        %add3A_615 = arith.addi %add3A_606, %xor3A_614 : vector<16xi32>
        %shift_left3A_616 = arith.constant 26 : i32
        %shift_left3A_617 = vector.broadcast %shift_left3A_616 : i32 to vector<16xi32>
        %shift_left3A_618 = arith.shli %xor3A_614, %shift_left3A_617 : vector<16xi32>
        %shift_right_logical3A_619 = arith.constant 6 : i32
        %shift_right_logical3A_620 = vector.broadcast %shift_right_logical3A_619 : i32 to vector<16xi32>
        %shift_right_logical3A_621 = arith.shrui %xor3A_614, %shift_right_logical3A_620 : vector<16xi32>
        %or3A_622 = arith.ori %shift_left3A_618, %shift_right_logical3A_621 : vector<16xi32>
        %xor3A_623 = arith.xori %or3A_622, %add3A_615 : vector<16xi32>
        %add3A_624 = arith.addi %add3A_615, %xor3A_623 : vector<16xi32>
        %shift_left3A_625 = arith.constant 6 : i32
        %shift_left3A_626 = vector.broadcast %shift_left3A_625 : i32 to vector<16xi32>
        %shift_left3A_627 = arith.shli %xor3A_623, %shift_left3A_626 : vector<16xi32>
        %shift_right_logical3A_628 = arith.constant 26 : i32
        %shift_right_logical3A_629 = vector.broadcast %shift_right_logical3A_628 : i32 to vector<16xi32>
        %shift_right_logical3A_630 = arith.shrui %xor3A_623, %shift_right_logical3A_629 : vector<16xi32>
        %or3A_631 = arith.ori %shift_left3A_627, %shift_right_logical3A_630 : vector<16xi32>
        %xor3A_632 = arith.xori %or3A_631, %add3A_624 : vector<16xi32>
        %add3A_633 = arith.constant 42 : i32
        %add3A_634 = vector.broadcast %add3A_633 : i32 to vector<16xi32>
        %add3A_635 = arith.addi %add3A_624, %add3A_634 : vector<16xi32>
        %add3A_636 = arith.constant 466689008 : i32
        %add3A_637 = vector.broadcast %add3A_636 : i32 to vector<16xi32>
        %add3A_638 = arith.addi %xor3A_632, %add3A_637 : vector<16xi32>
        %add3A_639 = arith.constant 1 : i32
        %add3A_640 = vector.broadcast %add3A_639 : i32 to vector<16xi32>
        %add3A_641 = arith.addi %add3A_638, %add3A_640 : vector<16xi32>
        %add3A_642 = arith.addi %add3A_635, %add3A_641 : vector<16xi32>
        %shift_left3A_643 = arith.constant 17 : i32
        %shift_left3A_644 = vector.broadcast %shift_left3A_643 : i32 to vector<16xi32>
        %shift_left3A_645 = arith.shli %add3A_641, %shift_left3A_644 : vector<16xi32>
        %shift_right_logical3A_646 = arith.constant 15 : i32
        %shift_right_logical3A_647 = vector.broadcast %shift_right_logical3A_646 : i32 to vector<16xi32>
        %shift_right_logical3A_648 = arith.shrui %add3A_641, %shift_right_logical3A_647 : vector<16xi32>
        %or3A_649 = arith.ori %shift_left3A_645, %shift_right_logical3A_648 : vector<16xi32>
        %xor3A_650 = arith.xori %or3A_649, %add3A_642 : vector<16xi32>
        %add3A_651 = arith.addi %add3A_642, %xor3A_650 : vector<16xi32>
        %shift_left3A_652 = arith.constant 29 : i32
        %shift_left3A_653 = vector.broadcast %shift_left3A_652 : i32 to vector<16xi32>
        %shift_left3A_654 = arith.shli %xor3A_650, %shift_left3A_653 : vector<16xi32>
        %shift_right_logical3A_655 = arith.constant 3 : i32
        %shift_right_logical3A_656 = vector.broadcast %shift_right_logical3A_655 : i32 to vector<16xi32>
        %shift_right_logical3A_657 = arith.shrui %xor3A_650, %shift_right_logical3A_656 : vector<16xi32>
        %or3A_658 = arith.ori %shift_left3A_654, %shift_right_logical3A_657 : vector<16xi32>
        %xor3A_659 = arith.xori %or3A_658, %add3A_651 : vector<16xi32>
        %add3A_660 = arith.addi %add3A_651, %xor3A_659 : vector<16xi32>
        %shift_left3A_661 = arith.constant 16 : i32
        %shift_left3A_662 = vector.broadcast %shift_left3A_661 : i32 to vector<16xi32>
        %shift_left3A_663 = arith.shli %xor3A_659, %shift_left3A_662 : vector<16xi32>
        %shift_right_logical3A_664 = arith.constant 16 : i32
        %shift_right_logical3A_665 = vector.broadcast %shift_right_logical3A_664 : i32 to vector<16xi32>
        %shift_right_logical3A_666 = arith.shrui %xor3A_659, %shift_right_logical3A_665 : vector<16xi32>
        %or3A_667 = arith.ori %shift_left3A_663, %shift_right_logical3A_666 : vector<16xi32>
        %xor3A_668 = arith.xori %or3A_667, %add3A_660 : vector<16xi32>
        %add3A_669 = arith.addi %add3A_660, %xor3A_668 : vector<16xi32>
        %shift_left3A_670 = arith.constant 24 : i32
        %shift_left3A_671 = vector.broadcast %shift_left3A_670 : i32 to vector<16xi32>
        %shift_left3A_672 = arith.shli %xor3A_668, %shift_left3A_671 : vector<16xi32>
        %shift_right_logical3A_673 = arith.constant 8 : i32
        %shift_right_logical3A_674 = vector.broadcast %shift_right_logical3A_673 : i32 to vector<16xi32>
        %shift_right_logical3A_675 = arith.shrui %xor3A_668, %shift_right_logical3A_674 : vector<16xi32>
        %or3A_676 = arith.ori %shift_left3A_672, %shift_right_logical3A_675 : vector<16xi32>
        %xor3A_677 = arith.xori %or3A_676, %add3A_669 : vector<16xi32>
        %add3A_678 = arith.constant 466689008 : i32
        %add3A_679 = vector.broadcast %add3A_678 : i32 to vector<16xi32>
        %add3A_680 = arith.addi %add3A_669, %add3A_679 : vector<16xi32>
        %add3A_681 = arith.constant 0 : i32
        %add3A_682 = vector.broadcast %add3A_681 : i32 to vector<16xi32>
        %add3A_683 = arith.addi %xor3A_677, %add3A_682 : vector<16xi32>
        %add3A_684 = arith.constant 2 : i32
        %add3A_685 = vector.broadcast %add3A_684 : i32 to vector<16xi32>
        %add3A_686 = arith.addi %add3A_683, %add3A_685 : vector<16xi32>
        %add3A_687 = arith.addi %add3A_680, %add3A_686 : vector<16xi32>
        %shift_left3A_688 = arith.constant 13 : i32
        %shift_left3A_689 = vector.broadcast %shift_left3A_688 : i32 to vector<16xi32>
        %shift_left3A_690 = arith.shli %add3A_686, %shift_left3A_689 : vector<16xi32>
        %shift_right_logical3A_691 = arith.constant 19 : i32
        %shift_right_logical3A_692 = vector.broadcast %shift_right_logical3A_691 : i32 to vector<16xi32>
        %shift_right_logical3A_693 = arith.shrui %add3A_686, %shift_right_logical3A_692 : vector<16xi32>
        %or3A_694 = arith.ori %shift_left3A_690, %shift_right_logical3A_693 : vector<16xi32>
        %xor3A_695 = arith.xori %or3A_694, %add3A_687 : vector<16xi32>
        %add3A_696 = arith.addi %add3A_687, %xor3A_695 : vector<16xi32>
        %shift_left3A_697 = arith.constant 15 : i32
        %shift_left3A_698 = vector.broadcast %shift_left3A_697 : i32 to vector<16xi32>
        %shift_left3A_699 = arith.shli %xor3A_695, %shift_left3A_698 : vector<16xi32>
        %shift_right_logical3A_700 = arith.constant 17 : i32
        %shift_right_logical3A_701 = vector.broadcast %shift_right_logical3A_700 : i32 to vector<16xi32>
        %shift_right_logical3A_702 = arith.shrui %xor3A_695, %shift_right_logical3A_701 : vector<16xi32>
        %or3A_703 = arith.ori %shift_left3A_699, %shift_right_logical3A_702 : vector<16xi32>
        %xor3A_704 = arith.xori %or3A_703, %add3A_696 : vector<16xi32>
        %add3A_705 = arith.addi %add3A_696, %xor3A_704 : vector<16xi32>
        %shift_left3A_706 = arith.constant 26 : i32
        %shift_left3A_707 = vector.broadcast %shift_left3A_706 : i32 to vector<16xi32>
        %shift_left3A_708 = arith.shli %xor3A_704, %shift_left3A_707 : vector<16xi32>
        %shift_right_logical3A_709 = arith.constant 6 : i32
        %shift_right_logical3A_710 = vector.broadcast %shift_right_logical3A_709 : i32 to vector<16xi32>
        %shift_right_logical3A_711 = arith.shrui %xor3A_704, %shift_right_logical3A_710 : vector<16xi32>
        %or3A_712 = arith.ori %shift_left3A_708, %shift_right_logical3A_711 : vector<16xi32>
        %xor3A_713 = arith.xori %or3A_712, %add3A_705 : vector<16xi32>
        %add3A_714 = arith.addi %add3A_705, %xor3A_713 : vector<16xi32>
        %shift_left3A_715 = arith.constant 6 : i32
        %shift_left3A_716 = vector.broadcast %shift_left3A_715 : i32 to vector<16xi32>
        %shift_left3A_717 = arith.shli %xor3A_713, %shift_left3A_716 : vector<16xi32>
        %shift_right_logical3A_718 = arith.constant 26 : i32
        %shift_right_logical3A_719 = vector.broadcast %shift_right_logical3A_718 : i32 to vector<16xi32>
        %shift_right_logical3A_720 = arith.shrui %xor3A_713, %shift_right_logical3A_719 : vector<16xi32>
        %or3A_721 = arith.ori %shift_left3A_717, %shift_right_logical3A_720 : vector<16xi32>
        %xor3A_722 = arith.xori %or3A_721, %add3A_714 : vector<16xi32>
        %add3A_723 = arith.constant 0 : i32
        %add3A_724 = vector.broadcast %add3A_723 : i32 to vector<16xi32>
        %add3A_725 = arith.addi %add3A_714, %add3A_724 : vector<16xi32>
        %add3A_726 = arith.constant 42 : i32
        %add3A_727 = vector.broadcast %add3A_726 : i32 to vector<16xi32>
        %add3A_728 = arith.addi %xor3A_722, %add3A_727 : vector<16xi32>
        %add3A_729 = arith.constant 3 : i32
        %add3A_730 = vector.broadcast %add3A_729 : i32 to vector<16xi32>
        %add3A_731 = arith.addi %add3A_728, %add3A_730 : vector<16xi32>
        %add3A_732 = arith.addi %add3A_725, %add3A_731 : vector<16xi32>
        %shift_left3A_733 = arith.constant 17 : i32
        %shift_left3A_734 = vector.broadcast %shift_left3A_733 : i32 to vector<16xi32>
        %shift_left3A_735 = arith.shli %add3A_731, %shift_left3A_734 : vector<16xi32>
        %shift_right_logical3A_736 = arith.constant 15 : i32
        %shift_right_logical3A_737 = vector.broadcast %shift_right_logical3A_736 : i32 to vector<16xi32>
        %shift_right_logical3A_738 = arith.shrui %add3A_731, %shift_right_logical3A_737 : vector<16xi32>
        %or3A_739 = arith.ori %shift_left3A_735, %shift_right_logical3A_738 : vector<16xi32>
        %xor3A_740 = arith.xori %or3A_739, %add3A_732 : vector<16xi32>
        %add3A_741 = arith.addi %add3A_732, %xor3A_740 : vector<16xi32>
        %shift_left3A_742 = arith.constant 29 : i32
        %shift_left3A_743 = vector.broadcast %shift_left3A_742 : i32 to vector<16xi32>
        %shift_left3A_744 = arith.shli %xor3A_740, %shift_left3A_743 : vector<16xi32>
        %shift_right_logical3A_745 = arith.constant 3 : i32
        %shift_right_logical3A_746 = vector.broadcast %shift_right_logical3A_745 : i32 to vector<16xi32>
        %shift_right_logical3A_747 = arith.shrui %xor3A_740, %shift_right_logical3A_746 : vector<16xi32>
        %or3A_748 = arith.ori %shift_left3A_744, %shift_right_logical3A_747 : vector<16xi32>
        %xor3A_749 = arith.xori %or3A_748, %add3A_741 : vector<16xi32>
        %add3A_750 = arith.addi %add3A_741, %xor3A_749 : vector<16xi32>
        %shift_left3A_751 = arith.constant 16 : i32
        %shift_left3A_752 = vector.broadcast %shift_left3A_751 : i32 to vector<16xi32>
        %shift_left3A_753 = arith.shli %xor3A_749, %shift_left3A_752 : vector<16xi32>
        %shift_right_logical3A_754 = arith.constant 16 : i32
        %shift_right_logical3A_755 = vector.broadcast %shift_right_logical3A_754 : i32 to vector<16xi32>
        %shift_right_logical3A_756 = arith.shrui %xor3A_749, %shift_right_logical3A_755 : vector<16xi32>
        %or3A_757 = arith.ori %shift_left3A_753, %shift_right_logical3A_756 : vector<16xi32>
        %xor3A_758 = arith.xori %or3A_757, %add3A_750 : vector<16xi32>
        %add3A_759 = arith.addi %add3A_750, %xor3A_758 : vector<16xi32>
        %shift_left3A_760 = arith.constant 24 : i32
        %shift_left3A_761 = vector.broadcast %shift_left3A_760 : i32 to vector<16xi32>
        %shift_left3A_762 = arith.shli %xor3A_758, %shift_left3A_761 : vector<16xi32>
        %shift_right_logical3A_763 = arith.constant 8 : i32
        %shift_right_logical3A_764 = vector.broadcast %shift_right_logical3A_763 : i32 to vector<16xi32>
        %shift_right_logical3A_765 = arith.shrui %xor3A_758, %shift_right_logical3A_764 : vector<16xi32>
        %or3A_766 = arith.ori %shift_left3A_762, %shift_right_logical3A_765 : vector<16xi32>
        %xor3A_767 = arith.xori %or3A_766, %add3A_759 : vector<16xi32>
        %add3A_768 = arith.constant 42 : i32
        %add3A_769 = vector.broadcast %add3A_768 : i32 to vector<16xi32>
        %add3A_770 = arith.addi %add3A_759, %add3A_769 : vector<16xi32>
        %add3A_771 = arith.constant 466689008 : i32
        %add3A_772 = vector.broadcast %add3A_771 : i32 to vector<16xi32>
        %add3A_773 = arith.addi %xor3A_767, %add3A_772 : vector<16xi32>
        %add3A_774 = arith.constant 4 : i32
        %add3A_775 = vector.broadcast %add3A_774 : i32 to vector<16xi32>
        %add3A_776 = arith.addi %add3A_773, %add3A_775 : vector<16xi32>
        %add3A_777 = arith.addi %add3A_770, %add3A_776 : vector<16xi32>
        %shift_left3A_778 = arith.constant 13 : i32
        %shift_left3A_779 = vector.broadcast %shift_left3A_778 : i32 to vector<16xi32>
        %shift_left3A_780 = arith.shli %add3A_776, %shift_left3A_779 : vector<16xi32>
        %shift_right_logical3A_781 = arith.constant 19 : i32
        %shift_right_logical3A_782 = vector.broadcast %shift_right_logical3A_781 : i32 to vector<16xi32>
        %shift_right_logical3A_783 = arith.shrui %add3A_776, %shift_right_logical3A_782 : vector<16xi32>
        %or3A_784 = arith.ori %shift_left3A_780, %shift_right_logical3A_783 : vector<16xi32>
        %xor3A_785 = arith.xori %or3A_784, %add3A_777 : vector<16xi32>
        %add3A_786 = arith.addi %add3A_777, %xor3A_785 : vector<16xi32>
        %shift_left3A_787 = arith.constant 15 : i32
        %shift_left3A_788 = vector.broadcast %shift_left3A_787 : i32 to vector<16xi32>
        %shift_left3A_789 = arith.shli %xor3A_785, %shift_left3A_788 : vector<16xi32>
        %shift_right_logical3A_790 = arith.constant 17 : i32
        %shift_right_logical3A_791 = vector.broadcast %shift_right_logical3A_790 : i32 to vector<16xi32>
        %shift_right_logical3A_792 = arith.shrui %xor3A_785, %shift_right_logical3A_791 : vector<16xi32>
        %or3A_793 = arith.ori %shift_left3A_789, %shift_right_logical3A_792 : vector<16xi32>
        %xor3A_794 = arith.xori %or3A_793, %add3A_786 : vector<16xi32>
        %add3A_795 = arith.addi %add3A_786, %xor3A_794 : vector<16xi32>
        %shift_left3A_796 = arith.constant 26 : i32
        %shift_left3A_797 = vector.broadcast %shift_left3A_796 : i32 to vector<16xi32>
        %shift_left3A_798 = arith.shli %xor3A_794, %shift_left3A_797 : vector<16xi32>
        %shift_right_logical3A_799 = arith.constant 6 : i32
        %shift_right_logical3A_800 = vector.broadcast %shift_right_logical3A_799 : i32 to vector<16xi32>
        %shift_right_logical3A_801 = arith.shrui %xor3A_794, %shift_right_logical3A_800 : vector<16xi32>
        %or3A_802 = arith.ori %shift_left3A_798, %shift_right_logical3A_801 : vector<16xi32>
        %xor3A_803 = arith.xori %or3A_802, %add3A_795 : vector<16xi32>
        %add3A_804 = arith.addi %add3A_795, %xor3A_803 : vector<16xi32>
        %shift_left3A_805 = arith.constant 6 : i32
        %shift_left3A_806 = vector.broadcast %shift_left3A_805 : i32 to vector<16xi32>
        %shift_left3A_807 = arith.shli %xor3A_803, %shift_left3A_806 : vector<16xi32>
        %shift_right_logical3A_808 = arith.constant 26 : i32
        %shift_right_logical3A_809 = vector.broadcast %shift_right_logical3A_808 : i32 to vector<16xi32>
        %shift_right_logical3A_810 = arith.shrui %xor3A_803, %shift_right_logical3A_809 : vector<16xi32>
        %or3A_811 = arith.ori %shift_left3A_807, %shift_right_logical3A_810 : vector<16xi32>
        %xor3A_812 = arith.xori %or3A_811, %add3A_804 : vector<16xi32>
        %add3A_813 = arith.constant 466689008 : i32
        %add3A_814 = vector.broadcast %add3A_813 : i32 to vector<16xi32>
        %add3A_815 = arith.addi %add3A_804, %add3A_814 : vector<16xi32>
        %add3A_816 = arith.constant 0 : i32
        %add3A_817 = vector.broadcast %add3A_816 : i32 to vector<16xi32>
        %add3A_818 = arith.addi %xor3A_812, %add3A_817 : vector<16xi32>
        %add3A_819 = arith.constant 5 : i32
        %add3A_820 = vector.broadcast %add3A_819 : i32 to vector<16xi32>
        %add3A_821 = arith.addi %add3A_818, %add3A_820 : vector<16xi32>
        %xor3A_822 = arith.xori %add3A_815, %add3A_821 : vector<16xi32>
        %shift_right_logical3A_823 = arith.constant 9 : i32
        %shift_right_logical3A_824 = vector.broadcast %shift_right_logical3A_823 : i32 to vector<16xi32>
        %shift_right_logical3A_825 = arith.shrui %xor3A_822, %shift_right_logical3A_824 : vector<16xi32>
        %convert_element_type3A_826 = arith.sitofp %shift_right_logical3A_825 : vector<16xi32> to vector<16xf32>
        %mul3A_827 = arith.constant 1.1920929E-7 : f32
        %mul3A_828 = vector.broadcast %mul3A_827 : f32 to vector<16xf32>
        %mul3A_829 = arith.mulf %convert_element_type3A_826, %mul3A_828 : vector<16xf32>
        %max3A_830 = arith.constant 1.17549435E-38 : f32
        %max3A_831 = vector.broadcast %max3A_830 : f32 to vector<16xf32>
        %max3A_832 = arith.maximumf %mul3A_829, %max3A_831 : vector<16xf32>
        %sub3A_833 = arith.constant 0x4B000000 : f32
        %sub3A_834 = vector.broadcast %sub3A_833 : f32 to vector<16xf32>
        %sub3A_835 = arith.subf %convert_element_type3A_826, %sub3A_834 : vector<16xf32>
        %mul3A_836 = arith.constant 1.1920929E-7 : f32
        %mul3A_837 = vector.broadcast %mul3A_836 : f32 to vector<16xf32>
        %mul3A_838 = arith.mulf %sub3A_835, %mul3A_837 : vector<16xf32>
        %broadcast_in_dim3A_839 = arith.constant -0.334263474 : f32
        %broadcast_in_dim3A_840 = vector.broadcast %broadcast_in_dim3A_839 : f32 to vector<16xf32>
        %mul3A_841 = arith.mulf %broadcast_in_dim3A_840, %mul3A_838 : vector<16xf32>
        %add3A_842 = arith.constant 0.0407187231 : f32
        %add3A_843 = vector.broadcast %add3A_842 : f32 to vector<16xf32>
        %add3A_844 = arith.addf %mul3A_841, %add3A_843 : vector<16xf32>
        %mul3A_845 = arith.mulf %add3A_844, %mul3A_838 : vector<16xf32>
        %add3A_846 = arith.constant -0.190590665 : f32
        %add3A_847 = vector.broadcast %add3A_846 : f32 to vector<16xf32>
        %add3A_848 = arith.addf %mul3A_845, %add3A_847 : vector<16xf32>
        %mul3A_849 = arith.mulf %add3A_848, %mul3A_838 : vector<16xf32>
        %add3A_850 = arith.constant 0.196964383 : f32
        %add3A_851 = vector.broadcast %add3A_850 : f32 to vector<16xf32>
        %add3A_852 = arith.addf %mul3A_849, %add3A_851 : vector<16xf32>
        %mul3A_853 = arith.mulf %add3A_852, %mul3A_838 : vector<16xf32>
        %add3A_854 = arith.constant -0.250209928 : f32
        %add3A_855 = vector.broadcast %add3A_854 : f32 to vector<16xf32>
        %add3A_856 = arith.addf %mul3A_853, %add3A_855 : vector<16xf32>
        %mul3A_857 = arith.mulf %add3A_856, %mul3A_838 : vector<16xf32>
        %add3A_858 = arith.constant 0.333325982 : f32
        %add3A_859 = vector.broadcast %add3A_858 : f32 to vector<16xf32>
        %add3A_860 = arith.addf %mul3A_857, %add3A_859 : vector<16xf32>
        %mul3A_861 = arith.mulf %add3A_860, %mul3A_838 : vector<16xf32>
        %add3A_862 = arith.constant -0.500000119 : f32
        %add3A_863 = vector.broadcast %add3A_862 : f32 to vector<16xf32>
        %add3A_864 = arith.addf %mul3A_861, %add3A_863 : vector<16xf32>
        %mul3A_865 = arith.mulf %add3A_864, %mul3A_838 : vector<16xf32>
        %add3A_866 = arith.constant 1.000000e+00 : f32
        %add3A_867 = vector.broadcast %add3A_866 : f32 to vector<16xf32>
        %add3A_868 = arith.addf %mul3A_865, %add3A_867 : vector<16xf32>
        %mul3A_869 = arith.mulf %mul3A_838, %add3A_868 : vector<16xf32>
        %neg3A_870 = arith.constant 0.000000e+00 : f32
        %neg3A_871 = vector.broadcast %neg3A_870 : f32 to vector<16xf32>
        %neg3A_872 = arith.subf %neg3A_871, %mul3A_869 : vector<16xf32>
        %bitcast_convert_type3A_873 = tpu.bitcast %max3A_832 : vector<16xf32> -> vector<16xi32>
        %shift_right_logical3A_874 = arith.constant 23 : i32
        %shift_right_logical3A_875 = vector.broadcast %shift_right_logical3A_874 : i32 to vector<16xi32>
        %shift_right_logical3A_876 = arith.shrui %bitcast_convert_type3A_873, %shift_right_logical3A_875 : vector<16xi32>
        %sub3A_877 = arith.constant 127 : i32
        %sub3A_878 = vector.broadcast %sub3A_877 : i32 to vector<16xi32>
        %sub3A_879 = arith.subi %shift_right_logical3A_876, %sub3A_878 : vector<16xi32>
        %and3A_880 = arith.constant 8388607 : i32
        %and3A_881 = vector.broadcast %and3A_880 : i32 to vector<16xi32>
        %and3A_882 = arith.andi %bitcast_convert_type3A_873, %and3A_881 : vector<16xi32>
        %or3A_883 = arith.constant 1065353216 : i32
        %or3A_884 = vector.broadcast %or3A_883 : i32 to vector<16xi32>
        %or3A_885 = arith.ori %and3A_882, %or3A_884 : vector<16xi32>
        %bitcast_convert_type3A_886 = tpu.bitcast %or3A_885 : vector<16xi32> -> vector<16xf32>
        %ge3A_887 = arith.constant 1.41421354 : f32
        %ge3A_888 = vector.broadcast %ge3A_887 : f32 to vector<16xf32>
        %ge3A_889 = arith.cmpf oge, %bitcast_convert_type3A_886, %ge3A_888 : vector<16xf32>
        %mul3A_890 = arith.constant 5.000000e-01 : f32
        %mul3A_891 = vector.broadcast %mul3A_890 : f32 to vector<16xf32>
        %mul3A_892 = arith.mulf %bitcast_convert_type3A_886, %mul3A_891 : vector<16xf32>
        %select_n3A_893 = arith.select %ge3A_889, %mul3A_892, %bitcast_convert_type3A_886 : vector<16xi1>, vector<16xf32>
        %add3A_894 = arith.constant 1 : i32
        %add3A_895 = vector.broadcast %add3A_894 : i32 to vector<16xi32>
        %add3A_896 = arith.addi %sub3A_879, %add3A_895 : vector<16xi32>
        %select_n3A_897 = arith.select %ge3A_889, %add3A_896, %sub3A_879 : vector<16xi1>, vector<16xi32>
        %sub3A_898 = arith.constant 1.000000e+00 : f32
        %sub3A_899 = vector.broadcast %sub3A_898 : f32 to vector<16xf32>
        %sub3A_900 = arith.subf %select_n3A_893, %sub3A_899 : vector<16xf32>
        %broadcast_in_dim3A_901 = arith.constant -0.0991365611 : f32
        %broadcast_in_dim3A_902 = vector.broadcast %broadcast_in_dim3A_901 : f32 to vector<16xf32>
        %mul3A_903 = arith.mulf %broadcast_in_dim3A_902, %sub3A_900 : vector<16xf32>
        %add3A_904 = arith.constant 0.163385555 : f32
        %add3A_905 = vector.broadcast %add3A_904 : f32 to vector<16xf32>
        %add3A_906 = arith.addf %mul3A_903, %add3A_905 : vector<16xf32>
        %mul3A_907 = arith.mulf %add3A_906, %sub3A_900 : vector<16xf32>
        %add3A_908 = arith.constant -0.173631534 : f32
        %add3A_909 = vector.broadcast %add3A_908 : f32 to vector<16xf32>
        %add3A_910 = arith.addf %mul3A_907, %add3A_909 : vector<16xf32>
        %mul3A_911 = arith.mulf %add3A_910, %sub3A_900 : vector<16xf32>
        %add3A_912 = arith.constant 0.198853612 : f32
        %add3A_913 = vector.broadcast %add3A_912 : f32 to vector<16xf32>
        %add3A_914 = arith.addf %mul3A_911, %add3A_913 : vector<16xf32>
        %mul3A_915 = arith.mulf %add3A_914, %sub3A_900 : vector<16xf32>
        %add3A_916 = arith.constant -0.249577805 : f32
        %add3A_917 = vector.broadcast %add3A_916 : f32 to vector<16xf32>
        %add3A_918 = arith.addf %mul3A_915, %add3A_917 : vector<16xf32>
        %mul3A_919 = arith.mulf %add3A_918, %sub3A_900 : vector<16xf32>
        %add3A_920 = arith.constant 0.333356887 : f32
        %add3A_921 = vector.broadcast %add3A_920 : f32 to vector<16xf32>
        %add3A_922 = arith.addf %mul3A_919, %add3A_921 : vector<16xf32>
        %mul3A_923 = arith.mulf %add3A_922, %sub3A_900 : vector<16xf32>
        %add3A_924 = arith.constant -5.000070e-01 : f32
        %add3A_925 = vector.broadcast %add3A_924 : f32 to vector<16xf32>
        %add3A_926 = arith.addf %mul3A_923, %add3A_925 : vector<16xf32>
        %mul3A_927 = arith.mulf %add3A_926, %sub3A_900 : vector<16xf32>
        %add3A_928 = arith.constant 0.999999821 : f32
        %add3A_929 = vector.broadcast %add3A_928 : f32 to vector<16xf32>
        %add3A_930 = arith.addf %mul3A_927, %add3A_929 : vector<16xf32>
        %mul3A_931 = arith.mulf %add3A_930, %sub3A_900 : vector<16xf32>
        %convert_element_type3A_932 = arith.sitofp %select_n3A_897 : vector<16xi32> to vector<16xf32>
        %mul3A_933 = arith.constant 0.693147182 : f32
        %mul3A_934 = vector.broadcast %mul3A_933 : f32 to vector<16xf32>
        %mul3A_935 = arith.mulf %convert_element_type3A_932, %mul3A_934 : vector<16xf32>
        %add3A_936 = arith.addf %mul3A_935, %mul3A_931 : vector<16xf32>
        %neg3A_937 = arith.constant 0.000000e+00 : f32
        %neg3A_938 = vector.broadcast %neg3A_937 : f32 to vector<16xf32>
        %neg3A_939 = arith.subf %neg3A_938, %add3A_936 : vector<16xf32>
        %ge3A_940 = arith.constant 6291456 : i32
        %ge3A_941 = vector.broadcast %ge3A_940 : i32 to vector<16xi32>
        %ge3A_942 = arith.cmpi sge, %shift_right_logical3A_825, %ge3A_941 : vector<16xi32>
        %select_n3A_943 = arith.select %ge3A_942, %neg3A_872, %neg3A_939 : vector<16xi1>, vector<16xf32>
        %bitcast_convert_type3A_944 = tpu.bitcast %select_n3A_943 : vector<16xf32> -> vector<16xi32>
        %shift_right_logical3A_945 = arith.constant 23 : i32
        %shift_right_logical3A_946 = vector.broadcast %shift_right_logical3A_945 : i32 to vector<16xi32>
        %shift_right_logical3A_947 = arith.shrui %bitcast_convert_type3A_944, %shift_right_logical3A_946 : vector<16xi32>
        %sub3A_948 = arith.constant 127 : i32
        %sub3A_949 = vector.broadcast %sub3A_948 : i32 to vector<16xi32>
        %sub3A_950 = arith.subi %shift_right_logical3A_947, %sub3A_949 : vector<16xi32>
        %and3A_951 = arith.constant 8388607 : i32
        %and3A_952 = vector.broadcast %and3A_951 : i32 to vector<16xi32>
        %and3A_953 = arith.andi %bitcast_convert_type3A_944, %and3A_952 : vector<16xi32>
        %or3A_954 = arith.constant 1065353216 : i32
        %or3A_955 = vector.broadcast %or3A_954 : i32 to vector<16xi32>
        %or3A_956 = arith.ori %and3A_953, %or3A_955 : vector<16xi32>
        %bitcast_convert_type3A_957 = tpu.bitcast %or3A_956 : vector<16xi32> -> vector<16xf32>
        %ge3A_958 = arith.constant 1.41421354 : f32
        %ge3A_959 = vector.broadcast %ge3A_958 : f32 to vector<16xf32>
        %ge3A_960 = arith.cmpf oge, %bitcast_convert_type3A_957, %ge3A_959 : vector<16xf32>
        %mul3A_961 = arith.constant 5.000000e-01 : f32
        %mul3A_962 = vector.broadcast %mul3A_961 : f32 to vector<16xf32>
        %mul3A_963 = arith.mulf %bitcast_convert_type3A_957, %mul3A_962 : vector<16xf32>
        %select_n3A_964 = arith.select %ge3A_960, %mul3A_963, %bitcast_convert_type3A_957 : vector<16xi1>, vector<16xf32>
        %add3A_965 = arith.constant 1 : i32
        %add3A_966 = vector.broadcast %add3A_965 : i32 to vector<16xi32>
        %add3A_967 = arith.addi %sub3A_950, %add3A_966 : vector<16xi32>
        %select_n3A_968 = arith.select %ge3A_960, %add3A_967, %sub3A_950 : vector<16xi1>, vector<16xi32>
        %sub3A_969 = arith.constant 1.000000e+00 : f32
        %sub3A_970 = vector.broadcast %sub3A_969 : f32 to vector<16xf32>
        %sub3A_971 = arith.subf %select_n3A_964, %sub3A_970 : vector<16xf32>
        %broadcast_in_dim3A_972 = arith.constant 0.114490829 : f32
        %broadcast_in_dim3A_973 = vector.broadcast %broadcast_in_dim3A_972 : f32 to vector<16xf32>
        %mul3A_974 = arith.mulf %broadcast_in_dim3A_973, %sub3A_971 : vector<16xf32>
        %add3A_975 = arith.constant -0.187792078 : f32
        %add3A_976 = vector.broadcast %add3A_975 : f32 to vector<16xf32>
        %add3A_977 = arith.addf %mul3A_974, %add3A_976 : vector<16xf32>
        %mul3A_978 = arith.mulf %add3A_977, %sub3A_971 : vector<16xf32>
        %add3A_979 = arith.constant 0.206738353 : f32
        %add3A_980 = vector.broadcast %add3A_979 : f32 to vector<16xf32>
        %add3A_981 = arith.addf %mul3A_978, %add3A_980 : vector<16xf32>
        %mul3A_982 = arith.mulf %add3A_981, %sub3A_971 : vector<16xf32>
        %add3A_983 = arith.constant -0.248981208 : f32
        %add3A_984 = vector.broadcast %add3A_983 : f32 to vector<16xf32>
        %add3A_985 = arith.addf %mul3A_982, %add3A_984 : vector<16xf32>
        %mul3A_986 = arith.mulf %add3A_985, %sub3A_971 : vector<16xf32>
        %add3A_987 = arith.constant 0.332989544 : f32
        %add3A_988 = vector.broadcast %add3A_987 : f32 to vector<16xf32>
        %add3A_989 = arith.addf %mul3A_986, %add3A_988 : vector<16xf32>
        %mul3A_990 = arith.mulf %add3A_989, %sub3A_971 : vector<16xf32>
        %add3A_991 = arith.constant -0.500014484 : f32
        %add3A_992 = vector.broadcast %add3A_991 : f32 to vector<16xf32>
        %add3A_993 = arith.addf %mul3A_990, %add3A_992 : vector<16xf32>
        %mul3A_994 = arith.mulf %add3A_993, %sub3A_971 : vector<16xf32>
        %add3A_995 = arith.constant 1.00000417 : f32
        %add3A_996 = vector.broadcast %add3A_995 : f32 to vector<16xf32>
        %add3A_997 = arith.addf %mul3A_994, %add3A_996 : vector<16xf32>
        %mul3A_998 = arith.mulf %add3A_997, %sub3A_971 : vector<16xf32>
        %convert_element_type3A_999 = arith.sitofp %select_n3A_968 : vector<16xi32> to vector<16xf32>
        %mul3A_1000 = arith.constant 0.693147182 : f32
        %mul3A_1001 = vector.broadcast %mul3A_1000 : f32 to vector<16xf32>
        %mul3A_1002 = arith.mulf %convert_element_type3A_999, %mul3A_1001 : vector<16xf32>
        %add3A_1003 = arith.addf %mul3A_1002, %mul3A_998 : vector<16xf32>
        %neg3A_1004 = arith.constant 0.000000e+00 : f32
        %neg3A_1005 = vector.broadcast %neg3A_1004 : f32 to vector<16xf32>
        %neg3A_1006 = arith.subf %neg3A_1005, %add3A_1003 : vector<16xf32>
        %add3A_1007 = arith.addf %get3A_583, %neg3A_1006 : vector<16xf32>
        %mul3A_1008 = arith.constant 16 : i32
        %mul3A_1009 = arith.muli %scan3A_577, %mul3A_1008 : i32
        %add3A_1010 = arith.addi %add3A_135, %mul3A_1009 : i32
        %add3A_1011 = vector.broadcast %add3A_1010 : i32 to vector<16xi32>
        %add3A_1012 = arith.addi %add3A_1011, %iota3A : vector<16xi32>
        %gt3A_1013 = arith.cmpf ogt, %add3A_1007, %select_n3A_574 : vector<16xf32>
        %select_n3A_1014 = arith.select %gt3A_1013, %add3A_1007, %select_n3A_574 : vector<16xi1>, vector<16xf32>
        %select_n3A_1015 = arith.select %gt3A_1013, %add3A_1012, %select_n3A_575 : vector<16xi1>, vector<16xi32>
        %scan3A_1016 = arith.constant 2 : i32
        %scan3A_1017 = arith.addi %scan3A_145, %scan3A_1016 : i32
        %mul3A_1018 = arith.constant 16 : i32
        %mul3A_1019 = arith.muli %scan3A_1017, %mul3A_1018 : i32
        %add3A_1020 = arith.addi %mul3A_121, %mul3A_1019 : i32
        %get3A_1021 = arith.index_cast %add3A_1020 : i32 to index
        %get3A_1022 = tpu.vector_load %arg5[%get3A_1021] {strides = array<i32>} : memref<32768xf32, #tpu.memory_space<vmem>>, vector<16xf32>,
        %get3A_1023 = vector.shape_cast %get3A_1022 : vector<16xf32> to vector<16xf32>
        %mul3A_1024 = arith.constant 16 : i32
        %mul3A_1025 = arith.muli %scan3A_1017, %mul3A_1024 : i32
        %add3A_1026 = arith.addi %add3A_138, %mul3A_1025 : i32
        %add3A_1027 = vector.broadcast %add3A_1026 : i32 to vector<16xi32>
        %add3A_1028 = arith.addi %add3A_1027, %iota3A : vector<16xi32>
        %broadcast_in_dim3A_1029 = arith.constant 0 : i32
        %broadcast_in_dim3A_1030 = vector.broadcast %broadcast_in_dim3A_1029 : i32 to vector<16xi32>
        %add3A_1031 = arith.constant 0 : i32
        %add3A_1032 = vector.broadcast %add3A_1031 : i32 to vector<16xi32>
        %add3A_1033 = arith.addi %broadcast_in_dim3A_1030, %add3A_1032 : vector<16xi32>
        %add3A_1034 = arith.constant 42 : i32
        %add3A_1035 = vector.broadcast %add3A_1034 : i32 to vector<16xi32>
        %add3A_1036 = arith.addi %add3A_1028, %add3A_1035 : vector<16xi32>
        %add3A_1037 = arith.addi %add3A_1033, %add3A_1036 : vector<16xi32>
        %shift_left3A_1038 = arith.constant 13 : i32
        %shift_left3A_1039 = vector.broadcast %shift_left3A_1038 : i32 to vector<16xi32>
        %shift_left3A_1040 = arith.shli %add3A_1036, %shift_left3A_1039 : vector<16xi32>
        %shift_right_logical3A_1041 = arith.constant 19 : i32
        %shift_right_logical3A_1042 = vector.broadcast %shift_right_logical3A_1041 : i32 to vector<16xi32>
        %shift_right_logical3A_1043 = arith.shrui %add3A_1036, %shift_right_logical3A_1042 : vector<16xi32>
        %or3A_1044 = arith.ori %shift_left3A_1040, %shift_right_logical3A_1043 : vector<16xi32>
        %xor3A_1045 = arith.xori %or3A_1044, %add3A_1037 : vector<16xi32>
        %add3A_1046 = arith.addi %add3A_1037, %xor3A_1045 : vector<16xi32>
        %shift_left3A_1047 = arith.constant 15 : i32
        %shift_left3A_1048 = vector.broadcast %shift_left3A_1047 : i32 to vector<16xi32>
        %shift_left3A_1049 = arith.shli %xor3A_1045, %shift_left3A_1048 : vector<16xi32>
        %shift_right_logical3A_1050 = arith.constant 17 : i32
        %shift_right_logical3A_1051 = vector.broadcast %shift_right_logical3A_1050 : i32 to vector<16xi32>
        %shift_right_logical3A_1052 = arith.shrui %xor3A_1045, %shift_right_logical3A_1051 : vector<16xi32>
        %or3A_1053 = arith.ori %shift_left3A_1049, %shift_right_logical3A_1052 : vector<16xi32>
        %xor3A_1054 = arith.xori %or3A_1053, %add3A_1046 : vector<16xi32>
        %add3A_1055 = arith.addi %add3A_1046, %xor3A_1054 : vector<16xi32>
        %shift_left3A_1056 = arith.constant 26 : i32
        %shift_left3A_1057 = vector.broadcast %shift_left3A_1056 : i32 to vector<16xi32>
        %shift_left3A_1058 = arith.shli %xor3A_1054, %shift_left3A_1057 : vector<16xi32>
        %shift_right_logical3A_1059 = arith.constant 6 : i32
        %shift_right_logical3A_1060 = vector.broadcast %shift_right_logical3A_1059 : i32 to vector<16xi32>
        %shift_right_logical3A_1061 = arith.shrui %xor3A_1054, %shift_right_logical3A_1060 : vector<16xi32>
        %or3A_1062 = arith.ori %shift_left3A_1058, %shift_right_logical3A_1061 : vector<16xi32>
        %xor3A_1063 = arith.xori %or3A_1062, %add3A_1055 : vector<16xi32>
        %add3A_1064 = arith.addi %add3A_1055, %xor3A_1063 : vector<16xi32>
        %shift_left3A_1065 = arith.constant 6 : i32
        %shift_left3A_1066 = vector.broadcast %shift_left3A_1065 : i32 to vector<16xi32>
        %shift_left3A_1067 = arith.shli %xor3A_1063, %shift_left3A_1066 : vector<16xi32>
        %shift_right_logical3A_1068 = arith.constant 26 : i32
        %shift_right_logical3A_1069 = vector.broadcast %shift_right_logical3A_1068 : i32 to vector<16xi32>
        %shift_right_logical3A_1070 = arith.shrui %xor3A_1063, %shift_right_logical3A_1069 : vector<16xi32>
        %or3A_1071 = arith.ori %shift_left3A_1067, %shift_right_logical3A_1070 : vector<16xi32>
        %xor3A_1072 = arith.xori %or3A_1071, %add3A_1064 : vector<16xi32>
        %add3A_1073 = arith.constant 42 : i32
        %add3A_1074 = vector.broadcast %add3A_1073 : i32 to vector<16xi32>
        %add3A_1075 = arith.addi %add3A_1064, %add3A_1074 : vector<16xi32>
        %add3A_1076 = arith.constant 466689008 : i32
        %add3A_1077 = vector.broadcast %add3A_1076 : i32 to vector<16xi32>
        %add3A_1078 = arith.addi %xor3A_1072, %add3A_1077 : vector<16xi32>
        %add3A_1079 = arith.constant 1 : i32
        %add3A_1080 = vector.broadcast %add3A_1079 : i32 to vector<16xi32>
        %add3A_1081 = arith.addi %add3A_1078, %add3A_1080 : vector<16xi32>
        %add3A_1082 = arith.addi %add3A_1075, %add3A_1081 : vector<16xi32>
        %shift_left3A_1083 = arith.constant 17 : i32
        %shift_left3A_1084 = vector.broadcast %shift_left3A_1083 : i32 to vector<16xi32>
        %shift_left3A_1085 = arith.shli %add3A_1081, %shift_left3A_1084 : vector<16xi32>
        %shift_right_logical3A_1086 = arith.constant 15 : i32
        %shift_right_logical3A_1087 = vector.broadcast %shift_right_logical3A_1086 : i32 to vector<16xi32>
        %shift_right_logical3A_1088 = arith.shrui %add3A_1081, %shift_right_logical3A_1087 : vector<16xi32>
        %or3A_1089 = arith.ori %shift_left3A_1085, %shift_right_logical3A_1088 : vector<16xi32>
        %xor3A_1090 = arith.xori %or3A_1089, %add3A_1082 : vector<16xi32>
        %add3A_1091 = arith.addi %add3A_1082, %xor3A_1090 : vector<16xi32>
        %shift_left3A_1092 = arith.constant 29 : i32
        %shift_left3A_1093 = vector.broadcast %shift_left3A_1092 : i32 to vector<16xi32>
        %shift_left3A_1094 = arith.shli %xor3A_1090, %shift_left3A_1093 : vector<16xi32>
        %shift_right_logical3A_1095 = arith.constant 3 : i32
        %shift_right_logical3A_1096 = vector.broadcast %shift_right_logical3A_1095 : i32 to vector<16xi32>
        %shift_right_logical3A_1097 = arith.shrui %xor3A_1090, %shift_right_logical3A_1096 : vector<16xi32>
        %or3A_1098 = arith.ori %shift_left3A_1094, %shift_right_logical3A_1097 : vector<16xi32>
        %xor3A_1099 = arith.xori %or3A_1098, %add3A_1091 : vector<16xi32>
        %add3A_1100 = arith.addi %add3A_1091, %xor3A_1099 : vector<16xi32>
        %shift_left3A_1101 = arith.constant 16 : i32
        %shift_left3A_1102 = vector.broadcast %shift_left3A_1101 : i32 to vector<16xi32>
        %shift_left3A_1103 = arith.shli %xor3A_1099, %shift_left3A_1102 : vector<16xi32>
        %shift_right_logical3A_1104 = arith.constant 16 : i32
        %shift_right_logical3A_1105 = vector.broadcast %shift_right_logical3A_1104 : i32 to vector<16xi32>
        %shift_right_logical3A_1106 = arith.shrui %xor3A_1099, %shift_right_logical3A_1105 : vector<16xi32>
        %or3A_1107 = arith.ori %shift_left3A_1103, %shift_right_logical3A_1106 : vector<16xi32>
        %xor3A_1108 = arith.xori %or3A_1107, %add3A_1100 : vector<16xi32>
        %add3A_1109 = arith.addi %add3A_1100, %xor3A_1108 : vector<16xi32>
        %shift_left3A_1110 = arith.constant 24 : i32
        %shift_left3A_1111 = vector.broadcast %shift_left3A_1110 : i32 to vector<16xi32>
        %shift_left3A_1112 = arith.shli %xor3A_1108, %shift_left3A_1111 : vector<16xi32>
        %shift_right_logical3A_1113 = arith.constant 8 : i32
        %shift_right_logical3A_1114 = vector.broadcast %shift_right_logical3A_1113 : i32 to vector<16xi32>
        %shift_right_logical3A_1115 = arith.shrui %xor3A_1108, %shift_right_logical3A_1114 : vector<16xi32>
        %or3A_1116 = arith.ori %shift_left3A_1112, %shift_right_logical3A_1115 : vector<16xi32>
        %xor3A_1117 = arith.xori %or3A_1116, %add3A_1109 : vector<16xi32>
        %add3A_1118 = arith.constant 466689008 : i32
        %add3A_1119 = vector.broadcast %add3A_1118 : i32 to vector<16xi32>
        %add3A_1120 = arith.addi %add3A_1109, %add3A_1119 : vector<16xi32>
        %add3A_1121 = arith.constant 0 : i32
        %add3A_1122 = vector.broadcast %add3A_1121 : i32 to vector<16xi32>
        %add3A_1123 = arith.addi %xor3A_1117, %add3A_1122 : vector<16xi32>
        %add3A_1124 = arith.constant 2 : i32
        %add3A_1125 = vector.broadcast %add3A_1124 : i32 to vector<16xi32>
        %add3A_1126 = arith.addi %add3A_1123, %add3A_1125 : vector<16xi32>
        %add3A_1127 = arith.addi %add3A_1120, %add3A_1126 : vector<16xi32>
        %shift_left3A_1128 = arith.constant 13 : i32
        %shift_left3A_1129 = vector.broadcast %shift_left3A_1128 : i32 to vector<16xi32>
        %shift_left3A_1130 = arith.shli %add3A_1126, %shift_left3A_1129 : vector<16xi32>
        %shift_right_logical3A_1131 = arith.constant 19 : i32
        %shift_right_logical3A_1132 = vector.broadcast %shift_right_logical3A_1131 : i32 to vector<16xi32>
        %shift_right_logical3A_1133 = arith.shrui %add3A_1126, %shift_right_logical3A_1132 : vector<16xi32>
        %or3A_1134 = arith.ori %shift_left3A_1130, %shift_right_logical3A_1133 : vector<16xi32>
        %xor3A_1135 = arith.xori %or3A_1134, %add3A_1127 : vector<16xi32>
        %add3A_1136 = arith.addi %add3A_1127, %xor3A_1135 : vector<16xi32>
        %shift_left3A_1137 = arith.constant 15 : i32
        %shift_left3A_1138 = vector.broadcast %shift_left3A_1137 : i32 to vector<16xi32>
        %shift_left3A_1139 = arith.shli %xor3A_1135, %shift_left3A_1138 : vector<16xi32>
        %shift_right_logical3A_1140 = arith.constant 17 : i32
        %shift_right_logical3A_1141 = vector.broadcast %shift_right_logical3A_1140 : i32 to vector<16xi32>
        %shift_right_logical3A_1142 = arith.shrui %xor3A_1135, %shift_right_logical3A_1141 : vector<16xi32>
        %or3A_1143 = arith.ori %shift_left3A_1139, %shift_right_logical3A_1142 : vector<16xi32>
        %xor3A_1144 = arith.xori %or3A_1143, %add3A_1136 : vector<16xi32>
        %add3A_1145 = arith.addi %add3A_1136, %xor3A_1144 : vector<16xi32>
        %shift_left3A_1146 = arith.constant 26 : i32
        %shift_left3A_1147 = vector.broadcast %shift_left3A_1146 : i32 to vector<16xi32>
        %shift_left3A_1148 = arith.shli %xor3A_1144, %shift_left3A_1147 : vector<16xi32>
        %shift_right_logical3A_1149 = arith.constant 6 : i32
        %shift_right_logical3A_1150 = vector.broadcast %shift_right_logical3A_1149 : i32 to vector<16xi32>
        %shift_right_logical3A_1151 = arith.shrui %xor3A_1144, %shift_right_logical3A_1150 : vector<16xi32>
        %or3A_1152 = arith.ori %shift_left3A_1148, %shift_right_logical3A_1151 : vector<16xi32>
        %xor3A_1153 = arith.xori %or3A_1152, %add3A_1145 : vector<16xi32>
        %add3A_1154 = arith.addi %add3A_1145, %xor3A_1153 : vector<16xi32>
        %shift_left3A_1155 = arith.constant 6 : i32
        %shift_left3A_1156 = vector.broadcast %shift_left3A_1155 : i32 to vector<16xi32>
        %shift_left3A_1157 = arith.shli %xor3A_1153, %shift_left3A_1156 : vector<16xi32>
        %shift_right_logical3A_1158 = arith.constant 26 : i32
        %shift_right_logical3A_1159 = vector.broadcast %shift_right_logical3A_1158 : i32 to vector<16xi32>
        %shift_right_logical3A_1160 = arith.shrui %xor3A_1153, %shift_right_logical3A_1159 : vector<16xi32>
        %or3A_1161 = arith.ori %shift_left3A_1157, %shift_right_logical3A_1160 : vector<16xi32>
        %xor3A_1162 = arith.xori %or3A_1161, %add3A_1154 : vector<16xi32>
        %add3A_1163 = arith.constant 0 : i32
        %add3A_1164 = vector.broadcast %add3A_1163 : i32 to vector<16xi32>
        %add3A_1165 = arith.addi %add3A_1154, %add3A_1164 : vector<16xi32>
        %add3A_1166 = arith.constant 42 : i32
        %add3A_1167 = vector.broadcast %add3A_1166 : i32 to vector<16xi32>
        %add3A_1168 = arith.addi %xor3A_1162, %add3A_1167 : vector<16xi32>
        %add3A_1169 = arith.constant 3 : i32
        %add3A_1170 = vector.broadcast %add3A_1169 : i32 to vector<16xi32>
        %add3A_1171 = arith.addi %add3A_1168, %add3A_1170 : vector<16xi32>
        %add3A_1172 = arith.addi %add3A_1165, %add3A_1171 : vector<16xi32>
        %shift_left3A_1173 = arith.constant 17 : i32
        %shift_left3A_1174 = vector.broadcast %shift_left3A_1173 : i32 to vector<16xi32>
        %shift_left3A_1175 = arith.shli %add3A_1171, %shift_left3A_1174 : vector<16xi32>
        %shift_right_logical3A_1176 = arith.constant 15 : i32
        %shift_right_logical3A_1177 = vector.broadcast %shift_right_logical3A_1176 : i32 to vector<16xi32>
        %shift_right_logical3A_1178 = arith.shrui %add3A_1171, %shift_right_logical3A_1177 : vector<16xi32>
        %or3A_1179 = arith.ori %shift_left3A_1175, %shift_right_logical3A_1178 : vector<16xi32>
        %xor3A_1180 = arith.xori %or3A_1179, %add3A_1172 : vector<16xi32>
        %add3A_1181 = arith.addi %add3A_1172, %xor3A_1180 : vector<16xi32>
        %shift_left3A_1182 = arith.constant 29 : i32
        %shift_left3A_1183 = vector.broadcast %shift_left3A_1182 : i32 to vector<16xi32>
        %shift_left3A_1184 = arith.shli %xor3A_1180, %shift_left3A_1183 : vector<16xi32>
        %shift_right_logical3A_1185 = arith.constant 3 : i32
        %shift_right_logical3A_1186 = vector.broadcast %shift_right_logical3A_1185 : i32 to vector<16xi32>
        %shift_right_logical3A_1187 = arith.shrui %xor3A_1180, %shift_right_logical3A_1186 : vector<16xi32>
        %or3A_1188 = arith.ori %shift_left3A_1184, %shift_right_logical3A_1187 : vector<16xi32>
        %xor3A_1189 = arith.xori %or3A_1188, %add3A_1181 : vector<16xi32>
        %add3A_1190 = arith.addi %add3A_1181, %xor3A_1189 : vector<16xi32>
        %shift_left3A_1191 = arith.constant 16 : i32
        %shift_left3A_1192 = vector.broadcast %shift_left3A_1191 : i32 to vector<16xi32>
        %shift_left3A_1193 = arith.shli %xor3A_1189, %shift_left3A_1192 : vector<16xi32>
        %shift_right_logical3A_1194 = arith.constant 16 : i32
        %shift_right_logical3A_1195 = vector.broadcast %shift_right_logical3A_1194 : i32 to vector<16xi32>
        %shift_right_logical3A_1196 = arith.shrui %xor3A_1189, %shift_right_logical3A_1195 : vector<16xi32>
        %or3A_1197 = arith.ori %shift_left3A_1193, %shift_right_logical3A_1196 : vector<16xi32>
        %xor3A_1198 = arith.xori %or3A_1197, %add3A_1190 : vector<16xi32>
        %add3A_1199 = arith.addi %add3A_1190, %xor3A_1198 : vector<16xi32>
        %shift_left3A_1200 = arith.constant 24 : i32
        %shift_left3A_1201 = vector.broadcast %shift_left3A_1200 : i32 to vector<16xi32>
        %shift_left3A_1202 = arith.shli %xor3A_1198, %shift_left3A_1201 : vector<16xi32>
        %shift_right_logical3A_1203 = arith.constant 8 : i32
        %shift_right_logical3A_1204 = vector.broadcast %shift_right_logical3A_1203 : i32 to vector<16xi32>
        %shift_right_logical3A_1205 = arith.shrui %xor3A_1198, %shift_right_logical3A_1204 : vector<16xi32>
        %or3A_1206 = arith.ori %shift_left3A_1202, %shift_right_logical3A_1205 : vector<16xi32>
        %xor3A_1207 = arith.xori %or3A_1206, %add3A_1199 : vector<16xi32>
        %add3A_1208 = arith.constant 42 : i32
        %add3A_1209 = vector.broadcast %add3A_1208 : i32 to vector<16xi32>
        %add3A_1210 = arith.addi %add3A_1199, %add3A_1209 : vector<16xi32>
        %add3A_1211 = arith.constant 466689008 : i32
        %add3A_1212 = vector.broadcast %add3A_1211 : i32 to vector<16xi32>
        %add3A_1213 = arith.addi %xor3A_1207, %add3A_1212 : vector<16xi32>
        %add3A_1214 = arith.constant 4 : i32
        %add3A_1215 = vector.broadcast %add3A_1214 : i32 to vector<16xi32>
        %add3A_1216 = arith.addi %add3A_1213, %add3A_1215 : vector<16xi32>
        %add3A_1217 = arith.addi %add3A_1210, %add3A_1216 : vector<16xi32>
        %shift_left3A_1218 = arith.constant 13 : i32
        %shift_left3A_1219 = vector.broadcast %shift_left3A_1218 : i32 to vector<16xi32>
        %shift_left3A_1220 = arith.shli %add3A_1216, %shift_left3A_1219 : vector<16xi32>
        %shift_right_logical3A_1221 = arith.constant 19 : i32
        %shift_right_logical3A_1222 = vector.broadcast %shift_right_logical3A_1221 : i32 to vector<16xi32>
        %shift_right_logical3A_1223 = arith.shrui %add3A_1216, %shift_right_logical3A_1222 : vector<16xi32>
        %or3A_1224 = arith.ori %shift_left3A_1220, %shift_right_logical3A_1223 : vector<16xi32>
        %xor3A_1225 = arith.xori %or3A_1224, %add3A_1217 : vector<16xi32>
        %add3A_1226 = arith.addi %add3A_1217, %xor3A_1225 : vector<16xi32>
        %shift_left3A_1227 = arith.constant 15 : i32
        %shift_left3A_1228 = vector.broadcast %shift_left3A_1227 : i32 to vector<16xi32>
        %shift_left3A_1229 = arith.shli %xor3A_1225, %shift_left3A_1228 : vector<16xi32>
        %shift_right_logical3A_1230 = arith.constant 17 : i32
        %shift_right_logical3A_1231 = vector.broadcast %shift_right_logical3A_1230 : i32 to vector<16xi32>
        %shift_right_logical3A_1232 = arith.shrui %xor3A_1225, %shift_right_logical3A_1231 : vector<16xi32>
        %or3A_1233 = arith.ori %shift_left3A_1229, %shift_right_logical3A_1232 : vector<16xi32>
        %xor3A_1234 = arith.xori %or3A_1233, %add3A_1226 : vector<16xi32>
        %add3A_1235 = arith.addi %add3A_1226, %xor3A_1234 : vector<16xi32>
        %shift_left3A_1236 = arith.constant 26 : i32
        %shift_left3A_1237 = vector.broadcast %shift_left3A_1236 : i32 to vector<16xi32>
        %shift_left3A_1238 = arith.shli %xor3A_1234, %shift_left3A_1237 : vector<16xi32>
        %shift_right_logical3A_1239 = arith.constant 6 : i32
        %shift_right_logical3A_1240 = vector.broadcast %shift_right_logical3A_1239 : i32 to vector<16xi32>
        %shift_right_logical3A_1241 = arith.shrui %xor3A_1234, %shift_right_logical3A_1240 : vector<16xi32>
        %or3A_1242 = arith.ori %shift_left3A_1238, %shift_right_logical3A_1241 : vector<16xi32>
        %xor3A_1243 = arith.xori %or3A_1242, %add3A_1235 : vector<16xi32>
        %add3A_1244 = arith.addi %add3A_1235, %xor3A_1243 : vector<16xi32>
        %shift_left3A_1245 = arith.constant 6 : i32
        %shift_left3A_1246 = vector.broadcast %shift_left3A_1245 : i32 to vector<16xi32>
        %shift_left3A_1247 = arith.shli %xor3A_1243, %shift_left3A_1246 : vector<16xi32>
        %shift_right_logical3A_1248 = arith.constant 26 : i32
        %shift_right_logical3A_1249 = vector.broadcast %shift_right_logical3A_1248 : i32 to vector<16xi32>
        %shift_right_logical3A_1250 = arith.shrui %xor3A_1243, %shift_right_logical3A_1249 : vector<16xi32>
        %or3A_1251 = arith.ori %shift_left3A_1247, %shift_right_logical3A_1250 : vector<16xi32>
        %xor3A_1252 = arith.xori %or3A_1251, %add3A_1244 : vector<16xi32>
        %add3A_1253 = arith.constant 466689008 : i32
        %add3A_1254 = vector.broadcast %add3A_1253 : i32 to vector<16xi32>
        %add3A_1255 = arith.addi %add3A_1244, %add3A_1254 : vector<16xi32>
        %add3A_1256 = arith.constant 0 : i32
        %add3A_1257 = vector.broadcast %add3A_1256 : i32 to vector<16xi32>
        %add3A_1258 = arith.addi %xor3A_1252, %add3A_1257 : vector<16xi32>
        %add3A_1259 = arith.constant 5 : i32
        %add3A_1260 = vector.broadcast %add3A_1259 : i32 to vector<16xi32>
        %add3A_1261 = arith.addi %add3A_1258, %add3A_1260 : vector<16xi32>
        %xor3A_1262 = arith.xori %add3A_1255, %add3A_1261 : vector<16xi32>
        %shift_right_logical3A_1263 = arith.constant 9 : i32
        %shift_right_logical3A_1264 = vector.broadcast %shift_right_logical3A_1263 : i32 to vector<16xi32>
        %shift_right_logical3A_1265 = arith.shrui %xor3A_1262, %shift_right_logical3A_1264 : vector<16xi32>
        %convert_element_type3A_1266 = arith.sitofp %shift_right_logical3A_1265 : vector<16xi32> to vector<16xf32>
        %mul3A_1267 = arith.constant 1.1920929E-7 : f32
        %mul3A_1268 = vector.broadcast %mul3A_1267 : f32 to vector<16xf32>
        %mul3A_1269 = arith.mulf %convert_element_type3A_1266, %mul3A_1268 : vector<16xf32>
        %max3A_1270 = arith.constant 1.17549435E-38 : f32
        %max3A_1271 = vector.broadcast %max3A_1270 : f32 to vector<16xf32>
        %max3A_1272 = arith.maximumf %mul3A_1269, %max3A_1271 : vector<16xf32>
        %sub3A_1273 = arith.constant 0x4B000000 : f32
        %sub3A_1274 = vector.broadcast %sub3A_1273 : f32 to vector<16xf32>
        %sub3A_1275 = arith.subf %convert_element_type3A_1266, %sub3A_1274 : vector<16xf32>
        %mul3A_1276 = arith.constant 1.1920929E-7 : f32
        %mul3A_1277 = vector.broadcast %mul3A_1276 : f32 to vector<16xf32>
        %mul3A_1278 = arith.mulf %sub3A_1275, %mul3A_1277 : vector<16xf32>
        %broadcast_in_dim3A_1279 = arith.constant -0.334263474 : f32
        %broadcast_in_dim3A_1280 = vector.broadcast %broadcast_in_dim3A_1279 : f32 to vector<16xf32>
        %mul3A_1281 = arith.mulf %broadcast_in_dim3A_1280, %mul3A_1278 : vector<16xf32>
        %add3A_1282 = arith.constant 0.0407187231 : f32
        %add3A_1283 = vector.broadcast %add3A_1282 : f32 to vector<16xf32>
        %add3A_1284 = arith.addf %mul3A_1281, %add3A_1283 : vector<16xf32>
        %mul3A_1285 = arith.mulf %add3A_1284, %mul3A_1278 : vector<16xf32>
        %add3A_1286 = arith.constant -0.190590665 : f32
        %add3A_1287 = vector.broadcast %add3A_1286 : f32 to vector<16xf32>
        %add3A_1288 = arith.addf %mul3A_1285, %add3A_1287 : vector<16xf32>
        %mul3A_1289 = arith.mulf %add3A_1288, %mul3A_1278 : vector<16xf32>
        %add3A_1290 = arith.constant 0.196964383 : f32
        %add3A_1291 = vector.broadcast %add3A_1290 : f32 to vector<16xf32>
        %add3A_1292 = arith.addf %mul3A_1289, %add3A_1291 : vector<16xf32>
        %mul3A_1293 = arith.mulf %add3A_1292, %mul3A_1278 : vector<16xf32>
        %add3A_1294 = arith.constant -0.250209928 : f32
        %add3A_1295 = vector.broadcast %add3A_1294 : f32 to vector<16xf32>
        %add3A_1296 = arith.addf %mul3A_1293, %add3A_1295 : vector<16xf32>
        %mul3A_1297 = arith.mulf %add3A_1296, %mul3A_1278 : vector<16xf32>
        %add3A_1298 = arith.constant 0.333325982 : f32
        %add3A_1299 = vector.broadcast %add3A_1298 : f32 to vector<16xf32>
        %add3A_1300 = arith.addf %mul3A_1297, %add3A_1299 : vector<16xf32>
        %mul3A_1301 = arith.mulf %add3A_1300, %mul3A_1278 : vector<16xf32>
        %add3A_1302 = arith.constant -0.500000119 : f32
        %add3A_1303 = vector.broadcast %add3A_1302 : f32 to vector<16xf32>
        %add3A_1304 = arith.addf %mul3A_1301, %add3A_1303 : vector<16xf32>
        %mul3A_1305 = arith.mulf %add3A_1304, %mul3A_1278 : vector<16xf32>
        %add3A_1306 = arith.constant 1.000000e+00 : f32
        %add3A_1307 = vector.broadcast %add3A_1306 : f32 to vector<16xf32>
        %add3A_1308 = arith.addf %mul3A_1305, %add3A_1307 : vector<16xf32>
        %mul3A_1309 = arith.mulf %mul3A_1278, %add3A_1308 : vector<16xf32>
        %neg3A_1310 = arith.constant 0.000000e+00 : f32
        %neg3A_1311 = vector.broadcast %neg3A_1310 : f32 to vector<16xf32>
        %neg3A_1312 = arith.subf %neg3A_1311, %mul3A_1309 : vector<16xf32>
        %bitcast_convert_type3A_1313 = tpu.bitcast %max3A_1272 : vector<16xf32> -> vector<16xi32>
        %shift_right_logical3A_1314 = arith.constant 23 : i32
        %shift_right_logical3A_1315 = vector.broadcast %shift_right_logical3A_1314 : i32 to vector<16xi32>
        %shift_right_logical3A_1316 = arith.shrui %bitcast_convert_type3A_1313, %shift_right_logical3A_1315 : vector<16xi32>
        %sub3A_1317 = arith.constant 127 : i32
        %sub3A_1318 = vector.broadcast %sub3A_1317 : i32 to vector<16xi32>
        %sub3A_1319 = arith.subi %shift_right_logical3A_1316, %sub3A_1318 : vector<16xi32>
        %and3A_1320 = arith.constant 8388607 : i32
        %and3A_1321 = vector.broadcast %and3A_1320 : i32 to vector<16xi32>
        %and3A_1322 = arith.andi %bitcast_convert_type3A_1313, %and3A_1321 : vector<16xi32>
        %or3A_1323 = arith.constant 1065353216 : i32
        %or3A_1324 = vector.broadcast %or3A_1323 : i32 to vector<16xi32>
        %or3A_1325 = arith.ori %and3A_1322, %or3A_1324 : vector<16xi32>
        %bitcast_convert_type3A_1326 = tpu.bitcast %or3A_1325 : vector<16xi32> -> vector<16xf32>
        %ge3A_1327 = arith.constant 1.41421354 : f32
        %ge3A_1328 = vector.broadcast %ge3A_1327 : f32 to vector<16xf32>
        %ge3A_1329 = arith.cmpf oge, %bitcast_convert_type3A_1326, %ge3A_1328 : vector<16xf32>
        %mul3A_1330 = arith.constant 5.000000e-01 : f32
        %mul3A_1331 = vector.broadcast %mul3A_1330 : f32 to vector<16xf32>
        %mul3A_1332 = arith.mulf %bitcast_convert_type3A_1326, %mul3A_1331 : vector<16xf32>
        %select_n3A_1333 = arith.select %ge3A_1329, %mul3A_1332, %bitcast_convert_type3A_1326 : vector<16xi1>, vector<16xf32>
        %add3A_1334 = arith.constant 1 : i32
        %add3A_1335 = vector.broadcast %add3A_1334 : i32 to vector<16xi32>
        %add3A_1336 = arith.addi %sub3A_1319, %add3A_1335 : vector<16xi32>
        %select_n3A_1337 = arith.select %ge3A_1329, %add3A_1336, %sub3A_1319 : vector<16xi1>, vector<16xi32>
        %sub3A_1338 = arith.constant 1.000000e+00 : f32
        %sub3A_1339 = vector.broadcast %sub3A_1338 : f32 to vector<16xf32>
        %sub3A_1340 = arith.subf %select_n3A_1333, %sub3A_1339 : vector<16xf32>
        %broadcast_in_dim3A_1341 = arith.constant -0.0991365611 : f32
        %broadcast_in_dim3A_1342 = vector.broadcast %broadcast_in_dim3A_1341 : f32 to vector<16xf32>
        %mul3A_1343 = arith.mulf %broadcast_in_dim3A_1342, %sub3A_1340 : vector<16xf32>
        %add3A_1344 = arith.constant 0.163385555 : f32
        %add3A_1345 = vector.broadcast %add3A_1344 : f32 to vector<16xf32>
        %add3A_1346 = arith.addf %mul3A_1343, %add3A_1345 : vector<16xf32>
        %mul3A_1347 = arith.mulf %add3A_1346, %sub3A_1340 : vector<16xf32>
        %add3A_1348 = arith.constant -0.173631534 : f32
        %add3A_1349 = vector.broadcast %add3A_1348 : f32 to vector<16xf32>
        %add3A_1350 = arith.addf %mul3A_1347, %add3A_1349 : vector<16xf32>
        %mul3A_1351 = arith.mulf %add3A_1350, %sub3A_1340 : vector<16xf32>
        %add3A_1352 = arith.constant 0.198853612 : f32
        %add3A_1353 = vector.broadcast %add3A_1352 : f32 to vector<16xf32>
        %add3A_1354 = arith.addf %mul3A_1351, %add3A_1353 : vector<16xf32>
        %mul3A_1355 = arith.mulf %add3A_1354, %sub3A_1340 : vector<16xf32>
        %add3A_1356 = arith.constant -0.249577805 : f32
        %add3A_1357 = vector.broadcast %add3A_1356 : f32 to vector<16xf32>
        %add3A_1358 = arith.addf %mul3A_1355, %add3A_1357 : vector<16xf32>
        %mul3A_1359 = arith.mulf %add3A_1358, %sub3A_1340 : vector<16xf32>
        %add3A_1360 = arith.constant 0.333356887 : f32
        %add3A_1361 = vector.broadcast %add3A_1360 : f32 to vector<16xf32>
        %add3A_1362 = arith.addf %mul3A_1359, %add3A_1361 : vector<16xf32>
        %mul3A_1363 = arith.mulf %add3A_1362, %sub3A_1340 : vector<16xf32>
        %add3A_1364 = arith.constant -5.000070e-01 : f32
        %add3A_1365 = vector.broadcast %add3A_1364 : f32 to vector<16xf32>
        %add3A_1366 = arith.addf %mul3A_1363, %add3A_1365 : vector<16xf32>
        %mul3A_1367 = arith.mulf %add3A_1366, %sub3A_1340 : vector<16xf32>
        %add3A_1368 = arith.constant 0.999999821 : f32
        %add3A_1369 = vector.broadcast %add3A_1368 : f32 to vector<16xf32>
        %add3A_1370 = arith.addf %mul3A_1367, %add3A_1369 : vector<16xf32>
        %mul3A_1371 = arith.mulf %add3A_1370, %sub3A_1340 : vector<16xf32>
        %convert_element_type3A_1372 = arith.sitofp %select_n3A_1337 : vector<16xi32> to vector<16xf32>
        %mul3A_1373 = arith.constant 0.693147182 : f32
        %mul3A_1374 = vector.broadcast %mul3A_1373 : f32 to vector<16xf32>
        %mul3A_1375 = arith.mulf %convert_element_type3A_1372, %mul3A_1374 : vector<16xf32>
        %add3A_1376 = arith.addf %mul3A_1375, %mul3A_1371 : vector<16xf32>
        %neg3A_1377 = arith.constant 0.000000e+00 : f32
        %neg3A_1378 = vector.broadcast %neg3A_1377 : f32 to vector<16xf32>
        %neg3A_1379 = arith.subf %neg3A_1378, %add3A_1376 : vector<16xf32>
        %ge3A_1380 = arith.constant 6291456 : i32
        %ge3A_1381 = vector.broadcast %ge3A_1380 : i32 to vector<16xi32>
        %ge3A_1382 = arith.cmpi sge, %shift_right_logical3A_1265, %ge3A_1381 : vector<16xi32>
        %select_n3A_1383 = arith.select %ge3A_1382, %neg3A_1312, %neg3A_1379 : vector<16xi1>, vector<16xf32>
        %bitcast_convert_type3A_1384 = tpu.bitcast %select_n3A_1383 : vector<16xf32> -> vector<16xi32>
        %shift_right_logical3A_1385 = arith.constant 23 : i32
        %shift_right_logical3A_1386 = vector.broadcast %shift_right_logical3A_1385 : i32 to vector<16xi32>
        %shift_right_logical3A_1387 = arith.shrui %bitcast_convert_type3A_1384, %shift_right_logical3A_1386 : vector<16xi32>
        %sub3A_1388 = arith.constant 127 : i32
        %sub3A_1389 = vector.broadcast %sub3A_1388 : i32 to vector<16xi32>
        %sub3A_1390 = arith.subi %shift_right_logical3A_1387, %sub3A_1389 : vector<16xi32>
        %and3A_1391 = arith.constant 8388607 : i32
        %and3A_1392 = vector.broadcast %and3A_1391 : i32 to vector<16xi32>
        %and3A_1393 = arith.andi %bitcast_convert_type3A_1384, %and3A_1392 : vector<16xi32>
        %or3A_1394 = arith.constant 1065353216 : i32
        %or3A_1395 = vector.broadcast %or3A_1394 : i32 to vector<16xi32>
        %or3A_1396 = arith.ori %and3A_1393, %or3A_1395 : vector<16xi32>
        %bitcast_convert_type3A_1397 = tpu.bitcast %or3A_1396 : vector<16xi32> -> vector<16xf32>
        %ge3A_1398 = arith.constant 1.41421354 : f32
        %ge3A_1399 = vector.broadcast %ge3A_1398 : f32 to vector<16xf32>
        %ge3A_1400 = arith.cmpf oge, %bitcast_convert_type3A_1397, %ge3A_1399 : vector<16xf32>
        %mul3A_1401 = arith.constant 5.000000e-01 : f32
        %mul3A_1402 = vector.broadcast %mul3A_1401 : f32 to vector<16xf32>
        %mul3A_1403 = arith.mulf %bitcast_convert_type3A_1397, %mul3A_1402 : vector<16xf32>
        %select_n3A_1404 = arith.select %ge3A_1400, %mul3A_1403, %bitcast_convert_type3A_1397 : vector<16xi1>, vector<16xf32>
        %add3A_1405 = arith.constant 1 : i32
        %add3A_1406 = vector.broadcast %add3A_1405 : i32 to vector<16xi32>
        %add3A_1407 = arith.addi %sub3A_1390, %add3A_1406 : vector<16xi32>
        %select_n3A_1408 = arith.select %ge3A_1400, %add3A_1407, %sub3A_1390 : vector<16xi1>, vector<16xi32>
        %sub3A_1409 = arith.constant 1.000000e+00 : f32
        %sub3A_1410 = vector.broadcast %sub3A_1409 : f32 to vector<16xf32>
        %sub3A_1411 = arith.subf %select_n3A_1404, %sub3A_1410 : vector<16xf32>
        %broadcast_in_dim3A_1412 = arith.constant 0.114490829 : f32
        %broadcast_in_dim3A_1413 = vector.broadcast %broadcast_in_dim3A_1412 : f32 to vector<16xf32>
        %mul3A_1414 = arith.mulf %broadcast_in_dim3A_1413, %sub3A_1411 : vector<16xf32>
        %add3A_1415 = arith.constant -0.187792078 : f32
        %add3A_1416 = vector.broadcast %add3A_1415 : f32 to vector<16xf32>
        %add3A_1417 = arith.addf %mul3A_1414, %add3A_1416 : vector<16xf32>
        %mul3A_1418 = arith.mulf %add3A_1417, %sub3A_1411 : vector<16xf32>
        %add3A_1419 = arith.constant 0.206738353 : f32
        %add3A_1420 = vector.broadcast %add3A_1419 : f32 to vector<16xf32>
        %add3A_1421 = arith.addf %mul3A_1418, %add3A_1420 : vector<16xf32>
        %mul3A_1422 = arith.mulf %add3A_1421, %sub3A_1411 : vector<16xf32>
        %add3A_1423 = arith.constant -0.248981208 : f32
        %add3A_1424 = vector.broadcast %add3A_1423 : f32 to vector<16xf32>
        %add3A_1425 = arith.addf %mul3A_1422, %add3A_1424 : vector<16xf32>
        %mul3A_1426 = arith.mulf %add3A_1425, %sub3A_1411 : vector<16xf32>
        %add3A_1427 = arith.constant 0.332989544 : f32
        %add3A_1428 = vector.broadcast %add3A_1427 : f32 to vector<16xf32>
        %add3A_1429 = arith.addf %mul3A_1426, %add3A_1428 : vector<16xf32>
        %mul3A_1430 = arith.mulf %add3A_1429, %sub3A_1411 : vector<16xf32>
        %add3A_1431 = arith.constant -0.500014484 : f32
        %add3A_1432 = vector.broadcast %add3A_1431 : f32 to vector<16xf32>
        %add3A_1433 = arith.addf %mul3A_1430, %add3A_1432 : vector<16xf32>
        %mul3A_1434 = arith.mulf %add3A_1433, %sub3A_1411 : vector<16xf32>
        %add3A_1435 = arith.constant 1.00000417 : f32
        %add3A_1436 = vector.broadcast %add3A_1435 : f32 to vector<16xf32>
        %add3A_1437 = arith.addf %mul3A_1434, %add3A_1436 : vector<16xf32>
        %mul3A_1438 = arith.mulf %add3A_1437, %sub3A_1411 : vector<16xf32>
        %convert_element_type3A_1439 = arith.sitofp %select_n3A_1408 : vector<16xi32> to vector<16xf32>
        %mul3A_1440 = arith.constant 0.693147182 : f32
        %mul3A_1441 = vector.broadcast %mul3A_1440 : f32 to vector<16xf32>
        %mul3A_1442 = arith.mulf %convert_element_type3A_1439, %mul3A_1441 : vector<16xf32>
        %add3A_1443 = arith.addf %mul3A_1442, %mul3A_1438 : vector<16xf32>
        %neg3A_1444 = arith.constant 0.000000e+00 : f32
        %neg3A_1445 = vector.broadcast %neg3A_1444 : f32 to vector<16xf32>
        %neg3A_1446 = arith.subf %neg3A_1445, %add3A_1443 : vector<16xf32>
        %add3A_1447 = arith.addf %get3A_1023, %neg3A_1446 : vector<16xf32>
        %mul3A_1448 = arith.constant 16 : i32
        %mul3A_1449 = arith.muli %scan3A_1017, %mul3A_1448 : i32
        %add3A_1450 = arith.addi %add3A_135, %mul3A_1449 : i32
        %add3A_1451 = vector.broadcast %add3A_1450 : i32 to vector<16xi32>
        %add3A_1452 = arith.addi %add3A_1451, %iota3A : vector<16xi32>
        %gt3A_1453 = arith.cmpf ogt, %add3A_1447, %select_n3A_1014 : vector<16xf32>
        %select_n3A_1454 = arith.select %gt3A_1453, %add3A_1447, %select_n3A_1014 : vector<16xi1>, vector<16xf32>
        %select_n3A_1455 = arith.select %gt3A_1453, %add3A_1452, %select_n3A_1015 : vector<16xi1>, vector<16xi32>
        %scan3A_1456 = arith.constant 3 : i32
        %scan3A_1457 = arith.addi %scan3A_145, %scan3A_1456 : i32
        %mul3A_1458 = arith.constant 16 : i32
        %mul3A_1459 = arith.muli %scan3A_1457, %mul3A_1458 : i32
        %add3A_1460 = arith.addi %mul3A_121, %mul3A_1459 : i32
        %get3A_1461 = arith.index_cast %add3A_1460 : i32 to index
        %get3A_1462 = tpu.vector_load %arg5[%get3A_1461] {strides = array<i32>} : memref<32768xf32, #tpu.memory_space<vmem>>, vector<16xf32>,
        %get3A_1463 = vector.shape_cast %get3A_1462 : vector<16xf32> to vector<16xf32>
        %mul3A_1464 = arith.constant 16 : i32
        %mul3A_1465 = arith.muli %scan3A_1457, %mul3A_1464 : i32
        %add3A_1466 = arith.addi %add3A_138, %mul3A_1465 : i32
        %add3A_1467 = vector.broadcast %add3A_1466 : i32 to vector<16xi32>
        %add3A_1468 = arith.addi %add3A_1467, %iota3A : vector<16xi32>
        %broadcast_in_dim3A_1469 = arith.constant 0 : i32
        %broadcast_in_dim3A_1470 = vector.broadcast %broadcast_in_dim3A_1469 : i32 to vector<16xi32>
        %add3A_1471 = arith.constant 0 : i32
        %add3A_1472 = vector.broadcast %add3A_1471 : i32 to vector<16xi32>
        %add3A_1473 = arith.addi %broadcast_in_dim3A_1470, %add3A_1472 : vector<16xi32>
        %add3A_1474 = arith.constant 42 : i32
        %add3A_1475 = vector.broadcast %add3A_1474 : i32 to vector<16xi32>
        %add3A_1476 = arith.addi %add3A_1468, %add3A_1475 : vector<16xi32>
        %add3A_1477 = arith.addi %add3A_1473, %add3A_1476 : vector<16xi32>
        %shift_left3A_1478 = arith.constant 13 : i32
        %shift_left3A_1479 = vector.broadcast %shift_left3A_1478 : i32 to vector<16xi32>
        %shift_left3A_1480 = arith.shli %add3A_1476, %shift_left3A_1479 : vector<16xi32>
        %shift_right_logical3A_1481 = arith.constant 19 : i32
        %shift_right_logical3A_1482 = vector.broadcast %shift_right_logical3A_1481 : i32 to vector<16xi32>
        %shift_right_logical3A_1483 = arith.shrui %add3A_1476, %shift_right_logical3A_1482 : vector<16xi32>
        %or3A_1484 = arith.ori %shift_left3A_1480, %shift_right_logical3A_1483 : vector<16xi32>
        %xor3A_1485 = arith.xori %or3A_1484, %add3A_1477 : vector<16xi32>
        %add3A_1486 = arith.addi %add3A_1477, %xor3A_1485 : vector<16xi32>
        %shift_left3A_1487 = arith.constant 15 : i32
        %shift_left3A_1488 = vector.broadcast %shift_left3A_1487 : i32 to vector<16xi32>
        %shift_left3A_1489 = arith.shli %xor3A_1485, %shift_left3A_1488 : vector<16xi32>
        %shift_right_logical3A_1490 = arith.constant 17 : i32
        %shift_right_logical3A_1491 = vector.broadcast %shift_right_logical3A_1490 : i32 to vector<16xi32>
        %shift_right_logical3A_1492 = arith.shrui %xor3A_1485, %shift_right_logical3A_1491 : vector<16xi32>
        %or3A_1493 = arith.ori %shift_left3A_1489, %shift_right_logical3A_1492 : vector<16xi32>
        %xor3A_1494 = arith.xori %or3A_1493, %add3A_1486 : vector<16xi32>
        %add3A_1495 = arith.addi %add3A_1486, %xor3A_1494 : vector<16xi32>
        %shift_left3A_1496 = arith.constant 26 : i32
        %shift_left3A_1497 = vector.broadcast %shift_left3A_1496 : i32 to vector<16xi32>
        %shift_left3A_1498 = arith.shli %xor3A_1494, %shift_left3A_1497 : vector<16xi32>
        %shift_right_logical3A_1499 = arith.constant 6 : i32
        %shift_right_logical3A_1500 = vector.broadcast %shift_right_logical3A_1499 : i32 to vector<16xi32>
        %shift_right_logical3A_1501 = arith.shrui %xor3A_1494, %shift_right_logical3A_1500 : vector<16xi32>
        %or3A_1502 = arith.ori %shift_left3A_1498, %shift_right_logical3A_1501 : vector<16xi32>
        %xor3A_1503 = arith.xori %or3A_1502, %add3A_1495 : vector<16xi32>
        %add3A_1504 = arith.addi %add3A_1495, %xor3A_1503 : vector<16xi32>
        %shift_left3A_1505 = arith.constant 6 : i32
        %shift_left3A_1506 = vector.broadcast %shift_left3A_1505 : i32 to vector<16xi32>
        %shift_left3A_1507 = arith.shli %xor3A_1503, %shift_left3A_1506 : vector<16xi32>
        %shift_right_logical3A_1508 = arith.constant 26 : i32
        %shift_right_logical3A_1509 = vector.broadcast %shift_right_logical3A_1508 : i32 to vector<16xi32>
        %shift_right_logical3A_1510 = arith.shrui %xor3A_1503, %shift_right_logical3A_1509 : vector<16xi32>
        %or3A_1511 = arith.ori %shift_left3A_1507, %shift_right_logical3A_1510 : vector<16xi32>
        %xor3A_1512 = arith.xori %or3A_1511, %add3A_1504 : vector<16xi32>
        %add3A_1513 = arith.constant 42 : i32
        %add3A_1514 = vector.broadcast %add3A_1513 : i32 to vector<16xi32>
        %add3A_1515 = arith.addi %add3A_1504, %add3A_1514 : vector<16xi32>
        %add3A_1516 = arith.constant 466689008 : i32
        %add3A_1517 = vector.broadcast %add3A_1516 : i32 to vector<16xi32>
        %add3A_1518 = arith.addi %xor3A_1512, %add3A_1517 : vector<16xi32>
        %add3A_1519 = arith.constant 1 : i32
        %add3A_1520 = vector.broadcast %add3A_1519 : i32 to vector<16xi32>
        %add3A_1521 = arith.addi %add3A_1518, %add3A_1520 : vector<16xi32>
        %add3A_1522 = arith.addi %add3A_1515, %add3A_1521 : vector<16xi32>
        %shift_left3A_1523 = arith.constant 17 : i32
        %shift_left3A_1524 = vector.broadcast %shift_left3A_1523 : i32 to vector<16xi32>
        %shift_left3A_1525 = arith.shli %add3A_1521, %shift_left3A_1524 : vector<16xi32>
        %shift_right_logical3A_1526 = arith.constant 15 : i32
        %shift_right_logical3A_1527 = vector.broadcast %shift_right_logical3A_1526 : i32 to vector<16xi32>
        %shift_right_logical3A_1528 = arith.shrui %add3A_1521, %shift_right_logical3A_1527 : vector<16xi32>
        %or3A_1529 = arith.ori %shift_left3A_1525, %shift_right_logical3A_1528 : vector<16xi32>
        %xor3A_1530 = arith.xori %or3A_1529, %add3A_1522 : vector<16xi32>
        %add3A_1531 = arith.addi %add3A_1522, %xor3A_1530 : vector<16xi32>
        %shift_left3A_1532 = arith.constant 29 : i32
        %shift_left3A_1533 = vector.broadcast %shift_left3A_1532 : i32 to vector<16xi32>
        %shift_left3A_1534 = arith.shli %xor3A_1530, %shift_left3A_1533 : vector<16xi32>
        %shift_right_logical3A_1535 = arith.constant 3 : i32
        %shift_right_logical3A_1536 = vector.broadcast %shift_right_logical3A_1535 : i32 to vector<16xi32>
        %shift_right_logical3A_1537 = arith.shrui %xor3A_1530, %shift_right_logical3A_1536 : vector<16xi32>
        %or3A_1538 = arith.ori %shift_left3A_1534, %shift_right_logical3A_1537 : vector<16xi32>
        %xor3A_1539 = arith.xori %or3A_1538, %add3A_1531 : vector<16xi32>
        %add3A_1540 = arith.addi %add3A_1531, %xor3A_1539 : vector<16xi32>
        %shift_left3A_1541 = arith.constant 16 : i32
        %shift_left3A_1542 = vector.broadcast %shift_left3A_1541 : i32 to vector<16xi32>
        %shift_left3A_1543 = arith.shli %xor3A_1539, %shift_left3A_1542 : vector<16xi32>
        %shift_right_logical3A_1544 = arith.constant 16 : i32
        %shift_right_logical3A_1545 = vector.broadcast %shift_right_logical3A_1544 : i32 to vector<16xi32>
        %shift_right_logical3A_1546 = arith.shrui %xor3A_1539, %shift_right_logical3A_1545 : vector<16xi32>
        %or3A_1547 = arith.ori %shift_left3A_1543, %shift_right_logical3A_1546 : vector<16xi32>
        %xor3A_1548 = arith.xori %or3A_1547, %add3A_1540 : vector<16xi32>
        %add3A_1549 = arith.addi %add3A_1540, %xor3A_1548 : vector<16xi32>
        %shift_left3A_1550 = arith.constant 24 : i32
        %shift_left3A_1551 = vector.broadcast %shift_left3A_1550 : i32 to vector<16xi32>
        %shift_left3A_1552 = arith.shli %xor3A_1548, %shift_left3A_1551 : vector<16xi32>
        %shift_right_logical3A_1553 = arith.constant 8 : i32
        %shift_right_logical3A_1554 = vector.broadcast %shift_right_logical3A_1553 : i32 to vector<16xi32>
        %shift_right_logical3A_1555 = arith.shrui %xor3A_1548, %shift_right_logical3A_1554 : vector<16xi32>
        %or3A_1556 = arith.ori %shift_left3A_1552, %shift_right_logical3A_1555 : vector<16xi32>
        %xor3A_1557 = arith.xori %or3A_1556, %add3A_1549 : vector<16xi32>
        %add3A_1558 = arith.constant 466689008 : i32
        %add3A_1559 = vector.broadcast %add3A_1558 : i32 to vector<16xi32>
        %add3A_1560 = arith.addi %add3A_1549, %add3A_1559 : vector<16xi32>
        %add3A_1561 = arith.constant 0 : i32
        %add3A_1562 = vector.broadcast %add3A_1561 : i32 to vector<16xi32>
        %add3A_1563 = arith.addi %xor3A_1557, %add3A_1562 : vector<16xi32>
        %add3A_1564 = arith.constant 2 : i32
        %add3A_1565 = vector.broadcast %add3A_1564 : i32 to vector<16xi32>
        %add3A_1566 = arith.addi %add3A_1563, %add3A_1565 : vector<16xi32>
        %add3A_1567 = arith.addi %add3A_1560, %add3A_1566 : vector<16xi32>
        %shift_left3A_1568 = arith.constant 13 : i32
        %shift_left3A_1569 = vector.broadcast %shift_left3A_1568 : i32 to vector<16xi32>
        %shift_left3A_1570 = arith.shli %add3A_1566, %shift_left3A_1569 : vector<16xi32>
        %shift_right_logical3A_1571 = arith.constant 19 : i32
        %shift_right_logical3A_1572 = vector.broadcast %shift_right_logical3A_1571 : i32 to vector<16xi32>
        %shift_right_logical3A_1573 = arith.shrui %add3A_1566, %shift_right_logical3A_1572 : vector<16xi32>
        %or3A_1574 = arith.ori %shift_left3A_1570, %shift_right_logical3A_1573 : vector<16xi32>
        %xor3A_1575 = arith.xori %or3A_1574, %add3A_1567 : vector<16xi32>
        %add3A_1576 = arith.addi %add3A_1567, %xor3A_1575 : vector<16xi32>
        %shift_left3A_1577 = arith.constant 15 : i32
        %shift_left3A_1578 = vector.broadcast %shift_left3A_1577 : i32 to vector<16xi32>
        %shift_left3A_1579 = arith.shli %xor3A_1575, %shift_left3A_1578 : vector<16xi32>
        %shift_right_logical3A_1580 = arith.constant 17 : i32
        %shift_right_logical3A_1581 = vector.broadcast %shift_right_logical3A_1580 : i32 to vector<16xi32>
        %shift_right_logical3A_1582 = arith.shrui %xor3A_1575, %shift_right_logical3A_1581 : vector<16xi32>
        %or3A_1583 = arith.ori %shift_left3A_1579, %shift_right_logical3A_1582 : vector<16xi32>
        %xor3A_1584 = arith.xori %or3A_1583, %add3A_1576 : vector<16xi32>
        %add3A_1585 = arith.addi %add3A_1576, %xor3A_1584 : vector<16xi32>
        %shift_left3A_1586 = arith.constant 26 : i32
        %shift_left3A_1587 = vector.broadcast %shift_left3A_1586 : i32 to vector<16xi32>
        %shift_left3A_1588 = arith.shli %xor3A_1584, %shift_left3A_1587 : vector<16xi32>
        %shift_right_logical3A_1589 = arith.constant 6 : i32
        %shift_right_logical3A_1590 = vector.broadcast %shift_right_logical3A_1589 : i32 to vector<16xi32>
        %shift_right_logical3A_1591 = arith.shrui %xor3A_1584, %shift_right_logical3A_1590 : vector<16xi32>
        %or3A_1592 = arith.ori %shift_left3A_1588, %shift_right_logical3A_1591 : vector<16xi32>
        %xor3A_1593 = arith.xori %or3A_1592, %add3A_1585 : vector<16xi32>
        %add3A_1594 = arith.addi %add3A_1585, %xor3A_1593 : vector<16xi32>
        %shift_left3A_1595 = arith.constant 6 : i32
        %shift_left3A_1596 = vector.broadcast %shift_left3A_1595 : i32 to vector<16xi32>
        %shift_left3A_1597 = arith.shli %xor3A_1593, %shift_left3A_1596 : vector<16xi32>
        %shift_right_logical3A_1598 = arith.constant 26 : i32
        %shift_right_logical3A_1599 = vector.broadcast %shift_right_logical3A_1598 : i32 to vector<16xi32>
        %shift_right_logical3A_1600 = arith.shrui %xor3A_1593, %shift_right_logical3A_1599 : vector<16xi32>
        %or3A_1601 = arith.ori %shift_left3A_1597, %shift_right_logical3A_1600 : vector<16xi32>
        %xor3A_1602 = arith.xori %or3A_1601, %add3A_1594 : vector<16xi32>
        %add3A_1603 = arith.constant 0 : i32
        %add3A_1604 = vector.broadcast %add3A_1603 : i32 to vector<16xi32>
        %add3A_1605 = arith.addi %add3A_1594, %add3A_1604 : vector<16xi32>
        %add3A_1606 = arith.constant 42 : i32
        %add3A_1607 = vector.broadcast %add3A_1606 : i32 to vector<16xi32>
        %add3A_1608 = arith.addi %xor3A_1602, %add3A_1607 : vector<16xi32>
        %add3A_1609 = arith.constant 3 : i32
        %add3A_1610 = vector.broadcast %add3A_1609 : i32 to vector<16xi32>
        %add3A_1611 = arith.addi %add3A_1608, %add3A_1610 : vector<16xi32>
        %add3A_1612 = arith.addi %add3A_1605, %add3A_1611 : vector<16xi32>
        %shift_left3A_1613 = arith.constant 17 : i32
        %shift_left3A_1614 = vector.broadcast %shift_left3A_1613 : i32 to vector<16xi32>
        %shift_left3A_1615 = arith.shli %add3A_1611, %shift_left3A_1614 : vector<16xi32>
        %shift_right_logical3A_1616 = arith.constant 15 : i32
        %shift_right_logical3A_1617 = vector.broadcast %shift_right_logical3A_1616 : i32 to vector<16xi32>
        %shift_right_logical3A_1618 = arith.shrui %add3A_1611, %shift_right_logical3A_1617 : vector<16xi32>
        %or3A_1619 = arith.ori %shift_left3A_1615, %shift_right_logical3A_1618 : vector<16xi32>
        %xor3A_1620 = arith.xori %or3A_1619, %add3A_1612 : vector<16xi32>
        %add3A_1621 = arith.addi %add3A_1612, %xor3A_1620 : vector<16xi32>
        %shift_left3A_1622 = arith.constant 29 : i32
        %shift_left3A_1623 = vector.broadcast %shift_left3A_1622 : i32 to vector<16xi32>
        %shift_left3A_1624 = arith.shli %xor3A_1620, %shift_left3A_1623 : vector<16xi32>
        %shift_right_logical3A_1625 = arith.constant 3 : i32
        %shift_right_logical3A_1626 = vector.broadcast %shift_right_logical3A_1625 : i32 to vector<16xi32>
        %shift_right_logical3A_1627 = arith.shrui %xor3A_1620, %shift_right_logical3A_1626 : vector<16xi32>
        %or3A_1628 = arith.ori %shift_left3A_1624, %shift_right_logical3A_1627 : vector<16xi32>
        %xor3A_1629 = arith.xori %or3A_1628, %add3A_1621 : vector<16xi32>
        %add3A_1630 = arith.addi %add3A_1621, %xor3A_1629 : vector<16xi32>
        %shift_left3A_1631 = arith.constant 16 : i32
        %shift_left3A_1632 = vector.broadcast %shift_left3A_1631 : i32 to vector<16xi32>
        %shift_left3A_1633 = arith.shli %xor3A_1629, %shift_left3A_1632 : vector<16xi32>
        %shift_right_logical3A_1634 = arith.constant 16 : i32
        %shift_right_logical3A_1635 = vector.broadcast %shift_right_logical3A_1634 : i32 to vector<16xi32>
        %shift_right_logical3A_1636 = arith.shrui %xor3A_1629, %shift_right_logical3A_1635 : vector<16xi32>
        %or3A_1637 = arith.ori %shift_left3A_1633, %shift_right_logical3A_1636 : vector<16xi32>
        %xor3A_1638 = arith.xori %or3A_1637, %add3A_1630 : vector<16xi32>
        %add3A_1639 = arith.addi %add3A_1630, %xor3A_1638 : vector<16xi32>
        %shift_left3A_1640 = arith.constant 24 : i32
        %shift_left3A_1641 = vector.broadcast %shift_left3A_1640 : i32 to vector<16xi32>
        %shift_left3A_1642 = arith.shli %xor3A_1638, %shift_left3A_1641 : vector<16xi32>
        %shift_right_logical3A_1643 = arith.constant 8 : i32
        %shift_right_logical3A_1644 = vector.broadcast %shift_right_logical3A_1643 : i32 to vector<16xi32>
        %shift_right_logical3A_1645 = arith.shrui %xor3A_1638, %shift_right_logical3A_1644 : vector<16xi32>
        %or3A_1646 = arith.ori %shift_left3A_1642, %shift_right_logical3A_1645 : vector<16xi32>
        %xor3A_1647 = arith.xori %or3A_1646, %add3A_1639 : vector<16xi32>
        %add3A_1648 = arith.constant 42 : i32
        %add3A_1649 = vector.broadcast %add3A_1648 : i32 to vector<16xi32>
        %add3A_1650 = arith.addi %add3A_1639, %add3A_1649 : vector<16xi32>
        %add3A_1651 = arith.constant 466689008 : i32
        %add3A_1652 = vector.broadcast %add3A_1651 : i32 to vector<16xi32>
        %add3A_1653 = arith.addi %xor3A_1647, %add3A_1652 : vector<16xi32>
        %add3A_1654 = arith.constant 4 : i32
        %add3A_1655 = vector.broadcast %add3A_1654 : i32 to vector<16xi32>
        %add3A_1656 = arith.addi %add3A_1653, %add3A_1655 : vector<16xi32>
        %add3A_1657 = arith.addi %add3A_1650, %add3A_1656 : vector<16xi32>
        %shift_left3A_1658 = arith.constant 13 : i32
        %shift_left3A_1659 = vector.broadcast %shift_left3A_1658 : i32 to vector<16xi32>
        %shift_left3A_1660 = arith.shli %add3A_1656, %shift_left3A_1659 : vector<16xi32>
        %shift_right_logical3A_1661 = arith.constant 19 : i32
        %shift_right_logical3A_1662 = vector.broadcast %shift_right_logical3A_1661 : i32 to vector<16xi32>
        %shift_right_logical3A_1663 = arith.shrui %add3A_1656, %shift_right_logical3A_1662 : vector<16xi32>
        %or3A_1664 = arith.ori %shift_left3A_1660, %shift_right_logical3A_1663 : vector<16xi32>
        %xor3A_1665 = arith.xori %or3A_1664, %add3A_1657 : vector<16xi32>
        %add3A_1666 = arith.addi %add3A_1657, %xor3A_1665 : vector<16xi32>
        %shift_left3A_1667 = arith.constant 15 : i32
        %shift_left3A_1668 = vector.broadcast %shift_left3A_1667 : i32 to vector<16xi32>
        %shift_left3A_1669 = arith.shli %xor3A_1665, %shift_left3A_1668 : vector<16xi32>
        %shift_right_logical3A_1670 = arith.constant 17 : i32
        %shift_right_logical3A_1671 = vector.broadcast %shift_right_logical3A_1670 : i32 to vector<16xi32>
        %shift_right_logical3A_1672 = arith.shrui %xor3A_1665, %shift_right_logical3A_1671 : vector<16xi32>
        %or3A_1673 = arith.ori %shift_left3A_1669, %shift_right_logical3A_1672 : vector<16xi32>
        %xor3A_1674 = arith.xori %or3A_1673, %add3A_1666 : vector<16xi32>
        %add3A_1675 = arith.addi %add3A_1666, %xor3A_1674 : vector<16xi32>
        %shift_left3A_1676 = arith.constant 26 : i32
        %shift_left3A_1677 = vector.broadcast %shift_left3A_1676 : i32 to vector<16xi32>
        %shift_left3A_1678 = arith.shli %xor3A_1674, %shift_left3A_1677 : vector<16xi32>
        %shift_right_logical3A_1679 = arith.constant 6 : i32
        %shift_right_logical3A_1680 = vector.broadcast %shift_right_logical3A_1679 : i32 to vector<16xi32>
        %shift_right_logical3A_1681 = arith.shrui %xor3A_1674, %shift_right_logical3A_1680 : vector<16xi32>
        %or3A_1682 = arith.ori %shift_left3A_1678, %shift_right_logical3A_1681 : vector<16xi32>
        %xor3A_1683 = arith.xori %or3A_1682, %add3A_1675 : vector<16xi32>
        %add3A_1684 = arith.addi %add3A_1675, %xor3A_1683 : vector<16xi32>
        %shift_left3A_1685 = arith.constant 6 : i32
        %shift_left3A_1686 = vector.broadcast %shift_left3A_1685 : i32 to vector<16xi32>
        %shift_left3A_1687 = arith.shli %xor3A_1683, %shift_left3A_1686 : vector<16xi32>
        %shift_right_logical3A_1688 = arith.constant 26 : i32
        %shift_right_logical3A_1689 = vector.broadcast %shift_right_logical3A_1688 : i32 to vector<16xi32>
        %shift_right_logical3A_1690 = arith.shrui %xor3A_1683, %shift_right_logical3A_1689 : vector<16xi32>
        %or3A_1691 = arith.ori %shift_left3A_1687, %shift_right_logical3A_1690 : vector<16xi32>
        %xor3A_1692 = arith.xori %or3A_1691, %add3A_1684 : vector<16xi32>
        %add3A_1693 = arith.constant 466689008 : i32
        %add3A_1694 = vector.broadcast %add3A_1693 : i32 to vector<16xi32>
        %add3A_1695 = arith.addi %add3A_1684, %add3A_1694 : vector<16xi32>
        %add3A_1696 = arith.constant 0 : i32
        %add3A_1697 = vector.broadcast %add3A_1696 : i32 to vector<16xi32>
        %add3A_1698 = arith.addi %xor3A_1692, %add3A_1697 : vector<16xi32>
        %add3A_1699 = arith.constant 5 : i32
        %add3A_1700 = vector.broadcast %add3A_1699 : i32 to vector<16xi32>
        %add3A_1701 = arith.addi %add3A_1698, %add3A_1700 : vector<16xi32>
        %xor3A_1702 = arith.xori %add3A_1695, %add3A_1701 : vector<16xi32>
        %shift_right_logical3A_1703 = arith.constant 9 : i32
        %shift_right_logical3A_1704 = vector.broadcast %shift_right_logical3A_1703 : i32 to vector<16xi32>
        %shift_right_logical3A_1705 = arith.shrui %xor3A_1702, %shift_right_logical3A_1704 : vector<16xi32>
        %convert_element_type3A_1706 = arith.sitofp %shift_right_logical3A_1705 : vector<16xi32> to vector<16xf32>
        %mul3A_1707 = arith.constant 1.1920929E-7 : f32
        %mul3A_1708 = vector.broadcast %mul3A_1707 : f32 to vector<16xf32>
        %mul3A_1709 = arith.mulf %convert_element_type3A_1706, %mul3A_1708 : vector<16xf32>
        %max3A_1710 = arith.constant 1.17549435E-38 : f32
        %max3A_1711 = vector.broadcast %max3A_1710 : f32 to vector<16xf32>
        %max3A_1712 = arith.maximumf %mul3A_1709, %max3A_1711 : vector<16xf32>
        %sub3A_1713 = arith.constant 0x4B000000 : f32
        %sub3A_1714 = vector.broadcast %sub3A_1713 : f32 to vector<16xf32>
        %sub3A_1715 = arith.subf %convert_element_type3A_1706, %sub3A_1714 : vector<16xf32>
        %mul3A_1716 = arith.constant 1.1920929E-7 : f32
        %mul3A_1717 = vector.broadcast %mul3A_1716 : f32 to vector<16xf32>
        %mul3A_1718 = arith.mulf %sub3A_1715, %mul3A_1717 : vector<16xf32>
        %broadcast_in_dim3A_1719 = arith.constant -0.334263474 : f32
        %broadcast_in_dim3A_1720 = vector.broadcast %broadcast_in_dim3A_1719 : f32 to vector<16xf32>
        %mul3A_1721 = arith.mulf %broadcast_in_dim3A_1720, %mul3A_1718 : vector<16xf32>
        %add3A_1722 = arith.constant 0.0407187231 : f32
        %add3A_1723 = vector.broadcast %add3A_1722 : f32 to vector<16xf32>
        %add3A_1724 = arith.addf %mul3A_1721, %add3A_1723 : vector<16xf32>
        %mul3A_1725 = arith.mulf %add3A_1724, %mul3A_1718 : vector<16xf32>
        %add3A_1726 = arith.constant -0.190590665 : f32
        %add3A_1727 = vector.broadcast %add3A_1726 : f32 to vector<16xf32>
        %add3A_1728 = arith.addf %mul3A_1725, %add3A_1727 : vector<16xf32>
        %mul3A_1729 = arith.mulf %add3A_1728, %mul3A_1718 : vector<16xf32>
        %add3A_1730 = arith.constant 0.196964383 : f32
        %add3A_1731 = vector.broadcast %add3A_1730 : f32 to vector<16xf32>
        %add3A_1732 = arith.addf %mul3A_1729, %add3A_1731 : vector<16xf32>
        %mul3A_1733 = arith.mulf %add3A_1732, %mul3A_1718 : vector<16xf32>
        %add3A_1734 = arith.constant -0.250209928 : f32
        %add3A_1735 = vector.broadcast %add3A_1734 : f32 to vector<16xf32>
        %add3A_1736 = arith.addf %mul3A_1733, %add3A_1735 : vector<16xf32>
        %mul3A_1737 = arith.mulf %add3A_1736, %mul3A_1718 : vector<16xf32>
        %add3A_1738 = arith.constant 0.333325982 : f32
        %add3A_1739 = vector.broadcast %add3A_1738 : f32 to vector<16xf32>
        %add3A_1740 = arith.addf %mul3A_1737, %add3A_1739 : vector<16xf32>
        %mul3A_1741 = arith.mulf %add3A_1740, %mul3A_1718 : vector<16xf32>
        %add3A_1742 = arith.constant -0.500000119 : f32
        %add3A_1743 = vector.broadcast %add3A_1742 : f32 to vector<16xf32>
        %add3A_1744 = arith.addf %mul3A_1741, %add3A_1743 : vector<16xf32>
        %mul3A_1745 = arith.mulf %add3A_1744, %mul3A_1718 : vector<16xf32>
        %add3A_1746 = arith.constant 1.000000e+00 : f32
        %add3A_1747 = vector.broadcast %add3A_1746 : f32 to vector<16xf32>
        %add3A_1748 = arith.addf %mul3A_1745, %add3A_1747 : vector<16xf32>
        %mul3A_1749 = arith.mulf %mul3A_1718, %add3A_1748 : vector<16xf32>
        %neg3A_1750 = arith.constant 0.000000e+00 : f32
        %neg3A_1751 = vector.broadcast %neg3A_1750 : f32 to vector<16xf32>
        %neg3A_1752 = arith.subf %neg3A_1751, %mul3A_1749 : vector<16xf32>
        %bitcast_convert_type3A_1753 = tpu.bitcast %max3A_1712 : vector<16xf32> -> vector<16xi32>
        %shift_right_logical3A_1754 = arith.constant 23 : i32
        %shift_right_logical3A_1755 = vector.broadcast %shift_right_logical3A_1754 : i32 to vector<16xi32>
        %shift_right_logical3A_1756 = arith.shrui %bitcast_convert_type3A_1753, %shift_right_logical3A_1755 : vector<16xi32>
        %sub3A_1757 = arith.constant 127 : i32
        %sub3A_1758 = vector.broadcast %sub3A_1757 : i32 to vector<16xi32>
        %sub3A_1759 = arith.subi %shift_right_logical3A_1756, %sub3A_1758 : vector<16xi32>
        %and3A_1760 = arith.constant 8388607 : i32
        %and3A_1761 = vector.broadcast %and3A_1760 : i32 to vector<16xi32>
        %and3A_1762 = arith.andi %bitcast_convert_type3A_1753, %and3A_1761 : vector<16xi32>
        %or3A_1763 = arith.constant 1065353216 : i32
        %or3A_1764 = vector.broadcast %or3A_1763 : i32 to vector<16xi32>
        %or3A_1765 = arith.ori %and3A_1762, %or3A_1764 : vector<16xi32>
        %bitcast_convert_type3A_1766 = tpu.bitcast %or3A_1765 : vector<16xi32> -> vector<16xf32>
        %ge3A_1767 = arith.constant 1.41421354 : f32
        %ge3A_1768 = vector.broadcast %ge3A_1767 : f32 to vector<16xf32>
        %ge3A_1769 = arith.cmpf oge, %bitcast_convert_type3A_1766, %ge3A_1768 : vector<16xf32>
        %mul3A_1770 = arith.constant 5.000000e-01 : f32
        %mul3A_1771 = vector.broadcast %mul3A_1770 : f32 to vector<16xf32>
        %mul3A_1772 = arith.mulf %bitcast_convert_type3A_1766, %mul3A_1771 : vector<16xf32>
        %select_n3A_1773 = arith.select %ge3A_1769, %mul3A_1772, %bitcast_convert_type3A_1766 : vector<16xi1>, vector<16xf32>
        %add3A_1774 = arith.constant 1 : i32
        %add3A_1775 = vector.broadcast %add3A_1774 : i32 to vector<16xi32>
        %add3A_1776 = arith.addi %sub3A_1759, %add3A_1775 : vector<16xi32>
        %select_n3A_1777 = arith.select %ge3A_1769, %add3A_1776, %sub3A_1759 : vector<16xi1>, vector<16xi32>
        %sub3A_1778 = arith.constant 1.000000e+00 : f32
        %sub3A_1779 = vector.broadcast %sub3A_1778 : f32 to vector<16xf32>
        %sub3A_1780 = arith.subf %select_n3A_1773, %sub3A_1779 : vector<16xf32>
        %broadcast_in_dim3A_1781 = arith.constant -0.0991365611 : f32
        %broadcast_in_dim3A_1782 = vector.broadcast %broadcast_in_dim3A_1781 : f32 to vector<16xf32>
        %mul3A_1783 = arith.mulf %broadcast_in_dim3A_1782, %sub3A_1780 : vector<16xf32>
        %add3A_1784 = arith.constant 0.163385555 : f32
        %add3A_1785 = vector.broadcast %add3A_1784 : f32 to vector<16xf32>
        %add3A_1786 = arith.addf %mul3A_1783, %add3A_1785 : vector<16xf32>
        %mul3A_1787 = arith.mulf %add3A_1786, %sub3A_1780 : vector<16xf32>
        %add3A_1788 = arith.constant -0.173631534 : f32
        %add3A_1789 = vector.broadcast %add3A_1788 : f32 to vector<16xf32>
        %add3A_1790 = arith.addf %mul3A_1787, %add3A_1789 : vector<16xf32>
        %mul3A_1791 = arith.mulf %add3A_1790, %sub3A_1780 : vector<16xf32>
        %add3A_1792 = arith.constant 0.198853612 : f32
        %add3A_1793 = vector.broadcast %add3A_1792 : f32 to vector<16xf32>
        %add3A_1794 = arith.addf %mul3A_1791, %add3A_1793 : vector<16xf32>
        %mul3A_1795 = arith.mulf %add3A_1794, %sub3A_1780 : vector<16xf32>
        %add3A_1796 = arith.constant -0.249577805 : f32
        %add3A_1797 = vector.broadcast %add3A_1796 : f32 to vector<16xf32>
        %add3A_1798 = arith.addf %mul3A_1795, %add3A_1797 : vector<16xf32>
        %mul3A_1799 = arith.mulf %add3A_1798, %sub3A_1780 : vector<16xf32>
        %add3A_1800 = arith.constant 0.333356887 : f32
        %add3A_1801 = vector.broadcast %add3A_1800 : f32 to vector<16xf32>
        %add3A_1802 = arith.addf %mul3A_1799, %add3A_1801 : vector<16xf32>
        %mul3A_1803 = arith.mulf %add3A_1802, %sub3A_1780 : vector<16xf32>
        %add3A_1804 = arith.constant -5.000070e-01 : f32
        %add3A_1805 = vector.broadcast %add3A_1804 : f32 to vector<16xf32>
        %add3A_1806 = arith.addf %mul3A_1803, %add3A_1805 : vector<16xf32>
        %mul3A_1807 = arith.mulf %add3A_1806, %sub3A_1780 : vector<16xf32>
        %add3A_1808 = arith.constant 0.999999821 : f32
        %add3A_1809 = vector.broadcast %add3A_1808 : f32 to vector<16xf32>
        %add3A_1810 = arith.addf %mul3A_1807, %add3A_1809 : vector<16xf32>
        %mul3A_1811 = arith.mulf %add3A_1810, %sub3A_1780 : vector<16xf32>
        %convert_element_type3A_1812 = arith.sitofp %select_n3A_1777 : vector<16xi32> to vector<16xf32>
        %mul3A_1813 = arith.constant 0.693147182 : f32
        %mul3A_1814 = vector.broadcast %mul3A_1813 : f32 to vector<16xf32>
        %mul3A_1815 = arith.mulf %convert_element_type3A_1812, %mul3A_1814 : vector<16xf32>
        %add3A_1816 = arith.addf %mul3A_1815, %mul3A_1811 : vector<16xf32>
        %neg3A_1817 = arith.constant 0.000000e+00 : f32
        %neg3A_1818 = vector.broadcast %neg3A_1817 : f32 to vector<16xf32>
        %neg3A_1819 = arith.subf %neg3A_1818, %add3A_1816 : vector<16xf32>
        %ge3A_1820 = arith.constant 6291456 : i32
        %ge3A_1821 = vector.broadcast %ge3A_1820 : i32 to vector<16xi32>
        %ge3A_1822 = arith.cmpi sge, %shift_right_logical3A_1705, %ge3A_1821 : vector<16xi32>
        %select_n3A_1823 = arith.select %ge3A_1822, %neg3A_1752, %neg3A_1819 : vector<16xi1>, vector<16xf32>
        %bitcast_convert_type3A_1824 = tpu.bitcast %select_n3A_1823 : vector<16xf32> -> vector<16xi32>
        %shift_right_logical3A_1825 = arith.constant 23 : i32
        %shift_right_logical3A_1826 = vector.broadcast %shift_right_logical3A_1825 : i32 to vector<16xi32>
        %shift_right_logical3A_1827 = arith.shrui %bitcast_convert_type3A_1824, %shift_right_logical3A_1826 : vector<16xi32>
        %sub3A_1828 = arith.constant 127 : i32
        %sub3A_1829 = vector.broadcast %sub3A_1828 : i32 to vector<16xi32>
        %sub3A_1830 = arith.subi %shift_right_logical3A_1827, %sub3A_1829 : vector<16xi32>
        %and3A_1831 = arith.constant 8388607 : i32
        %and3A_1832 = vector.broadcast %and3A_1831 : i32 to vector<16xi32>
        %and3A_1833 = arith.andi %bitcast_convert_type3A_1824, %and3A_1832 : vector<16xi32>
        %or3A_1834 = arith.constant 1065353216 : i32
        %or3A_1835 = vector.broadcast %or3A_1834 : i32 to vector<16xi32>
        %or3A_1836 = arith.ori %and3A_1833, %or3A_1835 : vector<16xi32>
        %bitcast_convert_type3A_1837 = tpu.bitcast %or3A_1836 : vector<16xi32> -> vector<16xf32>
        %ge3A_1838 = arith.constant 1.41421354 : f32
        %ge3A_1839 = vector.broadcast %ge3A_1838 : f32 to vector<16xf32>
        %ge3A_1840 = arith.cmpf oge, %bitcast_convert_type3A_1837, %ge3A_1839 : vector<16xf32>
        %mul3A_1841 = arith.constant 5.000000e-01 : f32
        %mul3A_1842 = vector.broadcast %mul3A_1841 : f32 to vector<16xf32>
        %mul3A_1843 = arith.mulf %bitcast_convert_type3A_1837, %mul3A_1842 : vector<16xf32>
        %select_n3A_1844 = arith.select %ge3A_1840, %mul3A_1843, %bitcast_convert_type3A_1837 : vector<16xi1>, vector<16xf32>
        %add3A_1845 = arith.constant 1 : i32
        %add3A_1846 = vector.broadcast %add3A_1845 : i32 to vector<16xi32>
        %add3A_1847 = arith.addi %sub3A_1830, %add3A_1846 : vector<16xi32>
        %select_n3A_1848 = arith.select %ge3A_1840, %add3A_1847, %sub3A_1830 : vector<16xi1>, vector<16xi32>
        %sub3A_1849 = arith.constant 1.000000e+00 : f32
        %sub3A_1850 = vector.broadcast %sub3A_1849 : f32 to vector<16xf32>
        %sub3A_1851 = arith.subf %select_n3A_1844, %sub3A_1850 : vector<16xf32>
        %broadcast_in_dim3A_1852 = arith.constant 0.114490829 : f32
        %broadcast_in_dim3A_1853 = vector.broadcast %broadcast_in_dim3A_1852 : f32 to vector<16xf32>
        %mul3A_1854 = arith.mulf %broadcast_in_dim3A_1853, %sub3A_1851 : vector<16xf32>
        %add3A_1855 = arith.constant -0.187792078 : f32
        %add3A_1856 = vector.broadcast %add3A_1855 : f32 to vector<16xf32>
        %add3A_1857 = arith.addf %mul3A_1854, %add3A_1856 : vector<16xf32>
        %mul3A_1858 = arith.mulf %add3A_1857, %sub3A_1851 : vector<16xf32>
        %add3A_1859 = arith.constant 0.206738353 : f32
        %add3A_1860 = vector.broadcast %add3A_1859 : f32 to vector<16xf32>
        %add3A_1861 = arith.addf %mul3A_1858, %add3A_1860 : vector<16xf32>
        %mul3A_1862 = arith.mulf %add3A_1861, %sub3A_1851 : vector<16xf32>
        %add3A_1863 = arith.constant -0.248981208 : f32
        %add3A_1864 = vector.broadcast %add3A_1863 : f32 to vector<16xf32>
        %add3A_1865 = arith.addf %mul3A_1862, %add3A_1864 : vector<16xf32>
        %mul3A_1866 = arith.mulf %add3A_1865, %sub3A_1851 : vector<16xf32>
        %add3A_1867 = arith.constant 0.332989544 : f32
        %add3A_1868 = vector.broadcast %add3A_1867 : f32 to vector<16xf32>
        %add3A_1869 = arith.addf %mul3A_1866, %add3A_1868 : vector<16xf32>
        %mul3A_1870 = arith.mulf %add3A_1869, %sub3A_1851 : vector<16xf32>
        %add3A_1871 = arith.constant -0.500014484 : f32
        %add3A_1872 = vector.broadcast %add3A_1871 : f32 to vector<16xf32>
        %add3A_1873 = arith.addf %mul3A_1870, %add3A_1872 : vector<16xf32>
        %mul3A_1874 = arith.mulf %add3A_1873, %sub3A_1851 : vector<16xf32>
        %add3A_1875 = arith.constant 1.00000417 : f32
        %add3A_1876 = vector.broadcast %add3A_1875 : f32 to vector<16xf32>
        %add3A_1877 = arith.addf %mul3A_1874, %add3A_1876 : vector<16xf32>
        %mul3A_1878 = arith.mulf %add3A_1877, %sub3A_1851 : vector<16xf32>
        %convert_element_type3A_1879 = arith.sitofp %select_n3A_1848 : vector<16xi32> to vector<16xf32>
        %mul3A_1880 = arith.constant 0.693147182 : f32
        %mul3A_1881 = vector.broadcast %mul3A_1880 : f32 to vector<16xf32>
        %mul3A_1882 = arith.mulf %convert_element_type3A_1879, %mul3A_1881 : vector<16xf32>
        %add3A_1883 = arith.addf %mul3A_1882, %mul3A_1878 : vector<16xf32>
        %neg3A_1884 = arith.constant 0.000000e+00 : f32
        %neg3A_1885 = vector.broadcast %neg3A_1884 : f32 to vector<16xf32>
        %neg3A_1886 = arith.subf %neg3A_1885, %add3A_1883 : vector<16xf32>
        %add3A_1887 = arith.addf %get3A_1463, %neg3A_1886 : vector<16xf32>
        %mul3A_1888 = arith.constant 16 : i32
        %mul3A_1889 = arith.muli %scan3A_1457, %mul3A_1888 : i32
        %add3A_1890 = arith.addi %add3A_135, %mul3A_1889 : i32
        %add3A_1891 = vector.broadcast %add3A_1890 : i32 to vector<16xi32>
        %add3A_1892 = arith.addi %add3A_1891, %iota3A : vector<16xi32>
        %gt3A_1893 = arith.cmpf ogt, %add3A_1887, %select_n3A_1454 : vector<16xf32>
        %select_n3A_1894 = arith.select %gt3A_1893, %add3A_1887, %select_n3A_1454 : vector<16xi1>, vector<16xf32>
        %select_n3A_1895 = arith.select %gt3A_1893, %add3A_1892, %select_n3A_1455 : vector<16xi1>, vector<16xi32>
        scf.yield %select_n3A_1894, %select_n3A_1895 : vector<16xf32>, vector<16xi32>
      }
      %scan3A_144 = arith.constant 1024 : i32
      scf.yield %scan3A_143#0, %scan3A_143#1 : vector<16xf32>, vector<16xi32>
    }
    %scan3A_59 = arith.constant 13 : i32
    %swap3A = arith.constant 0 : index
    %swap3A_60 = tpu.vector_load %arg6[%swap3A] {strides = array<i32>} : memref<16xf32, #tpu.memory_space<vmem>>, vector<16xf32>,
    %swap3A_61 = vector.shape_cast %swap3A_60 : vector<16xf32> to vector<16xf32>
    %swap3A_62 = vector.shape_cast %scan3A_58#0 : vector<16xf32> to vector<16xf32>
    tpu.vector_store %arg6[%swap3A], %swap3A_62 {strides = array<i32>} : memref<16xf32, #tpu.memory_space<vmem>>, vector<16xf32>,
    %swap3A_63 = arith.constant 0 : index
    %swap3A_64 = tpu.vector_load %arg7[%swap3A_63] {strides = array<i32>} : memref<16xi32, #tpu.memory_space<vmem>>, vector<16xi32>,
    %swap3A_65 = vector.shape_cast %swap3A_64 : vector<16xi32> to vector<16xi32>
    %swap3A_66 = vector.shape_cast %scan3A_58#1 : vector<16xi32> to vector<16xi32>
    tpu.vector_store %arg7[%swap3A_63], %swap3A_66 {strides = array<i32>} : memref<16xi32, #tpu.memory_space<vmem>>, vector<16xi32>,
    %mul3A_67 = arith.constant 16 : i32
    %mul3A_68 = arith.muli %add3A_37, %mul3A_67 : i32
    "tpu.region"() ({
      %run_scoped3A = tpu.sem_alloc : memref<!tpu.dma_semaphore, #tpu.memory_space<semaphore_mem>>
      %dma_start3A_115 = tpu.memref_slice %arg3[%mul3A_68] : memref<1024xf32, #tpu.memory_space<hbm>> -> memref<16xf32, #tpu.memory_space<hbm>>
      %dma_start3A_116 = tpu.memref_slice %arg3[%mul3A_68] : memref<1024xf32, #tpu.memory_space<hbm>> -> memref<16xf32, #tpu.memory_space<hbm>>
      tpu.enqueue_dma source(%arg6 : memref<16xf32, #tpu.memory_space<vmem>>) target(%dma_start3A_116 : memref<16xf32, #tpu.memory_space<hbm>>) target_semaphore(%run_scoped3A : memref<!tpu.dma_semaphore, #tpu.memory_space<semaphore_mem>>)
      %dma_wait3A = tpu.memref_slice %arg3[%mul3A_68] : memref<1024xf32, #tpu.memory_space<hbm>> -> memref<16xf32, #tpu.memory_space<hbm>>
      %dma_wait3A_117 = tpu.memref_slice %arg3[%mul3A_68] : memref<1024xf32, #tpu.memory_space<hbm>> -> memref<16xf32, #tpu.memory_space<hbm>>
      tpu.wait_dma2 semaphore(%run_scoped3A : memref<!tpu.dma_semaphore, #tpu.memory_space<semaphore_mem>>) src(%arg6 : memref<16xf32, #tpu.memory_space<vmem>>) dst(%dma_wait3A_117 : memref<16xf32, #tpu.memory_space<hbm>>)
      tpu.yield
    }) : () -> ()
    %mul3A_69 = arith.constant 16 : i32
    %mul3A_70 = arith.muli %add3A_37, %mul3A_69 : i32
    "tpu.region"() ({
      %run_scoped3A = tpu.sem_alloc : memref<!tpu.dma_semaphore, #tpu.memory_space<semaphore_mem>>
      %dma_start3A_115 = tpu.memref_slice %arg4[%mul3A_70] : memref<1024xi32, #tpu.memory_space<hbm>> -> memref<16xi32, #tpu.memory_space<hbm>>
      %dma_start3A_116 = tpu.memref_slice %arg4[%mul3A_70] : memref<1024xi32, #tpu.memory_space<hbm>> -> memref<16xi32, #tpu.memory_space<hbm>>
      tpu.enqueue_dma source(%arg7 : memref<16xi32, #tpu.memory_space<vmem>>) target(%dma_start3A_116 : memref<16xi32, #tpu.memory_space<hbm>>) target_semaphore(%run_scoped3A : memref<!tpu.dma_semaphore, #tpu.memory_space<semaphore_mem>>)
      %dma_wait3A = tpu.memref_slice %arg4[%mul3A_70] : memref<1024xi32, #tpu.memory_space<hbm>> -> memref<16xi32, #tpu.memory_space<hbm>>
      %dma_wait3A_117 = tpu.memref_slice %arg4[%mul3A_70] : memref<1024xi32, #tpu.memory_space<hbm>> -> memref<16xi32, #tpu.memory_space<hbm>>
      tpu.wait_dma2 semaphore(%run_scoped3A : memref<!tpu.dma_semaphore, #tpu.memory_space<semaphore_mem>>) src(%arg7 : memref<16xi32, #tpu.memory_space<vmem>>) dst(%dma_wait3A_117 : memref<16xi32, #tpu.memory_space<hbm>>)
      tpu.yield
    }) : () -> ()
    %mul3A_71 = arith.constant 2 : i32
    %mul3A_72 = arith.muli %mul3A_71, %select_n3A_30 : i32
    %add3A_73 = arith.constant 1 : i32
    %add3A_74 = arith.addi %mul3A_72, %add3A_73 : i32
    %mul3A_75 = arith.constant 8 : i32
    %mul3A_76 = arith.muli %mul3A_75, %select_n3A : i32
    %add3A_77 = arith.addi %mul3A_76, %add3A_74 : i32
    %broadcast_in_dim3A_78 = arith.constant 0xFF800000 : f32
    %broadcast_in_dim3A_79 = vector.broadcast %broadcast_in_dim3A_78 : f32 to vector<16xf32>
    %broadcast_in_dim3A_80 = arith.constant 0 : i32
    %broadcast_in_dim3A_81 = vector.broadcast %broadcast_in_dim3A_80 : i32 to vector<16xi32>
    %mul3A_82 = arith.constant 13 : i32
    %mul3A_83 = arith.muli %select_n3A, %mul3A_82 : i32
    %add3A_84 = arith.constant 0 : i32
    %add3A_85 = arith.addi %mul3A_83, %add3A_84 : i32
    %mul3A_86 = arith.constant 8 : i32
    %mul3A_87 = arith.muli %add3A_85, %mul3A_86 : i32
    %add3A_88 = arith.addi %mul3A_87, %add3A_74 : i32
    %mul3A_89 = arith.constant 16384 : i32
    %mul3A_90 = arith.muli %add3A_88, %mul3A_89 : i32
    %dma_start3A_91 = arith.constant 0 : i32
    %dma_start3A_92 = tpu.memref_slice %arg5[%dma_start3A_91] : memref<32768xf32, #tpu.memory_space<vmem>> -> memref<16384xf32, #tpu.memory_space<vmem>>
    %dma_start3A_93 = tpu.memref_slice %arg2[%mul3A_90] : memref<13631488xf32, #tpu.memory_space<hbm>> -> memref<16384xf32, #tpu.memory_space<hbm>>
    %dma_start3A_94 = arith.constant 0 : i32
    %dma_start3A_95 = tpu.memref_slice %arg5[%dma_start3A_94] : memref<32768xf32, #tpu.memory_space<vmem>> -> memref<16384xf32, #tpu.memory_space<vmem>>
    %dma_start3A_96 = tpu.memref_slice %arg2[%mul3A_90] : memref<13631488xf32, #tpu.memory_space<hbm>> -> memref<16384xf32, #tpu.memory_space<hbm>>
    tpu.enqueue_dma source(%dma_start3A_96 : memref<16384xf32, #tpu.memory_space<hbm>>) target(%dma_start3A_95 : memref<16384xf32, #tpu.memory_space<vmem>>) target_semaphore(%arg8 : memref<!tpu.dma_semaphore, #tpu.memory_space<semaphore_mem>>)
    %scan3A_97 = arith.constant 0 : i32
    %scan3A_98 = arith.constant 13 : i32
    %scan3A_99 = arith.addi %scan3A_97, %scan3A_98 : i32
    %scan3A_100 = arith.constant 1 : i32
    %scan3A_101:2 = scf.for %scan3A_115 = %scan3A_97 to %scan3A_99 step %scan3A_100 iter_args(%scan3A_116 = %broadcast_in_dim3A_79, %scan3A_117 = %broadcast_in_dim3A_81) -> (vector<16xf32>, vector<16xi32>)  : i32 {
      %and3A_118 = arith.constant 1 : i32
      %and3A_119 = arith.andi %scan3A_115, %and3A_118 : i32
      %mul3A_120 = arith.constant 16384 : i32
      %mul3A_121 = arith.muli %and3A_119, %mul3A_120 : i32
      %dma_wait3A = tpu.memref_slice %arg5[%mul3A_121] : memref<32768xf32, #tpu.memory_space<vmem>> -> memref<16384xf32, #tpu.memory_space<vmem>>
      %dma_wait3A_122 = arith.constant 0 : i32
      %dma_wait3A_123 = tpu.memref_slice %arg2[%dma_wait3A_122] : memref<13631488xf32, #tpu.memory_space<hbm>> -> memref<16384xf32, #tpu.memory_space<hbm>>
      %dma_wait3A_124 = tpu.memref_slice %arg5[%mul3A_121] : memref<32768xf32, #tpu.memory_space<vmem>> -> memref<16384xf32, #tpu.memory_space<vmem>>
      %dma_wait3A_125 = arith.constant 0 : i32
      %dma_wait3A_126 = tpu.memref_slice %arg2[%dma_wait3A_125] : memref<13631488xf32, #tpu.memory_space<hbm>> -> memref<16384xf32, #tpu.memory_space<hbm>>
      tpu.wait_dma2 semaphore(%arg8 : memref<!tpu.dma_semaphore, #tpu.memory_space<semaphore_mem>>) src(%dma_wait3A_126 : memref<16384xf32, #tpu.memory_space<hbm>>) dst(%dma_wait3A_124 : memref<16384xf32, #tpu.memory_space<vmem>>)
      %add3A_127 = arith.constant 1 : i32
      %add3A_128 = arith.addi %scan3A_115, %add3A_127 : i32
      %lt3A_129 = arith.constant 13 : i32
      %lt3A_130 = arith.cmpi slt, %add3A_128, %lt3A_129 : i32
      %convert_element_type3A = arith.extui %lt3A_130 : i1 to i32
      %cond3A = arith.constant 0 : i32
      %cond3A_131 = arith.cmpi ne, %convert_element_type3A, %cond3A : i32
      scf.if %cond3A_131 {
        %add3A_145 = arith.constant 1 : i32
        %add3A_146 = arith.addi %scan3A_115, %add3A_145 : i32
        %and3A_147 = arith.constant 1 : i32
        %and3A_148 = arith.andi %add3A_146, %and3A_147 : i32
        %mul3A_149 = arith.constant 16384 : i32
        %mul3A_150 = arith.muli %and3A_148, %mul3A_149 : i32
        %add3A_151 = arith.constant 1 : i32
        %add3A_152 = arith.addi %scan3A_115, %add3A_151 : i32
        %mul3A_153 = arith.constant 13 : i32
        %mul3A_154 = arith.muli %select_n3A, %mul3A_153 : i32
        %add3A_155 = arith.addi %mul3A_154, %add3A_152 : i32
        %mul3A_156 = arith.constant 8 : i32
        %mul3A_157 = arith.muli %add3A_155, %mul3A_156 : i32
        %add3A_158 = arith.addi %mul3A_157, %add3A_74 : i32
        %mul3A_159 = arith.constant 16384 : i32
        %mul3A_160 = arith.muli %add3A_158, %mul3A_159 : i32
        %dma_start3A_161 = tpu.memref_slice %arg5[%mul3A_150] : memref<32768xf32, #tpu.memory_space<vmem>> -> memref<16384xf32, #tpu.memory_space<vmem>>
        %dma_start3A_162 = tpu.memref_slice %arg2[%mul3A_160] : memref<13631488xf32, #tpu.memory_space<hbm>> -> memref<16384xf32, #tpu.memory_space<hbm>>
        %dma_start3A_163 = tpu.memref_slice %arg5[%mul3A_150] : memref<32768xf32, #tpu.memory_space<vmem>> -> memref<16384xf32, #tpu.memory_space<vmem>>
        %dma_start3A_164 = tpu.memref_slice %arg2[%mul3A_160] : memref<13631488xf32, #tpu.memory_space<hbm>> -> memref<16384xf32, #tpu.memory_space<hbm>>
        tpu.enqueue_dma source(%dma_start3A_164 : memref<16384xf32, #tpu.memory_space<hbm>>) target(%dma_start3A_163 : memref<16384xf32, #tpu.memory_space<vmem>>) target_semaphore(%arg8 : memref<!tpu.dma_semaphore, #tpu.memory_space<semaphore_mem>>)
      } else {
      }
      %mul3A_132 = arith.constant 16384 : i32
      %mul3A_133 = arith.muli %scan3A_115, %mul3A_132 : i32
      %add3A_134 = arith.constant 786432 : i32
      %add3A_135 = arith.addi %add3A_134, %mul3A_133 : i32
      %mul3A_136 = arith.constant 1000000 : i32
      %mul3A_137 = arith.muli %add3A_77, %mul3A_136 : i32
      %add3A_138 = arith.addi %mul3A_137, %add3A_135 : i32
      %scan3A_139 = arith.constant 0 : i32
      %scan3A_140 = arith.constant 1024 : i32
      %scan3A_141 = arith.addi %scan3A_139, %scan3A_140 : i32
      %scan3A_142 = arith.constant 4 : i32
      %scan3A_143:2 = scf.for %scan3A_145 = %scan3A_139 to %scan3A_141 step %scan3A_142 iter_args(%scan3A_146 = %scan3A_116, %scan3A_147 = %scan3A_117) -> (vector<16xf32>, vector<16xi32>)  : i32 {
        %mul3A_148 = arith.constant 16 : i32
        %mul3A_149 = arith.muli %scan3A_145, %mul3A_148 : i32
        %add3A_150 = arith.addi %mul3A_121, %mul3A_149 : i32
        %get3A = arith.index_cast %add3A_150 : i32 to index
        %get3A_151 = tpu.vector_load %arg5[%get3A] {strides = array<i32>} : memref<32768xf32, #tpu.memory_space<vmem>>, vector<16xf32>,
        %get3A_152 = vector.shape_cast %get3A_151 : vector<16xf32> to vector<16xf32>
        %mul3A_153 = arith.constant 16 : i32
        %mul3A_154 = arith.muli %scan3A_145, %mul3A_153 : i32
        %add3A_155 = arith.addi %add3A_138, %mul3A_154 : i32
        %add3A_156 = vector.broadcast %add3A_155 : i32 to vector<16xi32>
        %add3A_157 = arith.addi %add3A_156, %iota3A : vector<16xi32>
        %broadcast_in_dim3A_158 = arith.constant 0 : i32
        %broadcast_in_dim3A_159 = vector.broadcast %broadcast_in_dim3A_158 : i32 to vector<16xi32>
        %add3A_160 = arith.constant 0 : i32
        %add3A_161 = vector.broadcast %add3A_160 : i32 to vector<16xi32>
        %add3A_162 = arith.addi %broadcast_in_dim3A_159, %add3A_161 : vector<16xi32>
        %add3A_163 = arith.constant 42 : i32
        %add3A_164 = vector.broadcast %add3A_163 : i32 to vector<16xi32>
        %add3A_165 = arith.addi %add3A_157, %add3A_164 : vector<16xi32>
        %add3A_166 = arith.addi %add3A_162, %add3A_165 : vector<16xi32>
        %shift_left3A = arith.constant 13 : i32
        %shift_left3A_167 = vector.broadcast %shift_left3A : i32 to vector<16xi32>
        %shift_left3A_168 = arith.shli %add3A_165, %shift_left3A_167 : vector<16xi32>
        %shift_right_logical3A = arith.constant 19 : i32
        %shift_right_logical3A_169 = vector.broadcast %shift_right_logical3A : i32 to vector<16xi32>
        %shift_right_logical3A_170 = arith.shrui %add3A_165, %shift_right_logical3A_169 : vector<16xi32>
        %or3A = arith.ori %shift_left3A_168, %shift_right_logical3A_170 : vector<16xi32>
        %xor3A = arith.xori %or3A, %add3A_166 : vector<16xi32>
        %add3A_171 = arith.addi %add3A_166, %xor3A : vector<16xi32>
        %shift_left3A_172 = arith.constant 15 : i32
        %shift_left3A_173 = vector.broadcast %shift_left3A_172 : i32 to vector<16xi32>
        %shift_left3A_174 = arith.shli %xor3A, %shift_left3A_173 : vector<16xi32>
        %shift_right_logical3A_175 = arith.constant 17 : i32
        %shift_right_logical3A_176 = vector.broadcast %shift_right_logical3A_175 : i32 to vector<16xi32>
        %shift_right_logical3A_177 = arith.shrui %xor3A, %shift_right_logical3A_176 : vector<16xi32>
        %or3A_178 = arith.ori %shift_left3A_174, %shift_right_logical3A_177 : vector<16xi32>
        %xor3A_179 = arith.xori %or3A_178, %add3A_171 : vector<16xi32>
        %add3A_180 = arith.addi %add3A_171, %xor3A_179 : vector<16xi32>
        %shift_left3A_181 = arith.constant 26 : i32
        %shift_left3A_182 = vector.broadcast %shift_left3A_181 : i32 to vector<16xi32>
        %shift_left3A_183 = arith.shli %xor3A_179, %shift_left3A_182 : vector<16xi32>
        %shift_right_logical3A_184 = arith.constant 6 : i32
        %shift_right_logical3A_185 = vector.broadcast %shift_right_logical3A_184 : i32 to vector<16xi32>
        %shift_right_logical3A_186 = arith.shrui %xor3A_179, %shift_right_logical3A_185 : vector<16xi32>
        %or3A_187 = arith.ori %shift_left3A_183, %shift_right_logical3A_186 : vector<16xi32>
        %xor3A_188 = arith.xori %or3A_187, %add3A_180 : vector<16xi32>
        %add3A_189 = arith.addi %add3A_180, %xor3A_188 : vector<16xi32>
        %shift_left3A_190 = arith.constant 6 : i32
        %shift_left3A_191 = vector.broadcast %shift_left3A_190 : i32 to vector<16xi32>
        %shift_left3A_192 = arith.shli %xor3A_188, %shift_left3A_191 : vector<16xi32>
        %shift_right_logical3A_193 = arith.constant 26 : i32
        %shift_right_logical3A_194 = vector.broadcast %shift_right_logical3A_193 : i32 to vector<16xi32>
        %shift_right_logical3A_195 = arith.shrui %xor3A_188, %shift_right_logical3A_194 : vector<16xi32>
        %or3A_196 = arith.ori %shift_left3A_192, %shift_right_logical3A_195 : vector<16xi32>
        %xor3A_197 = arith.xori %or3A_196, %add3A_189 : vector<16xi32>
        %add3A_198 = arith.constant 42 : i32
        %add3A_199 = vector.broadcast %add3A_198 : i32 to vector<16xi32>
        %add3A_200 = arith.addi %add3A_189, %add3A_199 : vector<16xi32>
        %add3A_201 = arith.constant 466689008 : i32
        %add3A_202 = vector.broadcast %add3A_201 : i32 to vector<16xi32>
        %add3A_203 = arith.addi %xor3A_197, %add3A_202 : vector<16xi32>
        %add3A_204 = arith.constant 1 : i32
        %add3A_205 = vector.broadcast %add3A_204 : i32 to vector<16xi32>
        %add3A_206 = arith.addi %add3A_203, %add3A_205 : vector<16xi32>
        %add3A_207 = arith.addi %add3A_200, %add3A_206 : vector<16xi32>
        %shift_left3A_208 = arith.constant 17 : i32
        %shift_left3A_209 = vector.broadcast %shift_left3A_208 : i32 to vector<16xi32>
        %shift_left3A_210 = arith.shli %add3A_206, %shift_left3A_209 : vector<16xi32>
        %shift_right_logical3A_211 = arith.constant 15 : i32
        %shift_right_logical3A_212 = vector.broadcast %shift_right_logical3A_211 : i32 to vector<16xi32>
        %shift_right_logical3A_213 = arith.shrui %add3A_206, %shift_right_logical3A_212 : vector<16xi32>
        %or3A_214 = arith.ori %shift_left3A_210, %shift_right_logical3A_213 : vector<16xi32>
        %xor3A_215 = arith.xori %or3A_214, %add3A_207 : vector<16xi32>
        %add3A_216 = arith.addi %add3A_207, %xor3A_215 : vector<16xi32>
        %shift_left3A_217 = arith.constant 29 : i32
        %shift_left3A_218 = vector.broadcast %shift_left3A_217 : i32 to vector<16xi32>
        %shift_left3A_219 = arith.shli %xor3A_215, %shift_left3A_218 : vector<16xi32>
        %shift_right_logical3A_220 = arith.constant 3 : i32
        %shift_right_logical3A_221 = vector.broadcast %shift_right_logical3A_220 : i32 to vector<16xi32>
        %shift_right_logical3A_222 = arith.shrui %xor3A_215, %shift_right_logical3A_221 : vector<16xi32>
        %or3A_223 = arith.ori %shift_left3A_219, %shift_right_logical3A_222 : vector<16xi32>
        %xor3A_224 = arith.xori %or3A_223, %add3A_216 : vector<16xi32>
        %add3A_225 = arith.addi %add3A_216, %xor3A_224 : vector<16xi32>
        %shift_left3A_226 = arith.constant 16 : i32
        %shift_left3A_227 = vector.broadcast %shift_left3A_226 : i32 to vector<16xi32>
        %shift_left3A_228 = arith.shli %xor3A_224, %shift_left3A_227 : vector<16xi32>
        %shift_right_logical3A_229 = arith.constant 16 : i32
        %shift_right_logical3A_230 = vector.broadcast %shift_right_logical3A_229 : i32 to vector<16xi32>
        %shift_right_logical3A_231 = arith.shrui %xor3A_224, %shift_right_logical3A_230 : vector<16xi32>
        %or3A_232 = arith.ori %shift_left3A_228, %shift_right_logical3A_231 : vector<16xi32>
        %xor3A_233 = arith.xori %or3A_232, %add3A_225 : vector<16xi32>
        %add3A_234 = arith.addi %add3A_225, %xor3A_233 : vector<16xi32>
        %shift_left3A_235 = arith.constant 24 : i32
        %shift_left3A_236 = vector.broadcast %shift_left3A_235 : i32 to vector<16xi32>
        %shift_left3A_237 = arith.shli %xor3A_233, %shift_left3A_236 : vector<16xi32>
        %shift_right_logical3A_238 = arith.constant 8 : i32
        %shift_right_logical3A_239 = vector.broadcast %shift_right_logical3A_238 : i32 to vector<16xi32>
        %shift_right_logical3A_240 = arith.shrui %xor3A_233, %shift_right_logical3A_239 : vector<16xi32>
        %or3A_241 = arith.ori %shift_left3A_237, %shift_right_logical3A_240 : vector<16xi32>
        %xor3A_242 = arith.xori %or3A_241, %add3A_234 : vector<16xi32>
        %add3A_243 = arith.constant 466689008 : i32
        %add3A_244 = vector.broadcast %add3A_243 : i32 to vector<16xi32>
        %add3A_245 = arith.addi %add3A_234, %add3A_244 : vector<16xi32>
        %add3A_246 = arith.constant 0 : i32
        %add3A_247 = vector.broadcast %add3A_246 : i32 to vector<16xi32>
        %add3A_248 = arith.addi %xor3A_242, %add3A_247 : vector<16xi32>
        %add3A_249 = arith.constant 2 : i32
        %add3A_250 = vector.broadcast %add3A_249 : i32 to vector<16xi32>
        %add3A_251 = arith.addi %add3A_248, %add3A_250 : vector<16xi32>
        %add3A_252 = arith.addi %add3A_245, %add3A_251 : vector<16xi32>
        %shift_left3A_253 = arith.constant 13 : i32
        %shift_left3A_254 = vector.broadcast %shift_left3A_253 : i32 to vector<16xi32>
        %shift_left3A_255 = arith.shli %add3A_251, %shift_left3A_254 : vector<16xi32>
        %shift_right_logical3A_256 = arith.constant 19 : i32
        %shift_right_logical3A_257 = vector.broadcast %shift_right_logical3A_256 : i32 to vector<16xi32>
        %shift_right_logical3A_258 = arith.shrui %add3A_251, %shift_right_logical3A_257 : vector<16xi32>
        %or3A_259 = arith.ori %shift_left3A_255, %shift_right_logical3A_258 : vector<16xi32>
        %xor3A_260 = arith.xori %or3A_259, %add3A_252 : vector<16xi32>
        %add3A_261 = arith.addi %add3A_252, %xor3A_260 : vector<16xi32>
        %shift_left3A_262 = arith.constant 15 : i32
        %shift_left3A_263 = vector.broadcast %shift_left3A_262 : i32 to vector<16xi32>
        %shift_left3A_264 = arith.shli %xor3A_260, %shift_left3A_263 : vector<16xi32>
        %shift_right_logical3A_265 = arith.constant 17 : i32
        %shift_right_logical3A_266 = vector.broadcast %shift_right_logical3A_265 : i32 to vector<16xi32>
        %shift_right_logical3A_267 = arith.shrui %xor3A_260, %shift_right_logical3A_266 : vector<16xi32>
        %or3A_268 = arith.ori %shift_left3A_264, %shift_right_logical3A_267 : vector<16xi32>
        %xor3A_269 = arith.xori %or3A_268, %add3A_261 : vector<16xi32>
        %add3A_270 = arith.addi %add3A_261, %xor3A_269 : vector<16xi32>
        %shift_left3A_271 = arith.constant 26 : i32
        %shift_left3A_272 = vector.broadcast %shift_left3A_271 : i32 to vector<16xi32>
        %shift_left3A_273 = arith.shli %xor3A_269, %shift_left3A_272 : vector<16xi32>
        %shift_right_logical3A_274 = arith.constant 6 : i32
        %shift_right_logical3A_275 = vector.broadcast %shift_right_logical3A_274 : i32 to vector<16xi32>
        %shift_right_logical3A_276 = arith.shrui %xor3A_269, %shift_right_logical3A_275 : vector<16xi32>
        %or3A_277 = arith.ori %shift_left3A_273, %shift_right_logical3A_276 : vector<16xi32>
        %xor3A_278 = arith.xori %or3A_277, %add3A_270 : vector<16xi32>
        %add3A_279 = arith.addi %add3A_270, %xor3A_278 : vector<16xi32>
        %shift_left3A_280 = arith.constant 6 : i32
        %shift_left3A_281 = vector.broadcast %shift_left3A_280 : i32 to vector<16xi32>
        %shift_left3A_282 = arith.shli %xor3A_278, %shift_left3A_281 : vector<16xi32>
        %shift_right_logical3A_283 = arith.constant 26 : i32
        %shift_right_logical3A_284 = vector.broadcast %shift_right_logical3A_283 : i32 to vector<16xi32>
        %shift_right_logical3A_285 = arith.shrui %xor3A_278, %shift_right_logical3A_284 : vector<16xi32>
        %or3A_286 = arith.ori %shift_left3A_282, %shift_right_logical3A_285 : vector<16xi32>
        %xor3A_287 = arith.xori %or3A_286, %add3A_279 : vector<16xi32>
        %add3A_288 = arith.constant 0 : i32
        %add3A_289 = vector.broadcast %add3A_288 : i32 to vector<16xi32>
        %add3A_290 = arith.addi %add3A_279, %add3A_289 : vector<16xi32>
        %add3A_291 = arith.constant 42 : i32
        %add3A_292 = vector.broadcast %add3A_291 : i32 to vector<16xi32>
        %add3A_293 = arith.addi %xor3A_287, %add3A_292 : vector<16xi32>
        %add3A_294 = arith.constant 3 : i32
        %add3A_295 = vector.broadcast %add3A_294 : i32 to vector<16xi32>
        %add3A_296 = arith.addi %add3A_293, %add3A_295 : vector<16xi32>
        %add3A_297 = arith.addi %add3A_290, %add3A_296 : vector<16xi32>
        %shift_left3A_298 = arith.constant 17 : i32
        %shift_left3A_299 = vector.broadcast %shift_left3A_298 : i32 to vector<16xi32>
        %shift_left3A_300 = arith.shli %add3A_296, %shift_left3A_299 : vector<16xi32>
        %shift_right_logical3A_301 = arith.constant 15 : i32
        %shift_right_logical3A_302 = vector.broadcast %shift_right_logical3A_301 : i32 to vector<16xi32>
        %shift_right_logical3A_303 = arith.shrui %add3A_296, %shift_right_logical3A_302 : vector<16xi32>
        %or3A_304 = arith.ori %shift_left3A_300, %shift_right_logical3A_303 : vector<16xi32>
        %xor3A_305 = arith.xori %or3A_304, %add3A_297 : vector<16xi32>
        %add3A_306 = arith.addi %add3A_297, %xor3A_305 : vector<16xi32>
        %shift_left3A_307 = arith.constant 29 : i32
        %shift_left3A_308 = vector.broadcast %shift_left3A_307 : i32 to vector<16xi32>
        %shift_left3A_309 = arith.shli %xor3A_305, %shift_left3A_308 : vector<16xi32>
        %shift_right_logical3A_310 = arith.constant 3 : i32
        %shift_right_logical3A_311 = vector.broadcast %shift_right_logical3A_310 : i32 to vector<16xi32>
        %shift_right_logical3A_312 = arith.shrui %xor3A_305, %shift_right_logical3A_311 : vector<16xi32>
        %or3A_313 = arith.ori %shift_left3A_309, %shift_right_logical3A_312 : vector<16xi32>
        %xor3A_314 = arith.xori %or3A_313, %add3A_306 : vector<16xi32>
        %add3A_315 = arith.addi %add3A_306, %xor3A_314 : vector<16xi32>
        %shift_left3A_316 = arith.constant 16 : i32
        %shift_left3A_317 = vector.broadcast %shift_left3A_316 : i32 to vector<16xi32>
        %shift_left3A_318 = arith.shli %xor3A_314, %shift_left3A_317 : vector<16xi32>
        %shift_right_logical3A_319 = arith.constant 16 : i32
        %shift_right_logical3A_320 = vector.broadcast %shift_right_logical3A_319 : i32 to vector<16xi32>
        %shift_right_logical3A_321 = arith.shrui %xor3A_314, %shift_right_logical3A_320 : vector<16xi32>
        %or3A_322 = arith.ori %shift_left3A_318, %shift_right_logical3A_321 : vector<16xi32>
        %xor3A_323 = arith.xori %or3A_322, %add3A_315 : vector<16xi32>
        %add3A_324 = arith.addi %add3A_315, %xor3A_323 : vector<16xi32>
        %shift_left3A_325 = arith.constant 24 : i32
        %shift_left3A_326 = vector.broadcast %shift_left3A_325 : i32 to vector<16xi32>
        %shift_left3A_327 = arith.shli %xor3A_323, %shift_left3A_326 : vector<16xi32>
        %shift_right_logical3A_328 = arith.constant 8 : i32
        %shift_right_logical3A_329 = vector.broadcast %shift_right_logical3A_328 : i32 to vector<16xi32>
        %shift_right_logical3A_330 = arith.shrui %xor3A_323, %shift_right_logical3A_329 : vector<16xi32>
        %or3A_331 = arith.ori %shift_left3A_327, %shift_right_logical3A_330 : vector<16xi32>
        %xor3A_332 = arith.xori %or3A_331, %add3A_324 : vector<16xi32>
        %add3A_333 = arith.constant 42 : i32
        %add3A_334 = vector.broadcast %add3A_333 : i32 to vector<16xi32>
        %add3A_335 = arith.addi %add3A_324, %add3A_334 : vector<16xi32>
        %add3A_336 = arith.constant 466689008 : i32
        %add3A_337 = vector.broadcast %add3A_336 : i32 to vector<16xi32>
        %add3A_338 = arith.addi %xor3A_332, %add3A_337 : vector<16xi32>
        %add3A_339 = arith.constant 4 : i32
        %add3A_340 = vector.broadcast %add3A_339 : i32 to vector<16xi32>
        %add3A_341 = arith.addi %add3A_338, %add3A_340 : vector<16xi32>
        %add3A_342 = arith.addi %add3A_335, %add3A_341 : vector<16xi32>
        %shift_left3A_343 = arith.constant 13 : i32
        %shift_left3A_344 = vector.broadcast %shift_left3A_343 : i32 to vector<16xi32>
        %shift_left3A_345 = arith.shli %add3A_341, %shift_left3A_344 : vector<16xi32>
        %shift_right_logical3A_346 = arith.constant 19 : i32
        %shift_right_logical3A_347 = vector.broadcast %shift_right_logical3A_346 : i32 to vector<16xi32>
        %shift_right_logical3A_348 = arith.shrui %add3A_341, %shift_right_logical3A_347 : vector<16xi32>
        %or3A_349 = arith.ori %shift_left3A_345, %shift_right_logical3A_348 : vector<16xi32>
        %xor3A_350 = arith.xori %or3A_349, %add3A_342 : vector<16xi32>
        %add3A_351 = arith.addi %add3A_342, %xor3A_350 : vector<16xi32>
        %shift_left3A_352 = arith.constant 15 : i32
        %shift_left3A_353 = vector.broadcast %shift_left3A_352 : i32 to vector<16xi32>
        %shift_left3A_354 = arith.shli %xor3A_350, %shift_left3A_353 : vector<16xi32>
        %shift_right_logical3A_355 = arith.constant 17 : i32
        %shift_right_logical3A_356 = vector.broadcast %shift_right_logical3A_355 : i32 to vector<16xi32>
        %shift_right_logical3A_357 = arith.shrui %xor3A_350, %shift_right_logical3A_356 : vector<16xi32>
        %or3A_358 = arith.ori %shift_left3A_354, %shift_right_logical3A_357 : vector<16xi32>
        %xor3A_359 = arith.xori %or3A_358, %add3A_351 : vector<16xi32>
        %add3A_360 = arith.addi %add3A_351, %xor3A_359 : vector<16xi32>
        %shift_left3A_361 = arith.constant 26 : i32
        %shift_left3A_362 = vector.broadcast %shift_left3A_361 : i32 to vector<16xi32>
        %shift_left3A_363 = arith.shli %xor3A_359, %shift_left3A_362 : vector<16xi32>
        %shift_right_logical3A_364 = arith.constant 6 : i32
        %shift_right_logical3A_365 = vector.broadcast %shift_right_logical3A_364 : i32 to vector<16xi32>
        %shift_right_logical3A_366 = arith.shrui %xor3A_359, %shift_right_logical3A_365 : vector<16xi32>
        %or3A_367 = arith.ori %shift_left3A_363, %shift_right_logical3A_366 : vector<16xi32>
        %xor3A_368 = arith.xori %or3A_367, %add3A_360 : vector<16xi32>
        %add3A_369 = arith.addi %add3A_360, %xor3A_368 : vector<16xi32>
        %shift_left3A_370 = arith.constant 6 : i32
        %shift_left3A_371 = vector.broadcast %shift_left3A_370 : i32 to vector<16xi32>
        %shift_left3A_372 = arith.shli %xor3A_368, %shift_left3A_371 : vector<16xi32>
        %shift_right_logical3A_373 = arith.constant 26 : i32
        %shift_right_logical3A_374 = vector.broadcast %shift_right_logical3A_373 : i32 to vector<16xi32>
        %shift_right_logical3A_375 = arith.shrui %xor3A_368, %shift_right_logical3A_374 : vector<16xi32>
        %or3A_376 = arith.ori %shift_left3A_372, %shift_right_logical3A_375 : vector<16xi32>
        %xor3A_377 = arith.xori %or3A_376, %add3A_369 : vector<16xi32>
        %add3A_378 = arith.constant 466689008 : i32
        %add3A_379 = vector.broadcast %add3A_378 : i32 to vector<16xi32>
        %add3A_380 = arith.addi %add3A_369, %add3A_379 : vector<16xi32>
        %add3A_381 = arith.constant 0 : i32
        %add3A_382 = vector.broadcast %add3A_381 : i32 to vector<16xi32>
        %add3A_383 = arith.addi %xor3A_377, %add3A_382 : vector<16xi32>
        %add3A_384 = arith.constant 5 : i32
        %add3A_385 = vector.broadcast %add3A_384 : i32 to vector<16xi32>
        %add3A_386 = arith.addi %add3A_383, %add3A_385 : vector<16xi32>
        %xor3A_387 = arith.xori %add3A_380, %add3A_386 : vector<16xi32>
        %shift_right_logical3A_388 = arith.constant 9 : i32
        %shift_right_logical3A_389 = vector.broadcast %shift_right_logical3A_388 : i32 to vector<16xi32>
        %shift_right_logical3A_390 = arith.shrui %xor3A_387, %shift_right_logical3A_389 : vector<16xi32>
        %convert_element_type3A_391 = arith.sitofp %shift_right_logical3A_390 : vector<16xi32> to vector<16xf32>
        %mul3A_392 = arith.constant 1.1920929E-7 : f32
        %mul3A_393 = vector.broadcast %mul3A_392 : f32 to vector<16xf32>
        %mul3A_394 = arith.mulf %convert_element_type3A_391, %mul3A_393 : vector<16xf32>
        %max3A = arith.constant 1.17549435E-38 : f32
        %max3A_395 = vector.broadcast %max3A : f32 to vector<16xf32>
        %max3A_396 = arith.maximumf %mul3A_394, %max3A_395 : vector<16xf32>
        %sub3A_397 = arith.constant 0x4B000000 : f32
        %sub3A_398 = vector.broadcast %sub3A_397 : f32 to vector<16xf32>
        %sub3A_399 = arith.subf %convert_element_type3A_391, %sub3A_398 : vector<16xf32>
        %mul3A_400 = arith.constant 1.1920929E-7 : f32
        %mul3A_401 = vector.broadcast %mul3A_400 : f32 to vector<16xf32>
        %mul3A_402 = arith.mulf %sub3A_399, %mul3A_401 : vector<16xf32>
        %broadcast_in_dim3A_403 = arith.constant -0.334263474 : f32
        %broadcast_in_dim3A_404 = vector.broadcast %broadcast_in_dim3A_403 : f32 to vector<16xf32>
        %mul3A_405 = arith.mulf %broadcast_in_dim3A_404, %mul3A_402 : vector<16xf32>
        %add3A_406 = arith.constant 0.0407187231 : f32
        %add3A_407 = vector.broadcast %add3A_406 : f32 to vector<16xf32>
        %add3A_408 = arith.addf %mul3A_405, %add3A_407 : vector<16xf32>
        %mul3A_409 = arith.mulf %add3A_408, %mul3A_402 : vector<16xf32>
        %add3A_410 = arith.constant -0.190590665 : f32
        %add3A_411 = vector.broadcast %add3A_410 : f32 to vector<16xf32>
        %add3A_412 = arith.addf %mul3A_409, %add3A_411 : vector<16xf32>
        %mul3A_413 = arith.mulf %add3A_412, %mul3A_402 : vector<16xf32>
        %add3A_414 = arith.constant 0.196964383 : f32
        %add3A_415 = vector.broadcast %add3A_414 : f32 to vector<16xf32>
        %add3A_416 = arith.addf %mul3A_413, %add3A_415 : vector<16xf32>
        %mul3A_417 = arith.mulf %add3A_416, %mul3A_402 : vector<16xf32>
        %add3A_418 = arith.constant -0.250209928 : f32
        %add3A_419 = vector.broadcast %add3A_418 : f32 to vector<16xf32>
        %add3A_420 = arith.addf %mul3A_417, %add3A_419 : vector<16xf32>
        %mul3A_421 = arith.mulf %add3A_420, %mul3A_402 : vector<16xf32>
        %add3A_422 = arith.constant 0.333325982 : f32
        %add3A_423 = vector.broadcast %add3A_422 : f32 to vector<16xf32>
        %add3A_424 = arith.addf %mul3A_421, %add3A_423 : vector<16xf32>
        %mul3A_425 = arith.mulf %add3A_424, %mul3A_402 : vector<16xf32>
        %add3A_426 = arith.constant -0.500000119 : f32
        %add3A_427 = vector.broadcast %add3A_426 : f32 to vector<16xf32>
        %add3A_428 = arith.addf %mul3A_425, %add3A_427 : vector<16xf32>
        %mul3A_429 = arith.mulf %add3A_428, %mul3A_402 : vector<16xf32>
        %add3A_430 = arith.constant 1.000000e+00 : f32
        %add3A_431 = vector.broadcast %add3A_430 : f32 to vector<16xf32>
        %add3A_432 = arith.addf %mul3A_429, %add3A_431 : vector<16xf32>
        %mul3A_433 = arith.mulf %mul3A_402, %add3A_432 : vector<16xf32>
        %neg3A = arith.constant 0.000000e+00 : f32
        %neg3A_434 = vector.broadcast %neg3A : f32 to vector<16xf32>
        %neg3A_435 = arith.subf %neg3A_434, %mul3A_433 : vector<16xf32>
        %bitcast_convert_type3A = tpu.bitcast %max3A_396 : vector<16xf32> -> vector<16xi32>
        %shift_right_logical3A_436 = arith.constant 23 : i32
        %shift_right_logical3A_437 = vector.broadcast %shift_right_logical3A_436 : i32 to vector<16xi32>
        %shift_right_logical3A_438 = arith.shrui %bitcast_convert_type3A, %shift_right_logical3A_437 : vector<16xi32>
        %sub3A_439 = arith.constant 127 : i32
        %sub3A_440 = vector.broadcast %sub3A_439 : i32 to vector<16xi32>
        %sub3A_441 = arith.subi %shift_right_logical3A_438, %sub3A_440 : vector<16xi32>
        %and3A_442 = arith.constant 8388607 : i32
        %and3A_443 = vector.broadcast %and3A_442 : i32 to vector<16xi32>
        %and3A_444 = arith.andi %bitcast_convert_type3A, %and3A_443 : vector<16xi32>
        %or3A_445 = arith.constant 1065353216 : i32
        %or3A_446 = vector.broadcast %or3A_445 : i32 to vector<16xi32>
        %or3A_447 = arith.ori %and3A_444, %or3A_446 : vector<16xi32>
        %bitcast_convert_type3A_448 = tpu.bitcast %or3A_447 : vector<16xi32> -> vector<16xf32>
        %ge3A = arith.constant 1.41421354 : f32
        %ge3A_449 = vector.broadcast %ge3A : f32 to vector<16xf32>
        %ge3A_450 = arith.cmpf oge, %bitcast_convert_type3A_448, %ge3A_449 : vector<16xf32>
        %mul3A_451 = arith.constant 5.000000e-01 : f32
        %mul3A_452 = vector.broadcast %mul3A_451 : f32 to vector<16xf32>
        %mul3A_453 = arith.mulf %bitcast_convert_type3A_448, %mul3A_452 : vector<16xf32>
        %select_n3A_454 = arith.select %ge3A_450, %mul3A_453, %bitcast_convert_type3A_448 : vector<16xi1>, vector<16xf32>
        %add3A_455 = arith.constant 1 : i32
        %add3A_456 = vector.broadcast %add3A_455 : i32 to vector<16xi32>
        %add3A_457 = arith.addi %sub3A_441, %add3A_456 : vector<16xi32>
        %select_n3A_458 = arith.select %ge3A_450, %add3A_457, %sub3A_441 : vector<16xi1>, vector<16xi32>
        %sub3A_459 = arith.constant 1.000000e+00 : f32
        %sub3A_460 = vector.broadcast %sub3A_459 : f32 to vector<16xf32>
        %sub3A_461 = arith.subf %select_n3A_454, %sub3A_460 : vector<16xf32>
        %broadcast_in_dim3A_462 = arith.constant -0.0991365611 : f32
        %broadcast_in_dim3A_463 = vector.broadcast %broadcast_in_dim3A_462 : f32 to vector<16xf32>
        %mul3A_464 = arith.mulf %broadcast_in_dim3A_463, %sub3A_461 : vector<16xf32>
        %add3A_465 = arith.constant 0.163385555 : f32
        %add3A_466 = vector.broadcast %add3A_465 : f32 to vector<16xf32>
        %add3A_467 = arith.addf %mul3A_464, %add3A_466 : vector<16xf32>
        %mul3A_468 = arith.mulf %add3A_467, %sub3A_461 : vector<16xf32>
        %add3A_469 = arith.constant -0.173631534 : f32
        %add3A_470 = vector.broadcast %add3A_469 : f32 to vector<16xf32>
        %add3A_471 = arith.addf %mul3A_468, %add3A_470 : vector<16xf32>
        %mul3A_472 = arith.mulf %add3A_471, %sub3A_461 : vector<16xf32>
        %add3A_473 = arith.constant 0.198853612 : f32
        %add3A_474 = vector.broadcast %add3A_473 : f32 to vector<16xf32>
        %add3A_475 = arith.addf %mul3A_472, %add3A_474 : vector<16xf32>
        %mul3A_476 = arith.mulf %add3A_475, %sub3A_461 : vector<16xf32>
        %add3A_477 = arith.constant -0.249577805 : f32
        %add3A_478 = vector.broadcast %add3A_477 : f32 to vector<16xf32>
        %add3A_479 = arith.addf %mul3A_476, %add3A_478 : vector<16xf32>
        %mul3A_480 = arith.mulf %add3A_479, %sub3A_461 : vector<16xf32>
        %add3A_481 = arith.constant 0.333356887 : f32
        %add3A_482 = vector.broadcast %add3A_481 : f32 to vector<16xf32>
        %add3A_483 = arith.addf %mul3A_480, %add3A_482 : vector<16xf32>
        %mul3A_484 = arith.mulf %add3A_483, %sub3A_461 : vector<16xf32>
        %add3A_485 = arith.constant -5.000070e-01 : f32
        %add3A_486 = vector.broadcast %add3A_485 : f32 to vector<16xf32>
        %add3A_487 = arith.addf %mul3A_484, %add3A_486 : vector<16xf32>
        %mul3A_488 = arith.mulf %add3A_487, %sub3A_461 : vector<16xf32>
        %add3A_489 = arith.constant 0.999999821 : f32
        %add3A_490 = vector.broadcast %add3A_489 : f32 to vector<16xf32>
        %add3A_491 = arith.addf %mul3A_488, %add3A_490 : vector<16xf32>
        %mul3A_492 = arith.mulf %add3A_491, %sub3A_461 : vector<16xf32>
        %convert_element_type3A_493 = arith.sitofp %select_n3A_458 : vector<16xi32> to vector<16xf32>
        %mul3A_494 = arith.constant 0.693147182 : f32
        %mul3A_495 = vector.broadcast %mul3A_494 : f32 to vector<16xf32>
        %mul3A_496 = arith.mulf %convert_element_type3A_493, %mul3A_495 : vector<16xf32>
        %add3A_497 = arith.addf %mul3A_496, %mul3A_492 : vector<16xf32>
        %neg3A_498 = arith.constant 0.000000e+00 : f32
        %neg3A_499 = vector.broadcast %neg3A_498 : f32 to vector<16xf32>
        %neg3A_500 = arith.subf %neg3A_499, %add3A_497 : vector<16xf32>
        %ge3A_501 = arith.constant 6291456 : i32
        %ge3A_502 = vector.broadcast %ge3A_501 : i32 to vector<16xi32>
        %ge3A_503 = arith.cmpi sge, %shift_right_logical3A_390, %ge3A_502 : vector<16xi32>
        %select_n3A_504 = arith.select %ge3A_503, %neg3A_435, %neg3A_500 : vector<16xi1>, vector<16xf32>
        %bitcast_convert_type3A_505 = tpu.bitcast %select_n3A_504 : vector<16xf32> -> vector<16xi32>
        %shift_right_logical3A_506 = arith.constant 23 : i32
        %shift_right_logical3A_507 = vector.broadcast %shift_right_logical3A_506 : i32 to vector<16xi32>
        %shift_right_logical3A_508 = arith.shrui %bitcast_convert_type3A_505, %shift_right_logical3A_507 : vector<16xi32>
        %sub3A_509 = arith.constant 127 : i32
        %sub3A_510 = vector.broadcast %sub3A_509 : i32 to vector<16xi32>
        %sub3A_511 = arith.subi %shift_right_logical3A_508, %sub3A_510 : vector<16xi32>
        %and3A_512 = arith.constant 8388607 : i32
        %and3A_513 = vector.broadcast %and3A_512 : i32 to vector<16xi32>
        %and3A_514 = arith.andi %bitcast_convert_type3A_505, %and3A_513 : vector<16xi32>
        %or3A_515 = arith.constant 1065353216 : i32
        %or3A_516 = vector.broadcast %or3A_515 : i32 to vector<16xi32>
        %or3A_517 = arith.ori %and3A_514, %or3A_516 : vector<16xi32>
        %bitcast_convert_type3A_518 = tpu.bitcast %or3A_517 : vector<16xi32> -> vector<16xf32>
        %ge3A_519 = arith.constant 1.41421354 : f32
        %ge3A_520 = vector.broadcast %ge3A_519 : f32 to vector<16xf32>
        %ge3A_521 = arith.cmpf oge, %bitcast_convert_type3A_518, %ge3A_520 : vector<16xf32>
        %mul3A_522 = arith.constant 5.000000e-01 : f32
        %mul3A_523 = vector.broadcast %mul3A_522 : f32 to vector<16xf32>
        %mul3A_524 = arith.mulf %bitcast_convert_type3A_518, %mul3A_523 : vector<16xf32>
        %select_n3A_525 = arith.select %ge3A_521, %mul3A_524, %bitcast_convert_type3A_518 : vector<16xi1>, vector<16xf32>
        %add3A_526 = arith.constant 1 : i32
        %add3A_527 = vector.broadcast %add3A_526 : i32 to vector<16xi32>
        %add3A_528 = arith.addi %sub3A_511, %add3A_527 : vector<16xi32>
        %select_n3A_529 = arith.select %ge3A_521, %add3A_528, %sub3A_511 : vector<16xi1>, vector<16xi32>
        %sub3A_530 = arith.constant 1.000000e+00 : f32
        %sub3A_531 = vector.broadcast %sub3A_530 : f32 to vector<16xf32>
        %sub3A_532 = arith.subf %select_n3A_525, %sub3A_531 : vector<16xf32>
        %broadcast_in_dim3A_533 = arith.constant 0.114490829 : f32
        %broadcast_in_dim3A_534 = vector.broadcast %broadcast_in_dim3A_533 : f32 to vector<16xf32>
        %mul3A_535 = arith.mulf %broadcast_in_dim3A_534, %sub3A_532 : vector<16xf32>
        %add3A_536 = arith.constant -0.187792078 : f32
        %add3A_537 = vector.broadcast %add3A_536 : f32 to vector<16xf32>
        %add3A_538 = arith.addf %mul3A_535, %add3A_537 : vector<16xf32>
        %mul3A_539 = arith.mulf %add3A_538, %sub3A_532 : vector<16xf32>
        %add3A_540 = arith.constant 0.206738353 : f32
        %add3A_541 = vector.broadcast %add3A_540 : f32 to vector<16xf32>
        %add3A_542 = arith.addf %mul3A_539, %add3A_541 : vector<16xf32>
        %mul3A_543 = arith.mulf %add3A_542, %sub3A_532 : vector<16xf32>
        %add3A_544 = arith.constant -0.248981208 : f32
        %add3A_545 = vector.broadcast %add3A_544 : f32 to vector<16xf32>
        %add3A_546 = arith.addf %mul3A_543, %add3A_545 : vector<16xf32>
        %mul3A_547 = arith.mulf %add3A_546, %sub3A_532 : vector<16xf32>
        %add3A_548 = arith.constant 0.332989544 : f32
        %add3A_549 = vector.broadcast %add3A_548 : f32 to vector<16xf32>
        %add3A_550 = arith.addf %mul3A_547, %add3A_549 : vector<16xf32>
        %mul3A_551 = arith.mulf %add3A_550, %sub3A_532 : vector<16xf32>
        %add3A_552 = arith.constant -0.500014484 : f32
        %add3A_553 = vector.broadcast %add3A_552 : f32 to vector<16xf32>
        %add3A_554 = arith.addf %mul3A_551, %add3A_553 : vector<16xf32>
        %mul3A_555 = arith.mulf %add3A_554, %sub3A_532 : vector<16xf32>
        %add3A_556 = arith.constant 1.00000417 : f32
        %add3A_557 = vector.broadcast %add3A_556 : f32 to vector<16xf32>
        %add3A_558 = arith.addf %mul3A_555, %add3A_557 : vector<16xf32>
        %mul3A_559 = arith.mulf %add3A_558, %sub3A_532 : vector<16xf32>
        %convert_element_type3A_560 = arith.sitofp %select_n3A_529 : vector<16xi32> to vector<16xf32>
        %mul3A_561 = arith.constant 0.693147182 : f32
        %mul3A_562 = vector.broadcast %mul3A_561 : f32 to vector<16xf32>
        %mul3A_563 = arith.mulf %convert_element_type3A_560, %mul3A_562 : vector<16xf32>
        %add3A_564 = arith.addf %mul3A_563, %mul3A_559 : vector<16xf32>
        %neg3A_565 = arith.constant 0.000000e+00 : f32
        %neg3A_566 = vector.broadcast %neg3A_565 : f32 to vector<16xf32>
        %neg3A_567 = arith.subf %neg3A_566, %add3A_564 : vector<16xf32>
        %add3A_568 = arith.addf %get3A_152, %neg3A_567 : vector<16xf32>
        %mul3A_569 = arith.constant 16 : i32
        %mul3A_570 = arith.muli %scan3A_145, %mul3A_569 : i32
        %add3A_571 = arith.addi %add3A_135, %mul3A_570 : i32
        %add3A_572 = vector.broadcast %add3A_571 : i32 to vector<16xi32>
        %add3A_573 = arith.addi %add3A_572, %iota3A : vector<16xi32>
        %gt3A = arith.cmpf ogt, %add3A_568, %scan3A_146 : vector<16xf32>
        %select_n3A_574 = arith.select %gt3A, %add3A_568, %scan3A_146 : vector<16xi1>, vector<16xf32>
        %select_n3A_575 = arith.select %gt3A, %add3A_573, %scan3A_147 : vector<16xi1>, vector<16xi32>
        %scan3A_576 = arith.constant 1 : i32
        %scan3A_577 = arith.addi %scan3A_145, %scan3A_576 : i32
        %mul3A_578 = arith.constant 16 : i32
        %mul3A_579 = arith.muli %scan3A_577, %mul3A_578 : i32
        %add3A_580 = arith.addi %mul3A_121, %mul3A_579 : i32
        %get3A_581 = arith.index_cast %add3A_580 : i32 to index
        %get3A_582 = tpu.vector_load %arg5[%get3A_581] {strides = array<i32>} : memref<32768xf32, #tpu.memory_space<vmem>>, vector<16xf32>,
        %get3A_583 = vector.shape_cast %get3A_582 : vector<16xf32> to vector<16xf32>
        %mul3A_584 = arith.constant 16 : i32
        %mul3A_585 = arith.muli %scan3A_577, %mul3A_584 : i32
        %add3A_586 = arith.addi %add3A_138, %mul3A_585 : i32
        %add3A_587 = vector.broadcast %add3A_586 : i32 to vector<16xi32>
        %add3A_588 = arith.addi %add3A_587, %iota3A : vector<16xi32>
        %broadcast_in_dim3A_589 = arith.constant 0 : i32
        %broadcast_in_dim3A_590 = vector.broadcast %broadcast_in_dim3A_589 : i32 to vector<16xi32>
        %add3A_591 = arith.constant 0 : i32
        %add3A_592 = vector.broadcast %add3A_591 : i32 to vector<16xi32>
        %add3A_593 = arith.addi %broadcast_in_dim3A_590, %add3A_592 : vector<16xi32>
        %add3A_594 = arith.constant 42 : i32
        %add3A_595 = vector.broadcast %add3A_594 : i32 to vector<16xi32>
        %add3A_596 = arith.addi %add3A_588, %add3A_595 : vector<16xi32>
        %add3A_597 = arith.addi %add3A_593, %add3A_596 : vector<16xi32>
        %shift_left3A_598 = arith.constant 13 : i32
        %shift_left3A_599 = vector.broadcast %shift_left3A_598 : i32 to vector<16xi32>
        %shift_left3A_600 = arith.shli %add3A_596, %shift_left3A_599 : vector<16xi32>
        %shift_right_logical3A_601 = arith.constant 19 : i32
        %shift_right_logical3A_602 = vector.broadcast %shift_right_logical3A_601 : i32 to vector<16xi32>
        %shift_right_logical3A_603 = arith.shrui %add3A_596, %shift_right_logical3A_602 : vector<16xi32>
        %or3A_604 = arith.ori %shift_left3A_600, %shift_right_logical3A_603 : vector<16xi32>
        %xor3A_605 = arith.xori %or3A_604, %add3A_597 : vector<16xi32>
        %add3A_606 = arith.addi %add3A_597, %xor3A_605 : vector<16xi32>
        %shift_left3A_607 = arith.constant 15 : i32
        %shift_left3A_608 = vector.broadcast %shift_left3A_607 : i32 to vector<16xi32>
        %shift_left3A_609 = arith.shli %xor3A_605, %shift_left3A_608 : vector<16xi32>
        %shift_right_logical3A_610 = arith.constant 17 : i32
        %shift_right_logical3A_611 = vector.broadcast %shift_right_logical3A_610 : i32 to vector<16xi32>
        %shift_right_logical3A_612 = arith.shrui %xor3A_605, %shift_right_logical3A_611 : vector<16xi32>
        %or3A_613 = arith.ori %shift_left3A_609, %shift_right_logical3A_612 : vector<16xi32>
        %xor3A_614 = arith.xori %or3A_613, %add3A_606 : vector<16xi32>
        %add3A_615 = arith.addi %add3A_606, %xor3A_614 : vector<16xi32>
        %shift_left3A_616 = arith.constant 26 : i32
        %shift_left3A_617 = vector.broadcast %shift_left3A_616 : i32 to vector<16xi32>
        %shift_left3A_618 = arith.shli %xor3A_614, %shift_left3A_617 : vector<16xi32>
        %shift_right_logical3A_619 = arith.constant 6 : i32
        %shift_right_logical3A_620 = vector.broadcast %shift_right_logical3A_619 : i32 to vector<16xi32>
        %shift_right_logical3A_621 = arith.shrui %xor3A_614, %shift_right_logical3A_620 : vector<16xi32>
        %or3A_622 = arith.ori %shift_left3A_618, %shift_right_logical3A_621 : vector<16xi32>
        %xor3A_623 = arith.xori %or3A_622, %add3A_615 : vector<16xi32>
        %add3A_624 = arith.addi %add3A_615, %xor3A_623 : vector<16xi32>
        %shift_left3A_625 = arith.constant 6 : i32
        %shift_left3A_626 = vector.broadcast %shift_left3A_625 : i32 to vector<16xi32>
        %shift_left3A_627 = arith.shli %xor3A_623, %shift_left3A_626 : vector<16xi32>
        %shift_right_logical3A_628 = arith.constant 26 : i32
        %shift_right_logical3A_629 = vector.broadcast %shift_right_logical3A_628 : i32 to vector<16xi32>
        %shift_right_logical3A_630 = arith.shrui %xor3A_623, %shift_right_logical3A_629 : vector<16xi32>
        %or3A_631 = arith.ori %shift_left3A_627, %shift_right_logical3A_630 : vector<16xi32>
        %xor3A_632 = arith.xori %or3A_631, %add3A_624 : vector<16xi32>
        %add3A_633 = arith.constant 42 : i32
        %add3A_634 = vector.broadcast %add3A_633 : i32 to vector<16xi32>
        %add3A_635 = arith.addi %add3A_624, %add3A_634 : vector<16xi32>
        %add3A_636 = arith.constant 466689008 : i32
        %add3A_637 = vector.broadcast %add3A_636 : i32 to vector<16xi32>
        %add3A_638 = arith.addi %xor3A_632, %add3A_637 : vector<16xi32>
        %add3A_639 = arith.constant 1 : i32
        %add3A_640 = vector.broadcast %add3A_639 : i32 to vector<16xi32>
        %add3A_641 = arith.addi %add3A_638, %add3A_640 : vector<16xi32>
        %add3A_642 = arith.addi %add3A_635, %add3A_641 : vector<16xi32>
        %shift_left3A_643 = arith.constant 17 : i32
        %shift_left3A_644 = vector.broadcast %shift_left3A_643 : i32 to vector<16xi32>
        %shift_left3A_645 = arith.shli %add3A_641, %shift_left3A_644 : vector<16xi32>
        %shift_right_logical3A_646 = arith.constant 15 : i32
        %shift_right_logical3A_647 = vector.broadcast %shift_right_logical3A_646 : i32 to vector<16xi32>
        %shift_right_logical3A_648 = arith.shrui %add3A_641, %shift_right_logical3A_647 : vector<16xi32>
        %or3A_649 = arith.ori %shift_left3A_645, %shift_right_logical3A_648 : vector<16xi32>
        %xor3A_650 = arith.xori %or3A_649, %add3A_642 : vector<16xi32>
        %add3A_651 = arith.addi %add3A_642, %xor3A_650 : vector<16xi32>
        %shift_left3A_652 = arith.constant 29 : i32
        %shift_left3A_653 = vector.broadcast %shift_left3A_652 : i32 to vector<16xi32>
        %shift_left3A_654 = arith.shli %xor3A_650, %shift_left3A_653 : vector<16xi32>
        %shift_right_logical3A_655 = arith.constant 3 : i32
        %shift_right_logical3A_656 = vector.broadcast %shift_right_logical3A_655 : i32 to vector<16xi32>
        %shift_right_logical3A_657 = arith.shrui %xor3A_650, %shift_right_logical3A_656 : vector<16xi32>
        %or3A_658 = arith.ori %shift_left3A_654, %shift_right_logical3A_657 : vector<16xi32>
        %xor3A_659 = arith.xori %or3A_658, %add3A_651 : vector<16xi32>
        %add3A_660 = arith.addi %add3A_651, %xor3A_659 : vector<16xi32>
        %shift_left3A_661 = arith.constant 16 : i32
        %shift_left3A_662 = vector.broadcast %shift_left3A_661 : i32 to vector<16xi32>
        %shift_left3A_663 = arith.shli %xor3A_659, %shift_left3A_662 : vector<16xi32>
        %shift_right_logical3A_664 = arith.constant 16 : i32
        %shift_right_logical3A_665 = vector.broadcast %shift_right_logical3A_664 : i32 to vector<16xi32>
        %shift_right_logical3A_666 = arith.shrui %xor3A_659, %shift_right_logical3A_665 : vector<16xi32>
        %or3A_667 = arith.ori %shift_left3A_663, %shift_right_logical3A_666 : vector<16xi32>
        %xor3A_668 = arith.xori %or3A_667, %add3A_660 : vector<16xi32>
        %add3A_669 = arith.addi %add3A_660, %xor3A_668 : vector<16xi32>
        %shift_left3A_670 = arith.constant 24 : i32
        %shift_left3A_671 = vector.broadcast %shift_left3A_670 : i32 to vector<16xi32>
        %shift_left3A_672 = arith.shli %xor3A_668, %shift_left3A_671 : vector<16xi32>
        %shift_right_logical3A_673 = arith.constant 8 : i32
        %shift_right_logical3A_674 = vector.broadcast %shift_right_logical3A_673 : i32 to vector<16xi32>
        %shift_right_logical3A_675 = arith.shrui %xor3A_668, %shift_right_logical3A_674 : vector<16xi32>
        %or3A_676 = arith.ori %shift_left3A_672, %shift_right_logical3A_675 : vector<16xi32>
        %xor3A_677 = arith.xori %or3A_676, %add3A_669 : vector<16xi32>
        %add3A_678 = arith.constant 466689008 : i32
        %add3A_679 = vector.broadcast %add3A_678 : i32 to vector<16xi32>
        %add3A_680 = arith.addi %add3A_669, %add3A_679 : vector<16xi32>
        %add3A_681 = arith.constant 0 : i32
        %add3A_682 = vector.broadcast %add3A_681 : i32 to vector<16xi32>
        %add3A_683 = arith.addi %xor3A_677, %add3A_682 : vector<16xi32>
        %add3A_684 = arith.constant 2 : i32
        %add3A_685 = vector.broadcast %add3A_684 : i32 to vector<16xi32>
        %add3A_686 = arith.addi %add3A_683, %add3A_685 : vector<16xi32>
        %add3A_687 = arith.addi %add3A_680, %add3A_686 : vector<16xi32>
        %shift_left3A_688 = arith.constant 13 : i32
        %shift_left3A_689 = vector.broadcast %shift_left3A_688 : i32 to vector<16xi32>
        %shift_left3A_690 = arith.shli %add3A_686, %shift_left3A_689 : vector<16xi32>
        %shift_right_logical3A_691 = arith.constant 19 : i32
        %shift_right_logical3A_692 = vector.broadcast %shift_right_logical3A_691 : i32 to vector<16xi32>
        %shift_right_logical3A_693 = arith.shrui %add3A_686, %shift_right_logical3A_692 : vector<16xi32>
        %or3A_694 = arith.ori %shift_left3A_690, %shift_right_logical3A_693 : vector<16xi32>
        %xor3A_695 = arith.xori %or3A_694, %add3A_687 : vector<16xi32>
        %add3A_696 = arith.addi %add3A_687, %xor3A_695 : vector<16xi32>
        %shift_left3A_697 = arith.constant 15 : i32
        %shift_left3A_698 = vector.broadcast %shift_left3A_697 : i32 to vector<16xi32>
        %shift_left3A_699 = arith.shli %xor3A_695, %shift_left3A_698 : vector<16xi32>
        %shift_right_logical3A_700 = arith.constant 17 : i32
        %shift_right_logical3A_701 = vector.broadcast %shift_right_logical3A_700 : i32 to vector<16xi32>
        %shift_right_logical3A_702 = arith.shrui %xor3A_695, %shift_right_logical3A_701 : vector<16xi32>
        %or3A_703 = arith.ori %shift_left3A_699, %shift_right_logical3A_702 : vector<16xi32>
        %xor3A_704 = arith.xori %or3A_703, %add3A_696 : vector<16xi32>
        %add3A_705 = arith.addi %add3A_696, %xor3A_704 : vector<16xi32>
        %shift_left3A_706 = arith.constant 26 : i32
        %shift_left3A_707 = vector.broadcast %shift_left3A_706 : i32 to vector<16xi32>
        %shift_left3A_708 = arith.shli %xor3A_704, %shift_left3A_707 : vector<16xi32>
        %shift_right_logical3A_709 = arith.constant 6 : i32
        %shift_right_logical3A_710 = vector.broadcast %shift_right_logical3A_709 : i32 to vector<16xi32>
        %shift_right_logical3A_711 = arith.shrui %xor3A_704, %shift_right_logical3A_710 : vector<16xi32>
        %or3A_712 = arith.ori %shift_left3A_708, %shift_right_logical3A_711 : vector<16xi32>
        %xor3A_713 = arith.xori %or3A_712, %add3A_705 : vector<16xi32>
        %add3A_714 = arith.addi %add3A_705, %xor3A_713 : vector<16xi32>
        %shift_left3A_715 = arith.constant 6 : i32
        %shift_left3A_716 = vector.broadcast %shift_left3A_715 : i32 to vector<16xi32>
        %shift_left3A_717 = arith.shli %xor3A_713, %shift_left3A_716 : vector<16xi32>
        %shift_right_logical3A_718 = arith.constant 26 : i32
        %shift_right_logical3A_719 = vector.broadcast %shift_right_logical3A_718 : i32 to vector<16xi32>
        %shift_right_logical3A_720 = arith.shrui %xor3A_713, %shift_right_logical3A_719 : vector<16xi32>
        %or3A_721 = arith.ori %shift_left3A_717, %shift_right_logical3A_720 : vector<16xi32>
        %xor3A_722 = arith.xori %or3A_721, %add3A_714 : vector<16xi32>
        %add3A_723 = arith.constant 0 : i32
        %add3A_724 = vector.broadcast %add3A_723 : i32 to vector<16xi32>
        %add3A_725 = arith.addi %add3A_714, %add3A_724 : vector<16xi32>
        %add3A_726 = arith.constant 42 : i32
        %add3A_727 = vector.broadcast %add3A_726 : i32 to vector<16xi32>
        %add3A_728 = arith.addi %xor3A_722, %add3A_727 : vector<16xi32>
        %add3A_729 = arith.constant 3 : i32
        %add3A_730 = vector.broadcast %add3A_729 : i32 to vector<16xi32>
        %add3A_731 = arith.addi %add3A_728, %add3A_730 : vector<16xi32>
        %add3A_732 = arith.addi %add3A_725, %add3A_731 : vector<16xi32>
        %shift_left3A_733 = arith.constant 17 : i32
        %shift_left3A_734 = vector.broadcast %shift_left3A_733 : i32 to vector<16xi32>
        %shift_left3A_735 = arith.shli %add3A_731, %shift_left3A_734 : vector<16xi32>
        %shift_right_logical3A_736 = arith.constant 15 : i32
        %shift_right_logical3A_737 = vector.broadcast %shift_right_logical3A_736 : i32 to vector<16xi32>
        %shift_right_logical3A_738 = arith.shrui %add3A_731, %shift_right_logical3A_737 : vector<16xi32>
        %or3A_739 = arith.ori %shift_left3A_735, %shift_right_logical3A_738 : vector<16xi32>
        %xor3A_740 = arith.xori %or3A_739, %add3A_732 : vector<16xi32>
        %add3A_741 = arith.addi %add3A_732, %xor3A_740 : vector<16xi32>
        %shift_left3A_742 = arith.constant 29 : i32
        %shift_left3A_743 = vector.broadcast %shift_left3A_742 : i32 to vector<16xi32>
        %shift_left3A_744 = arith.shli %xor3A_740, %shift_left3A_743 : vector<16xi32>
        %shift_right_logical3A_745 = arith.constant 3 : i32
        %shift_right_logical3A_746 = vector.broadcast %shift_right_logical3A_745 : i32 to vector<16xi32>
        %shift_right_logical3A_747 = arith.shrui %xor3A_740, %shift_right_logical3A_746 : vector<16xi32>
        %or3A_748 = arith.ori %shift_left3A_744, %shift_right_logical3A_747 : vector<16xi32>
        %xor3A_749 = arith.xori %or3A_748, %add3A_741 : vector<16xi32>
        %add3A_750 = arith.addi %add3A_741, %xor3A_749 : vector<16xi32>
        %shift_left3A_751 = arith.constant 16 : i32
        %shift_left3A_752 = vector.broadcast %shift_left3A_751 : i32 to vector<16xi32>
        %shift_left3A_753 = arith.shli %xor3A_749, %shift_left3A_752 : vector<16xi32>
        %shift_right_logical3A_754 = arith.constant 16 : i32
        %shift_right_logical3A_755 = vector.broadcast %shift_right_logical3A_754 : i32 to vector<16xi32>
        %shift_right_logical3A_756 = arith.shrui %xor3A_749, %shift_right_logical3A_755 : vector<16xi32>
        %or3A_757 = arith.ori %shift_left3A_753, %shift_right_logical3A_756 : vector<16xi32>
        %xor3A_758 = arith.xori %or3A_757, %add3A_750 : vector<16xi32>
        %add3A_759 = arith.addi %add3A_750, %xor3A_758 : vector<16xi32>
        %shift_left3A_760 = arith.constant 24 : i32
        %shift_left3A_761 = vector.broadcast %shift_left3A_760 : i32 to vector<16xi32>
        %shift_left3A_762 = arith.shli %xor3A_758, %shift_left3A_761 : vector<16xi32>
        %shift_right_logical3A_763 = arith.constant 8 : i32
        %shift_right_logical3A_764 = vector.broadcast %shift_right_logical3A_763 : i32 to vector<16xi32>
        %shift_right_logical3A_765 = arith.shrui %xor3A_758, %shift_right_logical3A_764 : vector<16xi32>
        %or3A_766 = arith.ori %shift_left3A_762, %shift_right_logical3A_765 : vector<16xi32>
        %xor3A_767 = arith.xori %or3A_766, %add3A_759 : vector<16xi32>
        %add3A_768 = arith.constant 42 : i32
        %add3A_769 = vector.broadcast %add3A_768 : i32 to vector<16xi32>
        %add3A_770 = arith.addi %add3A_759, %add3A_769 : vector<16xi32>
        %add3A_771 = arith.constant 466689008 : i32
        %add3A_772 = vector.broadcast %add3A_771 : i32 to vector<16xi32>
        %add3A_773 = arith.addi %xor3A_767, %add3A_772 : vector<16xi32>
        %add3A_774 = arith.constant 4 : i32
        %add3A_775 = vector.broadcast %add3A_774 : i32 to vector<16xi32>
        %add3A_776 = arith.addi %add3A_773, %add3A_775 : vector<16xi32>
        %add3A_777 = arith.addi %add3A_770, %add3A_776 : vector<16xi32>
        %shift_left3A_778 = arith.constant 13 : i32
        %shift_left3A_779 = vector.broadcast %shift_left3A_778 : i32 to vector<16xi32>
        %shift_left3A_780 = arith.shli %add3A_776, %shift_left3A_779 : vector<16xi32>
        %shift_right_logical3A_781 = arith.constant 19 : i32
        %shift_right_logical3A_782 = vector.broadcast %shift_right_logical3A_781 : i32 to vector<16xi32>
        %shift_right_logical3A_783 = arith.shrui %add3A_776, %shift_right_logical3A_782 : vector<16xi32>
        %or3A_784 = arith.ori %shift_left3A_780, %shift_right_logical3A_783 : vector<16xi32>
        %xor3A_785 = arith.xori %or3A_784, %add3A_777 : vector<16xi32>
        %add3A_786 = arith.addi %add3A_777, %xor3A_785 : vector<16xi32>
        %shift_left3A_787 = arith.constant 15 : i32
        %shift_left3A_788 = vector.broadcast %shift_left3A_787 : i32 to vector<16xi32>
        %shift_left3A_789 = arith.shli %xor3A_785, %shift_left3A_788 : vector<16xi32>
        %shift_right_logical3A_790 = arith.constant 17 : i32
        %shift_right_logical3A_791 = vector.broadcast %shift_right_logical3A_790 : i32 to vector<16xi32>
        %shift_right_logical3A_792 = arith.shrui %xor3A_785, %shift_right_logical3A_791 : vector<16xi32>
        %or3A_793 = arith.ori %shift_left3A_789, %shift_right_logical3A_792 : vector<16xi32>
        %xor3A_794 = arith.xori %or3A_793, %add3A_786 : vector<16xi32>
        %add3A_795 = arith.addi %add3A_786, %xor3A_794 : vector<16xi32>
        %shift_left3A_796 = arith.constant 26 : i32
        %shift_left3A_797 = vector.broadcast %shift_left3A_796 : i32 to vector<16xi32>
        %shift_left3A_798 = arith.shli %xor3A_794, %shift_left3A_797 : vector<16xi32>
        %shift_right_logical3A_799 = arith.constant 6 : i32
        %shift_right_logical3A_800 = vector.broadcast %shift_right_logical3A_799 : i32 to vector<16xi32>
        %shift_right_logical3A_801 = arith.shrui %xor3A_794, %shift_right_logical3A_800 : vector<16xi32>
        %or3A_802 = arith.ori %shift_left3A_798, %shift_right_logical3A_801 : vector<16xi32>
        %xor3A_803 = arith.xori %or3A_802, %add3A_795 : vector<16xi32>
        %add3A_804 = arith.addi %add3A_795, %xor3A_803 : vector<16xi32>
        %shift_left3A_805 = arith.constant 6 : i32
        %shift_left3A_806 = vector.broadcast %shift_left3A_805 : i32 to vector<16xi32>
        %shift_left3A_807 = arith.shli %xor3A_803, %shift_left3A_806 : vector<16xi32>
        %shift_right_logical3A_808 = arith.constant 26 : i32
        %shift_right_logical3A_809 = vector.broadcast %shift_right_logical3A_808 : i32 to vector<16xi32>
        %shift_right_logical3A_810 = arith.shrui %xor3A_803, %shift_right_logical3A_809 : vector<16xi32>
        %or3A_811 = arith.ori %shift_left3A_807, %shift_right_logical3A_810 : vector<16xi32>
        %xor3A_812 = arith.xori %or3A_811, %add3A_804 : vector<16xi32>
        %add3A_813 = arith.constant 466689008 : i32
        %add3A_814 = vector.broadcast %add3A_813 : i32 to vector<16xi32>
        %add3A_815 = arith.addi %add3A_804, %add3A_814 : vector<16xi32>
        %add3A_816 = arith.constant 0 : i32
        %add3A_817 = vector.broadcast %add3A_816 : i32 to vector<16xi32>
        %add3A_818 = arith.addi %xor3A_812, %add3A_817 : vector<16xi32>
        %add3A_819 = arith.constant 5 : i32
        %add3A_820 = vector.broadcast %add3A_819 : i32 to vector<16xi32>
        %add3A_821 = arith.addi %add3A_818, %add3A_820 : vector<16xi32>
        %xor3A_822 = arith.xori %add3A_815, %add3A_821 : vector<16xi32>
        %shift_right_logical3A_823 = arith.constant 9 : i32
        %shift_right_logical3A_824 = vector.broadcast %shift_right_logical3A_823 : i32 to vector<16xi32>
        %shift_right_logical3A_825 = arith.shrui %xor3A_822, %shift_right_logical3A_824 : vector<16xi32>
        %convert_element_type3A_826 = arith.sitofp %shift_right_logical3A_825 : vector<16xi32> to vector<16xf32>
        %mul3A_827 = arith.constant 1.1920929E-7 : f32
        %mul3A_828 = vector.broadcast %mul3A_827 : f32 to vector<16xf32>
        %mul3A_829 = arith.mulf %convert_element_type3A_826, %mul3A_828 : vector<16xf32>
        %max3A_830 = arith.constant 1.17549435E-38 : f32
        %max3A_831 = vector.broadcast %max3A_830 : f32 to vector<16xf32>
        %max3A_832 = arith.maximumf %mul3A_829, %max3A_831 : vector<16xf32>
        %sub3A_833 = arith.constant 0x4B000000 : f32
        %sub3A_834 = vector.broadcast %sub3A_833 : f32 to vector<16xf32>
        %sub3A_835 = arith.subf %convert_element_type3A_826, %sub3A_834 : vector<16xf32>
        %mul3A_836 = arith.constant 1.1920929E-7 : f32
        %mul3A_837 = vector.broadcast %mul3A_836 : f32 to vector<16xf32>
        %mul3A_838 = arith.mulf %sub3A_835, %mul3A_837 : vector<16xf32>
        %broadcast_in_dim3A_839 = arith.constant -0.334263474 : f32
        %broadcast_in_dim3A_840 = vector.broadcast %broadcast_in_dim3A_839 : f32 to vector<16xf32>
        %mul3A_841 = arith.mulf %broadcast_in_dim3A_840, %mul3A_838 : vector<16xf32>
        %add3A_842 = arith.constant 0.0407187231 : f32
        %add3A_843 = vector.broadcast %add3A_842 : f32 to vector<16xf32>
        %add3A_844 = arith.addf %mul3A_841, %add3A_843 : vector<16xf32>
        %mul3A_845 = arith.mulf %add3A_844, %mul3A_838 : vector<16xf32>
        %add3A_846 = arith.constant -0.190590665 : f32
        %add3A_847 = vector.broadcast %add3A_846 : f32 to vector<16xf32>
        %add3A_848 = arith.addf %mul3A_845, %add3A_847 : vector<16xf32>
        %mul3A_849 = arith.mulf %add3A_848, %mul3A_838 : vector<16xf32>
        %add3A_850 = arith.constant 0.196964383 : f32
        %add3A_851 = vector.broadcast %add3A_850 : f32 to vector<16xf32>
        %add3A_852 = arith.addf %mul3A_849, %add3A_851 : vector<16xf32>
        %mul3A_853 = arith.mulf %add3A_852, %mul3A_838 : vector<16xf32>
        %add3A_854 = arith.constant -0.250209928 : f32
        %add3A_855 = vector.broadcast %add3A_854 : f32 to vector<16xf32>
        %add3A_856 = arith.addf %mul3A_853, %add3A_855 : vector<16xf32>
        %mul3A_857 = arith.mulf %add3A_856, %mul3A_838 : vector<16xf32>
        %add3A_858 = arith.constant 0.333325982 : f32
        %add3A_859 = vector.broadcast %add3A_858 : f32 to vector<16xf32>
        %add3A_860 = arith.addf %mul3A_857, %add3A_859 : vector<16xf32>
        %mul3A_861 = arith.mulf %add3A_860, %mul3A_838 : vector<16xf32>
        %add3A_862 = arith.constant -0.500000119 : f32
        %add3A_863 = vector.broadcast %add3A_862 : f32 to vector<16xf32>
        %add3A_864 = arith.addf %mul3A_861, %add3A_863 : vector<16xf32>
        %mul3A_865 = arith.mulf %add3A_864, %mul3A_838 : vector<16xf32>
        %add3A_866 = arith.constant 1.000000e+00 : f32
        %add3A_867 = vector.broadcast %add3A_866 : f32 to vector<16xf32>
        %add3A_868 = arith.addf %mul3A_865, %add3A_867 : vector<16xf32>
        %mul3A_869 = arith.mulf %mul3A_838, %add3A_868 : vector<16xf32>
        %neg3A_870 = arith.constant 0.000000e+00 : f32
        %neg3A_871 = vector.broadcast %neg3A_870 : f32 to vector<16xf32>
        %neg3A_872 = arith.subf %neg3A_871, %mul3A_869 : vector<16xf32>
        %bitcast_convert_type3A_873 = tpu.bitcast %max3A_832 : vector<16xf32> -> vector<16xi32>
        %shift_right_logical3A_874 = arith.constant 23 : i32
        %shift_right_logical3A_875 = vector.broadcast %shift_right_logical3A_874 : i32 to vector<16xi32>
        %shift_right_logical3A_876 = arith.shrui %bitcast_convert_type3A_873, %shift_right_logical3A_875 : vector<16xi32>
        %sub3A_877 = arith.constant 127 : i32
        %sub3A_878 = vector.broadcast %sub3A_877 : i32 to vector<16xi32>
        %sub3A_879 = arith.subi %shift_right_logical3A_876, %sub3A_878 : vector<16xi32>
        %and3A_880 = arith.constant 8388607 : i32
        %and3A_881 = vector.broadcast %and3A_880 : i32 to vector<16xi32>
        %and3A_882 = arith.andi %bitcast_convert_type3A_873, %and3A_881 : vector<16xi32>
        %or3A_883 = arith.constant 1065353216 : i32
        %or3A_884 = vector.broadcast %or3A_883 : i32 to vector<16xi32>
        %or3A_885 = arith.ori %and3A_882, %or3A_884 : vector<16xi32>
        %bitcast_convert_type3A_886 = tpu.bitcast %or3A_885 : vector<16xi32> -> vector<16xf32>
        %ge3A_887 = arith.constant 1.41421354 : f32
        %ge3A_888 = vector.broadcast %ge3A_887 : f32 to vector<16xf32>
        %ge3A_889 = arith.cmpf oge, %bitcast_convert_type3A_886, %ge3A_888 : vector<16xf32>
        %mul3A_890 = arith.constant 5.000000e-01 : f32
        %mul3A_891 = vector.broadcast %mul3A_890 : f32 to vector<16xf32>
        %mul3A_892 = arith.mulf %bitcast_convert_type3A_886, %mul3A_891 : vector<16xf32>
        %select_n3A_893 = arith.select %ge3A_889, %mul3A_892, %bitcast_convert_type3A_886 : vector<16xi1>, vector<16xf32>
        %add3A_894 = arith.constant 1 : i32
        %add3A_895 = vector.broadcast %add3A_894 : i32 to vector<16xi32>
        %add3A_896 = arith.addi %sub3A_879, %add3A_895 : vector<16xi32>
        %select_n3A_897 = arith.select %ge3A_889, %add3A_896, %sub3A_879 : vector<16xi1>, vector<16xi32>
        %sub3A_898 = arith.constant 1.000000e+00 : f32
        %sub3A_899 = vector.broadcast %sub3A_898 : f32 to vector<16xf32>
        %sub3A_900 = arith.subf %select_n3A_893, %sub3A_899 : vector<16xf32>
        %broadcast_in_dim3A_901 = arith.constant -0.0991365611 : f32
        %broadcast_in_dim3A_902 = vector.broadcast %broadcast_in_dim3A_901 : f32 to vector<16xf32>
        %mul3A_903 = arith.mulf %broadcast_in_dim3A_902, %sub3A_900 : vector<16xf32>
        %add3A_904 = arith.constant 0.163385555 : f32
        %add3A_905 = vector.broadcast %add3A_904 : f32 to vector<16xf32>
        %add3A_906 = arith.addf %mul3A_903, %add3A_905 : vector<16xf32>
        %mul3A_907 = arith.mulf %add3A_906, %sub3A_900 : vector<16xf32>
        %add3A_908 = arith.constant -0.173631534 : f32
        %add3A_909 = vector.broadcast %add3A_908 : f32 to vector<16xf32>
        %add3A_910 = arith.addf %mul3A_907, %add3A_909 : vector<16xf32>
        %mul3A_911 = arith.mulf %add3A_910, %sub3A_900 : vector<16xf32>
        %add3A_912 = arith.constant 0.198853612 : f32
        %add3A_913 = vector.broadcast %add3A_912 : f32 to vector<16xf32>
        %add3A_914 = arith.addf %mul3A_911, %add3A_913 : vector<16xf32>
        %mul3A_915 = arith.mulf %add3A_914, %sub3A_900 : vector<16xf32>
        %add3A_916 = arith.constant -0.249577805 : f32
        %add3A_917 = vector.broadcast %add3A_916 : f32 to vector<16xf32>
        %add3A_918 = arith.addf %mul3A_915, %add3A_917 : vector<16xf32>
        %mul3A_919 = arith.mulf %add3A_918, %sub3A_900 : vector<16xf32>
        %add3A_920 = arith.constant 0.333356887 : f32
        %add3A_921 = vector.broadcast %add3A_920 : f32 to vector<16xf32>
        %add3A_922 = arith.addf %mul3A_919, %add3A_921 : vector<16xf32>
        %mul3A_923 = arith.mulf %add3A_922, %sub3A_900 : vector<16xf32>
        %add3A_924 = arith.constant -5.000070e-01 : f32
        %add3A_925 = vector.broadcast %add3A_924 : f32 to vector<16xf32>
        %add3A_926 = arith.addf %mul3A_923, %add3A_925 : vector<16xf32>
        %mul3A_927 = arith.mulf %add3A_926, %sub3A_900 : vector<16xf32>
        %add3A_928 = arith.constant 0.999999821 : f32
        %add3A_929 = vector.broadcast %add3A_928 : f32 to vector<16xf32>
        %add3A_930 = arith.addf %mul3A_927, %add3A_929 : vector<16xf32>
        %mul3A_931 = arith.mulf %add3A_930, %sub3A_900 : vector<16xf32>
        %convert_element_type3A_932 = arith.sitofp %select_n3A_897 : vector<16xi32> to vector<16xf32>
        %mul3A_933 = arith.constant 0.693147182 : f32
        %mul3A_934 = vector.broadcast %mul3A_933 : f32 to vector<16xf32>
        %mul3A_935 = arith.mulf %convert_element_type3A_932, %mul3A_934 : vector<16xf32>
        %add3A_936 = arith.addf %mul3A_935, %mul3A_931 : vector<16xf32>
        %neg3A_937 = arith.constant 0.000000e+00 : f32
        %neg3A_938 = vector.broadcast %neg3A_937 : f32 to vector<16xf32>
        %neg3A_939 = arith.subf %neg3A_938, %add3A_936 : vector<16xf32>
        %ge3A_940 = arith.constant 6291456 : i32
        %ge3A_941 = vector.broadcast %ge3A_940 : i32 to vector<16xi32>
        %ge3A_942 = arith.cmpi sge, %shift_right_logical3A_825, %ge3A_941 : vector<16xi32>
        %select_n3A_943 = arith.select %ge3A_942, %neg3A_872, %neg3A_939 : vector<16xi1>, vector<16xf32>
        %bitcast_convert_type3A_944 = tpu.bitcast %select_n3A_943 : vector<16xf32> -> vector<16xi32>
        %shift_right_logical3A_945 = arith.constant 23 : i32
        %shift_right_logical3A_946 = vector.broadcast %shift_right_logical3A_945 : i32 to vector<16xi32>
        %shift_right_logical3A_947 = arith.shrui %bitcast_convert_type3A_944, %shift_right_logical3A_946 : vector<16xi32>
        %sub3A_948 = arith.constant 127 : i32
        %sub3A_949 = vector.broadcast %sub3A_948 : i32 to vector<16xi32>
        %sub3A_950 = arith.subi %shift_right_logical3A_947, %sub3A_949 : vector<16xi32>
        %and3A_951 = arith.constant 8388607 : i32
        %and3A_952 = vector.broadcast %and3A_951 : i32 to vector<16xi32>
        %and3A_953 = arith.andi %bitcast_convert_type3A_944, %and3A_952 : vector<16xi32>
        %or3A_954 = arith.constant 1065353216 : i32
        %or3A_955 = vector.broadcast %or3A_954 : i32 to vector<16xi32>
        %or3A_956 = arith.ori %and3A_953, %or3A_955 : vector<16xi32>
        %bitcast_convert_type3A_957 = tpu.bitcast %or3A_956 : vector<16xi32> -> vector<16xf32>
        %ge3A_958 = arith.constant 1.41421354 : f32
        %ge3A_959 = vector.broadcast %ge3A_958 : f32 to vector<16xf32>
        %ge3A_960 = arith.cmpf oge, %bitcast_convert_type3A_957, %ge3A_959 : vector<16xf32>
        %mul3A_961 = arith.constant 5.000000e-01 : f32
        %mul3A_962 = vector.broadcast %mul3A_961 : f32 to vector<16xf32>
        %mul3A_963 = arith.mulf %bitcast_convert_type3A_957, %mul3A_962 : vector<16xf32>
        %select_n3A_964 = arith.select %ge3A_960, %mul3A_963, %bitcast_convert_type3A_957 : vector<16xi1>, vector<16xf32>
        %add3A_965 = arith.constant 1 : i32
        %add3A_966 = vector.broadcast %add3A_965 : i32 to vector<16xi32>
        %add3A_967 = arith.addi %sub3A_950, %add3A_966 : vector<16xi32>
        %select_n3A_968 = arith.select %ge3A_960, %add3A_967, %sub3A_950 : vector<16xi1>, vector<16xi32>
        %sub3A_969 = arith.constant 1.000000e+00 : f32
        %sub3A_970 = vector.broadcast %sub3A_969 : f32 to vector<16xf32>
        %sub3A_971 = arith.subf %select_n3A_964, %sub3A_970 : vector<16xf32>
        %broadcast_in_dim3A_972 = arith.constant 0.114490829 : f32
        %broadcast_in_dim3A_973 = vector.broadcast %broadcast_in_dim3A_972 : f32 to vector<16xf32>
        %mul3A_974 = arith.mulf %broadcast_in_dim3A_973, %sub3A_971 : vector<16xf32>
        %add3A_975 = arith.constant -0.187792078 : f32
        %add3A_976 = vector.broadcast %add3A_975 : f32 to vector<16xf32>
        %add3A_977 = arith.addf %mul3A_974, %add3A_976 : vector<16xf32>
        %mul3A_978 = arith.mulf %add3A_977, %sub3A_971 : vector<16xf32>
        %add3A_979 = arith.constant 0.206738353 : f32
        %add3A_980 = vector.broadcast %add3A_979 : f32 to vector<16xf32>
        %add3A_981 = arith.addf %mul3A_978, %add3A_980 : vector<16xf32>
        %mul3A_982 = arith.mulf %add3A_981, %sub3A_971 : vector<16xf32>
        %add3A_983 = arith.constant -0.248981208 : f32
        %add3A_984 = vector.broadcast %add3A_983 : f32 to vector<16xf32>
        %add3A_985 = arith.addf %mul3A_982, %add3A_984 : vector<16xf32>
        %mul3A_986 = arith.mulf %add3A_985, %sub3A_971 : vector<16xf32>
        %add3A_987 = arith.constant 0.332989544 : f32
        %add3A_988 = vector.broadcast %add3A_987 : f32 to vector<16xf32>
        %add3A_989 = arith.addf %mul3A_986, %add3A_988 : vector<16xf32>
        %mul3A_990 = arith.mulf %add3A_989, %sub3A_971 : vector<16xf32>
        %add3A_991 = arith.constant -0.500014484 : f32
        %add3A_992 = vector.broadcast %add3A_991 : f32 to vector<16xf32>
        %add3A_993 = arith.addf %mul3A_990, %add3A_992 : vector<16xf32>
        %mul3A_994 = arith.mulf %add3A_993, %sub3A_971 : vector<16xf32>
        %add3A_995 = arith.constant 1.00000417 : f32
        %add3A_996 = vector.broadcast %add3A_995 : f32 to vector<16xf32>
        %add3A_997 = arith.addf %mul3A_994, %add3A_996 : vector<16xf32>
        %mul3A_998 = arith.mulf %add3A_997, %sub3A_971 : vector<16xf32>
        %convert_element_type3A_999 = arith.sitofp %select_n3A_968 : vector<16xi32> to vector<16xf32>
        %mul3A_1000 = arith.constant 0.693147182 : f32
        %mul3A_1001 = vector.broadcast %mul3A_1000 : f32 to vector<16xf32>
        %mul3A_1002 = arith.mulf %convert_element_type3A_999, %mul3A_1001 : vector<16xf32>
        %add3A_1003 = arith.addf %mul3A_1002, %mul3A_998 : vector<16xf32>
        %neg3A_1004 = arith.constant 0.000000e+00 : f32
        %neg3A_1005 = vector.broadcast %neg3A_1004 : f32 to vector<16xf32>
        %neg3A_1006 = arith.subf %neg3A_1005, %add3A_1003 : vector<16xf32>
        %add3A_1007 = arith.addf %get3A_583, %neg3A_1006 : vector<16xf32>
        %mul3A_1008 = arith.constant 16 : i32
        %mul3A_1009 = arith.muli %scan3A_577, %mul3A_1008 : i32
        %add3A_1010 = arith.addi %add3A_135, %mul3A_1009 : i32
        %add3A_1011 = vector.broadcast %add3A_1010 : i32 to vector<16xi32>
        %add3A_1012 = arith.addi %add3A_1011, %iota3A : vector<16xi32>
        %gt3A_1013 = arith.cmpf ogt, %add3A_1007, %select_n3A_574 : vector<16xf32>
        %select_n3A_1014 = arith.select %gt3A_1013, %add3A_1007, %select_n3A_574 : vector<16xi1>, vector<16xf32>
        %select_n3A_1015 = arith.select %gt3A_1013, %add3A_1012, %select_n3A_575 : vector<16xi1>, vector<16xi32>
        %scan3A_1016 = arith.constant 2 : i32
        %scan3A_1017 = arith.addi %scan3A_145, %scan3A_1016 : i32
        %mul3A_1018 = arith.constant 16 : i32
        %mul3A_1019 = arith.muli %scan3A_1017, %mul3A_1018 : i32
        %add3A_1020 = arith.addi %mul3A_121, %mul3A_1019 : i32
        %get3A_1021 = arith.index_cast %add3A_1020 : i32 to index
        %get3A_1022 = tpu.vector_load %arg5[%get3A_1021] {strides = array<i32>} : memref<32768xf32, #tpu.memory_space<vmem>>, vector<16xf32>,
        %get3A_1023 = vector.shape_cast %get3A_1022 : vector<16xf32> to vector<16xf32>
        %mul3A_1024 = arith.constant 16 : i32
        %mul3A_1025 = arith.muli %scan3A_1017, %mul3A_1024 : i32
        %add3A_1026 = arith.addi %add3A_138, %mul3A_1025 : i32
        %add3A_1027 = vector.broadcast %add3A_1026 : i32 to vector<16xi32>
        %add3A_1028 = arith.addi %add3A_1027, %iota3A : vector<16xi32>
        %broadcast_in_dim3A_1029 = arith.constant 0 : i32
        %broadcast_in_dim3A_1030 = vector.broadcast %broadcast_in_dim3A_1029 : i32 to vector<16xi32>
        %add3A_1031 = arith.constant 0 : i32
        %add3A_1032 = vector.broadcast %add3A_1031 : i32 to vector<16xi32>
        %add3A_1033 = arith.addi %broadcast_in_dim3A_1030, %add3A_1032 : vector<16xi32>
        %add3A_1034 = arith.constant 42 : i32
        %add3A_1035 = vector.broadcast %add3A_1034 : i32 to vector<16xi32>
        %add3A_1036 = arith.addi %add3A_1028, %add3A_1035 : vector<16xi32>
        %add3A_1037 = arith.addi %add3A_1033, %add3A_1036 : vector<16xi32>
        %shift_left3A_1038 = arith.constant 13 : i32
        %shift_left3A_1039 = vector.broadcast %shift_left3A_1038 : i32 to vector<16xi32>
        %shift_left3A_1040 = arith.shli %add3A_1036, %shift_left3A_1039 : vector<16xi32>
        %shift_right_logical3A_1041 = arith.constant 19 : i32
        %shift_right_logical3A_1042 = vector.broadcast %shift_right_logical3A_1041 : i32 to vector<16xi32>
        %shift_right_logical3A_1043 = arith.shrui %add3A_1036, %shift_right_logical3A_1042 : vector<16xi32>
        %or3A_1044 = arith.ori %shift_left3A_1040, %shift_right_logical3A_1043 : vector<16xi32>
        %xor3A_1045 = arith.xori %or3A_1044, %add3A_1037 : vector<16xi32>
        %add3A_1046 = arith.addi %add3A_1037, %xor3A_1045 : vector<16xi32>
        %shift_left3A_1047 = arith.constant 15 : i32
        %shift_left3A_1048 = vector.broadcast %shift_left3A_1047 : i32 to vector<16xi32>
        %shift_left3A_1049 = arith.shli %xor3A_1045, %shift_left3A_1048 : vector<16xi32>
        %shift_right_logical3A_1050 = arith.constant 17 : i32
        %shift_right_logical3A_1051 = vector.broadcast %shift_right_logical3A_1050 : i32 to vector<16xi32>
        %shift_right_logical3A_1052 = arith.shrui %xor3A_1045, %shift_right_logical3A_1051 : vector<16xi32>
        %or3A_1053 = arith.ori %shift_left3A_1049, %shift_right_logical3A_1052 : vector<16xi32>
        %xor3A_1054 = arith.xori %or3A_1053, %add3A_1046 : vector<16xi32>
        %add3A_1055 = arith.addi %add3A_1046, %xor3A_1054 : vector<16xi32>
        %shift_left3A_1056 = arith.constant 26 : i32
        %shift_left3A_1057 = vector.broadcast %shift_left3A_1056 : i32 to vector<16xi32>
        %shift_left3A_1058 = arith.shli %xor3A_1054, %shift_left3A_1057 : vector<16xi32>
        %shift_right_logical3A_1059 = arith.constant 6 : i32
        %shift_right_logical3A_1060 = vector.broadcast %shift_right_logical3A_1059 : i32 to vector<16xi32>
        %shift_right_logical3A_1061 = arith.shrui %xor3A_1054, %shift_right_logical3A_1060 : vector<16xi32>
        %or3A_1062 = arith.ori %shift_left3A_1058, %shift_right_logical3A_1061 : vector<16xi32>
        %xor3A_1063 = arith.xori %or3A_1062, %add3A_1055 : vector<16xi32>
        %add3A_1064 = arith.addi %add3A_1055, %xor3A_1063 : vector<16xi32>
        %shift_left3A_1065 = arith.constant 6 : i32
        %shift_left3A_1066 = vector.broadcast %shift_left3A_1065 : i32 to vector<16xi32>
        %shift_left3A_1067 = arith.shli %xor3A_1063, %shift_left3A_1066 : vector<16xi32>
        %shift_right_logical3A_1068 = arith.constant 26 : i32
        %shift_right_logical3A_1069 = vector.broadcast %shift_right_logical3A_1068 : i32 to vector<16xi32>
        %shift_right_logical3A_1070 = arith.shrui %xor3A_1063, %shift_right_logical3A_1069 : vector<16xi32>
        %or3A_1071 = arith.ori %shift_left3A_1067, %shift_right_logical3A_1070 : vector<16xi32>
        %xor3A_1072 = arith.xori %or3A_1071, %add3A_1064 : vector<16xi32>
        %add3A_1073 = arith.constant 42 : i32
        %add3A_1074 = vector.broadcast %add3A_1073 : i32 to vector<16xi32>
        %add3A_1075 = arith.addi %add3A_1064, %add3A_1074 : vector<16xi32>
        %add3A_1076 = arith.constant 466689008 : i32
        %add3A_1077 = vector.broadcast %add3A_1076 : i32 to vector<16xi32>
        %add3A_1078 = arith.addi %xor3A_1072, %add3A_1077 : vector<16xi32>
        %add3A_1079 = arith.constant 1 : i32
        %add3A_1080 = vector.broadcast %add3A_1079 : i32 to vector<16xi32>
        %add3A_1081 = arith.addi %add3A_1078, %add3A_1080 : vector<16xi32>
        %add3A_1082 = arith.addi %add3A_1075, %add3A_1081 : vector<16xi32>
        %shift_left3A_1083 = arith.constant 17 : i32
        %shift_left3A_1084 = vector.broadcast %shift_left3A_1083 : i32 to vector<16xi32>
        %shift_left3A_1085 = arith.shli %add3A_1081, %shift_left3A_1084 : vector<16xi32>
        %shift_right_logical3A_1086 = arith.constant 15 : i32
        %shift_right_logical3A_1087 = vector.broadcast %shift_right_logical3A_1086 : i32 to vector<16xi32>
        %shift_right_logical3A_1088 = arith.shrui %add3A_1081, %shift_right_logical3A_1087 : vector<16xi32>
        %or3A_1089 = arith.ori %shift_left3A_1085, %shift_right_logical3A_1088 : vector<16xi32>
        %xor3A_1090 = arith.xori %or3A_1089, %add3A_1082 : vector<16xi32>
        %add3A_1091 = arith.addi %add3A_1082, %xor3A_1090 : vector<16xi32>
        %shift_left3A_1092 = arith.constant 29 : i32
        %shift_left3A_1093 = vector.broadcast %shift_left3A_1092 : i32 to vector<16xi32>
        %shift_left3A_1094 = arith.shli %xor3A_1090, %shift_left3A_1093 : vector<16xi32>
        %shift_right_logical3A_1095 = arith.constant 3 : i32
        %shift_right_logical3A_1096 = vector.broadcast %shift_right_logical3A_1095 : i32 to vector<16xi32>
        %shift_right_logical3A_1097 = arith.shrui %xor3A_1090, %shift_right_logical3A_1096 : vector<16xi32>
        %or3A_1098 = arith.ori %shift_left3A_1094, %shift_right_logical3A_1097 : vector<16xi32>
        %xor3A_1099 = arith.xori %or3A_1098, %add3A_1091 : vector<16xi32>
        %add3A_1100 = arith.addi %add3A_1091, %xor3A_1099 : vector<16xi32>
        %shift_left3A_1101 = arith.constant 16 : i32
        %shift_left3A_1102 = vector.broadcast %shift_left3A_1101 : i32 to vector<16xi32>
        %shift_left3A_1103 = arith.shli %xor3A_1099, %shift_left3A_1102 : vector<16xi32>
        %shift_right_logical3A_1104 = arith.constant 16 : i32
        %shift_right_logical3A_1105 = vector.broadcast %shift_right_logical3A_1104 : i32 to vector<16xi32>
        %shift_right_logical3A_1106 = arith.shrui %xor3A_1099, %shift_right_logical3A_1105 : vector<16xi32>
        %or3A_1107 = arith.ori %shift_left3A_1103, %shift_right_logical3A_1106 : vector<16xi32>
        %xor3A_1108 = arith.xori %or3A_1107, %add3A_1100 : vector<16xi32>
        %add3A_1109 = arith.addi %add3A_1100, %xor3A_1108 : vector<16xi32>
        %shift_left3A_1110 = arith.constant 24 : i32
        %shift_left3A_1111 = vector.broadcast %shift_left3A_1110 : i32 to vector<16xi32>
        %shift_left3A_1112 = arith.shli %xor3A_1108, %shift_left3A_1111 : vector<16xi32>
        %shift_right_logical3A_1113 = arith.constant 8 : i32
        %shift_right_logical3A_1114 = vector.broadcast %shift_right_logical3A_1113 : i32 to vector<16xi32>
        %shift_right_logical3A_1115 = arith.shrui %xor3A_1108, %shift_right_logical3A_1114 : vector<16xi32>
        %or3A_1116 = arith.ori %shift_left3A_1112, %shift_right_logical3A_1115 : vector<16xi32>
        %xor3A_1117 = arith.xori %or3A_1116, %add3A_1109 : vector<16xi32>
        %add3A_1118 = arith.constant 466689008 : i32
        %add3A_1119 = vector.broadcast %add3A_1118 : i32 to vector<16xi32>
        %add3A_1120 = arith.addi %add3A_1109, %add3A_1119 : vector<16xi32>
        %add3A_1121 = arith.constant 0 : i32
        %add3A_1122 = vector.broadcast %add3A_1121 : i32 to vector<16xi32>
        %add3A_1123 = arith.addi %xor3A_1117, %add3A_1122 : vector<16xi32>
        %add3A_1124 = arith.constant 2 : i32
        %add3A_1125 = vector.broadcast %add3A_1124 : i32 to vector<16xi32>
        %add3A_1126 = arith.addi %add3A_1123, %add3A_1125 : vector<16xi32>
        %add3A_1127 = arith.addi %add3A_1120, %add3A_1126 : vector<16xi32>
        %shift_left3A_1128 = arith.constant 13 : i32
        %shift_left3A_1129 = vector.broadcast %shift_left3A_1128 : i32 to vector<16xi32>
        %shift_left3A_1130 = arith.shli %add3A_1126, %shift_left3A_1129 : vector<16xi32>
        %shift_right_logical3A_1131 = arith.constant 19 : i32
        %shift_right_logical3A_1132 = vector.broadcast %shift_right_logical3A_1131 : i32 to vector<16xi32>
        %shift_right_logical3A_1133 = arith.shrui %add3A_1126, %shift_right_logical3A_1132 : vector<16xi32>
        %or3A_1134 = arith.ori %shift_left3A_1130, %shift_right_logical3A_1133 : vector<16xi32>
        %xor3A_1135 = arith.xori %or3A_1134, %add3A_1127 : vector<16xi32>
        %add3A_1136 = arith.addi %add3A_1127, %xor3A_1135 : vector<16xi32>
        %shift_left3A_1137 = arith.constant 15 : i32
        %shift_left3A_1138 = vector.broadcast %shift_left3A_1137 : i32 to vector<16xi32>
        %shift_left3A_1139 = arith.shli %xor3A_1135, %shift_left3A_1138 : vector<16xi32>
        %shift_right_logical3A_1140 = arith.constant 17 : i32
        %shift_right_logical3A_1141 = vector.broadcast %shift_right_logical3A_1140 : i32 to vector<16xi32>
        %shift_right_logical3A_1142 = arith.shrui %xor3A_1135, %shift_right_logical3A_1141 : vector<16xi32>
        %or3A_1143 = arith.ori %shift_left3A_1139, %shift_right_logical3A_1142 : vector<16xi32>
        %xor3A_1144 = arith.xori %or3A_1143, %add3A_1136 : vector<16xi32>
        %add3A_1145 = arith.addi %add3A_1136, %xor3A_1144 : vector<16xi32>
        %shift_left3A_1146 = arith.constant 26 : i32
        %shift_left3A_1147 = vector.broadcast %shift_left3A_1146 : i32 to vector<16xi32>
        %shift_left3A_1148 = arith.shli %xor3A_1144, %shift_left3A_1147 : vector<16xi32>
        %shift_right_logical3A_1149 = arith.constant 6 : i32
        %shift_right_logical3A_1150 = vector.broadcast %shift_right_logical3A_1149 : i32 to vector<16xi32>
        %shift_right_logical3A_1151 = arith.shrui %xor3A_1144, %shift_right_logical3A_1150 : vector<16xi32>
        %or3A_1152 = arith.ori %shift_left3A_1148, %shift_right_logical3A_1151 : vector<16xi32>
        %xor3A_1153 = arith.xori %or3A_1152, %add3A_1145 : vector<16xi32>
        %add3A_1154 = arith.addi %add3A_1145, %xor3A_1153 : vector<16xi32>
        %shift_left3A_1155 = arith.constant 6 : i32
        %shift_left3A_1156 = vector.broadcast %shift_left3A_1155 : i32 to vector<16xi32>
        %shift_left3A_1157 = arith.shli %xor3A_1153, %shift_left3A_1156 : vector<16xi32>
        %shift_right_logical3A_1158 = arith.constant 26 : i32
        %shift_right_logical3A_1159 = vector.broadcast %shift_right_logical3A_1158 : i32 to vector<16xi32>
        %shift_right_logical3A_1160 = arith.shrui %xor3A_1153, %shift_right_logical3A_1159 : vector<16xi32>
        %or3A_1161 = arith.ori %shift_left3A_1157, %shift_right_logical3A_1160 : vector<16xi32>
        %xor3A_1162 = arith.xori %or3A_1161, %add3A_1154 : vector<16xi32>
        %add3A_1163 = arith.constant 0 : i32
        %add3A_1164 = vector.broadcast %add3A_1163 : i32 to vector<16xi32>
        %add3A_1165 = arith.addi %add3A_1154, %add3A_1164 : vector<16xi32>
        %add3A_1166 = arith.constant 42 : i32
        %add3A_1167 = vector.broadcast %add3A_1166 : i32 to vector<16xi32>
        %add3A_1168 = arith.addi %xor3A_1162, %add3A_1167 : vector<16xi32>
        %add3A_1169 = arith.constant 3 : i32
        %add3A_1170 = vector.broadcast %add3A_1169 : i32 to vector<16xi32>
        %add3A_1171 = arith.addi %add3A_1168, %add3A_1170 : vector<16xi32>
        %add3A_1172 = arith.addi %add3A_1165, %add3A_1171 : vector<16xi32>
        %shift_left3A_1173 = arith.constant 17 : i32
        %shift_left3A_1174 = vector.broadcast %shift_left3A_1173 : i32 to vector<16xi32>
        %shift_left3A_1175 = arith.shli %add3A_1171, %shift_left3A_1174 : vector<16xi32>
        %shift_right_logical3A_1176 = arith.constant 15 : i32
        %shift_right_logical3A_1177 = vector.broadcast %shift_right_logical3A_1176 : i32 to vector<16xi32>
        %shift_right_logical3A_1178 = arith.shrui %add3A_1171, %shift_right_logical3A_1177 : vector<16xi32>
        %or3A_1179 = arith.ori %shift_left3A_1175, %shift_right_logical3A_1178 : vector<16xi32>
        %xor3A_1180 = arith.xori %or3A_1179, %add3A_1172 : vector<16xi32>
        %add3A_1181 = arith.addi %add3A_1172, %xor3A_1180 : vector<16xi32>
        %shift_left3A_1182 = arith.constant 29 : i32
        %shift_left3A_1183 = vector.broadcast %shift_left3A_1182 : i32 to vector<16xi32>
        %shift_left3A_1184 = arith.shli %xor3A_1180, %shift_left3A_1183 : vector<16xi32>
        %shift_right_logical3A_1185 = arith.constant 3 : i32
        %shift_right_logical3A_1186 = vector.broadcast %shift_right_logical3A_1185 : i32 to vector<16xi32>
        %shift_right_logical3A_1187 = arith.shrui %xor3A_1180, %shift_right_logical3A_1186 : vector<16xi32>
        %or3A_1188 = arith.ori %shift_left3A_1184, %shift_right_logical3A_1187 : vector<16xi32>
        %xor3A_1189 = arith.xori %or3A_1188, %add3A_1181 : vector<16xi32>
        %add3A_1190 = arith.addi %add3A_1181, %xor3A_1189 : vector<16xi32>
        %shift_left3A_1191 = arith.constant 16 : i32
        %shift_left3A_1192 = vector.broadcast %shift_left3A_1191 : i32 to vector<16xi32>
        %shift_left3A_1193 = arith.shli %xor3A_1189, %shift_left3A_1192 : vector<16xi32>
        %shift_right_logical3A_1194 = arith.constant 16 : i32
        %shift_right_logical3A_1195 = vector.broadcast %shift_right_logical3A_1194 : i32 to vector<16xi32>
        %shift_right_logical3A_1196 = arith.shrui %xor3A_1189, %shift_right_logical3A_1195 : vector<16xi32>
        %or3A_1197 = arith.ori %shift_left3A_1193, %shift_right_logical3A_1196 : vector<16xi32>
        %xor3A_1198 = arith.xori %or3A_1197, %add3A_1190 : vector<16xi32>
        %add3A_1199 = arith.addi %add3A_1190, %xor3A_1198 : vector<16xi32>
        %shift_left3A_1200 = arith.constant 24 : i32
        %shift_left3A_1201 = vector.broadcast %shift_left3A_1200 : i32 to vector<16xi32>
        %shift_left3A_1202 = arith.shli %xor3A_1198, %shift_left3A_1201 : vector<16xi32>
        %shift_right_logical3A_1203 = arith.constant 8 : i32
        %shift_right_logical3A_1204 = vector.broadcast %shift_right_logical3A_1203 : i32 to vector<16xi32>
        %shift_right_logical3A_1205 = arith.shrui %xor3A_1198, %shift_right_logical3A_1204 : vector<16xi32>
        %or3A_1206 = arith.ori %shift_left3A_1202, %shift_right_logical3A_1205 : vector<16xi32>
        %xor3A_1207 = arith.xori %or3A_1206, %add3A_1199 : vector<16xi32>
        %add3A_1208 = arith.constant 42 : i32
        %add3A_1209 = vector.broadcast %add3A_1208 : i32 to vector<16xi32>
        %add3A_1210 = arith.addi %add3A_1199, %add3A_1209 : vector<16xi32>
        %add3A_1211 = arith.constant 466689008 : i32
        %add3A_1212 = vector.broadcast %add3A_1211 : i32 to vector<16xi32>
        %add3A_1213 = arith.addi %xor3A_1207, %add3A_1212 : vector<16xi32>
        %add3A_1214 = arith.constant 4 : i32
        %add3A_1215 = vector.broadcast %add3A_1214 : i32 to vector<16xi32>
        %add3A_1216 = arith.addi %add3A_1213, %add3A_1215 : vector<16xi32>
        %add3A_1217 = arith.addi %add3A_1210, %add3A_1216 : vector<16xi32>
        %shift_left3A_1218 = arith.constant 13 : i32
        %shift_left3A_1219 = vector.broadcast %shift_left3A_1218 : i32 to vector<16xi32>
        %shift_left3A_1220 = arith.shli %add3A_1216, %shift_left3A_1219 : vector<16xi32>
        %shift_right_logical3A_1221 = arith.constant 19 : i32
        %shift_right_logical3A_1222 = vector.broadcast %shift_right_logical3A_1221 : i32 to vector<16xi32>
        %shift_right_logical3A_1223 = arith.shrui %add3A_1216, %shift_right_logical3A_1222 : vector<16xi32>
        %or3A_1224 = arith.ori %shift_left3A_1220, %shift_right_logical3A_1223 : vector<16xi32>
        %xor3A_1225 = arith.xori %or3A_1224, %add3A_1217 : vector<16xi32>
        %add3A_1226 = arith.addi %add3A_1217, %xor3A_1225 : vector<16xi32>
        %shift_left3A_1227 = arith.constant 15 : i32
        %shift_left3A_1228 = vector.broadcast %shift_left3A_1227 : i32 to vector<16xi32>
        %shift_left3A_1229 = arith.shli %xor3A_1225, %shift_left3A_1228 : vector<16xi32>
        %shift_right_logical3A_1230 = arith.constant 17 : i32
        %shift_right_logical3A_1231 = vector.broadcast %shift_right_logical3A_1230 : i32 to vector<16xi32>
        %shift_right_logical3A_1232 = arith.shrui %xor3A_1225, %shift_right_logical3A_1231 : vector<16xi32>
        %or3A_1233 = arith.ori %shift_left3A_1229, %shift_right_logical3A_1232 : vector<16xi32>
        %xor3A_1234 = arith.xori %or3A_1233, %add3A_1226 : vector<16xi32>
        %add3A_1235 = arith.addi %add3A_1226, %xor3A_1234 : vector<16xi32>
        %shift_left3A_1236 = arith.constant 26 : i32
        %shift_left3A_1237 = vector.broadcast %shift_left3A_1236 : i32 to vector<16xi32>
        %shift_left3A_1238 = arith.shli %xor3A_1234, %shift_left3A_1237 : vector<16xi32>
        %shift_right_logical3A_1239 = arith.constant 6 : i32
        %shift_right_logical3A_1240 = vector.broadcast %shift_right_logical3A_1239 : i32 to vector<16xi32>
        %shift_right_logical3A_1241 = arith.shrui %xor3A_1234, %shift_right_logical3A_1240 : vector<16xi32>
        %or3A_1242 = arith.ori %shift_left3A_1238, %shift_right_logical3A_1241 : vector<16xi32>
        %xor3A_1243 = arith.xori %or3A_1242, %add3A_1235 : vector<16xi32>
        %add3A_1244 = arith.addi %add3A_1235, %xor3A_1243 : vector<16xi32>
        %shift_left3A_1245 = arith.constant 6 : i32
        %shift_left3A_1246 = vector.broadcast %shift_left3A_1245 : i32 to vector<16xi32>
        %shift_left3A_1247 = arith.shli %xor3A_1243, %shift_left3A_1246 : vector<16xi32>
        %shift_right_logical3A_1248 = arith.constant 26 : i32
        %shift_right_logical3A_1249 = vector.broadcast %shift_right_logical3A_1248 : i32 to vector<16xi32>
        %shift_right_logical3A_1250 = arith.shrui %xor3A_1243, %shift_right_logical3A_1249 : vector<16xi32>
        %or3A_1251 = arith.ori %shift_left3A_1247, %shift_right_logical3A_1250 : vector<16xi32>
        %xor3A_1252 = arith.xori %or3A_1251, %add3A_1244 : vector<16xi32>
        %add3A_1253 = arith.constant 466689008 : i32
        %add3A_1254 = vector.broadcast %add3A_1253 : i32 to vector<16xi32>
        %add3A_1255 = arith.addi %add3A_1244, %add3A_1254 : vector<16xi32>
        %add3A_1256 = arith.constant 0 : i32
        %add3A_1257 = vector.broadcast %add3A_1256 : i32 to vector<16xi32>
        %add3A_1258 = arith.addi %xor3A_1252, %add3A_1257 : vector<16xi32>
        %add3A_1259 = arith.constant 5 : i32
        %add3A_1260 = vector.broadcast %add3A_1259 : i32 to vector<16xi32>
        %add3A_1261 = arith.addi %add3A_1258, %add3A_1260 : vector<16xi32>
        %xor3A_1262 = arith.xori %add3A_1255, %add3A_1261 : vector<16xi32>
        %shift_right_logical3A_1263 = arith.constant 9 : i32
        %shift_right_logical3A_1264 = vector.broadcast %shift_right_logical3A_1263 : i32 to vector<16xi32>
        %shift_right_logical3A_1265 = arith.shrui %xor3A_1262, %shift_right_logical3A_1264 : vector<16xi32>
        %convert_element_type3A_1266 = arith.sitofp %shift_right_logical3A_1265 : vector<16xi32> to vector<16xf32>
        %mul3A_1267 = arith.constant 1.1920929E-7 : f32
        %mul3A_1268 = vector.broadcast %mul3A_1267 : f32 to vector<16xf32>
        %mul3A_1269 = arith.mulf %convert_element_type3A_1266, %mul3A_1268 : vector<16xf32>
        %max3A_1270 = arith.constant 1.17549435E-38 : f32
        %max3A_1271 = vector.broadcast %max3A_1270 : f32 to vector<16xf32>
        %max3A_1272 = arith.maximumf %mul3A_1269, %max3A_1271 : vector<16xf32>
        %sub3A_1273 = arith.constant 0x4B000000 : f32
        %sub3A_1274 = vector.broadcast %sub3A_1273 : f32 to vector<16xf32>
        %sub3A_1275 = arith.subf %convert_element_type3A_1266, %sub3A_1274 : vector<16xf32>
        %mul3A_1276 = arith.constant 1.1920929E-7 : f32
        %mul3A_1277 = vector.broadcast %mul3A_1276 : f32 to vector<16xf32>
        %mul3A_1278 = arith.mulf %sub3A_1275, %mul3A_1277 : vector<16xf32>
        %broadcast_in_dim3A_1279 = arith.constant -0.334263474 : f32
        %broadcast_in_dim3A_1280 = vector.broadcast %broadcast_in_dim3A_1279 : f32 to vector<16xf32>
        %mul3A_1281 = arith.mulf %broadcast_in_dim3A_1280, %mul3A_1278 : vector<16xf32>
        %add3A_1282 = arith.constant 0.0407187231 : f32
        %add3A_1283 = vector.broadcast %add3A_1282 : f32 to vector<16xf32>
        %add3A_1284 = arith.addf %mul3A_1281, %add3A_1283 : vector<16xf32>
        %mul3A_1285 = arith.mulf %add3A_1284, %mul3A_1278 : vector<16xf32>
        %add3A_1286 = arith.constant -0.190590665 : f32
        %add3A_1287 = vector.broadcast %add3A_1286 : f32 to vector<16xf32>
        %add3A_1288 = arith.addf %mul3A_1285, %add3A_1287 : vector<16xf32>
        %mul3A_1289 = arith.mulf %add3A_1288, %mul3A_1278 : vector<16xf32>
        %add3A_1290 = arith.constant 0.196964383 : f32
        %add3A_1291 = vector.broadcast %add3A_1290 : f32 to vector<16xf32>
        %add3A_1292 = arith.addf %mul3A_1289, %add3A_1291 : vector<16xf32>
        %mul3A_1293 = arith.mulf %add3A_1292, %mul3A_1278 : vector<16xf32>
        %add3A_1294 = arith.constant -0.250209928 : f32
        %add3A_1295 = vector.broadcast %add3A_1294 : f32 to vector<16xf32>
        %add3A_1296 = arith.addf %mul3A_1293, %add3A_1295 : vector<16xf32>
        %mul3A_1297 = arith.mulf %add3A_1296, %mul3A_1278 : vector<16xf32>
        %add3A_1298 = arith.constant 0.333325982 : f32
        %add3A_1299 = vector.broadcast %add3A_1298 : f32 to vector<16xf32>
        %add3A_1300 = arith.addf %mul3A_1297, %add3A_1299 : vector<16xf32>
        %mul3A_1301 = arith.mulf %add3A_1300, %mul3A_1278 : vector<16xf32>
        %add3A_1302 = arith.constant -0.500000119 : f32
        %add3A_1303 = vector.broadcast %add3A_1302 : f32 to vector<16xf32>
        %add3A_1304 = arith.addf %mul3A_1301, %add3A_1303 : vector<16xf32>
        %mul3A_1305 = arith.mulf %add3A_1304, %mul3A_1278 : vector<16xf32>
        %add3A_1306 = arith.constant 1.000000e+00 : f32
        %add3A_1307 = vector.broadcast %add3A_1306 : f32 to vector<16xf32>
        %add3A_1308 = arith.addf %mul3A_1305, %add3A_1307 : vector<16xf32>
        %mul3A_1309 = arith.mulf %mul3A_1278, %add3A_1308 : vector<16xf32>
        %neg3A_1310 = arith.constant 0.000000e+00 : f32
        %neg3A_1311 = vector.broadcast %neg3A_1310 : f32 to vector<16xf32>
        %neg3A_1312 = arith.subf %neg3A_1311, %mul3A_1309 : vector<16xf32>
        %bitcast_convert_type3A_1313 = tpu.bitcast %max3A_1272 : vector<16xf32> -> vector<16xi32>
        %shift_right_logical3A_1314 = arith.constant 23 : i32
        %shift_right_logical3A_1315 = vector.broadcast %shift_right_logical3A_1314 : i32 to vector<16xi32>
        %shift_right_logical3A_1316 = arith.shrui %bitcast_convert_type3A_1313, %shift_right_logical3A_1315 : vector<16xi32>
        %sub3A_1317 = arith.constant 127 : i32
        %sub3A_1318 = vector.broadcast %sub3A_1317 : i32 to vector<16xi32>
        %sub3A_1319 = arith.subi %shift_right_logical3A_1316, %sub3A_1318 : vector<16xi32>
        %and3A_1320 = arith.constant 8388607 : i32
        %and3A_1321 = vector.broadcast %and3A_1320 : i32 to vector<16xi32>
        %and3A_1322 = arith.andi %bitcast_convert_type3A_1313, %and3A_1321 : vector<16xi32>
        %or3A_1323 = arith.constant 1065353216 : i32
        %or3A_1324 = vector.broadcast %or3A_1323 : i32 to vector<16xi32>
        %or3A_1325 = arith.ori %and3A_1322, %or3A_1324 : vector<16xi32>
        %bitcast_convert_type3A_1326 = tpu.bitcast %or3A_1325 : vector<16xi32> -> vector<16xf32>
        %ge3A_1327 = arith.constant 1.41421354 : f32
        %ge3A_1328 = vector.broadcast %ge3A_1327 : f32 to vector<16xf32>
        %ge3A_1329 = arith.cmpf oge, %bitcast_convert_type3A_1326, %ge3A_1328 : vector<16xf32>
        %mul3A_1330 = arith.constant 5.000000e-01 : f32
        %mul3A_1331 = vector.broadcast %mul3A_1330 : f32 to vector<16xf32>
        %mul3A_1332 = arith.mulf %bitcast_convert_type3A_1326, %mul3A_1331 : vector<16xf32>
        %select_n3A_1333 = arith.select %ge3A_1329, %mul3A_1332, %bitcast_convert_type3A_1326 : vector<16xi1>, vector<16xf32>
        %add3A_1334 = arith.constant 1 : i32
        %add3A_1335 = vector.broadcast %add3A_1334 : i32 to vector<16xi32>
        %add3A_1336 = arith.addi %sub3A_1319, %add3A_1335 : vector<16xi32>
        %select_n3A_1337 = arith.select %ge3A_1329, %add3A_1336, %sub3A_1319 : vector<16xi1>, vector<16xi32>
        %sub3A_1338 = arith.constant 1.000000e+00 : f32
        %sub3A_1339 = vector.broadcast %sub3A_1338 : f32 to vector<16xf32>
        %sub3A_1340 = arith.subf %select_n3A_1333, %sub3A_1339 : vector<16xf32>
        %broadcast_in_dim3A_1341 = arith.constant -0.0991365611 : f32
        %broadcast_in_dim3A_1342 = vector.broadcast %broadcast_in_dim3A_1341 : f32 to vector<16xf32>
        %mul3A_1343 = arith.mulf %broadcast_in_dim3A_1342, %sub3A_1340 : vector<16xf32>
        %add3A_1344 = arith.constant 0.163385555 : f32
        %add3A_1345 = vector.broadcast %add3A_1344 : f32 to vector<16xf32>
        %add3A_1346 = arith.addf %mul3A_1343, %add3A_1345 : vector<16xf32>
        %mul3A_1347 = arith.mulf %add3A_1346, %sub3A_1340 : vector<16xf32>
        %add3A_1348 = arith.constant -0.173631534 : f32
        %add3A_1349 = vector.broadcast %add3A_1348 : f32 to vector<16xf32>
        %add3A_1350 = arith.addf %mul3A_1347, %add3A_1349 : vector<16xf32>
        %mul3A_1351 = arith.mulf %add3A_1350, %sub3A_1340 : vector<16xf32>
        %add3A_1352 = arith.constant 0.198853612 : f32
        %add3A_1353 = vector.broadcast %add3A_1352 : f32 to vector<16xf32>
        %add3A_1354 = arith.addf %mul3A_1351, %add3A_1353 : vector<16xf32>
        %mul3A_1355 = arith.mulf %add3A_1354, %sub3A_1340 : vector<16xf32>
        %add3A_1356 = arith.constant -0.249577805 : f32
        %add3A_1357 = vector.broadcast %add3A_1356 : f32 to vector<16xf32>
        %add3A_1358 = arith.addf %mul3A_1355, %add3A_1357 : vector<16xf32>
        %mul3A_1359 = arith.mulf %add3A_1358, %sub3A_1340 : vector<16xf32>
        %add3A_1360 = arith.constant 0.333356887 : f32
        %add3A_1361 = vector.broadcast %add3A_1360 : f32 to vector<16xf32>
        %add3A_1362 = arith.addf %mul3A_1359, %add3A_1361 : vector<16xf32>
        %mul3A_1363 = arith.mulf %add3A_1362, %sub3A_1340 : vector<16xf32>
        %add3A_1364 = arith.constant -5.000070e-01 : f32
        %add3A_1365 = vector.broadcast %add3A_1364 : f32 to vector<16xf32>
        %add3A_1366 = arith.addf %mul3A_1363, %add3A_1365 : vector<16xf32>
        %mul3A_1367 = arith.mulf %add3A_1366, %sub3A_1340 : vector<16xf32>
        %add3A_1368 = arith.constant 0.999999821 : f32
        %add3A_1369 = vector.broadcast %add3A_1368 : f32 to vector<16xf32>
        %add3A_1370 = arith.addf %mul3A_1367, %add3A_1369 : vector<16xf32>
        %mul3A_1371 = arith.mulf %add3A_1370, %sub3A_1340 : vector<16xf32>
        %convert_element_type3A_1372 = arith.sitofp %select_n3A_1337 : vector<16xi32> to vector<16xf32>
        %mul3A_1373 = arith.constant 0.693147182 : f32
        %mul3A_1374 = vector.broadcast %mul3A_1373 : f32 to vector<16xf32>
        %mul3A_1375 = arith.mulf %convert_element_type3A_1372, %mul3A_1374 : vector<16xf32>
        %add3A_1376 = arith.addf %mul3A_1375, %mul3A_1371 : vector<16xf32>
        %neg3A_1377 = arith.constant 0.000000e+00 : f32
        %neg3A_1378 = vector.broadcast %neg3A_1377 : f32 to vector<16xf32>
        %neg3A_1379 = arith.subf %neg3A_1378, %add3A_1376 : vector<16xf32>
        %ge3A_1380 = arith.constant 6291456 : i32
        %ge3A_1381 = vector.broadcast %ge3A_1380 : i32 to vector<16xi32>
        %ge3A_1382 = arith.cmpi sge, %shift_right_logical3A_1265, %ge3A_1381 : vector<16xi32>
        %select_n3A_1383 = arith.select %ge3A_1382, %neg3A_1312, %neg3A_1379 : vector<16xi1>, vector<16xf32>
        %bitcast_convert_type3A_1384 = tpu.bitcast %select_n3A_1383 : vector<16xf32> -> vector<16xi32>
        %shift_right_logical3A_1385 = arith.constant 23 : i32
        %shift_right_logical3A_1386 = vector.broadcast %shift_right_logical3A_1385 : i32 to vector<16xi32>
        %shift_right_logical3A_1387 = arith.shrui %bitcast_convert_type3A_1384, %shift_right_logical3A_1386 : vector<16xi32>
        %sub3A_1388 = arith.constant 127 : i32
        %sub3A_1389 = vector.broadcast %sub3A_1388 : i32 to vector<16xi32>
        %sub3A_1390 = arith.subi %shift_right_logical3A_1387, %sub3A_1389 : vector<16xi32>
        %and3A_1391 = arith.constant 8388607 : i32
        %and3A_1392 = vector.broadcast %and3A_1391 : i32 to vector<16xi32>
        %and3A_1393 = arith.andi %bitcast_convert_type3A_1384, %and3A_1392 : vector<16xi32>
        %or3A_1394 = arith.constant 1065353216 : i32
        %or3A_1395 = vector.broadcast %or3A_1394 : i32 to vector<16xi32>
        %or3A_1396 = arith.ori %and3A_1393, %or3A_1395 : vector<16xi32>
        %bitcast_convert_type3A_1397 = tpu.bitcast %or3A_1396 : vector<16xi32> -> vector<16xf32>
        %ge3A_1398 = arith.constant 1.41421354 : f32
        %ge3A_1399 = vector.broadcast %ge3A_1398 : f32 to vector<16xf32>
        %ge3A_1400 = arith.cmpf oge, %bitcast_convert_type3A_1397, %ge3A_1399 : vector<16xf32>
        %mul3A_1401 = arith.constant 5.000000e-01 : f32
        %mul3A_1402 = vector.broadcast %mul3A_1401 : f32 to vector<16xf32>
        %mul3A_1403 = arith.mulf %bitcast_convert_type3A_1397, %mul3A_1402 : vector<16xf32>
        %select_n3A_1404 = arith.select %ge3A_1400, %mul3A_1403, %bitcast_convert_type3A_1397 : vector<16xi1>, vector<16xf32>
        %add3A_1405 = arith.constant 1 : i32
        %add3A_1406 = vector.broadcast %add3A_1405 : i32 to vector<16xi32>
        %add3A_1407 = arith.addi %sub3A_1390, %add3A_1406 : vector<16xi32>
        %select_n3A_1408 = arith.select %ge3A_1400, %add3A_1407, %sub3A_1390 : vector<16xi1>, vector<16xi32>
        %sub3A_1409 = arith.constant 1.000000e+00 : f32
        %sub3A_1410 = vector.broadcast %sub3A_1409 : f32 to vector<16xf32>
        %sub3A_1411 = arith.subf %select_n3A_1404, %sub3A_1410 : vector<16xf32>
        %broadcast_in_dim3A_1412 = arith.constant 0.114490829 : f32
        %broadcast_in_dim3A_1413 = vector.broadcast %broadcast_in_dim3A_1412 : f32 to vector<16xf32>
        %mul3A_1414 = arith.mulf %broadcast_in_dim3A_1413, %sub3A_1411 : vector<16xf32>
        %add3A_1415 = arith.constant -0.187792078 : f32
        %add3A_1416 = vector.broadcast %add3A_1415 : f32 to vector<16xf32>
        %add3A_1417 = arith.addf %mul3A_1414, %add3A_1416 : vector<16xf32>
        %mul3A_1418 = arith.mulf %add3A_1417, %sub3A_1411 : vector<16xf32>
        %add3A_1419 = arith.constant 0.206738353 : f32
        %add3A_1420 = vector.broadcast %add3A_1419 : f32 to vector<16xf32>
        %add3A_1421 = arith.addf %mul3A_1418, %add3A_1420 : vector<16xf32>
        %mul3A_1422 = arith.mulf %add3A_1421, %sub3A_1411 : vector<16xf32>
        %add3A_1423 = arith.constant -0.248981208 : f32
        %add3A_1424 = vector.broadcast %add3A_1423 : f32 to vector<16xf32>
        %add3A_1425 = arith.addf %mul3A_1422, %add3A_1424 : vector<16xf32>
        %mul3A_1426 = arith.mulf %add3A_1425, %sub3A_1411 : vector<16xf32>
        %add3A_1427 = arith.constant 0.332989544 : f32
        %add3A_1428 = vector.broadcast %add3A_1427 : f32 to vector<16xf32>
        %add3A_1429 = arith.addf %mul3A_1426, %add3A_1428 : vector<16xf32>
        %mul3A_1430 = arith.mulf %add3A_1429, %sub3A_1411 : vector<16xf32>
        %add3A_1431 = arith.constant -0.500014484 : f32
        %add3A_1432 = vector.broadcast %add3A_1431 : f32 to vector<16xf32>
        %add3A_1433 = arith.addf %mul3A_1430, %add3A_1432 : vector<16xf32>
        %mul3A_1434 = arith.mulf %add3A_1433, %sub3A_1411 : vector<16xf32>
        %add3A_1435 = arith.constant 1.00000417 : f32
        %add3A_1436 = vector.broadcast %add3A_1435 : f32 to vector<16xf32>
        %add3A_1437 = arith.addf %mul3A_1434, %add3A_1436 : vector<16xf32>
        %mul3A_1438 = arith.mulf %add3A_1437, %sub3A_1411 : vector<16xf32>
        %convert_element_type3A_1439 = arith.sitofp %select_n3A_1408 : vector<16xi32> to vector<16xf32>
        %mul3A_1440 = arith.constant 0.693147182 : f32
        %mul3A_1441 = vector.broadcast %mul3A_1440 : f32 to vector<16xf32>
        %mul3A_1442 = arith.mulf %convert_element_type3A_1439, %mul3A_1441 : vector<16xf32>
        %add3A_1443 = arith.addf %mul3A_1442, %mul3A_1438 : vector<16xf32>
        %neg3A_1444 = arith.constant 0.000000e+00 : f32
        %neg3A_1445 = vector.broadcast %neg3A_1444 : f32 to vector<16xf32>
        %neg3A_1446 = arith.subf %neg3A_1445, %add3A_1443 : vector<16xf32>
        %add3A_1447 = arith.addf %get3A_1023, %neg3A_1446 : vector<16xf32>
        %mul3A_1448 = arith.constant 16 : i32
        %mul3A_1449 = arith.muli %scan3A_1017, %mul3A_1448 : i32
        %add3A_1450 = arith.addi %add3A_135, %mul3A_1449 : i32
        %add3A_1451 = vector.broadcast %add3A_1450 : i32 to vector<16xi32>
        %add3A_1452 = arith.addi %add3A_1451, %iota3A : vector<16xi32>
        %gt3A_1453 = arith.cmpf ogt, %add3A_1447, %select_n3A_1014 : vector<16xf32>
        %select_n3A_1454 = arith.select %gt3A_1453, %add3A_1447, %select_n3A_1014 : vector<16xi1>, vector<16xf32>
        %select_n3A_1455 = arith.select %gt3A_1453, %add3A_1452, %select_n3A_1015 : vector<16xi1>, vector<16xi32>
        %scan3A_1456 = arith.constant 3 : i32
        %scan3A_1457 = arith.addi %scan3A_145, %scan3A_1456 : i32
        %mul3A_1458 = arith.constant 16 : i32
        %mul3A_1459 = arith.muli %scan3A_1457, %mul3A_1458 : i32
        %add3A_1460 = arith.addi %mul3A_121, %mul3A_1459 : i32
        %get3A_1461 = arith.index_cast %add3A_1460 : i32 to index
        %get3A_1462 = tpu.vector_load %arg5[%get3A_1461] {strides = array<i32>} : memref<32768xf32, #tpu.memory_space<vmem>>, vector<16xf32>,
        %get3A_1463 = vector.shape_cast %get3A_1462 : vector<16xf32> to vector<16xf32>
        %mul3A_1464 = arith.constant 16 : i32
        %mul3A_1465 = arith.muli %scan3A_1457, %mul3A_1464 : i32
        %add3A_1466 = arith.addi %add3A_138, %mul3A_1465 : i32
        %add3A_1467 = vector.broadcast %add3A_1466 : i32 to vector<16xi32>
        %add3A_1468 = arith.addi %add3A_1467, %iota3A : vector<16xi32>
        %broadcast_in_dim3A_1469 = arith.constant 0 : i32
        %broadcast_in_dim3A_1470 = vector.broadcast %broadcast_in_dim3A_1469 : i32 to vector<16xi32>
        %add3A_1471 = arith.constant 0 : i32
        %add3A_1472 = vector.broadcast %add3A_1471 : i32 to vector<16xi32>
        %add3A_1473 = arith.addi %broadcast_in_dim3A_1470, %add3A_1472 : vector<16xi32>
        %add3A_1474 = arith.constant 42 : i32
        %add3A_1475 = vector.broadcast %add3A_1474 : i32 to vector<16xi32>
        %add3A_1476 = arith.addi %add3A_1468, %add3A_1475 : vector<16xi32>
        %add3A_1477 = arith.addi %add3A_1473, %add3A_1476 : vector<16xi32>
        %shift_left3A_1478 = arith.constant 13 : i32
        %shift_left3A_1479 = vector.broadcast %shift_left3A_1478 : i32 to vector<16xi32>
        %shift_left3A_1480 = arith.shli %add3A_1476, %shift_left3A_1479 : vector<16xi32>
        %shift_right_logical3A_1481 = arith.constant 19 : i32
        %shift_right_logical3A_1482 = vector.broadcast %shift_right_logical3A_1481 : i32 to vector<16xi32>
        %shift_right_logical3A_1483 = arith.shrui %add3A_1476, %shift_right_logical3A_1482 : vector<16xi32>
        %or3A_1484 = arith.ori %shift_left3A_1480, %shift_right_logical3A_1483 : vector<16xi32>
        %xor3A_1485 = arith.xori %or3A_1484, %add3A_1477 : vector<16xi32>
        %add3A_1486 = arith.addi %add3A_1477, %xor3A_1485 : vector<16xi32>
        %shift_left3A_1487 = arith.constant 15 : i32
        %shift_left3A_1488 = vector.broadcast %shift_left3A_1487 : i32 to vector<16xi32>
        %shift_left3A_1489 = arith.shli %xor3A_1485, %shift_left3A_1488 : vector<16xi32>
        %shift_right_logical3A_1490 = arith.constant 17 : i32
        %shift_right_logical3A_1491 = vector.broadcast %shift_right_logical3A_1490 : i32 to vector<16xi32>
        %shift_right_logical3A_1492 = arith.shrui %xor3A_1485, %shift_right_logical3A_1491 : vector<16xi32>
        %or3A_1493 = arith.ori %shift_left3A_1489, %shift_right_logical3A_1492 : vector<16xi32>
        %xor3A_1494 = arith.xori %or3A_1493, %add3A_1486 : vector<16xi32>
        %add3A_1495 = arith.addi %add3A_1486, %xor3A_1494 : vector<16xi32>
        %shift_left3A_1496 = arith.constant 26 : i32
        %shift_left3A_1497 = vector.broadcast %shift_left3A_1496 : i32 to vector<16xi32>
        %shift_left3A_1498 = arith.shli %xor3A_1494, %shift_left3A_1497 : vector<16xi32>
        %shift_right_logical3A_1499 = arith.constant 6 : i32
        %shift_right_logical3A_1500 = vector.broadcast %shift_right_logical3A_1499 : i32 to vector<16xi32>
        %shift_right_logical3A_1501 = arith.shrui %xor3A_1494, %shift_right_logical3A_1500 : vector<16xi32>
        %or3A_1502 = arith.ori %shift_left3A_1498, %shift_right_logical3A_1501 : vector<16xi32>
        %xor3A_1503 = arith.xori %or3A_1502, %add3A_1495 : vector<16xi32>
        %add3A_1504 = arith.addi %add3A_1495, %xor3A_1503 : vector<16xi32>
        %shift_left3A_1505 = arith.constant 6 : i32
        %shift_left3A_1506 = vector.broadcast %shift_left3A_1505 : i32 to vector<16xi32>
        %shift_left3A_1507 = arith.shli %xor3A_1503, %shift_left3A_1506 : vector<16xi32>
        %shift_right_logical3A_1508 = arith.constant 26 : i32
        %shift_right_logical3A_1509 = vector.broadcast %shift_right_logical3A_1508 : i32 to vector<16xi32>
        %shift_right_logical3A_1510 = arith.shrui %xor3A_1503, %shift_right_logical3A_1509 : vector<16xi32>
        %or3A_1511 = arith.ori %shift_left3A_1507, %shift_right_logical3A_1510 : vector<16xi32>
        %xor3A_1512 = arith.xori %or3A_1511, %add3A_1504 : vector<16xi32>
        %add3A_1513 = arith.constant 42 : i32
        %add3A_1514 = vector.broadcast %add3A_1513 : i32 to vector<16xi32>
        %add3A_1515 = arith.addi %add3A_1504, %add3A_1514 : vector<16xi32>
        %add3A_1516 = arith.constant 466689008 : i32
        %add3A_1517 = vector.broadcast %add3A_1516 : i32 to vector<16xi32>
        %add3A_1518 = arith.addi %xor3A_1512, %add3A_1517 : vector<16xi32>
        %add3A_1519 = arith.constant 1 : i32
        %add3A_1520 = vector.broadcast %add3A_1519 : i32 to vector<16xi32>
        %add3A_1521 = arith.addi %add3A_1518, %add3A_1520 : vector<16xi32>
        %add3A_1522 = arith.addi %add3A_1515, %add3A_1521 : vector<16xi32>
        %shift_left3A_1523 = arith.constant 17 : i32
        %shift_left3A_1524 = vector.broadcast %shift_left3A_1523 : i32 to vector<16xi32>
        %shift_left3A_1525 = arith.shli %add3A_1521, %shift_left3A_1524 : vector<16xi32>
        %shift_right_logical3A_1526 = arith.constant 15 : i32
        %shift_right_logical3A_1527 = vector.broadcast %shift_right_logical3A_1526 : i32 to vector<16xi32>
        %shift_right_logical3A_1528 = arith.shrui %add3A_1521, %shift_right_logical3A_1527 : vector<16xi32>
        %or3A_1529 = arith.ori %shift_left3A_1525, %shift_right_logical3A_1528 : vector<16xi32>
        %xor3A_1530 = arith.xori %or3A_1529, %add3A_1522 : vector<16xi32>
        %add3A_1531 = arith.addi %add3A_1522, %xor3A_1530 : vector<16xi32>
        %shift_left3A_1532 = arith.constant 29 : i32
        %shift_left3A_1533 = vector.broadcast %shift_left3A_1532 : i32 to vector<16xi32>
        %shift_left3A_1534 = arith.shli %xor3A_1530, %shift_left3A_1533 : vector<16xi32>
        %shift_right_logical3A_1535 = arith.constant 3 : i32
        %shift_right_logical3A_1536 = vector.broadcast %shift_right_logical3A_1535 : i32 to vector<16xi32>
        %shift_right_logical3A_1537 = arith.shrui %xor3A_1530, %shift_right_logical3A_1536 : vector<16xi32>
        %or3A_1538 = arith.ori %shift_left3A_1534, %shift_right_logical3A_1537 : vector<16xi32>
        %xor3A_1539 = arith.xori %or3A_1538, %add3A_1531 : vector<16xi32>
        %add3A_1540 = arith.addi %add3A_1531, %xor3A_1539 : vector<16xi32>
        %shift_left3A_1541 = arith.constant 16 : i32
        %shift_left3A_1542 = vector.broadcast %shift_left3A_1541 : i32 to vector<16xi32>
        %shift_left3A_1543 = arith.shli %xor3A_1539, %shift_left3A_1542 : vector<16xi32>
        %shift_right_logical3A_1544 = arith.constant 16 : i32
        %shift_right_logical3A_1545 = vector.broadcast %shift_right_logical3A_1544 : i32 to vector<16xi32>
        %shift_right_logical3A_1546 = arith.shrui %xor3A_1539, %shift_right_logical3A_1545 : vector<16xi32>
        %or3A_1547 = arith.ori %shift_left3A_1543, %shift_right_logical3A_1546 : vector<16xi32>
        %xor3A_1548 = arith.xori %or3A_1547, %add3A_1540 : vector<16xi32>
        %add3A_1549 = arith.addi %add3A_1540, %xor3A_1548 : vector<16xi32>
        %shift_left3A_1550 = arith.constant 24 : i32
        %shift_left3A_1551 = vector.broadcast %shift_left3A_1550 : i32 to vector<16xi32>
        %shift_left3A_1552 = arith.shli %xor3A_1548, %shift_left3A_1551 : vector<16xi32>
        %shift_right_logical3A_1553 = arith.constant 8 : i32
        %shift_right_logical3A_1554 = vector.broadcast %shift_right_logical3A_1553 : i32 to vector<16xi32>
        %shift_right_logical3A_1555 = arith.shrui %xor3A_1548, %shift_right_logical3A_1554 : vector<16xi32>
        %or3A_1556 = arith.ori %shift_left3A_1552, %shift_right_logical3A_1555 : vector<16xi32>
        %xor3A_1557 = arith.xori %or3A_1556, %add3A_1549 : vector<16xi32>
        %add3A_1558 = arith.constant 466689008 : i32
        %add3A_1559 = vector.broadcast %add3A_1558 : i32 to vector<16xi32>
        %add3A_1560 = arith.addi %add3A_1549, %add3A_1559 : vector<16xi32>
        %add3A_1561 = arith.constant 0 : i32
        %add3A_1562 = vector.broadcast %add3A_1561 : i32 to vector<16xi32>
        %add3A_1563 = arith.addi %xor3A_1557, %add3A_1562 : vector<16xi32>
        %add3A_1564 = arith.constant 2 : i32
        %add3A_1565 = vector.broadcast %add3A_1564 : i32 to vector<16xi32>
        %add3A_1566 = arith.addi %add3A_1563, %add3A_1565 : vector<16xi32>
        %add3A_1567 = arith.addi %add3A_1560, %add3A_1566 : vector<16xi32>
        %shift_left3A_1568 = arith.constant 13 : i32
        %shift_left3A_1569 = vector.broadcast %shift_left3A_1568 : i32 to vector<16xi32>
        %shift_left3A_1570 = arith.shli %add3A_1566, %shift_left3A_1569 : vector<16xi32>
        %shift_right_logical3A_1571 = arith.constant 19 : i32
        %shift_right_logical3A_1572 = vector.broadcast %shift_right_logical3A_1571 : i32 to vector<16xi32>
        %shift_right_logical3A_1573 = arith.shrui %add3A_1566, %shift_right_logical3A_1572 : vector<16xi32>
        %or3A_1574 = arith.ori %shift_left3A_1570, %shift_right_logical3A_1573 : vector<16xi32>
        %xor3A_1575 = arith.xori %or3A_1574, %add3A_1567 : vector<16xi32>
        %add3A_1576 = arith.addi %add3A_1567, %xor3A_1575 : vector<16xi32>
        %shift_left3A_1577 = arith.constant 15 : i32
        %shift_left3A_1578 = vector.broadcast %shift_left3A_1577 : i32 to vector<16xi32>
        %shift_left3A_1579 = arith.shli %xor3A_1575, %shift_left3A_1578 : vector<16xi32>
        %shift_right_logical3A_1580 = arith.constant 17 : i32
        %shift_right_logical3A_1581 = vector.broadcast %shift_right_logical3A_1580 : i32 to vector<16xi32>
        %shift_right_logical3A_1582 = arith.shrui %xor3A_1575, %shift_right_logical3A_1581 : vector<16xi32>
        %or3A_1583 = arith.ori %shift_left3A_1579, %shift_right_logical3A_1582 : vector<16xi32>
        %xor3A_1584 = arith.xori %or3A_1583, %add3A_1576 : vector<16xi32>
        %add3A_1585 = arith.addi %add3A_1576, %xor3A_1584 : vector<16xi32>
        %shift_left3A_1586 = arith.constant 26 : i32
        %shift_left3A_1587 = vector.broadcast %shift_left3A_1586 : i32 to vector<16xi32>
        %shift_left3A_1588 = arith.shli %xor3A_1584, %shift_left3A_1587 : vector<16xi32>
        %shift_right_logical3A_1589 = arith.constant 6 : i32
        %shift_right_logical3A_1590 = vector.broadcast %shift_right_logical3A_1589 : i32 to vector<16xi32>
        %shift_right_logical3A_1591 = arith.shrui %xor3A_1584, %shift_right_logical3A_1590 : vector<16xi32>
        %or3A_1592 = arith.ori %shift_left3A_1588, %shift_right_logical3A_1591 : vector<16xi32>
        %xor3A_1593 = arith.xori %or3A_1592, %add3A_1585 : vector<16xi32>
        %add3A_1594 = arith.addi %add3A_1585, %xor3A_1593 : vector<16xi32>
        %shift_left3A_1595 = arith.constant 6 : i32
        %shift_left3A_1596 = vector.broadcast %shift_left3A_1595 : i32 to vector<16xi32>
        %shift_left3A_1597 = arith.shli %xor3A_1593, %shift_left3A_1596 : vector<16xi32>
        %shift_right_logical3A_1598 = arith.constant 26 : i32
        %shift_right_logical3A_1599 = vector.broadcast %shift_right_logical3A_1598 : i32 to vector<16xi32>
        %shift_right_logical3A_1600 = arith.shrui %xor3A_1593, %shift_right_logical3A_1599 : vector<16xi32>
        %or3A_1601 = arith.ori %shift_left3A_1597, %shift_right_logical3A_1600 : vector<16xi32>
        %xor3A_1602 = arith.xori %or3A_1601, %add3A_1594 : vector<16xi32>
        %add3A_1603 = arith.constant 0 : i32
        %add3A_1604 = vector.broadcast %add3A_1603 : i32 to vector<16xi32>
        %add3A_1605 = arith.addi %add3A_1594, %add3A_1604 : vector<16xi32>
        %add3A_1606 = arith.constant 42 : i32
        %add3A_1607 = vector.broadcast %add3A_1606 : i32 to vector<16xi32>
        %add3A_1608 = arith.addi %xor3A_1602, %add3A_1607 : vector<16xi32>
        %add3A_1609 = arith.constant 3 : i32
        %add3A_1610 = vector.broadcast %add3A_1609 : i32 to vector<16xi32>
        %add3A_1611 = arith.addi %add3A_1608, %add3A_1610 : vector<16xi32>
        %add3A_1612 = arith.addi %add3A_1605, %add3A_1611 : vector<16xi32>
        %shift_left3A_1613 = arith.constant 17 : i32
        %shift_left3A_1614 = vector.broadcast %shift_left3A_1613 : i32 to vector<16xi32>
        %shift_left3A_1615 = arith.shli %add3A_1611, %shift_left3A_1614 : vector<16xi32>
        %shift_right_logical3A_1616 = arith.constant 15 : i32
        %shift_right_logical3A_1617 = vector.broadcast %shift_right_logical3A_1616 : i32 to vector<16xi32>
        %shift_right_logical3A_1618 = arith.shrui %add3A_1611, %shift_right_logical3A_1617 : vector<16xi32>
        %or3A_1619 = arith.ori %shift_left3A_1615, %shift_right_logical3A_1618 : vector<16xi32>
        %xor3A_1620 = arith.xori %or3A_1619, %add3A_1612 : vector<16xi32>
        %add3A_1621 = arith.addi %add3A_1612, %xor3A_1620 : vector<16xi32>
        %shift_left3A_1622 = arith.constant 29 : i32
        %shift_left3A_1623 = vector.broadcast %shift_left3A_1622 : i32 to vector<16xi32>
        %shift_left3A_1624 = arith.shli %xor3A_1620, %shift_left3A_1623 : vector<16xi32>
        %shift_right_logical3A_1625 = arith.constant 3 : i32
        %shift_right_logical3A_1626 = vector.broadcast %shift_right_logical3A_1625 : i32 to vector<16xi32>
        %shift_right_logical3A_1627 = arith.shrui %xor3A_1620, %shift_right_logical3A_1626 : vector<16xi32>
        %or3A_1628 = arith.ori %shift_left3A_1624, %shift_right_logical3A_1627 : vector<16xi32>
        %xor3A_1629 = arith.xori %or3A_1628, %add3A_1621 : vector<16xi32>
        %add3A_1630 = arith.addi %add3A_1621, %xor3A_1629 : vector<16xi32>
        %shift_left3A_1631 = arith.constant 16 : i32
        %shift_left3A_1632 = vector.broadcast %shift_left3A_1631 : i32 to vector<16xi32>
        %shift_left3A_1633 = arith.shli %xor3A_1629, %shift_left3A_1632 : vector<16xi32>
        %shift_right_logical3A_1634 = arith.constant 16 : i32
        %shift_right_logical3A_1635 = vector.broadcast %shift_right_logical3A_1634 : i32 to vector<16xi32>
        %shift_right_logical3A_1636 = arith.shrui %xor3A_1629, %shift_right_logical3A_1635 : vector<16xi32>
        %or3A_1637 = arith.ori %shift_left3A_1633, %shift_right_logical3A_1636 : vector<16xi32>
        %xor3A_1638 = arith.xori %or3A_1637, %add3A_1630 : vector<16xi32>
        %add3A_1639 = arith.addi %add3A_1630, %xor3A_1638 : vector<16xi32>
        %shift_left3A_1640 = arith.constant 24 : i32
        %shift_left3A_1641 = vector.broadcast %shift_left3A_1640 : i32 to vector<16xi32>
        %shift_left3A_1642 = arith.shli %xor3A_1638, %shift_left3A_1641 : vector<16xi32>
        %shift_right_logical3A_1643 = arith.constant 8 : i32
        %shift_right_logical3A_1644 = vector.broadcast %shift_right_logical3A_1643 : i32 to vector<16xi32>
        %shift_right_logical3A_1645 = arith.shrui %xor3A_1638, %shift_right_logical3A_1644 : vector<16xi32>
        %or3A_1646 = arith.ori %shift_left3A_1642, %shift_right_logical3A_1645 : vector<16xi32>
        %xor3A_1647 = arith.xori %or3A_1646, %add3A_1639 : vector<16xi32>
        %add3A_1648 = arith.constant 42 : i32
        %add3A_1649 = vector.broadcast %add3A_1648 : i32 to vector<16xi32>
        %add3A_1650 = arith.addi %add3A_1639, %add3A_1649 : vector<16xi32>
        %add3A_1651 = arith.constant 466689008 : i32
        %add3A_1652 = vector.broadcast %add3A_1651 : i32 to vector<16xi32>
        %add3A_1653 = arith.addi %xor3A_1647, %add3A_1652 : vector<16xi32>
        %add3A_1654 = arith.constant 4 : i32
        %add3A_1655 = vector.broadcast %add3A_1654 : i32 to vector<16xi32>
        %add3A_1656 = arith.addi %add3A_1653, %add3A_1655 : vector<16xi32>
        %add3A_1657 = arith.addi %add3A_1650, %add3A_1656 : vector<16xi32>
        %shift_left3A_1658 = arith.constant 13 : i32
        %shift_left3A_1659 = vector.broadcast %shift_left3A_1658 : i32 to vector<16xi32>
        %shift_left3A_1660 = arith.shli %add3A_1656, %shift_left3A_1659 : vector<16xi32>
        %shift_right_logical3A_1661 = arith.constant 19 : i32
        %shift_right_logical3A_1662 = vector.broadcast %shift_right_logical3A_1661 : i32 to vector<16xi32>
        %shift_right_logical3A_1663 = arith.shrui %add3A_1656, %shift_right_logical3A_1662 : vector<16xi32>
        %or3A_1664 = arith.ori %shift_left3A_1660, %shift_right_logical3A_1663 : vector<16xi32>
        %xor3A_1665 = arith.xori %or3A_1664, %add3A_1657 : vector<16xi32>
        %add3A_1666 = arith.addi %add3A_1657, %xor3A_1665 : vector<16xi32>
        %shift_left3A_1667 = arith.constant 15 : i32
        %shift_left3A_1668 = vector.broadcast %shift_left3A_1667 : i32 to vector<16xi32>
        %shift_left3A_1669 = arith.shli %xor3A_1665, %shift_left3A_1668 : vector<16xi32>
        %shift_right_logical3A_1670 = arith.constant 17 : i32
        %shift_right_logical3A_1671 = vector.broadcast %shift_right_logical3A_1670 : i32 to vector<16xi32>
        %shift_right_logical3A_1672 = arith.shrui %xor3A_1665, %shift_right_logical3A_1671 : vector<16xi32>
        %or3A_1673 = arith.ori %shift_left3A_1669, %shift_right_logical3A_1672 : vector<16xi32>
        %xor3A_1674 = arith.xori %or3A_1673, %add3A_1666 : vector<16xi32>
        %add3A_1675 = arith.addi %add3A_1666, %xor3A_1674 : vector<16xi32>
        %shift_left3A_1676 = arith.constant 26 : i32
        %shift_left3A_1677 = vector.broadcast %shift_left3A_1676 : i32 to vector<16xi32>
        %shift_left3A_1678 = arith.shli %xor3A_1674, %shift_left3A_1677 : vector<16xi32>
        %shift_right_logical3A_1679 = arith.constant 6 : i32
        %shift_right_logical3A_1680 = vector.broadcast %shift_right_logical3A_1679 : i32 to vector<16xi32>
        %shift_right_logical3A_1681 = arith.shrui %xor3A_1674, %shift_right_logical3A_1680 : vector<16xi32>
        %or3A_1682 = arith.ori %shift_left3A_1678, %shift_right_logical3A_1681 : vector<16xi32>
        %xor3A_1683 = arith.xori %or3A_1682, %add3A_1675 : vector<16xi32>
        %add3A_1684 = arith.addi %add3A_1675, %xor3A_1683 : vector<16xi32>
        %shift_left3A_1685 = arith.constant 6 : i32
        %shift_left3A_1686 = vector.broadcast %shift_left3A_1685 : i32 to vector<16xi32>
        %shift_left3A_1687 = arith.shli %xor3A_1683, %shift_left3A_1686 : vector<16xi32>
        %shift_right_logical3A_1688 = arith.constant 26 : i32
        %shift_right_logical3A_1689 = vector.broadcast %shift_right_logical3A_1688 : i32 to vector<16xi32>
        %shift_right_logical3A_1690 = arith.shrui %xor3A_1683, %shift_right_logical3A_1689 : vector<16xi32>
        %or3A_1691 = arith.ori %shift_left3A_1687, %shift_right_logical3A_1690 : vector<16xi32>
        %xor3A_1692 = arith.xori %or3A_1691, %add3A_1684 : vector<16xi32>
        %add3A_1693 = arith.constant 466689008 : i32
        %add3A_1694 = vector.broadcast %add3A_1693 : i32 to vector<16xi32>
        %add3A_1695 = arith.addi %add3A_1684, %add3A_1694 : vector<16xi32>
        %add3A_1696 = arith.constant 0 : i32
        %add3A_1697 = vector.broadcast %add3A_1696 : i32 to vector<16xi32>
        %add3A_1698 = arith.addi %xor3A_1692, %add3A_1697 : vector<16xi32>
        %add3A_1699 = arith.constant 5 : i32
        %add3A_1700 = vector.broadcast %add3A_1699 : i32 to vector<16xi32>
        %add3A_1701 = arith.addi %add3A_1698, %add3A_1700 : vector<16xi32>
        %xor3A_1702 = arith.xori %add3A_1695, %add3A_1701 : vector<16xi32>
        %shift_right_logical3A_1703 = arith.constant 9 : i32
        %shift_right_logical3A_1704 = vector.broadcast %shift_right_logical3A_1703 : i32 to vector<16xi32>
        %shift_right_logical3A_1705 = arith.shrui %xor3A_1702, %shift_right_logical3A_1704 : vector<16xi32>
        %convert_element_type3A_1706 = arith.sitofp %shift_right_logical3A_1705 : vector<16xi32> to vector<16xf32>
        %mul3A_1707 = arith.constant 1.1920929E-7 : f32
        %mul3A_1708 = vector.broadcast %mul3A_1707 : f32 to vector<16xf32>
        %mul3A_1709 = arith.mulf %convert_element_type3A_1706, %mul3A_1708 : vector<16xf32>
        %max3A_1710 = arith.constant 1.17549435E-38 : f32
        %max3A_1711 = vector.broadcast %max3A_1710 : f32 to vector<16xf32>
        %max3A_1712 = arith.maximumf %mul3A_1709, %max3A_1711 : vector<16xf32>
        %sub3A_1713 = arith.constant 0x4B000000 : f32
        %sub3A_1714 = vector.broadcast %sub3A_1713 : f32 to vector<16xf32>
        %sub3A_1715 = arith.subf %convert_element_type3A_1706, %sub3A_1714 : vector<16xf32>
        %mul3A_1716 = arith.constant 1.1920929E-7 : f32
        %mul3A_1717 = vector.broadcast %mul3A_1716 : f32 to vector<16xf32>
        %mul3A_1718 = arith.mulf %sub3A_1715, %mul3A_1717 : vector<16xf32>
        %broadcast_in_dim3A_1719 = arith.constant -0.334263474 : f32
        %broadcast_in_dim3A_1720 = vector.broadcast %broadcast_in_dim3A_1719 : f32 to vector<16xf32>
        %mul3A_1721 = arith.mulf %broadcast_in_dim3A_1720, %mul3A_1718 : vector<16xf32>
        %add3A_1722 = arith.constant 0.0407187231 : f32
        %add3A_1723 = vector.broadcast %add3A_1722 : f32 to vector<16xf32>
        %add3A_1724 = arith.addf %mul3A_1721, %add3A_1723 : vector<16xf32>
        %mul3A_1725 = arith.mulf %add3A_1724, %mul3A_1718 : vector<16xf32>
        %add3A_1726 = arith.constant -0.190590665 : f32
        %add3A_1727 = vector.broadcast %add3A_1726 : f32 to vector<16xf32>
        %add3A_1728 = arith.addf %mul3A_1725, %add3A_1727 : vector<16xf32>
        %mul3A_1729 = arith.mulf %add3A_1728, %mul3A_1718 : vector<16xf32>
        %add3A_1730 = arith.constant 0.196964383 : f32
        %add3A_1731 = vector.broadcast %add3A_1730 : f32 to vector<16xf32>
        %add3A_1732 = arith.addf %mul3A_1729, %add3A_1731 : vector<16xf32>
        %mul3A_1733 = arith.mulf %add3A_1732, %mul3A_1718 : vector<16xf32>
        %add3A_1734 = arith.constant -0.250209928 : f32
        %add3A_1735 = vector.broadcast %add3A_1734 : f32 to vector<16xf32>
        %add3A_1736 = arith.addf %mul3A_1733, %add3A_1735 : vector<16xf32>
        %mul3A_1737 = arith.mulf %add3A_1736, %mul3A_1718 : vector<16xf32>
        %add3A_1738 = arith.constant 0.333325982 : f32
        %add3A_1739 = vector.broadcast %add3A_1738 : f32 to vector<16xf32>
        %add3A_1740 = arith.addf %mul3A_1737, %add3A_1739 : vector<16xf32>
        %mul3A_1741 = arith.mulf %add3A_1740, %mul3A_1718 : vector<16xf32>
        %add3A_1742 = arith.constant -0.500000119 : f32
        %add3A_1743 = vector.broadcast %add3A_1742 : f32 to vector<16xf32>
        %add3A_1744 = arith.addf %mul3A_1741, %add3A_1743 : vector<16xf32>
        %mul3A_1745 = arith.mulf %add3A_1744, %mul3A_1718 : vector<16xf32>
        %add3A_1746 = arith.constant 1.000000e+00 : f32
        %add3A_1747 = vector.broadcast %add3A_1746 : f32 to vector<16xf32>
        %add3A_1748 = arith.addf %mul3A_1745, %add3A_1747 : vector<16xf32>
        %mul3A_1749 = arith.mulf %mul3A_1718, %add3A_1748 : vector<16xf32>
        %neg3A_1750 = arith.constant 0.000000e+00 : f32
        %neg3A_1751 = vector.broadcast %neg3A_1750 : f32 to vector<16xf32>
        %neg3A_1752 = arith.subf %neg3A_1751, %mul3A_1749 : vector<16xf32>
        %bitcast_convert_type3A_1753 = tpu.bitcast %max3A_1712 : vector<16xf32> -> vector<16xi32>
        %shift_right_logical3A_1754 = arith.constant 23 : i32
        %shift_right_logical3A_1755 = vector.broadcast %shift_right_logical3A_1754 : i32 to vector<16xi32>
        %shift_right_logical3A_1756 = arith.shrui %bitcast_convert_type3A_1753, %shift_right_logical3A_1755 : vector<16xi32>
        %sub3A_1757 = arith.constant 127 : i32
        %sub3A_1758 = vector.broadcast %sub3A_1757 : i32 to vector<16xi32>
        %sub3A_1759 = arith.subi %shift_right_logical3A_1756, %sub3A_1758 : vector<16xi32>
        %and3A_1760 = arith.constant 8388607 : i32
        %and3A_1761 = vector.broadcast %and3A_1760 : i32 to vector<16xi32>
        %and3A_1762 = arith.andi %bitcast_convert_type3A_1753, %and3A_1761 : vector<16xi32>
        %or3A_1763 = arith.constant 1065353216 : i32
        %or3A_1764 = vector.broadcast %or3A_1763 : i32 to vector<16xi32>
        %or3A_1765 = arith.ori %and3A_1762, %or3A_1764 : vector<16xi32>
        %bitcast_convert_type3A_1766 = tpu.bitcast %or3A_1765 : vector<16xi32> -> vector<16xf32>
        %ge3A_1767 = arith.constant 1.41421354 : f32
        %ge3A_1768 = vector.broadcast %ge3A_1767 : f32 to vector<16xf32>
        %ge3A_1769 = arith.cmpf oge, %bitcast_convert_type3A_1766, %ge3A_1768 : vector<16xf32>
        %mul3A_1770 = arith.constant 5.000000e-01 : f32
        %mul3A_1771 = vector.broadcast %mul3A_1770 : f32 to vector<16xf32>
        %mul3A_1772 = arith.mulf %bitcast_convert_type3A_1766, %mul3A_1771 : vector<16xf32>
        %select_n3A_1773 = arith.select %ge3A_1769, %mul3A_1772, %bitcast_convert_type3A_1766 : vector<16xi1>, vector<16xf32>
        %add3A_1774 = arith.constant 1 : i32
        %add3A_1775 = vector.broadcast %add3A_1774 : i32 to vector<16xi32>
        %add3A_1776 = arith.addi %sub3A_1759, %add3A_1775 : vector<16xi32>
        %select_n3A_1777 = arith.select %ge3A_1769, %add3A_1776, %sub3A_1759 : vector<16xi1>, vector<16xi32>
        %sub3A_1778 = arith.constant 1.000000e+00 : f32
        %sub3A_1779 = vector.broadcast %sub3A_1778 : f32 to vector<16xf32>
        %sub3A_1780 = arith.subf %select_n3A_1773, %sub3A_1779 : vector<16xf32>
        %broadcast_in_dim3A_1781 = arith.constant -0.0991365611 : f32
        %broadcast_in_dim3A_1782 = vector.broadcast %broadcast_in_dim3A_1781 : f32 to vector<16xf32>
        %mul3A_1783 = arith.mulf %broadcast_in_dim3A_1782, %sub3A_1780 : vector<16xf32>
        %add3A_1784 = arith.constant 0.163385555 : f32
        %add3A_1785 = vector.broadcast %add3A_1784 : f32 to vector<16xf32>
        %add3A_1786 = arith.addf %mul3A_1783, %add3A_1785 : vector<16xf32>
        %mul3A_1787 = arith.mulf %add3A_1786, %sub3A_1780 : vector<16xf32>
        %add3A_1788 = arith.constant -0.173631534 : f32
        %add3A_1789 = vector.broadcast %add3A_1788 : f32 to vector<16xf32>
        %add3A_1790 = arith.addf %mul3A_1787, %add3A_1789 : vector<16xf32>
        %mul3A_1791 = arith.mulf %add3A_1790, %sub3A_1780 : vector<16xf32>
        %add3A_1792 = arith.constant 0.198853612 : f32
        %add3A_1793 = vector.broadcast %add3A_1792 : f32 to vector<16xf32>
        %add3A_1794 = arith.addf %mul3A_1791, %add3A_1793 : vector<16xf32>
        %mul3A_1795 = arith.mulf %add3A_1794, %sub3A_1780 : vector<16xf32>
        %add3A_1796 = arith.constant -0.249577805 : f32
        %add3A_1797 = vector.broadcast %add3A_1796 : f32 to vector<16xf32>
        %add3A_1798 = arith.addf %mul3A_1795, %add3A_1797 : vector<16xf32>
        %mul3A_1799 = arith.mulf %add3A_1798, %sub3A_1780 : vector<16xf32>
        %add3A_1800 = arith.constant 0.333356887 : f32
        %add3A_1801 = vector.broadcast %add3A_1800 : f32 to vector<16xf32>
        %add3A_1802 = arith.addf %mul3A_1799, %add3A_1801 : vector<16xf32>
        %mul3A_1803 = arith.mulf %add3A_1802, %sub3A_1780 : vector<16xf32>
        %add3A_1804 = arith.constant -5.000070e-01 : f32
        %add3A_1805 = vector.broadcast %add3A_1804 : f32 to vector<16xf32>
        %add3A_1806 = arith.addf %mul3A_1803, %add3A_1805 : vector<16xf32>
        %mul3A_1807 = arith.mulf %add3A_1806, %sub3A_1780 : vector<16xf32>
        %add3A_1808 = arith.constant 0.999999821 : f32
        %add3A_1809 = vector.broadcast %add3A_1808 : f32 to vector<16xf32>
        %add3A_1810 = arith.addf %mul3A_1807, %add3A_1809 : vector<16xf32>
        %mul3A_1811 = arith.mulf %add3A_1810, %sub3A_1780 : vector<16xf32>
        %convert_element_type3A_1812 = arith.sitofp %select_n3A_1777 : vector<16xi32> to vector<16xf32>
        %mul3A_1813 = arith.constant 0.693147182 : f32
        %mul3A_1814 = vector.broadcast %mul3A_1813 : f32 to vector<16xf32>
        %mul3A_1815 = arith.mulf %convert_element_type3A_1812, %mul3A_1814 : vector<16xf32>
        %add3A_1816 = arith.addf %mul3A_1815, %mul3A_1811 : vector<16xf32>
        %neg3A_1817 = arith.constant 0.000000e+00 : f32
        %neg3A_1818 = vector.broadcast %neg3A_1817 : f32 to vector<16xf32>
        %neg3A_1819 = arith.subf %neg3A_1818, %add3A_1816 : vector<16xf32>
        %ge3A_1820 = arith.constant 6291456 : i32
        %ge3A_1821 = vector.broadcast %ge3A_1820 : i32 to vector<16xi32>
        %ge3A_1822 = arith.cmpi sge, %shift_right_logical3A_1705, %ge3A_1821 : vector<16xi32>
        %select_n3A_1823 = arith.select %ge3A_1822, %neg3A_1752, %neg3A_1819 : vector<16xi1>, vector<16xf32>
        %bitcast_convert_type3A_1824 = tpu.bitcast %select_n3A_1823 : vector<16xf32> -> vector<16xi32>
        %shift_right_logical3A_1825 = arith.constant 23 : i32
        %shift_right_logical3A_1826 = vector.broadcast %shift_right_logical3A_1825 : i32 to vector<16xi32>
        %shift_right_logical3A_1827 = arith.shrui %bitcast_convert_type3A_1824, %shift_right_logical3A_1826 : vector<16xi32>
        %sub3A_1828 = arith.constant 127 : i32
        %sub3A_1829 = vector.broadcast %sub3A_1828 : i32 to vector<16xi32>
        %sub3A_1830 = arith.subi %shift_right_logical3A_1827, %sub3A_1829 : vector<16xi32>
        %and3A_1831 = arith.constant 8388607 : i32
        %and3A_1832 = vector.broadcast %and3A_1831 : i32 to vector<16xi32>
        %and3A_1833 = arith.andi %bitcast_convert_type3A_1824, %and3A_1832 : vector<16xi32>
        %or3A_1834 = arith.constant 1065353216 : i32
        %or3A_1835 = vector.broadcast %or3A_1834 : i32 to vector<16xi32>
        %or3A_1836 = arith.ori %and3A_1833, %or3A_1835 : vector<16xi32>
        %bitcast_convert_type3A_1837 = tpu.bitcast %or3A_1836 : vector<16xi32> -> vector<16xf32>
        %ge3A_1838 = arith.constant 1.41421354 : f32
        %ge3A_1839 = vector.broadcast %ge3A_1838 : f32 to vector<16xf32>
        %ge3A_1840 = arith.cmpf oge, %bitcast_convert_type3A_1837, %ge3A_1839 : vector<16xf32>
        %mul3A_1841 = arith.constant 5.000000e-01 : f32
        %mul3A_1842 = vector.broadcast %mul3A_1841 : f32 to vector<16xf32>
        %mul3A_1843 = arith.mulf %bitcast_convert_type3A_1837, %mul3A_1842 : vector<16xf32>
        %select_n3A_1844 = arith.select %ge3A_1840, %mul3A_1843, %bitcast_convert_type3A_1837 : vector<16xi1>, vector<16xf32>
        %add3A_1845 = arith.constant 1 : i32
        %add3A_1846 = vector.broadcast %add3A_1845 : i32 to vector<16xi32>
        %add3A_1847 = arith.addi %sub3A_1830, %add3A_1846 : vector<16xi32>
        %select_n3A_1848 = arith.select %ge3A_1840, %add3A_1847, %sub3A_1830 : vector<16xi1>, vector<16xi32>
        %sub3A_1849 = arith.constant 1.000000e+00 : f32
        %sub3A_1850 = vector.broadcast %sub3A_1849 : f32 to vector<16xf32>
        %sub3A_1851 = arith.subf %select_n3A_1844, %sub3A_1850 : vector<16xf32>
        %broadcast_in_dim3A_1852 = arith.constant 0.114490829 : f32
        %broadcast_in_dim3A_1853 = vector.broadcast %broadcast_in_dim3A_1852 : f32 to vector<16xf32>
        %mul3A_1854 = arith.mulf %broadcast_in_dim3A_1853, %sub3A_1851 : vector<16xf32>
        %add3A_1855 = arith.constant -0.187792078 : f32
        %add3A_1856 = vector.broadcast %add3A_1855 : f32 to vector<16xf32>
        %add3A_1857 = arith.addf %mul3A_1854, %add3A_1856 : vector<16xf32>
        %mul3A_1858 = arith.mulf %add3A_1857, %sub3A_1851 : vector<16xf32>
        %add3A_1859 = arith.constant 0.206738353 : f32
        %add3A_1860 = vector.broadcast %add3A_1859 : f32 to vector<16xf32>
        %add3A_1861 = arith.addf %mul3A_1858, %add3A_1860 : vector<16xf32>
        %mul3A_1862 = arith.mulf %add3A_1861, %sub3A_1851 : vector<16xf32>
        %add3A_1863 = arith.constant -0.248981208 : f32
        %add3A_1864 = vector.broadcast %add3A_1863 : f32 to vector<16xf32>
        %add3A_1865 = arith.addf %mul3A_1862, %add3A_1864 : vector<16xf32>
        %mul3A_1866 = arith.mulf %add3A_1865, %sub3A_1851 : vector<16xf32>
        %add3A_1867 = arith.constant 0.332989544 : f32
        %add3A_1868 = vector.broadcast %add3A_1867 : f32 to vector<16xf32>
        %add3A_1869 = arith.addf %mul3A_1866, %add3A_1868 : vector<16xf32>
        %mul3A_1870 = arith.mulf %add3A_1869, %sub3A_1851 : vector<16xf32>
        %add3A_1871 = arith.constant -0.500014484 : f32
        %add3A_1872 = vector.broadcast %add3A_1871 : f32 to vector<16xf32>
        %add3A_1873 = arith.addf %mul3A_1870, %add3A_1872 : vector<16xf32>
        %mul3A_1874 = arith.mulf %add3A_1873, %sub3A_1851 : vector<16xf32>
        %add3A_1875 = arith.constant 1.00000417 : f32
        %add3A_1876 = vector.broadcast %add3A_1875 : f32 to vector<16xf32>
        %add3A_1877 = arith.addf %mul3A_1874, %add3A_1876 : vector<16xf32>
        %mul3A_1878 = arith.mulf %add3A_1877, %sub3A_1851 : vector<16xf32>
        %convert_element_type3A_1879 = arith.sitofp %select_n3A_1848 : vector<16xi32> to vector<16xf32>
        %mul3A_1880 = arith.constant 0.693147182 : f32
        %mul3A_1881 = vector.broadcast %mul3A_1880 : f32 to vector<16xf32>
        %mul3A_1882 = arith.mulf %convert_element_type3A_1879, %mul3A_1881 : vector<16xf32>
        %add3A_1883 = arith.addf %mul3A_1882, %mul3A_1878 : vector<16xf32>
        %neg3A_1884 = arith.constant 0.000000e+00 : f32
        %neg3A_1885 = vector.broadcast %neg3A_1884 : f32 to vector<16xf32>
        %neg3A_1886 = arith.subf %neg3A_1885, %add3A_1883 : vector<16xf32>
        %add3A_1887 = arith.addf %get3A_1463, %neg3A_1886 : vector<16xf32>
        %mul3A_1888 = arith.constant 16 : i32
        %mul3A_1889 = arith.muli %scan3A_1457, %mul3A_1888 : i32
        %add3A_1890 = arith.addi %add3A_135, %mul3A_1889 : i32
        %add3A_1891 = vector.broadcast %add3A_1890 : i32 to vector<16xi32>
        %add3A_1892 = arith.addi %add3A_1891, %iota3A : vector<16xi32>
        %gt3A_1893 = arith.cmpf ogt, %add3A_1887, %select_n3A_1454 : vector<16xf32>
        %select_n3A_1894 = arith.select %gt3A_1893, %add3A_1887, %select_n3A_1454 : vector<16xi1>, vector<16xf32>
        %select_n3A_1895 = arith.select %gt3A_1893, %add3A_1892, %select_n3A_1455 : vector<16xi1>, vector<16xi32>
        scf.yield %select_n3A_1894, %select_n3A_1895 : vector<16xf32>, vector<16xi32>
      }
      %scan3A_144 = arith.constant 1024 : i32
      scf.yield %scan3A_143#0, %scan3A_143#1 : vector<16xf32>, vector<16xi32>
    }
    %scan3A_102 = arith.constant 13 : i32
    %swap3A_103 = arith.constant 0 : index
    %swap3A_104 = tpu.vector_load %arg6[%swap3A_103] {strides = array<i32>} : memref<16xf32, #tpu.memory_space<vmem>>, vector<16xf32>,
    %swap3A_105 = vector.shape_cast %swap3A_104 : vector<16xf32> to vector<16xf32>
    %swap3A_106 = vector.shape_cast %scan3A_101#0 : vector<16xf32> to vector<16xf32>
    tpu.vector_store %arg6[%swap3A_103], %swap3A_106 {strides = array<i32>} : memref<16xf32, #tpu.memory_space<vmem>>, vector<16xf32>,
    %swap3A_107 = arith.constant 0 : index
    %swap3A_108 = tpu.vector_load %arg7[%swap3A_107] {strides = array<i32>} : memref<16xi32, #tpu.memory_space<vmem>>, vector<16xi32>,
    %swap3A_109 = vector.shape_cast %swap3A_108 : vector<16xi32> to vector<16xi32>
    %swap3A_110 = vector.shape_cast %scan3A_101#1 : vector<16xi32> to vector<16xi32>
    tpu.vector_store %arg7[%swap3A_107], %swap3A_110 {strides = array<i32>} : memref<16xi32, #tpu.memory_space<vmem>>, vector<16xi32>,
    %mul3A_111 = arith.constant 16 : i32
    %mul3A_112 = arith.muli %add3A_77, %mul3A_111 : i32
    "tpu.region"() ({
      %run_scoped3A = tpu.sem_alloc : memref<!tpu.dma_semaphore, #tpu.memory_space<semaphore_mem>>
      %dma_start3A_115 = tpu.memref_slice %arg3[%mul3A_112] : memref<1024xf32, #tpu.memory_space<hbm>> -> memref<16xf32, #tpu.memory_space<hbm>>
      %dma_start3A_116 = tpu.memref_slice %arg3[%mul3A_112] : memref<1024xf32, #tpu.memory_space<hbm>> -> memref<16xf32, #tpu.memory_space<hbm>>
      tpu.enqueue_dma source(%arg6 : memref<16xf32, #tpu.memory_space<vmem>>) target(%dma_start3A_116 : memref<16xf32, #tpu.memory_space<hbm>>) target_semaphore(%run_scoped3A : memref<!tpu.dma_semaphore, #tpu.memory_space<semaphore_mem>>)
      %dma_wait3A = tpu.memref_slice %arg3[%mul3A_112] : memref<1024xf32, #tpu.memory_space<hbm>> -> memref<16xf32, #tpu.memory_space<hbm>>
      %dma_wait3A_117 = tpu.memref_slice %arg3[%mul3A_112] : memref<1024xf32, #tpu.memory_space<hbm>> -> memref<16xf32, #tpu.memory_space<hbm>>
      tpu.wait_dma2 semaphore(%run_scoped3A : memref<!tpu.dma_semaphore, #tpu.memory_space<semaphore_mem>>) src(%arg6 : memref<16xf32, #tpu.memory_space<vmem>>) dst(%dma_wait3A_117 : memref<16xf32, #tpu.memory_space<hbm>>)
      tpu.yield
    }) : () -> ()
    %mul3A_113 = arith.constant 16 : i32
    %mul3A_114 = arith.muli %add3A_77, %mul3A_113 : i32
    "tpu.region"() ({
      %run_scoped3A = tpu.sem_alloc : memref<!tpu.dma_semaphore, #tpu.memory_space<semaphore_mem>>
      %dma_start3A_115 = tpu.memref_slice %arg4[%mul3A_114] : memref<1024xi32, #tpu.memory_space<hbm>> -> memref<16xi32, #tpu.memory_space<hbm>>
      %dma_start3A_116 = tpu.memref_slice %arg4[%mul3A_114] : memref<1024xi32, #tpu.memory_space<hbm>> -> memref<16xi32, #tpu.memory_space<hbm>>
      tpu.enqueue_dma source(%arg7 : memref<16xi32, #tpu.memory_space<vmem>>) target(%dma_start3A_116 : memref<16xi32, #tpu.memory_space<hbm>>) target_semaphore(%run_scoped3A : memref<!tpu.dma_semaphore, #tpu.memory_space<semaphore_mem>>)
      %dma_wait3A = tpu.memref_slice %arg4[%mul3A_114] : memref<1024xi32, #tpu.memory_space<hbm>> -> memref<16xi32, #tpu.memory_space<hbm>>
      %dma_wait3A_117 = tpu.memref_slice %arg4[%mul3A_114] : memref<1024xi32, #tpu.memory_space<hbm>> -> memref<16xi32, #tpu.memory_space<hbm>>
      tpu.wait_dma2 semaphore(%run_scoped3A : memref<!tpu.dma_semaphore, #tpu.memory_space<semaphore_mem>>) src(%arg7 : memref<16xi32, #tpu.memory_space<vmem>>) dst(%dma_wait3A_117 : memref<16xi32, #tpu.memory_space<hbm>>)
      tpu.yield
    }) : () -> ()
    return
  }
}

module attributes {stable_mosaic.version = 14 : i64} {
  func.func @body(%arg0: i32, %arg1: memref<64x4096xf32, #tpu.memory_space<vmem>>, %arg2: memref<64x128xf32, #tpu.memory_space<vmem>>, %arg3: memref<64x128xi32, #tpu.memory_space<vmem>>) attributes {dimension_semantics = [#tpu.dimension_semantics<arbitrary>], iteration_bounds = array<i64: 192>, scalar_prefetch = 0 : i64, scratch_operands = 0 : i64, tpu.core_type = #tpu.core_type<tc>, window_params = [{transform_indices = @transform_0, window_bounds = array<i64: 64, 4096>}, {pipeline_mode = #tpu.pipeline_mode<synchronous>, transform_indices = @transform_1, window_bounds = array<i64: 64, 128>}, {pipeline_mode = #tpu.pipeline_mode<synchronous>, transform_indices = @transform_2, window_bounds = array<i64: 64, 128>}]} {
    %eq3A = arith.constant 0 : i32
    %eq3A_0 = arith.cmpi eq, %arg0, %eq3A : i32
    %convert_element_type3A = arith.extui %eq3A_0 : i1 to i32
    %cond3A = arith.constant 0 : i32
    %cond3A_1 = arith.cmpi ne, %convert_element_type3A, %cond3A : i32
    scf.if %cond3A_1 {
      %broadcast_in_dim3A_291 = arith.constant 0xFF800000 : f32
      %broadcast_in_dim3A_292 = vector.broadcast %broadcast_in_dim3A_291 : f32 to vector<64x128xf32>
      %swap3A_293 = arith.constant 0 : index
      %swap3A_294 = arith.constant 0 : index
      %swap3A_295 = vector.load %arg2[%swap3A_293, %swap3A_294] : memref<64x128xf32, #tpu.memory_space<vmem>>, vector<64x128xf32>
      tpu.vector_store %arg2[%swap3A_293, %swap3A_294], %broadcast_in_dim3A_292 {strides = array<i32>} : memref<64x128xf32, #tpu.memory_space<vmem>>, vector<64x128xf32>,
      %broadcast_in_dim3A_296 = arith.constant 0 : i32
      %broadcast_in_dim3A_297 = vector.broadcast %broadcast_in_dim3A_296 : i32 to vector<64x128xi32>
      %swap3A_298 = arith.constant 0 : index
      %swap3A_299 = arith.constant 0 : index
      %swap3A_300 = vector.load %arg3[%swap3A_298, %swap3A_299] : memref<64x128xi32, #tpu.memory_space<vmem>>, vector<64x128xi32>
      tpu.vector_store %arg3[%swap3A_298, %swap3A_299], %broadcast_in_dim3A_297 {strides = array<i32>} : memref<64x128xi32, #tpu.memory_space<vmem>>, vector<64x128xi32>,
    } else {
    }
    %iota3A = tpu.iota {dimensions = array<i32: 1>} : vector<64x32x128xi32>
    %iota3A_2 = tpu.iota {dimensions = array<i32: 2>} : vector<64x32x128xi32>
    %mul3A = arith.constant 4096 : i32
    %mul3A_3 = arith.muli %arg0, %mul3A : i32
    %mul3A_4 = arith.constant 128 : i32
    %mul3A_5 = vector.broadcast %mul3A_4 : i32 to vector<64x32x128xi32>
    %mul3A_6 = arith.muli %iota3A, %mul3A_5 : vector<64x32x128xi32>
    %add3A = vector.broadcast %mul3A_3 : i32 to vector<64x32x128xi32>
    %add3A_7 = arith.addi %add3A, %mul3A_6 : vector<64x32x128xi32>
    %add3A_8 = arith.addi %add3A_7, %iota3A_2 : vector<64x32x128xi32>
    %get3A = arith.constant 0 : index
    %get3A_9 = arith.constant 0 : index
    %get3A_10 = vector.load %arg1[%get3A, %get3A_9] : memref<64x4096xf32, #tpu.memory_space<vmem>>, vector<64x4096xf32>
    %reshape3A = vector.shape_cast %get3A_10 : vector<64x4096xf32> to vector<64x32x128xf32>
    %iota3A_11 = tpu.iota {dimensions = array<i32: 0>} : vector<64x32x128xi32>
    %mul3A_12 = arith.constant 1000000 : i32
    %mul3A_13 = vector.broadcast %mul3A_12 : i32 to vector<64x32x128xi32>
    %mul3A_14 = arith.muli %iota3A_11, %mul3A_13 : vector<64x32x128xi32>
    %add3A_15 = arith.addi %mul3A_14, %add3A_8 : vector<64x32x128xi32>
    %broadcast_in_dim3A = arith.constant 0 : i32
    %broadcast_in_dim3A_16 = vector.broadcast %broadcast_in_dim3A : i32 to vector<64x32x128xi32>
    %add3A_17 = arith.constant 0 : i32
    %add3A_18 = vector.broadcast %add3A_17 : i32 to vector<64x32x128xi32>
    %add3A_19 = arith.addi %broadcast_in_dim3A_16, %add3A_18 : vector<64x32x128xi32>
    %add3A_20 = arith.constant 42 : i32
    %add3A_21 = vector.broadcast %add3A_20 : i32 to vector<64x32x128xi32>
    %add3A_22 = arith.addi %add3A_15, %add3A_21 : vector<64x32x128xi32>
    %add3A_23 = arith.addi %add3A_19, %add3A_22 : vector<64x32x128xi32>
    %shift_left3A = arith.constant 13 : i32
    %shift_left3A_24 = vector.broadcast %shift_left3A : i32 to vector<64x32x128xi32>
    %shift_left3A_25 = arith.shli %add3A_22, %shift_left3A_24 : vector<64x32x128xi32>
    %shift_right_logical3A = arith.constant 19 : i32
    %shift_right_logical3A_26 = vector.broadcast %shift_right_logical3A : i32 to vector<64x32x128xi32>
    %shift_right_logical3A_27 = arith.shrui %add3A_22, %shift_right_logical3A_26 : vector<64x32x128xi32>
    %or3A = arith.ori %shift_left3A_25, %shift_right_logical3A_27 : vector<64x32x128xi32>
    %xor3A = arith.xori %or3A, %add3A_23 : vector<64x32x128xi32>
    %add3A_28 = arith.addi %add3A_23, %xor3A : vector<64x32x128xi32>
    %shift_left3A_29 = arith.constant 15 : i32
    %shift_left3A_30 = vector.broadcast %shift_left3A_29 : i32 to vector<64x32x128xi32>
    %shift_left3A_31 = arith.shli %xor3A, %shift_left3A_30 : vector<64x32x128xi32>
    %shift_right_logical3A_32 = arith.constant 17 : i32
    %shift_right_logical3A_33 = vector.broadcast %shift_right_logical3A_32 : i32 to vector<64x32x128xi32>
    %shift_right_logical3A_34 = arith.shrui %xor3A, %shift_right_logical3A_33 : vector<64x32x128xi32>
    %or3A_35 = arith.ori %shift_left3A_31, %shift_right_logical3A_34 : vector<64x32x128xi32>
    %xor3A_36 = arith.xori %or3A_35, %add3A_28 : vector<64x32x128xi32>
    %add3A_37 = arith.addi %add3A_28, %xor3A_36 : vector<64x32x128xi32>
    %shift_left3A_38 = arith.constant 26 : i32
    %shift_left3A_39 = vector.broadcast %shift_left3A_38 : i32 to vector<64x32x128xi32>
    %shift_left3A_40 = arith.shli %xor3A_36, %shift_left3A_39 : vector<64x32x128xi32>
    %shift_right_logical3A_41 = arith.constant 6 : i32
    %shift_right_logical3A_42 = vector.broadcast %shift_right_logical3A_41 : i32 to vector<64x32x128xi32>
    %shift_right_logical3A_43 = arith.shrui %xor3A_36, %shift_right_logical3A_42 : vector<64x32x128xi32>
    %or3A_44 = arith.ori %shift_left3A_40, %shift_right_logical3A_43 : vector<64x32x128xi32>
    %xor3A_45 = arith.xori %or3A_44, %add3A_37 : vector<64x32x128xi32>
    %add3A_46 = arith.addi %add3A_37, %xor3A_45 : vector<64x32x128xi32>
    %shift_left3A_47 = arith.constant 6 : i32
    %shift_left3A_48 = vector.broadcast %shift_left3A_47 : i32 to vector<64x32x128xi32>
    %shift_left3A_49 = arith.shli %xor3A_45, %shift_left3A_48 : vector<64x32x128xi32>
    %shift_right_logical3A_50 = arith.constant 26 : i32
    %shift_right_logical3A_51 = vector.broadcast %shift_right_logical3A_50 : i32 to vector<64x32x128xi32>
    %shift_right_logical3A_52 = arith.shrui %xor3A_45, %shift_right_logical3A_51 : vector<64x32x128xi32>
    %or3A_53 = arith.ori %shift_left3A_49, %shift_right_logical3A_52 : vector<64x32x128xi32>
    %xor3A_54 = arith.xori %or3A_53, %add3A_46 : vector<64x32x128xi32>
    %add3A_55 = arith.constant 42 : i32
    %add3A_56 = vector.broadcast %add3A_55 : i32 to vector<64x32x128xi32>
    %add3A_57 = arith.addi %add3A_46, %add3A_56 : vector<64x32x128xi32>
    %add3A_58 = arith.constant 466689008 : i32
    %add3A_59 = vector.broadcast %add3A_58 : i32 to vector<64x32x128xi32>
    %add3A_60 = arith.addi %xor3A_54, %add3A_59 : vector<64x32x128xi32>
    %add3A_61 = arith.constant 1 : i32
    %add3A_62 = vector.broadcast %add3A_61 : i32 to vector<64x32x128xi32>
    %add3A_63 = arith.addi %add3A_60, %add3A_62 : vector<64x32x128xi32>
    %add3A_64 = arith.addi %add3A_57, %add3A_63 : vector<64x32x128xi32>
    %shift_left3A_65 = arith.constant 17 : i32
    %shift_left3A_66 = vector.broadcast %shift_left3A_65 : i32 to vector<64x32x128xi32>
    %shift_left3A_67 = arith.shli %add3A_63, %shift_left3A_66 : vector<64x32x128xi32>
    %shift_right_logical3A_68 = arith.constant 15 : i32
    %shift_right_logical3A_69 = vector.broadcast %shift_right_logical3A_68 : i32 to vector<64x32x128xi32>
    %shift_right_logical3A_70 = arith.shrui %add3A_63, %shift_right_logical3A_69 : vector<64x32x128xi32>
    %or3A_71 = arith.ori %shift_left3A_67, %shift_right_logical3A_70 : vector<64x32x128xi32>
    %xor3A_72 = arith.xori %or3A_71, %add3A_64 : vector<64x32x128xi32>
    %add3A_73 = arith.addi %add3A_64, %xor3A_72 : vector<64x32x128xi32>
    %shift_left3A_74 = arith.constant 29 : i32
    %shift_left3A_75 = vector.broadcast %shift_left3A_74 : i32 to vector<64x32x128xi32>
    %shift_left3A_76 = arith.shli %xor3A_72, %shift_left3A_75 : vector<64x32x128xi32>
    %shift_right_logical3A_77 = arith.constant 3 : i32
    %shift_right_logical3A_78 = vector.broadcast %shift_right_logical3A_77 : i32 to vector<64x32x128xi32>
    %shift_right_logical3A_79 = arith.shrui %xor3A_72, %shift_right_logical3A_78 : vector<64x32x128xi32>
    %or3A_80 = arith.ori %shift_left3A_76, %shift_right_logical3A_79 : vector<64x32x128xi32>
    %xor3A_81 = arith.xori %or3A_80, %add3A_73 : vector<64x32x128xi32>
    %add3A_82 = arith.addi %add3A_73, %xor3A_81 : vector<64x32x128xi32>
    %shift_left3A_83 = arith.constant 16 : i32
    %shift_left3A_84 = vector.broadcast %shift_left3A_83 : i32 to vector<64x32x128xi32>
    %shift_left3A_85 = arith.shli %xor3A_81, %shift_left3A_84 : vector<64x32x128xi32>
    %shift_right_logical3A_86 = arith.constant 16 : i32
    %shift_right_logical3A_87 = vector.broadcast %shift_right_logical3A_86 : i32 to vector<64x32x128xi32>
    %shift_right_logical3A_88 = arith.shrui %xor3A_81, %shift_right_logical3A_87 : vector<64x32x128xi32>
    %or3A_89 = arith.ori %shift_left3A_85, %shift_right_logical3A_88 : vector<64x32x128xi32>
    %xor3A_90 = arith.xori %or3A_89, %add3A_82 : vector<64x32x128xi32>
    %add3A_91 = arith.addi %add3A_82, %xor3A_90 : vector<64x32x128xi32>
    %shift_left3A_92 = arith.constant 24 : i32
    %shift_left3A_93 = vector.broadcast %shift_left3A_92 : i32 to vector<64x32x128xi32>
    %shift_left3A_94 = arith.shli %xor3A_90, %shift_left3A_93 : vector<64x32x128xi32>
    %shift_right_logical3A_95 = arith.constant 8 : i32
    %shift_right_logical3A_96 = vector.broadcast %shift_right_logical3A_95 : i32 to vector<64x32x128xi32>
    %shift_right_logical3A_97 = arith.shrui %xor3A_90, %shift_right_logical3A_96 : vector<64x32x128xi32>
    %or3A_98 = arith.ori %shift_left3A_94, %shift_right_logical3A_97 : vector<64x32x128xi32>
    %xor3A_99 = arith.xori %or3A_98, %add3A_91 : vector<64x32x128xi32>
    %add3A_100 = arith.constant 466689008 : i32
    %add3A_101 = vector.broadcast %add3A_100 : i32 to vector<64x32x128xi32>
    %add3A_102 = arith.addi %add3A_91, %add3A_101 : vector<64x32x128xi32>
    %add3A_103 = arith.constant 0 : i32
    %add3A_104 = vector.broadcast %add3A_103 : i32 to vector<64x32x128xi32>
    %add3A_105 = arith.addi %xor3A_99, %add3A_104 : vector<64x32x128xi32>
    %add3A_106 = arith.constant 2 : i32
    %add3A_107 = vector.broadcast %add3A_106 : i32 to vector<64x32x128xi32>
    %add3A_108 = arith.addi %add3A_105, %add3A_107 : vector<64x32x128xi32>
    %add3A_109 = arith.addi %add3A_102, %add3A_108 : vector<64x32x128xi32>
    %shift_left3A_110 = arith.constant 13 : i32
    %shift_left3A_111 = vector.broadcast %shift_left3A_110 : i32 to vector<64x32x128xi32>
    %shift_left3A_112 = arith.shli %add3A_108, %shift_left3A_111 : vector<64x32x128xi32>
    %shift_right_logical3A_113 = arith.constant 19 : i32
    %shift_right_logical3A_114 = vector.broadcast %shift_right_logical3A_113 : i32 to vector<64x32x128xi32>
    %shift_right_logical3A_115 = arith.shrui %add3A_108, %shift_right_logical3A_114 : vector<64x32x128xi32>
    %or3A_116 = arith.ori %shift_left3A_112, %shift_right_logical3A_115 : vector<64x32x128xi32>
    %xor3A_117 = arith.xori %or3A_116, %add3A_109 : vector<64x32x128xi32>
    %add3A_118 = arith.addi %add3A_109, %xor3A_117 : vector<64x32x128xi32>
    %shift_left3A_119 = arith.constant 15 : i32
    %shift_left3A_120 = vector.broadcast %shift_left3A_119 : i32 to vector<64x32x128xi32>
    %shift_left3A_121 = arith.shli %xor3A_117, %shift_left3A_120 : vector<64x32x128xi32>
    %shift_right_logical3A_122 = arith.constant 17 : i32
    %shift_right_logical3A_123 = vector.broadcast %shift_right_logical3A_122 : i32 to vector<64x32x128xi32>
    %shift_right_logical3A_124 = arith.shrui %xor3A_117, %shift_right_logical3A_123 : vector<64x32x128xi32>
    %or3A_125 = arith.ori %shift_left3A_121, %shift_right_logical3A_124 : vector<64x32x128xi32>
    %xor3A_126 = arith.xori %or3A_125, %add3A_118 : vector<64x32x128xi32>
    %add3A_127 = arith.addi %add3A_118, %xor3A_126 : vector<64x32x128xi32>
    %shift_left3A_128 = arith.constant 26 : i32
    %shift_left3A_129 = vector.broadcast %shift_left3A_128 : i32 to vector<64x32x128xi32>
    %shift_left3A_130 = arith.shli %xor3A_126, %shift_left3A_129 : vector<64x32x128xi32>
    %shift_right_logical3A_131 = arith.constant 6 : i32
    %shift_right_logical3A_132 = vector.broadcast %shift_right_logical3A_131 : i32 to vector<64x32x128xi32>
    %shift_right_logical3A_133 = arith.shrui %xor3A_126, %shift_right_logical3A_132 : vector<64x32x128xi32>
    %or3A_134 = arith.ori %shift_left3A_130, %shift_right_logical3A_133 : vector<64x32x128xi32>
    %xor3A_135 = arith.xori %or3A_134, %add3A_127 : vector<64x32x128xi32>
    %add3A_136 = arith.addi %add3A_127, %xor3A_135 : vector<64x32x128xi32>
    %shift_left3A_137 = arith.constant 6 : i32
    %shift_left3A_138 = vector.broadcast %shift_left3A_137 : i32 to vector<64x32x128xi32>
    %shift_left3A_139 = arith.shli %xor3A_135, %shift_left3A_138 : vector<64x32x128xi32>
    %shift_right_logical3A_140 = arith.constant 26 : i32
    %shift_right_logical3A_141 = vector.broadcast %shift_right_logical3A_140 : i32 to vector<64x32x128xi32>
    %shift_right_logical3A_142 = arith.shrui %xor3A_135, %shift_right_logical3A_141 : vector<64x32x128xi32>
    %or3A_143 = arith.ori %shift_left3A_139, %shift_right_logical3A_142 : vector<64x32x128xi32>
    %xor3A_144 = arith.xori %or3A_143, %add3A_136 : vector<64x32x128xi32>
    %add3A_145 = arith.constant 0 : i32
    %add3A_146 = vector.broadcast %add3A_145 : i32 to vector<64x32x128xi32>
    %add3A_147 = arith.addi %add3A_136, %add3A_146 : vector<64x32x128xi32>
    %add3A_148 = arith.constant 42 : i32
    %add3A_149 = vector.broadcast %add3A_148 : i32 to vector<64x32x128xi32>
    %add3A_150 = arith.addi %xor3A_144, %add3A_149 : vector<64x32x128xi32>
    %add3A_151 = arith.constant 3 : i32
    %add3A_152 = vector.broadcast %add3A_151 : i32 to vector<64x32x128xi32>
    %add3A_153 = arith.addi %add3A_150, %add3A_152 : vector<64x32x128xi32>
    %add3A_154 = arith.addi %add3A_147, %add3A_153 : vector<64x32x128xi32>
    %shift_left3A_155 = arith.constant 17 : i32
    %shift_left3A_156 = vector.broadcast %shift_left3A_155 : i32 to vector<64x32x128xi32>
    %shift_left3A_157 = arith.shli %add3A_153, %shift_left3A_156 : vector<64x32x128xi32>
    %shift_right_logical3A_158 = arith.constant 15 : i32
    %shift_right_logical3A_159 = vector.broadcast %shift_right_logical3A_158 : i32 to vector<64x32x128xi32>
    %shift_right_logical3A_160 = arith.shrui %add3A_153, %shift_right_logical3A_159 : vector<64x32x128xi32>
    %or3A_161 = arith.ori %shift_left3A_157, %shift_right_logical3A_160 : vector<64x32x128xi32>
    %xor3A_162 = arith.xori %or3A_161, %add3A_154 : vector<64x32x128xi32>
    %add3A_163 = arith.addi %add3A_154, %xor3A_162 : vector<64x32x128xi32>
    %shift_left3A_164 = arith.constant 29 : i32
    %shift_left3A_165 = vector.broadcast %shift_left3A_164 : i32 to vector<64x32x128xi32>
    %shift_left3A_166 = arith.shli %xor3A_162, %shift_left3A_165 : vector<64x32x128xi32>
    %shift_right_logical3A_167 = arith.constant 3 : i32
    %shift_right_logical3A_168 = vector.broadcast %shift_right_logical3A_167 : i32 to vector<64x32x128xi32>
    %shift_right_logical3A_169 = arith.shrui %xor3A_162, %shift_right_logical3A_168 : vector<64x32x128xi32>
    %or3A_170 = arith.ori %shift_left3A_166, %shift_right_logical3A_169 : vector<64x32x128xi32>
    %xor3A_171 = arith.xori %or3A_170, %add3A_163 : vector<64x32x128xi32>
    %add3A_172 = arith.addi %add3A_163, %xor3A_171 : vector<64x32x128xi32>
    %shift_left3A_173 = arith.constant 16 : i32
    %shift_left3A_174 = vector.broadcast %shift_left3A_173 : i32 to vector<64x32x128xi32>
    %shift_left3A_175 = arith.shli %xor3A_171, %shift_left3A_174 : vector<64x32x128xi32>
    %shift_right_logical3A_176 = arith.constant 16 : i32
    %shift_right_logical3A_177 = vector.broadcast %shift_right_logical3A_176 : i32 to vector<64x32x128xi32>
    %shift_right_logical3A_178 = arith.shrui %xor3A_171, %shift_right_logical3A_177 : vector<64x32x128xi32>
    %or3A_179 = arith.ori %shift_left3A_175, %shift_right_logical3A_178 : vector<64x32x128xi32>
    %xor3A_180 = arith.xori %or3A_179, %add3A_172 : vector<64x32x128xi32>
    %add3A_181 = arith.addi %add3A_172, %xor3A_180 : vector<64x32x128xi32>
    %shift_left3A_182 = arith.constant 24 : i32
    %shift_left3A_183 = vector.broadcast %shift_left3A_182 : i32 to vector<64x32x128xi32>
    %shift_left3A_184 = arith.shli %xor3A_180, %shift_left3A_183 : vector<64x32x128xi32>
    %shift_right_logical3A_185 = arith.constant 8 : i32
    %shift_right_logical3A_186 = vector.broadcast %shift_right_logical3A_185 : i32 to vector<64x32x128xi32>
    %shift_right_logical3A_187 = arith.shrui %xor3A_180, %shift_right_logical3A_186 : vector<64x32x128xi32>
    %or3A_188 = arith.ori %shift_left3A_184, %shift_right_logical3A_187 : vector<64x32x128xi32>
    %xor3A_189 = arith.xori %or3A_188, %add3A_181 : vector<64x32x128xi32>
    %add3A_190 = arith.constant 42 : i32
    %add3A_191 = vector.broadcast %add3A_190 : i32 to vector<64x32x128xi32>
    %add3A_192 = arith.addi %add3A_181, %add3A_191 : vector<64x32x128xi32>
    %add3A_193 = arith.constant 466689008 : i32
    %add3A_194 = vector.broadcast %add3A_193 : i32 to vector<64x32x128xi32>
    %add3A_195 = arith.addi %xor3A_189, %add3A_194 : vector<64x32x128xi32>
    %add3A_196 = arith.constant 4 : i32
    %add3A_197 = vector.broadcast %add3A_196 : i32 to vector<64x32x128xi32>
    %add3A_198 = arith.addi %add3A_195, %add3A_197 : vector<64x32x128xi32>
    %add3A_199 = arith.addi %add3A_192, %add3A_198 : vector<64x32x128xi32>
    %shift_left3A_200 = arith.constant 13 : i32
    %shift_left3A_201 = vector.broadcast %shift_left3A_200 : i32 to vector<64x32x128xi32>
    %shift_left3A_202 = arith.shli %add3A_198, %shift_left3A_201 : vector<64x32x128xi32>
    %shift_right_logical3A_203 = arith.constant 19 : i32
    %shift_right_logical3A_204 = vector.broadcast %shift_right_logical3A_203 : i32 to vector<64x32x128xi32>
    %shift_right_logical3A_205 = arith.shrui %add3A_198, %shift_right_logical3A_204 : vector<64x32x128xi32>
    %or3A_206 = arith.ori %shift_left3A_202, %shift_right_logical3A_205 : vector<64x32x128xi32>
    %xor3A_207 = arith.xori %or3A_206, %add3A_199 : vector<64x32x128xi32>
    %add3A_208 = arith.addi %add3A_199, %xor3A_207 : vector<64x32x128xi32>
    %shift_left3A_209 = arith.constant 15 : i32
    %shift_left3A_210 = vector.broadcast %shift_left3A_209 : i32 to vector<64x32x128xi32>
    %shift_left3A_211 = arith.shli %xor3A_207, %shift_left3A_210 : vector<64x32x128xi32>
    %shift_right_logical3A_212 = arith.constant 17 : i32
    %shift_right_logical3A_213 = vector.broadcast %shift_right_logical3A_212 : i32 to vector<64x32x128xi32>
    %shift_right_logical3A_214 = arith.shrui %xor3A_207, %shift_right_logical3A_213 : vector<64x32x128xi32>
    %or3A_215 = arith.ori %shift_left3A_211, %shift_right_logical3A_214 : vector<64x32x128xi32>
    %xor3A_216 = arith.xori %or3A_215, %add3A_208 : vector<64x32x128xi32>
    %add3A_217 = arith.addi %add3A_208, %xor3A_216 : vector<64x32x128xi32>
    %shift_left3A_218 = arith.constant 26 : i32
    %shift_left3A_219 = vector.broadcast %shift_left3A_218 : i32 to vector<64x32x128xi32>
    %shift_left3A_220 = arith.shli %xor3A_216, %shift_left3A_219 : vector<64x32x128xi32>
    %shift_right_logical3A_221 = arith.constant 6 : i32
    %shift_right_logical3A_222 = vector.broadcast %shift_right_logical3A_221 : i32 to vector<64x32x128xi32>
    %shift_right_logical3A_223 = arith.shrui %xor3A_216, %shift_right_logical3A_222 : vector<64x32x128xi32>
    %or3A_224 = arith.ori %shift_left3A_220, %shift_right_logical3A_223 : vector<64x32x128xi32>
    %xor3A_225 = arith.xori %or3A_224, %add3A_217 : vector<64x32x128xi32>
    %add3A_226 = arith.addi %add3A_217, %xor3A_225 : vector<64x32x128xi32>
    %shift_left3A_227 = arith.constant 6 : i32
    %shift_left3A_228 = vector.broadcast %shift_left3A_227 : i32 to vector<64x32x128xi32>
    %shift_left3A_229 = arith.shli %xor3A_225, %shift_left3A_228 : vector<64x32x128xi32>
    %shift_right_logical3A_230 = arith.constant 26 : i32
    %shift_right_logical3A_231 = vector.broadcast %shift_right_logical3A_230 : i32 to vector<64x32x128xi32>
    %shift_right_logical3A_232 = arith.shrui %xor3A_225, %shift_right_logical3A_231 : vector<64x32x128xi32>
    %or3A_233 = arith.ori %shift_left3A_229, %shift_right_logical3A_232 : vector<64x32x128xi32>
    %xor3A_234 = arith.xori %or3A_233, %add3A_226 : vector<64x32x128xi32>
    %add3A_235 = arith.constant 466689008 : i32
    %add3A_236 = vector.broadcast %add3A_235 : i32 to vector<64x32x128xi32>
    %add3A_237 = arith.addi %add3A_226, %add3A_236 : vector<64x32x128xi32>
    %add3A_238 = arith.constant 0 : i32
    %add3A_239 = vector.broadcast %add3A_238 : i32 to vector<64x32x128xi32>
    %add3A_240 = arith.addi %xor3A_234, %add3A_239 : vector<64x32x128xi32>
    %add3A_241 = arith.constant 5 : i32
    %add3A_242 = vector.broadcast %add3A_241 : i32 to vector<64x32x128xi32>
    %add3A_243 = arith.addi %add3A_240, %add3A_242 : vector<64x32x128xi32>
    %xor3A_244 = arith.xori %add3A_237, %add3A_243 : vector<64x32x128xi32>
    %shift_right_logical3A_245 = arith.constant 9 : i32
    %shift_right_logical3A_246 = vector.broadcast %shift_right_logical3A_245 : i32 to vector<64x32x128xi32>
    %shift_right_logical3A_247 = arith.shrui %xor3A_244, %shift_right_logical3A_246 : vector<64x32x128xi32>
    %or3A_248 = arith.constant 1065353216 : i32
    %or3A_249 = vector.broadcast %or3A_248 : i32 to vector<64x32x128xi32>
    %or3A_250 = arith.ori %shift_right_logical3A_247, %or3A_249 : vector<64x32x128xi32>
    %bitcast_convert_type3A = tpu.bitcast %or3A_250 : vector<64x32x128xi32> -> vector<64x32x128xf32>
    %sub3A = arith.constant 1.000000e+00 : f32
    %sub3A_251 = vector.broadcast %sub3A : f32 to vector<64x32x128xf32>
    %sub3A_252 = arith.subf %bitcast_convert_type3A, %sub3A_251 : vector<64x32x128xf32>
    %sub3A_253 = arith.constant 1.000000e+00 : f32
    %sub3A_254 = arith.constant 1.17549435E-38 : f32
    %sub3A_255 = arith.subf %sub3A_253, %sub3A_254 : f32
    %mul3A_256 = vector.broadcast %sub3A_255 : f32 to vector<64x32x128xf32>
    %mul3A_257 = arith.mulf %sub3A_252, %mul3A_256 : vector<64x32x128xf32>
    %add3A_258 = arith.constant 1.17549435E-38 : f32
    %add3A_259 = vector.broadcast %add3A_258 : f32 to vector<64x32x128xf32>
    %add3A_260 = arith.addf %mul3A_257, %add3A_259 : vector<64x32x128xf32>
    %max3A = arith.constant 1.17549435E-38 : f32
    %max3A_261 = vector.broadcast %max3A : f32 to vector<64x32x128xf32>
    %max3A_262 = arith.maximumf %max3A_261, %add3A_260 : vector<64x32x128xf32>
    %log3A = math.log %max3A_262 : vector<64x32x128xf32>
    %neg3A = arith.constant 0.000000e+00 : f32
    %neg3A_263 = vector.broadcast %neg3A : f32 to vector<64x32x128xf32>
    %neg3A_264 = arith.subf %neg3A_263, %log3A : vector<64x32x128xf32>
    %log3A_265 = math.log %neg3A_264 : vector<64x32x128xf32>
    %neg3A_266 = arith.constant 0.000000e+00 : f32
    %neg3A_267 = vector.broadcast %neg3A_266 : f32 to vector<64x32x128xf32>
    %neg3A_268 = arith.subf %neg3A_267, %log3A_265 : vector<64x32x128xf32>
    %add3A_269 = arith.addf %reshape3A, %neg3A_268 : vector<64x32x128xf32>
    %reduce_max3A = arith.constant dense<0xFF800000> : vector<64x128xf32>
    %reduce_max3A_270 = vector.multi_reduction <maximumf>, %add3A_269, %reduce_max3A [1] : vector<64x32x128xf32> to vector<64x128xf32>
    %broadcast_in_dim3A_271 = vector.shape_cast %reduce_max3A_270 : vector<64x128xf32> to vector<64x1x128xf32>
    %eq3A_272 = vector.broadcast %broadcast_in_dim3A_271 : vector<64x1x128xf32> to vector<64x32x128xf32>
    %eq3A_273 = arith.cmpf oeq, %add3A_269, %eq3A_272 : vector<64x32x128xf32>
    %jit3A = arith.constant 2147483647 : i32
    %broadcast_in_dim3A_274 = vector.broadcast %jit3A : i32 to vector<64x32x128xi32>
    %select_n3A = arith.select %eq3A_273, %add3A_8, %broadcast_in_dim3A_274 : vector<64x32x128xi1>, vector<64x32x128xi32>
    %reduce_min3A = arith.constant dense<2147483647> : vector<64x128xi32>
    %reduce_min3A_275 = vector.multi_reduction <minsi>, %select_n3A, %reduce_min3A [1] : vector<64x32x128xi32> to vector<64x128xi32>
    %get3A_276 = arith.constant 0 : index
    %get3A_277 = arith.constant 0 : index
    %get3A_278 = vector.load %arg2[%get3A_276, %get3A_277] : memref<64x128xf32, #tpu.memory_space<vmem>>, vector<64x128xf32>
    %get3A_279 = arith.constant 0 : index
    %get3A_280 = arith.constant 0 : index
    %get3A_281 = vector.load %arg3[%get3A_279, %get3A_280] : memref<64x128xi32, #tpu.memory_space<vmem>>, vector<64x128xi32>
    %gt3A = arith.cmpf ogt, %reduce_max3A_270, %get3A_278 : vector<64x128xf32>
    %eq3A_282 = arith.cmpf oeq, %reduce_max3A_270, %get3A_278 : vector<64x128xf32>
    %lt3A = arith.cmpi slt, %reduce_min3A_275, %get3A_281 : vector<64x128xi32>
    %and3A = arith.andi %eq3A_282, %lt3A : vector<64x128xi1>
    %or3A_283 = arith.ori %gt3A, %and3A : vector<64x128xi1>
    %select_n3A_284 = arith.select %or3A_283, %reduce_max3A_270, %get3A_278 : vector<64x128xi1>, vector<64x128xf32>
    %swap3A = arith.constant 0 : index
    %swap3A_285 = arith.constant 0 : index
    %swap3A_286 = vector.load %arg2[%swap3A, %swap3A_285] : memref<64x128xf32, #tpu.memory_space<vmem>>, vector<64x128xf32>
    tpu.vector_store %arg2[%swap3A, %swap3A_285], %select_n3A_284 {strides = array<i32>} : memref<64x128xf32, #tpu.memory_space<vmem>>, vector<64x128xf32>,
    %select_n3A_287 = arith.select %or3A_283, %reduce_min3A_275, %get3A_281 : vector<64x128xi1>, vector<64x128xi32>
    %swap3A_288 = arith.constant 0 : index
    %swap3A_289 = arith.constant 0 : index
    %swap3A_290 = vector.load %arg3[%swap3A_288, %swap3A_289] : memref<64x128xi32, #tpu.memory_space<vmem>>, vector<64x128xi32>
    tpu.vector_store %arg3[%swap3A_288, %swap3A_289], %select_n3A_287 {strides = array<i32>} : memref<64x128xi32, #tpu.memory_space<vmem>>, vector<64x128xi32>,
    return
  }
  func.func @transform_0(%arg0: i32) -> (i32, i32) {
    %c0_i32 = arith.constant 0 : i32
    %c0_i32_0 = arith.constant 0 : i32
    return %c0_i32, %arg0 : i32, i32
  }
  func.func @transform_1(%arg0: i32) -> (i32, i32) {
    %c0_i32 = arith.constant 0 : i32
    %c0_i32_0 = arith.constant 0 : i32
    %c0_i32_1 = arith.constant 0 : i32
    return %c0_i32, %c0_i32_0 : i32, i32
  }
  func.func @transform_2(%arg0: i32) -> (i32, i32) {
    %c0_i32 = arith.constant 0 : i32
    %c0_i32_0 = arith.constant 0 : i32
    %c0_i32_1 = arith.constant 0 : i32
    return %c0_i32, %c0_i32_0 : i32, i32
  }
}

module attributes {stable_mosaic.version = 14 : i64} {
  func.func @_copy_body(%arg0: i32, %arg1: i32, %arg2: memref<8x16384xf32, #tpu.memory_space<vmem>>, %arg3: memref<131072xf32, #tpu.memory_space<vmem>>) attributes {dimension_semantics = [#tpu.dimension_semantics<arbitrary>, #tpu.dimension_semantics<arbitrary>], iteration_bounds = array<i64: 8, 13>, scalar_prefetch = 0 : i64, scratch_operands = 0 : i64, tpu.core_type = #tpu.core_type<tc>, window_params = [{transform_indices = @transform_0, window_bounds = array<i64: 8, 16384>}, {transform_indices = @transform_1, window_bounds = array<i64: 131072>}]} {
    %get3A = arith.constant 0 : index
    %get3A_0 = arith.constant 0 : index
    %get3A_1 = vector.load %arg2[%get3A, %get3A_0] : memref<8x16384xf32, #tpu.memory_space<vmem>>, vector<8x16384xf32>
    %reshape3A = vector.shape_cast %get3A_1 : vector<8x16384xf32> to vector<131072xf32>
    %swap3A = arith.constant 0 : index
    %swap3A_2 = vector.load %arg3[%swap3A] : memref<131072xf32, #tpu.memory_space<vmem>>, vector<131072xf32>
    tpu.vector_store %arg3[%swap3A], %reshape3A {strides = array<i32>} : memref<131072xf32, #tpu.memory_space<vmem>>, vector<131072xf32>,
    return
  }
  func.func @transform_0(%arg0: i32, %arg1: i32) -> (i32, i32) {
    %add3A = arith.constant 48 : i32
    %add3A_0 = arith.addi %add3A, %arg1 : i32
    %c0_i32 = arith.constant 0 : i32
    return %arg0, %add3A_0 : i32, i32
  }
  func.func @transform_1(%arg0: i32, %arg1: i32) -> i32 {
    %mul3A = arith.constant 13 : i32
    %mul3A_0 = arith.muli %arg0, %mul3A : i32
    %add3A = arith.addi %mul3A_0, %arg1 : i32
    %c0_i32 = arith.constant 0 : i32
    return %add3A : i32
  }
}

module attributes {stable_mosaic.version = 14 : i64} {
  func.func @body(%arg0: memref<64x640xf32, #tpu.memory_space<vmem>>, %arg1: memref<64x128xf32, #tpu.memory_space<vmem>>, %arg2: memref<64x128xi32, #tpu.memory_space<vmem>>, %arg3: memref<64x16xf32, #tpu.memory_space<vmem>>, %arg4: memref<64x16xi32, #tpu.memory_space<vmem>>, %arg5: memref<1x64xi32, #tpu.memory_space<vmem>>) attributes {dimension_semantics = [], scalar_prefetch = 0 : i64, scratch_operands = 0 : i64, tpu.core_type = #tpu.core_type<tc>} {
    %iota3A = tpu.iota {dimensions = array<i32: 1>} : vector<64x5x128xi32>
    %iota3A_0 = tpu.iota {dimensions = array<i32: 2>} : vector<64x5x128xi32>
    %mul3A = arith.constant 128 : i32
    %mul3A_1 = vector.broadcast %mul3A : i32 to vector<64x5x128xi32>
    %mul3A_2 = arith.muli %iota3A, %mul3A_1 : vector<64x5x128xi32>
    %add3A = arith.constant 999424 : i32
    %add3A_3 = vector.broadcast %add3A : i32 to vector<64x5x128xi32>
    %add3A_4 = arith.addi %add3A_3, %mul3A_2 : vector<64x5x128xi32>
    %add3A_5 = arith.addi %add3A_4, %iota3A_0 : vector<64x5x128xi32>
    %get3A = arith.constant 0 : index
    %get3A_6 = arith.constant 0 : index
    %get3A_7 = vector.load %arg0[%get3A, %get3A_6] : memref<64x640xf32, #tpu.memory_space<vmem>>, vector<64x640xf32>
    %reshape3A = vector.shape_cast %get3A_7 : vector<64x640xf32> to vector<64x5x128xf32>
    %iota3A_8 = tpu.iota {dimensions = array<i32: 0>} : vector<64x5x128xi32>
    %mul3A_9 = arith.constant 1000000 : i32
    %mul3A_10 = vector.broadcast %mul3A_9 : i32 to vector<64x5x128xi32>
    %mul3A_11 = arith.muli %iota3A_8, %mul3A_10 : vector<64x5x128xi32>
    %add3A_12 = arith.addi %mul3A_11, %add3A_5 : vector<64x5x128xi32>
    %broadcast_in_dim3A = arith.constant 0 : i32
    %broadcast_in_dim3A_13 = vector.broadcast %broadcast_in_dim3A : i32 to vector<64x5x128xi32>
    %add3A_14 = arith.constant 0 : i32
    %add3A_15 = vector.broadcast %add3A_14 : i32 to vector<64x5x128xi32>
    %add3A_16 = arith.addi %broadcast_in_dim3A_13, %add3A_15 : vector<64x5x128xi32>
    %add3A_17 = arith.constant 42 : i32
    %add3A_18 = vector.broadcast %add3A_17 : i32 to vector<64x5x128xi32>
    %add3A_19 = arith.addi %add3A_12, %add3A_18 : vector<64x5x128xi32>
    %add3A_20 = arith.addi %add3A_16, %add3A_19 : vector<64x5x128xi32>
    %shift_left3A = arith.constant 13 : i32
    %shift_left3A_21 = vector.broadcast %shift_left3A : i32 to vector<64x5x128xi32>
    %shift_left3A_22 = arith.shli %add3A_19, %shift_left3A_21 : vector<64x5x128xi32>
    %shift_right_logical3A = arith.constant 19 : i32
    %shift_right_logical3A_23 = vector.broadcast %shift_right_logical3A : i32 to vector<64x5x128xi32>
    %shift_right_logical3A_24 = arith.shrui %add3A_19, %shift_right_logical3A_23 : vector<64x5x128xi32>
    %or3A = arith.ori %shift_left3A_22, %shift_right_logical3A_24 : vector<64x5x128xi32>
    %xor3A = arith.xori %or3A, %add3A_20 : vector<64x5x128xi32>
    %add3A_25 = arith.addi %add3A_20, %xor3A : vector<64x5x128xi32>
    %shift_left3A_26 = arith.constant 15 : i32
    %shift_left3A_27 = vector.broadcast %shift_left3A_26 : i32 to vector<64x5x128xi32>
    %shift_left3A_28 = arith.shli %xor3A, %shift_left3A_27 : vector<64x5x128xi32>
    %shift_right_logical3A_29 = arith.constant 17 : i32
    %shift_right_logical3A_30 = vector.broadcast %shift_right_logical3A_29 : i32 to vector<64x5x128xi32>
    %shift_right_logical3A_31 = arith.shrui %xor3A, %shift_right_logical3A_30 : vector<64x5x128xi32>
    %or3A_32 = arith.ori %shift_left3A_28, %shift_right_logical3A_31 : vector<64x5x128xi32>
    %xor3A_33 = arith.xori %or3A_32, %add3A_25 : vector<64x5x128xi32>
    %add3A_34 = arith.addi %add3A_25, %xor3A_33 : vector<64x5x128xi32>
    %shift_left3A_35 = arith.constant 26 : i32
    %shift_left3A_36 = vector.broadcast %shift_left3A_35 : i32 to vector<64x5x128xi32>
    %shift_left3A_37 = arith.shli %xor3A_33, %shift_left3A_36 : vector<64x5x128xi32>
    %shift_right_logical3A_38 = arith.constant 6 : i32
    %shift_right_logical3A_39 = vector.broadcast %shift_right_logical3A_38 : i32 to vector<64x5x128xi32>
    %shift_right_logical3A_40 = arith.shrui %xor3A_33, %shift_right_logical3A_39 : vector<64x5x128xi32>
    %or3A_41 = arith.ori %shift_left3A_37, %shift_right_logical3A_40 : vector<64x5x128xi32>
    %xor3A_42 = arith.xori %or3A_41, %add3A_34 : vector<64x5x128xi32>
    %add3A_43 = arith.addi %add3A_34, %xor3A_42 : vector<64x5x128xi32>
    %shift_left3A_44 = arith.constant 6 : i32
    %shift_left3A_45 = vector.broadcast %shift_left3A_44 : i32 to vector<64x5x128xi32>
    %shift_left3A_46 = arith.shli %xor3A_42, %shift_left3A_45 : vector<64x5x128xi32>
    %shift_right_logical3A_47 = arith.constant 26 : i32
    %shift_right_logical3A_48 = vector.broadcast %shift_right_logical3A_47 : i32 to vector<64x5x128xi32>
    %shift_right_logical3A_49 = arith.shrui %xor3A_42, %shift_right_logical3A_48 : vector<64x5x128xi32>
    %or3A_50 = arith.ori %shift_left3A_46, %shift_right_logical3A_49 : vector<64x5x128xi32>
    %xor3A_51 = arith.xori %or3A_50, %add3A_43 : vector<64x5x128xi32>
    %add3A_52 = arith.constant 42 : i32
    %add3A_53 = vector.broadcast %add3A_52 : i32 to vector<64x5x128xi32>
    %add3A_54 = arith.addi %add3A_43, %add3A_53 : vector<64x5x128xi32>
    %add3A_55 = arith.constant 466689008 : i32
    %add3A_56 = vector.broadcast %add3A_55 : i32 to vector<64x5x128xi32>
    %add3A_57 = arith.addi %xor3A_51, %add3A_56 : vector<64x5x128xi32>
    %add3A_58 = arith.constant 1 : i32
    %add3A_59 = vector.broadcast %add3A_58 : i32 to vector<64x5x128xi32>
    %add3A_60 = arith.addi %add3A_57, %add3A_59 : vector<64x5x128xi32>
    %add3A_61 = arith.addi %add3A_54, %add3A_60 : vector<64x5x128xi32>
    %shift_left3A_62 = arith.constant 17 : i32
    %shift_left3A_63 = vector.broadcast %shift_left3A_62 : i32 to vector<64x5x128xi32>
    %shift_left3A_64 = arith.shli %add3A_60, %shift_left3A_63 : vector<64x5x128xi32>
    %shift_right_logical3A_65 = arith.constant 15 : i32
    %shift_right_logical3A_66 = vector.broadcast %shift_right_logical3A_65 : i32 to vector<64x5x128xi32>
    %shift_right_logical3A_67 = arith.shrui %add3A_60, %shift_right_logical3A_66 : vector<64x5x128xi32>
    %or3A_68 = arith.ori %shift_left3A_64, %shift_right_logical3A_67 : vector<64x5x128xi32>
    %xor3A_69 = arith.xori %or3A_68, %add3A_61 : vector<64x5x128xi32>
    %add3A_70 = arith.addi %add3A_61, %xor3A_69 : vector<64x5x128xi32>
    %shift_left3A_71 = arith.constant 29 : i32
    %shift_left3A_72 = vector.broadcast %shift_left3A_71 : i32 to vector<64x5x128xi32>
    %shift_left3A_73 = arith.shli %xor3A_69, %shift_left3A_72 : vector<64x5x128xi32>
    %shift_right_logical3A_74 = arith.constant 3 : i32
    %shift_right_logical3A_75 = vector.broadcast %shift_right_logical3A_74 : i32 to vector<64x5x128xi32>
    %shift_right_logical3A_76 = arith.shrui %xor3A_69, %shift_right_logical3A_75 : vector<64x5x128xi32>
    %or3A_77 = arith.ori %shift_left3A_73, %shift_right_logical3A_76 : vector<64x5x128xi32>
    %xor3A_78 = arith.xori %or3A_77, %add3A_70 : vector<64x5x128xi32>
    %add3A_79 = arith.addi %add3A_70, %xor3A_78 : vector<64x5x128xi32>
    %shift_left3A_80 = arith.constant 16 : i32
    %shift_left3A_81 = vector.broadcast %shift_left3A_80 : i32 to vector<64x5x128xi32>
    %shift_left3A_82 = arith.shli %xor3A_78, %shift_left3A_81 : vector<64x5x128xi32>
    %shift_right_logical3A_83 = arith.constant 16 : i32
    %shift_right_logical3A_84 = vector.broadcast %shift_right_logical3A_83 : i32 to vector<64x5x128xi32>
    %shift_right_logical3A_85 = arith.shrui %xor3A_78, %shift_right_logical3A_84 : vector<64x5x128xi32>
    %or3A_86 = arith.ori %shift_left3A_82, %shift_right_logical3A_85 : vector<64x5x128xi32>
    %xor3A_87 = arith.xori %or3A_86, %add3A_79 : vector<64x5x128xi32>
    %add3A_88 = arith.addi %add3A_79, %xor3A_87 : vector<64x5x128xi32>
    %shift_left3A_89 = arith.constant 24 : i32
    %shift_left3A_90 = vector.broadcast %shift_left3A_89 : i32 to vector<64x5x128xi32>
    %shift_left3A_91 = arith.shli %xor3A_87, %shift_left3A_90 : vector<64x5x128xi32>
    %shift_right_logical3A_92 = arith.constant 8 : i32
    %shift_right_logical3A_93 = vector.broadcast %shift_right_logical3A_92 : i32 to vector<64x5x128xi32>
    %shift_right_logical3A_94 = arith.shrui %xor3A_87, %shift_right_logical3A_93 : vector<64x5x128xi32>
    %or3A_95 = arith.ori %shift_left3A_91, %shift_right_logical3A_94 : vector<64x5x128xi32>
    %xor3A_96 = arith.xori %or3A_95, %add3A_88 : vector<64x5x128xi32>
    %add3A_97 = arith.constant 466689008 : i32
    %add3A_98 = vector.broadcast %add3A_97 : i32 to vector<64x5x128xi32>
    %add3A_99 = arith.addi %add3A_88, %add3A_98 : vector<64x5x128xi32>
    %add3A_100 = arith.constant 0 : i32
    %add3A_101 = vector.broadcast %add3A_100 : i32 to vector<64x5x128xi32>
    %add3A_102 = arith.addi %xor3A_96, %add3A_101 : vector<64x5x128xi32>
    %add3A_103 = arith.constant 2 : i32
    %add3A_104 = vector.broadcast %add3A_103 : i32 to vector<64x5x128xi32>
    %add3A_105 = arith.addi %add3A_102, %add3A_104 : vector<64x5x128xi32>
    %add3A_106 = arith.addi %add3A_99, %add3A_105 : vector<64x5x128xi32>
    %shift_left3A_107 = arith.constant 13 : i32
    %shift_left3A_108 = vector.broadcast %shift_left3A_107 : i32 to vector<64x5x128xi32>
    %shift_left3A_109 = arith.shli %add3A_105, %shift_left3A_108 : vector<64x5x128xi32>
    %shift_right_logical3A_110 = arith.constant 19 : i32
    %shift_right_logical3A_111 = vector.broadcast %shift_right_logical3A_110 : i32 to vector<64x5x128xi32>
    %shift_right_logical3A_112 = arith.shrui %add3A_105, %shift_right_logical3A_111 : vector<64x5x128xi32>
    %or3A_113 = arith.ori %shift_left3A_109, %shift_right_logical3A_112 : vector<64x5x128xi32>
    %xor3A_114 = arith.xori %or3A_113, %add3A_106 : vector<64x5x128xi32>
    %add3A_115 = arith.addi %add3A_106, %xor3A_114 : vector<64x5x128xi32>
    %shift_left3A_116 = arith.constant 15 : i32
    %shift_left3A_117 = vector.broadcast %shift_left3A_116 : i32 to vector<64x5x128xi32>
    %shift_left3A_118 = arith.shli %xor3A_114, %shift_left3A_117 : vector<64x5x128xi32>
    %shift_right_logical3A_119 = arith.constant 17 : i32
    %shift_right_logical3A_120 = vector.broadcast %shift_right_logical3A_119 : i32 to vector<64x5x128xi32>
    %shift_right_logical3A_121 = arith.shrui %xor3A_114, %shift_right_logical3A_120 : vector<64x5x128xi32>
    %or3A_122 = arith.ori %shift_left3A_118, %shift_right_logical3A_121 : vector<64x5x128xi32>
    %xor3A_123 = arith.xori %or3A_122, %add3A_115 : vector<64x5x128xi32>
    %add3A_124 = arith.addi %add3A_115, %xor3A_123 : vector<64x5x128xi32>
    %shift_left3A_125 = arith.constant 26 : i32
    %shift_left3A_126 = vector.broadcast %shift_left3A_125 : i32 to vector<64x5x128xi32>
    %shift_left3A_127 = arith.shli %xor3A_123, %shift_left3A_126 : vector<64x5x128xi32>
    %shift_right_logical3A_128 = arith.constant 6 : i32
    %shift_right_logical3A_129 = vector.broadcast %shift_right_logical3A_128 : i32 to vector<64x5x128xi32>
    %shift_right_logical3A_130 = arith.shrui %xor3A_123, %shift_right_logical3A_129 : vector<64x5x128xi32>
    %or3A_131 = arith.ori %shift_left3A_127, %shift_right_logical3A_130 : vector<64x5x128xi32>
    %xor3A_132 = arith.xori %or3A_131, %add3A_124 : vector<64x5x128xi32>
    %add3A_133 = arith.addi %add3A_124, %xor3A_132 : vector<64x5x128xi32>
    %shift_left3A_134 = arith.constant 6 : i32
    %shift_left3A_135 = vector.broadcast %shift_left3A_134 : i32 to vector<64x5x128xi32>
    %shift_left3A_136 = arith.shli %xor3A_132, %shift_left3A_135 : vector<64x5x128xi32>
    %shift_right_logical3A_137 = arith.constant 26 : i32
    %shift_right_logical3A_138 = vector.broadcast %shift_right_logical3A_137 : i32 to vector<64x5x128xi32>
    %shift_right_logical3A_139 = arith.shrui %xor3A_132, %shift_right_logical3A_138 : vector<64x5x128xi32>
    %or3A_140 = arith.ori %shift_left3A_136, %shift_right_logical3A_139 : vector<64x5x128xi32>
    %xor3A_141 = arith.xori %or3A_140, %add3A_133 : vector<64x5x128xi32>
    %add3A_142 = arith.constant 0 : i32
    %add3A_143 = vector.broadcast %add3A_142 : i32 to vector<64x5x128xi32>
    %add3A_144 = arith.addi %add3A_133, %add3A_143 : vector<64x5x128xi32>
    %add3A_145 = arith.constant 42 : i32
    %add3A_146 = vector.broadcast %add3A_145 : i32 to vector<64x5x128xi32>
    %add3A_147 = arith.addi %xor3A_141, %add3A_146 : vector<64x5x128xi32>
    %add3A_148 = arith.constant 3 : i32
    %add3A_149 = vector.broadcast %add3A_148 : i32 to vector<64x5x128xi32>
    %add3A_150 = arith.addi %add3A_147, %add3A_149 : vector<64x5x128xi32>
    %add3A_151 = arith.addi %add3A_144, %add3A_150 : vector<64x5x128xi32>
    %shift_left3A_152 = arith.constant 17 : i32
    %shift_left3A_153 = vector.broadcast %shift_left3A_152 : i32 to vector<64x5x128xi32>
    %shift_left3A_154 = arith.shli %add3A_150, %shift_left3A_153 : vector<64x5x128xi32>
    %shift_right_logical3A_155 = arith.constant 15 : i32
    %shift_right_logical3A_156 = vector.broadcast %shift_right_logical3A_155 : i32 to vector<64x5x128xi32>
    %shift_right_logical3A_157 = arith.shrui %add3A_150, %shift_right_logical3A_156 : vector<64x5x128xi32>
    %or3A_158 = arith.ori %shift_left3A_154, %shift_right_logical3A_157 : vector<64x5x128xi32>
    %xor3A_159 = arith.xori %or3A_158, %add3A_151 : vector<64x5x128xi32>
    %add3A_160 = arith.addi %add3A_151, %xor3A_159 : vector<64x5x128xi32>
    %shift_left3A_161 = arith.constant 29 : i32
    %shift_left3A_162 = vector.broadcast %shift_left3A_161 : i32 to vector<64x5x128xi32>
    %shift_left3A_163 = arith.shli %xor3A_159, %shift_left3A_162 : vector<64x5x128xi32>
    %shift_right_logical3A_164 = arith.constant 3 : i32
    %shift_right_logical3A_165 = vector.broadcast %shift_right_logical3A_164 : i32 to vector<64x5x128xi32>
    %shift_right_logical3A_166 = arith.shrui %xor3A_159, %shift_right_logical3A_165 : vector<64x5x128xi32>
    %or3A_167 = arith.ori %shift_left3A_163, %shift_right_logical3A_166 : vector<64x5x128xi32>
    %xor3A_168 = arith.xori %or3A_167, %add3A_160 : vector<64x5x128xi32>
    %add3A_169 = arith.addi %add3A_160, %xor3A_168 : vector<64x5x128xi32>
    %shift_left3A_170 = arith.constant 16 : i32
    %shift_left3A_171 = vector.broadcast %shift_left3A_170 : i32 to vector<64x5x128xi32>
    %shift_left3A_172 = arith.shli %xor3A_168, %shift_left3A_171 : vector<64x5x128xi32>
    %shift_right_logical3A_173 = arith.constant 16 : i32
    %shift_right_logical3A_174 = vector.broadcast %shift_right_logical3A_173 : i32 to vector<64x5x128xi32>
    %shift_right_logical3A_175 = arith.shrui %xor3A_168, %shift_right_logical3A_174 : vector<64x5x128xi32>
    %or3A_176 = arith.ori %shift_left3A_172, %shift_right_logical3A_175 : vector<64x5x128xi32>
    %xor3A_177 = arith.xori %or3A_176, %add3A_169 : vector<64x5x128xi32>
    %add3A_178 = arith.addi %add3A_169, %xor3A_177 : vector<64x5x128xi32>
    %shift_left3A_179 = arith.constant 24 : i32
    %shift_left3A_180 = vector.broadcast %shift_left3A_179 : i32 to vector<64x5x128xi32>
    %shift_left3A_181 = arith.shli %xor3A_177, %shift_left3A_180 : vector<64x5x128xi32>
    %shift_right_logical3A_182 = arith.constant 8 : i32
    %shift_right_logical3A_183 = vector.broadcast %shift_right_logical3A_182 : i32 to vector<64x5x128xi32>
    %shift_right_logical3A_184 = arith.shrui %xor3A_177, %shift_right_logical3A_183 : vector<64x5x128xi32>
    %or3A_185 = arith.ori %shift_left3A_181, %shift_right_logical3A_184 : vector<64x5x128xi32>
    %xor3A_186 = arith.xori %or3A_185, %add3A_178 : vector<64x5x128xi32>
    %add3A_187 = arith.constant 42 : i32
    %add3A_188 = vector.broadcast %add3A_187 : i32 to vector<64x5x128xi32>
    %add3A_189 = arith.addi %add3A_178, %add3A_188 : vector<64x5x128xi32>
    %add3A_190 = arith.constant 466689008 : i32
    %add3A_191 = vector.broadcast %add3A_190 : i32 to vector<64x5x128xi32>
    %add3A_192 = arith.addi %xor3A_186, %add3A_191 : vector<64x5x128xi32>
    %add3A_193 = arith.constant 4 : i32
    %add3A_194 = vector.broadcast %add3A_193 : i32 to vector<64x5x128xi32>
    %add3A_195 = arith.addi %add3A_192, %add3A_194 : vector<64x5x128xi32>
    %add3A_196 = arith.addi %add3A_189, %add3A_195 : vector<64x5x128xi32>
    %shift_left3A_197 = arith.constant 13 : i32
    %shift_left3A_198 = vector.broadcast %shift_left3A_197 : i32 to vector<64x5x128xi32>
    %shift_left3A_199 = arith.shli %add3A_195, %shift_left3A_198 : vector<64x5x128xi32>
    %shift_right_logical3A_200 = arith.constant 19 : i32
    %shift_right_logical3A_201 = vector.broadcast %shift_right_logical3A_200 : i32 to vector<64x5x128xi32>
    %shift_right_logical3A_202 = arith.shrui %add3A_195, %shift_right_logical3A_201 : vector<64x5x128xi32>
    %or3A_203 = arith.ori %shift_left3A_199, %shift_right_logical3A_202 : vector<64x5x128xi32>
    %xor3A_204 = arith.xori %or3A_203, %add3A_196 : vector<64x5x128xi32>
    %add3A_205 = arith.addi %add3A_196, %xor3A_204 : vector<64x5x128xi32>
    %shift_left3A_206 = arith.constant 15 : i32
    %shift_left3A_207 = vector.broadcast %shift_left3A_206 : i32 to vector<64x5x128xi32>
    %shift_left3A_208 = arith.shli %xor3A_204, %shift_left3A_207 : vector<64x5x128xi32>
    %shift_right_logical3A_209 = arith.constant 17 : i32
    %shift_right_logical3A_210 = vector.broadcast %shift_right_logical3A_209 : i32 to vector<64x5x128xi32>
    %shift_right_logical3A_211 = arith.shrui %xor3A_204, %shift_right_logical3A_210 : vector<64x5x128xi32>
    %or3A_212 = arith.ori %shift_left3A_208, %shift_right_logical3A_211 : vector<64x5x128xi32>
    %xor3A_213 = arith.xori %or3A_212, %add3A_205 : vector<64x5x128xi32>
    %add3A_214 = arith.addi %add3A_205, %xor3A_213 : vector<64x5x128xi32>
    %shift_left3A_215 = arith.constant 26 : i32
    %shift_left3A_216 = vector.broadcast %shift_left3A_215 : i32 to vector<64x5x128xi32>
    %shift_left3A_217 = arith.shli %xor3A_213, %shift_left3A_216 : vector<64x5x128xi32>
    %shift_right_logical3A_218 = arith.constant 6 : i32
    %shift_right_logical3A_219 = vector.broadcast %shift_right_logical3A_218 : i32 to vector<64x5x128xi32>
    %shift_right_logical3A_220 = arith.shrui %xor3A_213, %shift_right_logical3A_219 : vector<64x5x128xi32>
    %or3A_221 = arith.ori %shift_left3A_217, %shift_right_logical3A_220 : vector<64x5x128xi32>
    %xor3A_222 = arith.xori %or3A_221, %add3A_214 : vector<64x5x128xi32>
    %add3A_223 = arith.addi %add3A_214, %xor3A_222 : vector<64x5x128xi32>
    %shift_left3A_224 = arith.constant 6 : i32
    %shift_left3A_225 = vector.broadcast %shift_left3A_224 : i32 to vector<64x5x128xi32>
    %shift_left3A_226 = arith.shli %xor3A_222, %shift_left3A_225 : vector<64x5x128xi32>
    %shift_right_logical3A_227 = arith.constant 26 : i32
    %shift_right_logical3A_228 = vector.broadcast %shift_right_logical3A_227 : i32 to vector<64x5x128xi32>
    %shift_right_logical3A_229 = arith.shrui %xor3A_222, %shift_right_logical3A_228 : vector<64x5x128xi32>
    %or3A_230 = arith.ori %shift_left3A_226, %shift_right_logical3A_229 : vector<64x5x128xi32>
    %xor3A_231 = arith.xori %or3A_230, %add3A_223 : vector<64x5x128xi32>
    %add3A_232 = arith.constant 466689008 : i32
    %add3A_233 = vector.broadcast %add3A_232 : i32 to vector<64x5x128xi32>
    %add3A_234 = arith.addi %add3A_223, %add3A_233 : vector<64x5x128xi32>
    %add3A_235 = arith.constant 0 : i32
    %add3A_236 = vector.broadcast %add3A_235 : i32 to vector<64x5x128xi32>
    %add3A_237 = arith.addi %xor3A_231, %add3A_236 : vector<64x5x128xi32>
    %add3A_238 = arith.constant 5 : i32
    %add3A_239 = vector.broadcast %add3A_238 : i32 to vector<64x5x128xi32>
    %add3A_240 = arith.addi %add3A_237, %add3A_239 : vector<64x5x128xi32>
    %xor3A_241 = arith.xori %add3A_234, %add3A_240 : vector<64x5x128xi32>
    %shift_right_logical3A_242 = arith.constant 9 : i32
    %shift_right_logical3A_243 = vector.broadcast %shift_right_logical3A_242 : i32 to vector<64x5x128xi32>
    %shift_right_logical3A_244 = arith.shrui %xor3A_241, %shift_right_logical3A_243 : vector<64x5x128xi32>
    %or3A_245 = arith.constant 1065353216 : i32
    %or3A_246 = vector.broadcast %or3A_245 : i32 to vector<64x5x128xi32>
    %or3A_247 = arith.ori %shift_right_logical3A_244, %or3A_246 : vector<64x5x128xi32>
    %bitcast_convert_type3A = tpu.bitcast %or3A_247 : vector<64x5x128xi32> -> vector<64x5x128xf32>
    %sub3A = arith.constant 1.000000e+00 : f32
    %sub3A_248 = vector.broadcast %sub3A : f32 to vector<64x5x128xf32>
    %sub3A_249 = arith.subf %bitcast_convert_type3A, %sub3A_248 : vector<64x5x128xf32>
    %sub3A_250 = arith.constant 1.000000e+00 : f32
    %sub3A_251 = arith.constant 1.17549435E-38 : f32
    %sub3A_252 = arith.subf %sub3A_250, %sub3A_251 : f32
    %mul3A_253 = vector.broadcast %sub3A_252 : f32 to vector<64x5x128xf32>
    %mul3A_254 = arith.mulf %sub3A_249, %mul3A_253 : vector<64x5x128xf32>
    %add3A_255 = arith.constant 1.17549435E-38 : f32
    %add3A_256 = vector.broadcast %add3A_255 : f32 to vector<64x5x128xf32>
    %add3A_257 = arith.addf %mul3A_254, %add3A_256 : vector<64x5x128xf32>
    %max3A = arith.constant 1.17549435E-38 : f32
    %max3A_258 = vector.broadcast %max3A : f32 to vector<64x5x128xf32>
    %max3A_259 = arith.maximumf %max3A_258, %add3A_257 : vector<64x5x128xf32>
    %log3A = math.log %max3A_259 : vector<64x5x128xf32>
    %neg3A = arith.constant 0.000000e+00 : f32
    %neg3A_260 = vector.broadcast %neg3A : f32 to vector<64x5x128xf32>
    %neg3A_261 = arith.subf %neg3A_260, %log3A : vector<64x5x128xf32>
    %log3A_262 = math.log %neg3A_261 : vector<64x5x128xf32>
    %neg3A_263 = arith.constant 0.000000e+00 : f32
    %neg3A_264 = vector.broadcast %neg3A_263 : f32 to vector<64x5x128xf32>
    %neg3A_265 = arith.subf %neg3A_264, %log3A_262 : vector<64x5x128xf32>
    %add3A_266 = arith.addf %reshape3A, %neg3A_265 : vector<64x5x128xf32>
    %lt3A = arith.constant 1000000 : i32
    %lt3A_267 = vector.broadcast %lt3A : i32 to vector<64x5x128xi32>
    %lt3A_268 = arith.cmpi ult, %add3A_5, %lt3A_267 : vector<64x5x128xi32>
    %jit3A = arith.constant 0xFF800000 : f32
    %broadcast_in_dim3A_269 = vector.broadcast %jit3A : f32 to vector<64x5x128xf32>
    %select_n3A = arith.select %lt3A_268, %add3A_266, %broadcast_in_dim3A_269 : vector<64x5x128xi1>, vector<64x5x128xf32>
    %reduce_max3A = arith.constant dense<0xFF800000> : vector<64x128xf32>
    %reduce_max3A_270 = vector.multi_reduction <maximumf>, %select_n3A, %reduce_max3A [1] : vector<64x5x128xf32> to vector<64x128xf32>
    %broadcast_in_dim3A_271 = vector.shape_cast %reduce_max3A_270 : vector<64x128xf32> to vector<64x1x128xf32>
    %eq3A = vector.broadcast %broadcast_in_dim3A_271 : vector<64x1x128xf32> to vector<64x5x128xf32>
    %eq3A_272 = arith.cmpf oeq, %select_n3A, %eq3A : vector<64x5x128xf32>
    %jit3A_273 = arith.constant 2147483647 : i32
    %broadcast_in_dim3A_274 = vector.broadcast %jit3A_273 : i32 to vector<64x5x128xi32>
    %select_n3A_275 = arith.select %eq3A_272, %add3A_5, %broadcast_in_dim3A_274 : vector<64x5x128xi1>, vector<64x5x128xi32>
    %reduce_min3A = arith.constant dense<2147483647> : vector<64x128xi32>
    %reduce_min3A_276 = vector.multi_reduction <minsi>, %select_n3A_275, %reduce_min3A [1] : vector<64x5x128xi32> to vector<64x128xi32>
    %get3A_277 = arith.constant 0 : index
    %get3A_278 = arith.constant 0 : index
    %get3A_279 = vector.load %arg1[%get3A_277, %get3A_278] : memref<64x128xf32, #tpu.memory_space<vmem>>, vector<64x128xf32>
    %get3A_280 = arith.constant 0 : index
    %get3A_281 = arith.constant 0 : index
    %get3A_282 = vector.load %arg2[%get3A_280, %get3A_281] : memref<64x128xi32, #tpu.memory_space<vmem>>, vector<64x128xi32>
    %gt3A = arith.cmpf ogt, %reduce_max3A_270, %get3A_279 : vector<64x128xf32>
    %eq3A_283 = arith.cmpf oeq, %reduce_max3A_270, %get3A_279 : vector<64x128xf32>
    %lt3A_284 = arith.cmpi slt, %reduce_min3A_276, %get3A_282 : vector<64x128xi32>
    %and3A = arith.andi %eq3A_283, %lt3A_284 : vector<64x128xi1>
    %or3A_285 = arith.ori %gt3A, %and3A : vector<64x128xi1>
    %select_n3A_286 = arith.select %or3A_285, %reduce_max3A_270, %get3A_279 : vector<64x128xi1>, vector<64x128xf32>
    %select_n3A_287 = arith.select %or3A_285, %reduce_min3A_276, %get3A_282 : vector<64x128xi1>, vector<64x128xi32>
    %reduce_max3A_288 = arith.constant dense<0xFF800000> : vector<64xf32>
    %reduce_max3A_289 = vector.multi_reduction <maximumf>, %select_n3A_286, %reduce_max3A_288 [1] : vector<64x128xf32> to vector<64xf32>
    %broadcast_in_dim3A_290 = vector.shape_cast %reduce_max3A_289 : vector<64xf32> to vector<64x1xf32>
    %eq3A_291 = vector.broadcast %broadcast_in_dim3A_290 : vector<64x1xf32> to vector<64x128xf32>
    %eq3A_292 = arith.cmpf oeq, %select_n3A_286, %eq3A_291 : vector<64x128xf32>
    %jit3A_293 = arith.constant 2147483647 : i32
    %broadcast_in_dim3A_294 = vector.broadcast %jit3A_293 : i32 to vector<64x128xi32>
    %select_n3A_295 = arith.select %eq3A_292, %select_n3A_287, %broadcast_in_dim3A_294 : vector<64x128xi1>, vector<64x128xi32>
    %reduce_min3A_296 = arith.constant dense<2147483647> : vector<64xi32>
    %reduce_min3A_297 = vector.multi_reduction <minsi>, %select_n3A_295, %reduce_min3A_296 [1] : vector<64x128xi32> to vector<64xi32>
    %get3A_298 = arith.constant 0 : index
    %get3A_299 = arith.constant 0 : index
    %get3A_300 = vector.load %arg3[%get3A_298, %get3A_299] : memref<64x16xf32, #tpu.memory_space<vmem>>, vector<64x16xf32>
    %get3A_301 = arith.constant 0 : index
    %get3A_302 = arith.constant 0 : index
    %get3A_303 = vector.load %arg4[%get3A_301, %get3A_302] : memref<64x16xi32, #tpu.memory_space<vmem>>, vector<64x16xi32>
    %reduce_max3A_304 = arith.constant dense<0xFF800000> : vector<64xf32>
    %reduce_max3A_305 = vector.multi_reduction <maximumf>, %get3A_300, %reduce_max3A_304 [1] : vector<64x16xf32> to vector<64xf32>
    %broadcast_in_dim3A_306 = vector.shape_cast %reduce_max3A_305 : vector<64xf32> to vector<64x1xf32>
    %eq3A_307 = vector.broadcast %broadcast_in_dim3A_306 : vector<64x1xf32> to vector<64x16xf32>
    %eq3A_308 = arith.cmpf oeq, %get3A_300, %eq3A_307 : vector<64x16xf32>
    %jit3A_309 = arith.constant 2147483647 : i32
    %broadcast_in_dim3A_310 = vector.broadcast %jit3A_309 : i32 to vector<64x16xi32>
    %select_n3A_311 = arith.select %eq3A_308, %get3A_303, %broadcast_in_dim3A_310 : vector<64x16xi1>, vector<64x16xi32>
    %reduce_min3A_312 = arith.constant dense<2147483647> : vector<64xi32>
    %reduce_min3A_313 = vector.multi_reduction <minsi>, %select_n3A_311, %reduce_min3A_312 [1] : vector<64x16xi32> to vector<64xi32>
    %gt3A_314 = arith.cmpf ogt, %reduce_max3A_305, %reduce_max3A_289 : vector<64xf32>
    %eq3A_315 = arith.cmpf oeq, %reduce_max3A_305, %reduce_max3A_289 : vector<64xf32>
    %lt3A_316 = arith.cmpi slt, %reduce_min3A_313, %reduce_min3A_297 : vector<64xi32>
    %and3A_317 = arith.andi %eq3A_315, %lt3A_316 : vector<64xi1>
    %or3A_318 = arith.ori %gt3A_314, %and3A_317 : vector<64xi1>
    %select_n3A_319 = arith.select %or3A_318, %reduce_min3A_313, %reduce_min3A_297 : vector<64xi1>, vector<64xi32>
    %reshape3A_320 = vector.shape_cast %select_n3A_319 : vector<64xi32> to vector<1x64xi32>
    %swap3A = arith.constant 0 : index
    %swap3A_321 = arith.constant 0 : index
    %swap3A_322 = vector.load %arg5[%swap3A, %swap3A_321] : memref<1x64xi32, #tpu.memory_space<vmem>>, vector<1x64xi32>
    tpu.vector_store %arg5[%swap3A, %swap3A_321], %reshape3A_320 {strides = array<i32>} : memref<1x64xi32, #tpu.memory_space<vmem>>, vector<1x64xi32>,
    return
  }
}

</mosaic_0001>

<sc_bundles>
// kernel: kernel.6.cloned.1.call-start
scs
__scs_entry_jumppad:
0x0: {  	(pc) =	sbr.rel $0x88, $3  }
0x1: {  	(tag) =	ssettag $0x0;
	lr =	simm.s32 $0x1  }
0x2: {  	[smem:$0x3FA0] =	sst lr;
	_ =	strace $0xD0000000  }
0x3: {  	_ = 	snop  }
0x4: {  	_ = 	snop  }
0x5: {  	_ = 	snop  }
0x6: {  	_ = 	snop  }
0x7: {  	_ = 	snop  }
__scs_overlays_trampoline_lowered:
0x8: {  	[smem:$0x3FAF] =	sst s0  }
0x9: {  	[smem:$0x3FB0] =	sst s1  }
0xa: {  	[smem:$0x3FB1] =	sst s2  }
0xb: {  	[smem:$0x3FB2] =	sst s3  }
0xc: {  	[smem:$0x3FB3] =	sst s4  }
0xd: {  	[smem:$0x3FB4] =	sst s5  }
0xe: {  	[smem:$0x3FB5] =	sst s6  }
0xf: {  	[smem:$0x3FB6] =	sst s7  }
0x10: {  	[smem:$0x3FB7] =	sst s8  }
0x11: {  	[smem:$0x3FB8] =	sst s9;
	s0 =	simm.s32 @!p0 $0x0  }
0x12: {  	s1 =	sld [smem:$0x3F9E];
	s0 =	simm.s32 @p0 $0x1  }
0x13: {  	[smem:$0x3FB9] =	sst s0;
	s0 =	simm.s32 @!p1 $0x0  }
0x14: {  	s2 =	sld [smem:$0x3F9D];
	s0 =	simm.s32 @p1 $0x1  }
0x15: {  	[smem:$0x3FBA] =	sst s0;
	s0 =	simm.s32 @!p2 $0x0  }
0x16: {  	s3 =	sld [smem:$0x3FDB];
	s0 =	simm.s32 @p2 $0x1  }
0x17: {  	s4 =	simm.s32 $0x1BF5;
	[smem:$0x3FBC] =	sst s0  }
0x18: {  	s0 =	sld [smem:$0x3F9F];
	_ =	swait.ge [sflag:s4], $0x0  }
0x19: {  	s7 =	sld [smem:$0x3FA0]  }
0x1a: {  	s8 =	sadd.s32 $0xFFFFE003, lr  }
0x1b: {  	s9 =	sadd.s32 $0xFFFFFEF7, lr;
	s5 =	simm.s32 $0xFFFFFFFF;
	p2 =	slt.u32 s8, $0xFFFFF086  }
0x1c: {  	p1 =	slt.u32 s9, $0xF7A;
	s5 =	simm.s32 @!p2 $0x0  }
0x1d: {  	s5 =	simm.s32 @p1 $0x1;
	p0 =	seq.s32 s7, s2  }
0x1e: {  	s7 =	smul.u32 @!p0 $0xF7A, s2;
	p2 =	seq.s32 @!p0 s5, $0x0  }
0x1f: {  	s9 =	smul.u32 $0xF7A, s1;
	s8 =	simm.s32 @!p0 $0x1BF5;
	p2 =	por !p2, p0  }
0x20: {  	[sflag:s8] =	ssyncset.s32 @!p0 $0xFFFFF086;
	s6 =	sadd.s32 @!p0 s3, s7;
	s7 =	simm.s32 @!p0 $0x108  }
0x21: {  	s3 =	sadd.s32 s3, s9;
	s6 =	sadd.s32 @!p0 $0x88, s6;
	s7 =	simm.s32 @p2 $0x1082  }
0x22: {  	[simem:s7], [sflag:s8] =	dma.local @!p0 [hbm:s6], $0xF7A  }
0x23: {  	s9 =	sor.u32 $0xD0000000, s2;
	s6 =	simm.s32 $0x108;
	_ =	swait.ge @!p0 [sflag:s8], $0x0  }
0x24: {  	s3 =	sadd.s32 $0x88, s3;
	s6 =	simm.s32 @!p1 $0x1082;
	[sflag:s4] =	ssyncset.s32 $0xFFFFF086  }
0x25: {  	[simem:s6], [sflag:s4] =	dma.local [hbm:s3], $0xF7A  }
0x26: {  	[smem:$0x3FA0] =	sst s1;
	(tag) =	ssettag s2;
	_ =	strace s9  }
0x27: {  	s1 =	sld [smem:$0x3FB0]  }
0x28: {  	s2 =	sld [smem:$0x3FB1]  }
0x29: {  	s4 =	sld [smem:$0x3FB3]  }
0x2a: {  	p0 =	seq.s32 s5, $0x0;
	s5 =	sld [smem:$0x3FB4]  }
0x2b: {  	s6 =	sld [smem:$0x3FB5]  }
0x2c: {  	s7 =	sld [smem:$0x3FB6]  }
0x2d: {  	s3 =	simm.s32 $0x108;
	s8 =	sld [smem:$0x3FB7]  }
0x2e: {  	s3 =	simm.s32 @!p0 $0x1082;
	s9 =	sld [smem:$0x3FB8]  }
0x2f: {  	lr =	sadd.s32 s0, s3;
	s0 =	sld [smem:$0x3FAF]  }
0x30: {  	s3 =	sld [smem:$0x3FB2]  }
0x31: {  	[smem:$0x3FBB] =	sst s10  }
0x32: {  	s10 =	sld [smem:$0x3FB9];
	_ =	sdelay $0x3  }
0x33: {  	p0 =	seq.s32 s10, $0x1;
	s10 =	sld [smem:$0x3FBB];
	_ =	sdelay $0x3  }
0x34: {  	[smem:$0x3FBB] =	sst s10  }
0x35: {  	s10 =	sld [smem:$0x3FBA];
	_ =	sdelay $0x3  }
0x36: {  	p1 =	seq.s32 s10, $0x1;
	s10 =	sld [smem:$0x3FBB];
	_ =	sdelay $0x3  }
0x37: {  	[smem:$0x3FBB] =	sst s10  }
0x38: {  	s10 =	sld [smem:$0x3FBC]  }
0x39: {  	_ = 	snop;
	(pc) =	sbr.ind lr, $3  }
0x3a: {  	_ = 	snop  }
0x3b: {  	_ = 	snop  }
0x3c: {  	p2 =	seq.s32 s10, $0x1;
	s10 =	sld [smem:$0x3FBB]  }
0x3d: {  	_ =	shalt  }
0x3e: {  	_ =	shalt  }
0x3f: {  	_ =	shalt  }
0x40: {  	_ =	shalt  }
0x41: {  	_ =	shalt  }
0x42: {  	_ =	shalt  }
0x43: {  	_ =	shalt  }
0x44: {  	_ =	shalt  }
0x45: {  	_ =	shalt  }
0x46: {  	_ =	shalt  }
0x47: {  	_ =	shalt  }
0x48: {  	_ =	shalt  }
0x49: {  	_ =	shalt  }
0x4a: {  	_ =	shalt  }
0x4b: {  	_ =	shalt  }
0x4c: {  	_ =	shalt  }
0x4d: {  	_ =	shalt  }
0x4e: {  	_ =	shalt  }
0x4f: {  	_ =	shalt  }
0x50: {  	_ =	shalt  }
0x51: {  	_ =	shalt  }
0x52: {  	_ =	shalt  }
0x53: {  	_ =	shalt  }
0x54: {  	_ =	shalt  }
0x55: {  	_ =	shalt  }
0x56: {  	_ =	shalt  }
0x57: {  	_ =	shalt  }
0x58: {  	_ =	shalt  }
0x59: {  	_ =	shalt  }
0x5a: {  	_ =	shalt  }
0x5b: {  	_ =	shalt  }
0x5c: {  	_ =	shalt  }
0x5d: {  	_ =	shalt  }
0x5e: {  	_ =	shalt  }
0x5f: {  	_ =	shalt  }
0x60: {  	_ =	shalt  }
0x61: {  	_ =	shalt  }
0x62: {  	_ =	shalt  }
0x63: {  	_ =	shalt  }
0x64: {  	_ =	shalt  }
0x65: {  	_ =	shalt  }
0x66: {  	_ =	shalt  }
0x67: {  	_ =	shalt  }
0x68: {  	_ =	shalt  }
0x69: {  	_ =	shalt  }
0x6a: {  	_ =	shalt  }
0x6b: {  	_ =	shalt  }
0x6c: {  	_ =	shalt  }
0x6d: {  	_ =	shalt  }
0x6e: {  	_ =	shalt  }
0x6f: {  	_ =	shalt  }
0x70: {  	_ =	shalt  }
0x71: {  	_ =	shalt  }
0x72: {  	_ =	shalt  }
0x73: {  	_ =	shalt  }
0x74: {  	_ =	shalt  }
0x75: {  	_ =	shalt  }
0x76: {  	_ =	shalt  }
0x77: {  	_ =	shalt  }
0x78: {  	_ =	shalt  }
0x79: {  	_ =	shalt  }
0x7a: {  	_ =	shalt  }
0x7b: {  	_ =	shalt  }
0x7c: {  	_ =	shalt  }
0x7d: {  	_ =	shalt  }
0x7e: {  	_ =	shalt  }
0x7f: {  	_ =	shalt  }
0x80: {  	_ =	shalt  }
0x81: {  	_ =	shalt  }
0x82: {  	_ =	shalt  }
0x83: {  	_ =	shalt  }
0x84: {  	_ =	shalt  }
0x85: {  	_ =	shalt  }
0x86: {  	_ =	shalt  }
0x87: {  	_ =	shalt  }
.Lfunc_end0:
.L_simem_size_0:
called_computation_lowered:
.L_overlay_start_0:
0x88: {  	s2 =	sld [smem:$0x3FD9]  }
0x89: {  	s3 =	sld [smem:$0x3FFE];
	_ =	sdelay $0x1  }
0x8a: {  	s1 =	srdreg.scid  }
0x8b: {  	s0 =	sand.u32 $0x1, s1  }
0x8c: {  	s16 =	sshll.u32 s0, $0xA;
	s2 =	sadd.s32 s3, s2  }
0x8d: {  	s2 =	sadd.s32 s2, s16  }
0x8e: {  	[smem:$0x3FC7] =	sst s2  }
0x8f: {  	_ = 	snop  }
0x90: {  	(tm) =	ssettm $0x1  }
0x91: {  	s17 =	sld [smem:$0x3FFB];
	_ =	sdelay $0x3  }
0x92: {  	_ =	strace s17  }
0x93: {  	s2 =	sld [smem:$0x3FFC];
	_ =	sdelay $0x3  }
0x94: {  	_ =	strace s2  }
0x95: {  	s2 =	sld [smem:$0x3FFD];
	_ =	sdelay $0x3  }
0x96: {  	_ =	strace s2  }
0x97: {  	_ =	strace $0x8FFFFFFF  }
0x98: {  	s18 =	sld [smem:$0x3FDB];
	_ =	sdelay $0x1  }
0x99: {  	s19 =	simm.s32 $_scs_section_size  }
0x9a: {  	s4 =	simm.s32 $_size__tile_overlayer_lowered;
	s5 =	simm.s32 $_tile_overlayer_lowered  }
0x9b: {  	s22 =	simm.s32 $0x1BFF;
	s21 =	sshll.u32 s5, $0x1;
	s2 =	sadd.s32 s19, s18  }
0x9c: {  	s6 =	simm.s32 $0x0;
	s20 =	sshll.u32 s4, $0x1;
	s4 =	sadd.s32 s21, s2  }
0x9d: {  	[timem:s6], [sflag:s22] =	dma.local [hbm:s4], s20  }
0x9e: {  	_ =	swait.ge [sflag:s22], s20  }
0x9f: {  	s3 =	ssub.s32 $0x0, s20;
	[sflag:s22] =	ssyncset.done $0x0  }
0xa0: {  	[sflag:s22] =	ssyncadd.s32 s3;
	_ =	sdelay $0x1  }
0xa1: {  	s23 =	simm.s32 $0x1B8B  }
0xa2: {  	_ =	swait.ge [sflag:s23], $0x1  }
0xa3: {  	[sflag:s23] =	ssyncset.done $0x0  }
0xa4: {  	s25 =	simm.s32 $0x1B8E;
	s24 =	sld [smem:$0x3FFE];
	[sflag:s23] =	ssyncadd.s32 $0xFFFFFFFF  }
0xa5: {  	s26 =	simm.s32 $execute0_lowered;
	[smem:$0x3FD2] =	sst s25  }
0xa6: {  	s4 =	sshll.u32 s26, $0x1;
	_ =	strace $0x80000046;
	[dreg:$0x1] =	wrdreg $0xFFFFFFFF  }
0xa7: {  	s28 =	simm.s32 $_size_execute0_lowered;
	s2 =	sadd.s32 s2, s4;
	[dreg:$0x0] =	wrdreg $0x0  }
0xa8: {  	s4 =	sshll.u32 s28, $0x1;
	[dreg:$0x2] =	wrdreg s2  }
0xa9: {  	[dreg:$0x3] =	wrdreg s4  }
0xaa: {  	[dreg:$0x4] =	wrdreg $0xC0  }
0xab: {  	_ =	task [dreg:s6], $0x5FFFF  }
0xac: {  	[dreg:$0x1] =	wrdreg $0xFFFFFFFF  }
0xad: {  	[dreg:$0x0] =	wrdreg $0x60  }
0xae: {  	[dreg:$0x2] =	wrdreg s24  }
0xaf: {  	[dreg:$0x3] =	wrdreg $0x9  }
0xb0: {  	_ =	task.clear_ibuf [dreg:s6], $0x4FFFF;
	_ =	strace $0x90000046  }
0xb1: {  	s29 =	simm.s32 $0x9;
	_ =	strace $0x80000048  }
0xb2: {  	_ =	swait.ge [sflag:s29], $0x1  }
0xb3: {  	[sflag:s29] =	ssyncadd.s32 $0xFFFFFFFF  }
0xb4: {  	_ =	strace $0x90000048  }
0xb5: {  	_ =	sfence  }
0xb6: {  	s30 =	sld [smem:$0x0];
	_ =	sdelay $0x2  }
0xb7: {  	s31 =	sshll.u32 s1, $0xD;
	s1 =	sshrl.u32 s1, $0x2  }
0xb8: {  	s3 =	sand.u32 $0x4000, s31;
	s1 =	sadd.s32 s1, s30  }
0xb9: {  	s0 =	sor.u32 s3, s0;
	s1 =	sshll.u32 s1, $0x11  }
0xba: {  	s0 =	sor.u32 s1, s0  }
0xbb: {  	s0 =	sadd.s32 $0x8F2B, s0  }
0xbc: {  	[sflag:s0] =	ssyncadd.remote.s32 $0x1  }
0xbd: {  	_ =	sfence.sel $0xFFFF  }
0xbe: {  	[dreg:$0x0] =	wrdreg $0xFFFFFFFF;
	(pc) =	sbr.abs _section_cstart, $3  }
0xbf: {  	[dreg:$0x1] =	wrdreg $0xFFFFFFFF  }
0xc0: {  	_ =	task.clear_ibuf [dreg:s6], $0x2FFFF;
	_ =	strace $0x9FFFFFFF  }
0xc1: {  	(tm) =	ssettm $0x7FFFFFFF  }
tec
execute0_lowered:
.L_overlay_start_1:
0x0: {  	(tag) =	ssettag $0x1  }
0x1: {  	s3 =	rddreg [dreg:$0x0];
	s2 =	simm.s32 $0x0;
	s1 =	stileid.u32  }
0x2: {  	s4 =	srdreg.scid;
	[smem:$0x7FF] =	sst s2;
	s5 =	sshll.u32 s1, $0x1  }
0x3: {  	s12 =	sand.u32 $0x1, s4;
	s9 =	sshrl.u32 s1, $0x1;
	s10 =	sadd.s32 $0xE00, s3  }
0x4: {  	s11 =	sadd.s32 $0x1A0E00, s3;
	s13 =	sadd.s32 $0x1A1000, s3;
	s6 =	smul.u32 $0x68, s9  }
0x5: {  	s19 =	sand.u32 $0x1, s1;
	s21 =	sand.u32 $0x2, s5;
	s18 =	smul.u32 $0x7A1200, s9  }
0x6: {  	_ =	strace $0x80000047;
	s22 =	ssub.s32 $0x2, s12;
	s28 =	smul.u32 $0x3D0900, s19  }
0x7: {  	s14 =	sshll.u32 s9, $0x3;
	s29 =	smul.u32 $0x1E8480, s12;
	s30 =	sshll.u32 s19, $0x2  }
0x8: {  	s31 =	sshll.u32 s12, $0x1;
	s5 =	sor.u32 s12, s21;
	s8 =	sshrl.u32 s22, $0x1  }
0x9: {  	s19 =	simm.s32 $0x0;
	s4 =	sshll.u32 s5, $0x1;
	s15 =	ssub.s32 s22, s8  }
0xa: {  	s24 =	sshll.u32 s5, $0xC;
	s16 =	sshllo.u32 s5, $0x1;
	s7 =	sor.u32 s6, s4  }
0xb: {  	s23 =	sor.u32 s14, s4;
	s4 =	smul.u32 $0xD, s9;
	s5 =	sadd.s32 s10, s24  }
0xc: {  	s26 =	sor.u32 s6, s16;
	s17 =	sor.u32 s14, s16;
	s16 =	sshll.u32 s16, $0xB  }
0xd: {  	s14 =	sor.u32 s30, s14;
	s12 =	smax.u32 s15, $0x1;
	s15 =	simm.s32 $0x1  }
0xe: {  	s7 =	sshll.u32 s7, $0xB;
	s25 =	sshll.u32 s23, $0x1;
	s8 =	sshll.u32 s26, $0xB  }
0xf: {  	s17 =	sshll.u32 s17, $0x1;
	s9 =	sadd.s32 s10, s16;
	s16 =	sadd.s32 s28, s18  }
0x10: {  	s14 =	sor.u32 s31, s14;
	s18 =	simm.s32 $0x8080;
	s3 =	sadd.s32 s10, s7  }
0x11: {  	s6 =	sadd.s32 s11, s25;
	s7 =	sadd.s32 s13, s25;
	s8 =	sadd.s32 s10, s8  }
0x12: {  	v0 =	vlaneseq.u32;
	s10 =	sadd.s32 s11, s17;
	s11 =	sadd.s32 s13, s17;
	s13 =	sadd.s32 s29, s16  }
0x13: {  	v2 =	vimm.s32 $0xFFFFFF81;
	v1 =	vadd.s32 $0x2A, v0;
	s14 =	smul.u32 $0xF4240, s14;
	s16 =	simm.s32 $0x8000;
	s17 =	simm.s32 $0x2  }
.LBB2_1:
0x14: {  	[tilespmem:s2], [sflag:$0x1] =	stream.linear.gather [hbm4b:s3+s2], $0x4000, $0x38;
	[tilespmem:$0x8100] =	vst v63  }
0x15: {  	s21 =	smov.u32 s13  }
0x16: {  	v4 =	vimm.f32 $-Inf;
	v3 =	vimm.s32 $0x0;
	s22 =	simm.s32 $0x0;
	s23 =	simm.s32 $0x0;
	s20 =	smov.u32 s14  }
.LBB2_3:
0x17: {  	s24 =	sadd.s32 $0x0, s21  }
0x18: {  	s25 =	sadd.s32 $0x0, s20;
	s24 =	sadd.s32 $0xC0030, s24  }
0x19: {  	s26 =	sadd.s32 $0xC0020, s25;
	s0 =	sadd.s32 $0xC0010, s25;
	s25 =	sadd.s32 $0xC0000, s25;
	v5 =	vadd.s32 s24, v1  }
0x1a: {  	v6 =	vadd.s32 s26, v1;
	v7 =	vadd.s32 s0, v1;
	v8 =	vmov s25  }
0x1b: {  	v9 =	vor.u32 s25, v1;
	v10 =	vshrl.u32 v5, $0x13;
	v11 =	vshll.u32 v5, $0xD  }
0x1c: {  	v12 =	vshrl.u32 v6, $0x13;
	v13 =	vshll.u32 v6, $0xD;
	v14 =	vshrl.u32 v7, $0x13  }
0x1d: {  	v8 =	vshrl.u32 v8, $0x13;
	v15 =	vshll.u32 v7, $0xD;
	v16 =	vshll.u32 v9, $0xD  }
0x1e: {  	v14 =	vor.u32 v14, v15;
	v12 =	vor.u32 v12, v13;
	v10 =	vor.u32 v10, v11  }
0x1f: {  	v8 =	vor.u32 v8, v16;
	v11 =	vxor.u32 v6, v12;
	v10 =	vxor.u32 v5, v10  }
0x20: {  	v8 =	vxor.u32 v9, v8;
	v12 =	vxor.u32 v7, v14;
	v5 =	vadd.s32 v5, v10  }
0x21: {  	v6 =	vadd.s32 v6, v11;
	v13 =	vshrl.u32 v10, $0x11;
	v10 =	vshll.u32 v10, $0xF  }
0x22: {  	v7 =	vadd.s32 v7, v12;
	v14 =	vshrl.u32 v11, $0x11;
	v11 =	vshll.u32 v11, $0xF  }
0x23: {  	v9 =	vadd.s32 v9, v8;
	v15 =	vshrl.u32 v12, $0x11;
	v12 =	vshll.u32 v12, $0xF  }
0x24: {  	v16 =	vshrl.u32 v8, $0x11;
	v8 =	vshll.u32 v8, $0xF;
	v10 =	vor.u32 v13, v10  }
0x25: {  	v8 =	vor.u32 v16, v8;
	v12 =	vor.u32 v15, v12;
	v11 =	vor.u32 v14, v11  }
0x26: {  	v12 =	vxor.u32 v7, v12;
	v11 =	vxor.u32 v6, v11;
	v10 =	vxor.u32 v5, v10  }
0x27: {  	v8 =	vxor.u32 v9, v8;
	v5 =	vadd.s32 v5, v10;
	v13 =	vshrl.u32 v10, $0x6  }
0x28: {  	v6 =	vadd.s32 v6, v11;
	v14 =	vshrl.u32 v11, $0x6;
	v10 =	vshll.u32 v10, $0x1A  }
0x29: {  	v7 =	vadd.s32 v7, v12;
	v15 =	vshrl.u32 v12, $0x6;
	v11 =	vshll.u32 v11, $0x1A  }
0x2a: {  	v9 =	vadd.s32 v9, v8;
	v16 =	vshrl.u32 v8, $0x6;
	v12 =	vshll.u32 v12, $0x1A  }
0x2b: {  	v8 =	vshll.u32 v8, $0x1A;
	v11 =	vor.u32 v14, v11;
	v10 =	vor.u32 v13, v10  }
0x2c: {  	v8 =	vor.u32 v16, v8;
	v12 =	vor.u32 v15, v12;
	v10 =	vxor.u32 v5, v10  }
0x2d: {  	v8 =	vxor.u32 v9, v8;
	v12 =	vxor.u32 v7, v12;
	v11 =	vxor.u32 v6, v11  }
0x2e: {  	v5 =	vadd.s32 v5, v10;
	v13 =	vshrl.u32 v10, $0x1A;
	v10 =	vshll.u32 v10, $0x6  }
0x2f: {  	v6 =	vadd.s32 v6, v11;
	v14 =	vshrl.u32 v11, $0x1A;
	v11 =	vshll.u32 v11, $0x6  }
0x30: {  	v7 =	vadd.s32 v7, v12;
	v15 =	vshrl.u32 v12, $0x1A;
	v12 =	vshll.u32 v12, $0x6  }
0x31: {  	v9 =	vadd.s32 v9, v8;
	v16 =	vshrl.u32 v8, $0x1A;
	v8 =	vshll.u32 v8, $0x6  }
0x32: {  	v12 =	vor.u32 v15, v12;
	v11 =	vor.u32 v14, v11;
	v10 =	vor.u32 v13, v10  }
0x33: {  	v8 =	vor.u32 v16, v8;
	v11 =	vxor.u32 v6, v11;
	v10 =	vxor.u32 v5, v10  }
0x34: {  	v8 =	vxor.u32 v9, v8;
	v12 =	vxor.u32 v7, v12;
	v10 =	vadd.s32 $0x1BD11BF1, v10  }
0x35: {  	v8 =	vadd.s32 $0x1BD11BF1, v8;
	v12 =	vadd.s32 $0x1BD11BF1, v12;
	v11 =	vadd.s32 $0x1BD11BF1, v11  }
0x36: {  	v5 =	vadd.s32 v10, v5;
	v13 =	vshrl.u32 v10, $0xF;
	v10 =	vshll.u32 v10, $0x11  }
0x37: {  	v6 =	vadd.s32 v11, v6;
	v14 =	vshrl.u32 v11, $0xF;
	v11 =	vshll.u32 v11, $0x11  }
0x38: {  	v7 =	vadd.s32 v12, v7;
	v15 =	vshrl.u32 v12, $0xF;
	v12 =	vshll.u32 v12, $0x11  }
0x39: {  	v9 =	vadd.s32 v8, v9;
	v16 =	vshrl.u32 v8, $0xF;
	v8 =	vshll.u32 v8, $0x11  }
0x3a: {  	v6 =	vadd.s32 $0x2A, v6;
	v5 =	vadd.s32 $0x2A, v5;
	v10 =	vor.u32 v13, v10  }
0x3b: {  	v7 =	vadd.s32 $0x2A, v7;
	v12 =	vor.u32 v15, v12;
	v11 =	vor.u32 v14, v11  }
0x3c: {  	v9 =	vadd.s32 $0x2A, v9;
	v8 =	vor.u32 v16, v8;
	v10 =	vxor.u32 v5, v10  }
0x3d: {  	v8 =	vxor.u32 v9, v8;
	v12 =	vxor.u32 v7, v12;
	v11 =	vxor.u32 v6, v11  }
0x3e: {  	v5 =	vadd.s32 v5, v10;
	v13 =	vshrl.u32 v10, $0x3;
	v10 =	vshll.u32 v10, $0x1D  }
0x3f: {  	v6 =	vadd.s32 v6, v11;
	v14 =	vshrl.u32 v11, $0x3;
	v11 =	vshll.u32 v11, $0x1D  }
0x40: {  	v7 =	vadd.s32 v7, v12;
	v15 =	vshrl.u32 v12, $0x3;
	v12 =	vshll.u32 v12, $0x1D  }
0x41: {  	v9 =	vadd.s32 v9, v8;
	v16 =	vshrl.u32 v8, $0x3;
	v8 =	vshll.u32 v8, $0x1D  }
0x42: {  	v12 =	vor.u32 v15, v12;
	v11 =	vor.u32 v14, v11;
	v10 =	vor.u32 v13, v10  }
0x43: {  	v8 =	vor.u32 v16, v8;
	v11 =	vxor.u32 v6, v11;
	v10 =	vxor.u32 v5, v10  }
0x44: {  	v8 =	vxor.u32 v9, v8;
	v12 =	vxor.u32 v7, v12;
	v5 =	vadd.s32 v5, v10  }
0x45: {  	v6 =	vadd.s32 v6, v11;
	v13 =	vshrl.u32 v10, $0x10;
	v10 =	vshll.u32 v10, $0x10  }
0x46: {  	v7 =	vadd.s32 v7, v12;
	v14 =	vshrl.u32 v11, $0x10;
	v11 =	vshll.u32 v11, $0x10  }
0x47: {  	v9 =	vadd.s32 v9, v8;
	v15 =	vshrl.u32 v12, $0x10;
	v12 =	vshll.u32 v12, $0x10  }
0x48: {  	v16 =	vshrl.u32 v8, $0x10;
	v8 =	vshll.u32 v8, $0x10;
	v10 =	vor.u32 v13, v10  }
0x49: {  	v8 =	vor.u32 v16, v8;
	v12 =	vor.u32 v15, v12;
	v11 =	vor.u32 v14, v11  }
0x4a: {  	v12 =	vxor.u32 v7, v12;
	v11 =	vxor.u32 v6, v11;
	v10 =	vxor.u32 v5, v10  }
0x4b: {  	v8 =	vxor.u32 v9, v8;
	v5 =	vadd.s32 v5, v10;
	v13 =	vshrl.u32 v10, $0x8  }
0x4c: {  	v6 =	vadd.s32 v6, v11;
	v14 =	vshrl.u32 v11, $0x8;
	v10 =	vshll.u32 v10, $0x18  }
0x4d: {  	v7 =	vadd.s32 v7, v12;
	v15 =	vshrl.u32 v12, $0x8;
	v11 =	vshll.u32 v11, $0x18  }
0x4e: {  	v9 =	vadd.s32 v9, v8;
	v16 =	vshrl.u32 v8, $0x8;
	v12 =	vshll.u32 v12, $0x18  }
0x4f: {  	v8 =	vshll.u32 v8, $0x18;
	v11 =	vor.u32 v14, v11;
	v10 =	vor.u32 v13, v10  }
0x50: {  	v8 =	vor.u32 v16, v8;
	v12 =	vor.u32 v15, v12;
	v10 =	vxor.u32 v5, v10  }
0x51: {  	v8 =	vxor.u32 v9, v8;
	v12 =	vxor.u32 v7, v12;
	v11 =	vxor.u32 v6, v11  }
0x52: {  	v12 =	vadd.s32 $0x2, v12;
	v11 =	vadd.s32 $0x2, v11;
	v10 =	vadd.s32 $0x2, v10  }
0x53: {  	v8 =	vadd.s32 $0x2, v8;
	v5 =	vadd.s32 v10, v5;
	v13 =	vshrl.u32 v10, $0x13  }
0x54: {  	v6 =	vadd.s32 v11, v6;
	v14 =	vshrl.u32 v11, $0x13;
	v10 =	vshll.u32 v10, $0xD  }
0x55: {  	v7 =	vadd.s32 v12, v7;
	v15 =	vshrl.u32 v12, $0x13;
	v11 =	vshll.u32 v11, $0xD  }
0x56: {  	v9 =	vadd.s32 v8, v9;
	v16 =	vshrl.u32 v8, $0x13;
	v12 =	vshll.u32 v12, $0xD  }
0x57: {  	v8 =	vshll.u32 v8, $0xD;
	v5 =	vadd.s32 $0x1BD11BF0, v5;
	v10 =	vor.u32 v13, v10  }
0x58: {  	v7 =	vadd.s32 $0x1BD11BF0, v7;
	v6 =	vadd.s32 $0x1BD11BF0, v6;
	v11 =	vor.u32 v14, v11  }
0x59: {  	v9 =	vadd.s32 $0x1BD11BF0, v9;
	v8 =	vor.u32 v16, v8;
	v12 =	vor.u32 v15, v12  }
0x5a: {  	v12 =	vxor.u32 v7, v12;
	v11 =	vxor.u32 v6, v11;
	v10 =	vxor.u32 v5, v10  }
0x5b: {  	v8 =	vxor.u32 v9, v8;
	v5 =	vadd.s32 v5, v10;
	v13 =	vshrl.u32 v10, $0x11  }
0x5c: {  	v6 =	vadd.s32 v6, v11;
	v14 =	vshrl.u32 v11, $0x11;
	v10 =	vshll.u32 v10, $0xF  }
0x5d: {  	v7 =	vadd.s32 v7, v12;
	v15 =	vshrl.u32 v12, $0x11;
	v11 =	vshll.u32 v11, $0xF  }
0x5e: {  	v9 =	vadd.s32 v9, v8;
	v16 =	vshrl.u32 v8, $0x11;
	v12 =	vshll.u32 v12, $0xF  }
0x5f: {  	v8 =	vshll.u32 v8, $0xF;
	v11 =	vor.u32 v14, v11;
	v10 =	vor.u32 v13, v10  }
0x60: {  	v8 =	vor.u32 v16, v8;
	v12 =	vor.u32 v15, v12;
	v10 =	vxor.u32 v5, v10  }
0x61: {  	v8 =	vxor.u32 v9, v8;
	v12 =	vxor.u32 v7, v12;
	v11 =	vxor.u32 v6, v11  }
0x62: {  	v5 =	vadd.s32 v5, v10;
	v13 =	vshrl.u32 v10, $0x6;
	v10 =	vshll.u32 v10, $0x1A  }
0x63: {  	v6 =	vadd.s32 v6, v11;
	v14 =	vshrl.u32 v11, $0x6;
	v11 =	vshll.u32 v11, $0x1A  }
0x64: {  	v7 =	vadd.s32 v7, v12;
	v15 =	vshrl.u32 v12, $0x6;
	v12 =	vshll.u32 v12, $0x1A  }
0x65: {  	v9 =	vadd.s32 v9, v8;
	v16 =	vshrl.u32 v8, $0x6;
	v8 =	vshll.u32 v8, $0x1A  }
0x66: {  	v12 =	vor.u32 v15, v12;
	v11 =	vor.u32 v14, v11;
	v10 =	vor.u32 v13, v10  }
0x67: {  	v8 =	vor.u32 v16, v8;
	v11 =	vxor.u32 v6, v11;
	v10 =	vxor.u32 v5, v10  }
0x68: {  	v8 =	vxor.u32 v9, v8;
	v12 =	vxor.u32 v7, v12;
	v5 =	vadd.s32 v5, v10  }
0x69: {  	v6 =	vadd.s32 v6, v11;
	v13 =	vshrl.u32 v10, $0x1A;
	v10 =	vshll.u32 v10, $0x6  }
0x6a: {  	v7 =	vadd.s32 v7, v12;
	v14 =	vshrl.u32 v11, $0x1A;
	v11 =	vshll.u32 v11, $0x6  }
0x6b: {  	v9 =	vadd.s32 v9, v8;
	v15 =	vshrl.u32 v12, $0x1A;
	v12 =	vshll.u32 v12, $0x6  }
0x6c: {  	v16 =	vshrl.u32 v8, $0x1A;
	v8 =	vshll.u32 v8, $0x6;
	v10 =	vor.u32 v13, v10  }
0x6d: {  	v8 =	vor.u32 v16, v8;
	v12 =	vor.u32 v15, v12;
	v11 =	vor.u32 v14, v11  }
0x6e: {  	v12 =	vxor.u32 v7, v12;
	v11 =	vxor.u32 v6, v11;
	v10 =	vxor.u32 v5, v10  }
0x6f: {  	v8 =	vxor.u32 v9, v8;
	v11 =	vadd.s32 $0x2D, v11;
	v10 =	vadd.s32 $0x2D, v10  }
0x70: {  	v8 =	vadd.s32 $0x2D, v8;
	v12 =	vadd.s32 $0x2D, v12;
	v5 =	vadd.s32 v5, v10  }
0x71: {  	v6 =	vadd.s32 v6, v11;
	v13 =	vshrl.u32 v10, $0xF;
	v10 =	vshll.u32 v10, $0x11  }
0x72: {  	v7 =	vadd.s32 v7, v12;
	v14 =	vshrl.u32 v11, $0xF;
	v11 =	vshll.u32 v11, $0x11  }
0x73: {  	v9 =	vadd.s32 v9, v8;
	v15 =	vshrl.u32 v12, $0xF;
	v12 =	vshll.u32 v12, $0x11  }
0x74: {  	v16 =	vshrl.u32 v8, $0xF;
	v8 =	vshll.u32 v8, $0x11;
	v10 =	vor.u32 v13, v10  }
0x75: {  	v8 =	vor.u32 v16, v8;
	v12 =	vor.u32 v15, v12;
	v11 =	vor.u32 v14, v11  }
0x76: {  	v12 =	vxor.u32 v7, v12;
	v11 =	vxor.u32 v6, v11;
	v10 =	vxor.u32 v5, v10  }
0x77: {  	v8 =	vxor.u32 v9, v8;
	v5 =	vadd.s32 v5, v10;
	v13 =	vshrl.u32 v10, $0x3  }
0x78: {  	v6 =	vadd.s32 v6, v11;
	v14 =	vshrl.u32 v11, $0x3;
	v10 =	vshll.u32 v10, $0x1D  }
0x79: {  	v7 =	vadd.s32 v7, v12;
	v15 =	vshrl.u32 v12, $0x3;
	v11 =	vshll.u32 v11, $0x1D  }
0x7a: {  	v9 =	vadd.s32 v9, v8;
	v16 =	vshrl.u32 v8, $0x3;
	v12 =	vshll.u32 v12, $0x1D  }
0x7b: {  	v8 =	vshll.u32 v8, $0x1D;
	v11 =	vor.u32 v14, v11;
	v10 =	vor.u32 v13, v10  }
0x7c: {  	v8 =	vor.u32 v16, v8;
	v12 =	vor.u32 v15, v12;
	v10 =	vxor.u32 v5, v10  }
0x7d: {  	v8 =	vxor.u32 v9, v8;
	v12 =	vxor.u32 v7, v12;
	v11 =	vxor.u32 v6, v11  }
0x7e: {  	v5 =	vadd.s32 v5, v10;
	v13 =	vshrl.u32 v10, $0x10;
	v10 =	vshll.u32 v10, $0x10  }
0x7f: {  	v6 =	vadd.s32 v6, v11;
	v14 =	vshrl.u32 v11, $0x10;
	v11 =	vshll.u32 v11, $0x10  }
0x80: {  	v7 =	vadd.s32 v7, v12;
	v15 =	vshrl.u32 v12, $0x10;
	v12 =	vshll.u32 v12, $0x10  }
0x81: {  	v9 =	vadd.s32 v9, v8;
	v16 =	vshrl.u32 v8, $0x10;
	v8 =	vshll.u32 v8, $0x10  }
0x82: {  	v12 =	vor.u32 v15, v12;
	v11 =	vor.u32 v14, v11;
	v10 =	vor.u32 v13, v10  }
0x83: {  	v8 =	vor.u32 v16, v8;
	v11 =	vxor.u32 v6, v11;
	v10 =	vxor.u32 v5, v10  }
0x84: {  	v8 =	vxor.u32 v9, v8;
	v12 =	vxor.u32 v7, v12;
	v5 =	vadd.s32 v5, v10  }
0x85: {  	v6 =	vadd.s32 v6, v11;
	v13 =	vshrl.u32 v10, $0x8;
	v10 =	vshll.u32 v10, $0x18  }
0x86: {  	v7 =	vadd.s32 v7, v12;
	v14 =	vshrl.u32 v11, $0x8;
	v11 =	vshll.u32 v11, $0x18  }
0x87: {  	v9 =	vadd.s32 v9, v8;
	v15 =	vshrl.u32 v12, $0x8;
	v12 =	vshll.u32 v12, $0x18  }
0x88: {  	v16 =	vshrl.u32 v8, $0x8;
	v8 =	vshll.u32 v8, $0x18;
	v10 =	vor.u32 v13, v10  }
0x89: {  	v8 =	vor.u32 v16, v8;
	v12 =	vor.u32 v15, v12;
	v11 =	vor.u32 v14, v11  }
0x8a: {  	v12 =	vxor.u32 v7, v12;
	v11 =	vxor.u32 v6, v11;
	v10 =	vxor.u32 v5, v10  }
0x8b: {  	v8 =	vxor.u32 v9, v8;
	v11 =	vadd.s32 $0x1BD11BF4, v11;
	v10 =	vadd.s32 $0x1BD11BF4, v10  }
0x8c: {  	v8 =	vadd.s32 $0x1BD11BF4, v8;
	v12 =	vadd.s32 $0x1BD11BF4, v12;
	v5 =	vadd.s32 v10, v5  }
0x8d: {  	v6 =	vadd.s32 v11, v6;
	v13 =	vshrl.u32 v10, $0x13;
	v10 =	vshll.u32 v10, $0xD  }
0x8e: {  	v7 =	vadd.s32 v12, v7;
	v14 =	vshrl.u32 v11, $0x13;
	v11 =	vshll.u32 v11, $0xD  }
0x8f: {  	v9 =	vadd.s32 v8, v9;
	v15 =	vshrl.u32 v12, $0x13;
	v12 =	vshll.u32 v12, $0xD  }
0x90: {  	v16 =	vshrl.u32 v8, $0x13;
	v8 =	vshll.u32 v8, $0xD;
	v5 =	vadd.s32 $0x2A, v5  }
0x91: {  	v6 =	vadd.s32 $0x2A, v6;
	v11 =	vor.u32 v14, v11;
	v10 =	vor.u32 v13, v10  }
0x92: {  	v9 =	vadd.s32 $0x2A, v9;
	v7 =	vadd.s32 $0x2A, v7;
	v12 =	vor.u32 v15, v12  }
0x93: {  	v8 =	vor.u32 v16, v8;
	v11 =	vxor.u32 v6, v11;
	v10 =	vxor.u32 v5, v10  }
0x94: {  	v8 =	vxor.u32 v9, v8;
	v12 =	vxor.u32 v7, v12;
	v5 =	vadd.s32 v5, v10  }
0x95: {  	v6 =	vadd.s32 v6, v11;
	v13 =	vshrl.u32 v10, $0x11;
	v10 =	vshll.u32 v10, $0xF  }
0x96: {  	v7 =	vadd.s32 v7, v12;
	v14 =	vshrl.u32 v11, $0x11;
	v11 =	vshll.u32 v11, $0xF  }
0x97: {  	v9 =	vadd.s32 v9, v8;
	v15 =	vshrl.u32 v12, $0x11;
	v12 =	vshll.u32 v12, $0xF  }
0x98: {  	v16 =	vshrl.u32 v8, $0x11;
	v8 =	vshll.u32 v8, $0xF;
	v10 =	vor.u32 v13, v10  }
0x99: {  	v8 =	vor.u32 v16, v8;
	v12 =	vor.u32 v15, v12;
	v11 =	vor.u32 v14, v11  }
0x9a: {  	v12 =	vxor.u32 v7, v12;
	v11 =	vxor.u32 v6, v11;
	v10 =	vxor.u32 v5, v10  }
0x9b: {  	v8 =	vxor.u32 v9, v8;
	v5 =	vadd.s32 v5, v10;
	v13 =	vshrl.u32 v10, $0x6  }
0x9c: {  	v6 =	vadd.s32 v6, v11;
	v14 =	vshrl.u32 v11, $0x6;
	v10 =	vshll.u32 v10, $0x1A  }
0x9d: {  	v7 =	vadd.s32 v7, v12;
	v15 =	vshrl.u32 v12, $0x6;
	v11 =	vshll.u32 v11, $0x1A  }
0x9e: {  	v9 =	vadd.s32 v9, v8;
	v16 =	vshrl.u32 v8, $0x6;
	v12 =	vshll.u32 v12, $0x1A  }
0x9f: {  	v8 =	vshll.u32 v8, $0x1A;
	v11 =	vor.u32 v14, v11;
	v10 =	vor.u32 v13, v10  }
0xa0: {  	v8 =	vor.u32 v16, v8;
	v12 =	vor.u32 v15, v12;
	v10 =	vxor.u32 v5, v10  }
0xa1: {  	v8 =	vxor.u32 v9, v8;
	v12 =	vxor.u32 v7, v12;
	v11 =	vxor.u32 v6, v11  }
0xa2: {  	v5 =	vadd.s32 v5, v10;
	v13 =	vshrl.u32 v10, $0x1A;
	v10 =	vshll.u32 v10, $0x6  }
0xa3: {  	v6 =	vadd.s32 v6, v11;
	v14 =	vshrl.u32 v11, $0x1A;
	v11 =	vshll.u32 v11, $0x6  }
0xa4: {  	v7 =	vadd.s32 v7, v12;
	v15 =	vshrl.u32 v12, $0x1A;
	v12 =	vshll.u32 v12, $0x6  }
0xa5: {  	v9 =	vadd.s32 v9, v8;
	v16 =	vshrl.u32 v8, $0x1A;
	v8 =	vshll.u32 v8, $0x6  }
0xa6: {  	v17 =	vadd.s32 $0x1BD11BF0, v6;
	v10 =	vor.u32 v13, v10;
	v13 =	vadd.s32 $0x1BD11BF0, v5  }
0xa7: {  	v18 =	vadd.s32 $0x1BD11BF0, v9;
	v19 =	vadd.s32 $0x1BD11BF0, v7;
	v11 =	vor.u32 v14, v11  }
0xa8: {  	v8 =	vor.u32 v16, v8;
	v12 =	vor.u32 v15, v12;
	v5 =	vxor.u32 v5, v10  }
0xa9: {  	v8 =	vxor.u32 v9, v8;
	v7 =	vxor.u32 v7, v12;
	v6 =	vxor.u32 v6, v11  }
0xaa: {  	v7 =	vadd.s32 $0x5, v7;
	v6 =	vadd.s32 $0x5, v6;
	v5 =	vadd.s32 $0x5, v5  }
0xab: {  	v8 =	vadd.s32 $0x5, v8;
	v6 =	vxor.u32 v17, v6;
	v9 =	vxor.u32 v13, v5  }
0xac: {  	v8 =	vxor.u32 v18, v8;
	v5 =	vxor.u32 v19, v7;
	vm0 =	vgt.u32 v9, $0xBFFFFFFF  }
0xad: {  	v7 =	vshrl.u32 v5, $0x9;
	v10 =	vshrl.u32 v6, $0x9;
	v9 =	vshrl.u32 v9, $0x9  }
0xae: {  	v11 =	vshrl.u32 v8, $0x9;
	v10 =	vcvt.s32.f32 v10;
	v9 =	vcvt.s32.f32 v9  }
0xaf: {  	vm1 =	vgt.u32 v6, $0xBFFFFFFF;
	v11 =	vcvt.s32.f32 v11;
	v7 =	vcvt.s32.f32 v7  }
0xb0: {  	v12 =	vadd.f32 $-8.388608000e+06, v10;
	v13 =	vmul.f32 $1.192092900e-07, v9;
	v6 =	vadd.f32 $-8.388608000e+06, v9  }
0xb1: {  	v14 =	vmul.f32 $1.192092900e-07, v7;
	v7 =	vadd.f32 $-8.388608000e+06, v7;
	v10 =	vmul.f32 $1.192092900e-07, v10  }
0xb2: {  	v15 =	vmul.f32 $1.192092900e-07, v11;
	v11 =	vadd.f32 $-8.388608000e+06, v11;
	v9 =	vmul.f32 $1.192092900e-07, v6  }
0xb3: {  	vm2 =	vgt.u32 v8, $0xBFFFFFFF;
	v6 =	vmul.f32 $1.192092900e-07, v7;
	v7 =	vmul.f32 $1.192092900e-07, v12  }
0xb4: {  	v8 =	vmul.f32 $1.192092900e-07, v11;
	v10 =	vmax.f32 v10, $1.175494350e-38;
	v11 =	vmax.f32 v13, $1.175494350e-38  }
0xb5: {  	v12 =	vmax.f32 v15, $1.175494350e-38;
	v13 =	vmax.f32 v14, $1.175494350e-38;
	v14 =	vshrl.u32 v11, $0x17  }
0xb6: {  	v15 =	vshrl.u32 v12, $0x17;
	v16 =	vshrl.u32 v13, $0x17;
	v17 =	vshrl.u32 v10, $0x17  }
0xb7: {  	v13 =	vand.u32 $0x7FFFFF, v13;
	v10 =	vand.u32 $0x7FFFFF, v10;
	v11 =	vand.u32 $0x7FFFFF, v11  }
0xb8: {  	v12 =	vand.u32 $0x7FFFFF, v12;
	v18 =	vmul.f32 $3.342634740e-01, v7;
	v19 =	vmul.f32 $3.342634740e-01, v9  }
0xb9: {  	v20 =	vmul.f32 $3.342634740e-01, v8;
	v21 =	vmul.f32 $3.342634740e-01, v6;
	v11 =	vor.u32 $0x3F800000, v11  }
0xba: {  	v12 =	vor.u32 $0x3F800000, v12;
	v13 =	vor.u32 $0x3F800000, v13;
	v10 =	vor.u32 $0x3F800000, v10  }
0xbb: {  	vm3 =	vge.f32 v10, $1.414213540e+00;
	vm4 =	vge.f32 v11, $1.414213540e+00;
	v22 =	vmul.f32 $5.000000000e-01, v11  }
0xbc: {  	vm5 =	vge.f32 v13, $1.414213540e+00;
	v23 =	vmul.f32 $5.000000000e-01, v13;
	v24 =	vmul.f32 $5.000000000e-01, v10  }
0xbd: {  	vm6 =	vge.f32 v12, $1.414213540e+00;
	v25 =	vmul.f32 $5.000000000e-01, v12;
	v26 =	vsel vm4, $0xFFFFFF82, v2  }
0xbe: {  	v27 =	vsel vm5, $0xFFFFFF82, v2;
	v28 =	vsel vm3, $0xFFFFFF82, v2;
	v19 =	vsub.f32 $4.071872310e-02, v19  }
0xbf: {  	v29 =	vsel vm6, $0xFFFFFF82, v2;
	v21 =	vsub.f32 $4.071872310e-02, v21;
	v18 =	vsub.f32 $4.071872310e-02, v18  }
0xc0: {  	v20 =	vsub.f32 $4.071872310e-02, v20;
	v17 =	vadd.s32 v17, v28;
	v14 =	vadd.s32 v14, v26  }
0xc1: {  	v15 =	vadd.s32 v15, v29;
	v16 =	vadd.s32 v16, v27;
	v11 =	vsel vm4, v22, v11  }
0xc2: {  	v10 =	vsel vm3, v24, v10;
	v17 =	vcvt.s32.f32 v17;
	v14 =	vcvt.s32.f32 v14  }
0xc3: {  	v13 =	vsel vm5, v23, v13;
	v15 =	vcvt.s32.f32 v15;
	v16 =	vcvt.s32.f32 v16  }
0xc4: {  	v12 =	vsel vm6, v25, v12;
	v18 =	vmul.f32 v18, v7;
	v19 =	vmul.f32 v19, v9  }
0xc5: {  	v20 =	vmul.f32 v20, v8;
	v21 =	vmul.f32 v21, v6;
	v11 =	vadd.f32 $-1.000000000e+00, v11  }
0xc6: {  	v13 =	vadd.f32 $-1.000000000e+00, v13;
	v10 =	vadd.f32 $-1.000000000e+00, v10;
	v14 =	vmul.f32 $6.931471820e-01, v14  }
0xc7: {  	v12 =	vadd.f32 $-1.000000000e+00, v12;
	v16 =	vmul.f32 $6.931471820e-01, v16;
	v17 =	vmul.f32 $6.931471820e-01, v17  }
0xc8: {  	v15 =	vmul.f32 $6.931471820e-01, v15;
	v18 =	vadd.f32 $-1.905906650e-01, v18;
	v19 =	vadd.f32 $-1.905906650e-01, v19  }
0xc9: {  	v21 =	vadd.f32 $-1.905906650e-01, v21;
	v59 =	vmul.f32 $9.913656110e-02, v10;
	v60 =	vmul.f32 $9.913656110e-02, v11  }
0xca: {  	v20 =	vadd.f32 $-1.905906650e-01, v20;
	v61 =	vmul.f32 $9.913656110e-02, v12;
	v62 =	vmul.f32 $9.913656110e-02, v13  }
0xcb: {  	v18 =	vmul.f32 v18, v7;
	v19 =	vmul.f32 v19, v9;
	v23 =	vsub.f32 $1.633855550e-01, v60  }
0xcc: {  	v21 =	vmul.f32 v21, v6;
	v25 =	vsub.f32 $1.633855550e-01, v62;
	v22 =	vsub.f32 $1.633855550e-01, v59  }
0xcd: {  	v20 =	vmul.f32 v20, v8;
	v24 =	vsub.f32 $1.633855550e-01, v61;
	v19 =	vadd.f32 $1.969643830e-01, v19  }
0xce: {  	v18 =	vadd.f32 $1.969643830e-01, v18;
	v22 =	vmul.f32 v22, v10;
	v23 =	vmul.f32 v23, v11  }
0xcf: {  	v24 =	vmul.f32 v24, v12;
	v21 =	vadd.f32 $1.969643830e-01, v21;
	v25 =	vmul.f32 v25, v13  }
0xd0: {  	v20 =	vadd.f32 $1.969643830e-01, v20;
	v18 =	vmul.f32 v18, v7;
	v19 =	vmul.f32 v19, v9  }
0xd1: {  	v21 =	vmul.f32 v21, v6;
	v22 =	vadd.f32 $-1.736315340e-01, v22;
	v23 =	vadd.f32 $-1.736315340e-01, v23  }
0xd2: {  	v20 =	vmul.f32 v20, v8;
	v24 =	vadd.f32 $-1.736315340e-01, v24;
	v25 =	vadd.f32 $-1.736315340e-01, v25  }
0xd3: {  	v18 =	vadd.f32 $-2.502099280e-01, v18;
	v19 =	vadd.f32 $-2.502099280e-01, v19;
	v23 =	vmul.f32 v23, v11  }
0xd4: {  	v21 =	vadd.f32 $-2.502099280e-01, v21;
	v25 =	vmul.f32 v25, v13;
	v22 =	vmul.f32 v22, v10  }
0xd5: {  	v20 =	vadd.f32 $-2.502099280e-01, v20;
	v24 =	vmul.f32 v24, v12;
	v19 =	vmul.f32 v19, v9  }
0xd6: {  	v18 =	vmul.f32 v18, v7;
	v22 =	vadd.f32 $1.988536120e-01, v22;
	v23 =	vadd.f32 $1.988536120e-01, v23  }
0xd7: {  	v24 =	vadd.f32 $1.988536120e-01, v24;
	v21 =	vmul.f32 v21, v6;
	v25 =	vadd.f32 $1.988536120e-01, v25  }
0xd8: {  	v20 =	vmul.f32 v20, v8;
	v18 =	vadd.f32 $3.333259820e-01, v18;
	v19 =	vadd.f32 $3.333259820e-01, v19  }
0xd9: {  	v24 =	vmul.f32 v24, v12;
	v21 =	vadd.f32 $3.333259820e-01, v21;
	v23 =	vmul.f32 v23, v11  }
0xda: {  	v20 =	vadd.f32 $3.333259820e-01, v20;
	v25 =	vmul.f32 v25, v13;
	v22 =	vmul.f32 v22, v10  }
0xdb: {  	v24 =	vadd.f32 $-2.495778050e-01, v24;
	v18 =	vmul.f32 v18, v7;
	v19 =	vmul.f32 v19, v9  }
0xdc: {  	v20 =	vmul.f32 v20, v8;
	v21 =	vmul.f32 v21, v6;
	v23 =	vadd.f32 $-2.495778050e-01, v23  }
0xdd: {  	v25 =	vadd.f32 $-2.495778050e-01, v25;
	v22 =	vadd.f32 $-2.495778050e-01, v22;
	v24 =	vmul.f32 v24, v12  }
0xde: {  	v18 =	vadd.f32 $-5.000001190e-01, v18;
	v19 =	vadd.f32 $-5.000001190e-01, v19;
	v23 =	vmul.f32 v23, v11  }
0xdf: {  	v25 =	vmul.f32 v25, v13;
	v22 =	vmul.f32 v22, v10;
	v24 =	vadd.f32 $3.333568870e-01, v24  }
0xe0: {  	v21 =	vadd.f32 $-5.000001190e-01, v21;
	v19 =	vmul.f32 v19, v9;
	v23 =	vadd.f32 $3.333568870e-01, v23  }
0xe1: {  	v25 =	vadd.f32 $3.333568870e-01, v25;
	v22 =	vadd.f32 $3.333568870e-01, v22;
	v24 =	vmul.f32 v24, v12  }
0xe2: {  	v20 =	vadd.f32 $-5.000001190e-01, v20;
	v18 =	vmul.f32 v18, v7;
	v23 =	vmul.f32 v23, v11  }
0xe3: {  	v25 =	vmul.f32 v25, v13;
	v22 =	vmul.f32 v22, v10;
	v24 =	vadd.f32 $-5.000069740e-01, v24  }
0xe4: {  	v20 =	vmul.f32 v20, v8;
	v21 =	vmul.f32 v21, v6;
	v23 =	vadd.f32 $-5.000069740e-01, v23  }
0xe5: {  	v25 =	vadd.f32 $-5.000069740e-01, v25;
	v22 =	vadd.f32 $-5.000069740e-01, v22;
	v24 =	vmul.f32 v24, v12  }
0xe6: {  	v18 =	vadd.f32 $1.000000000e+00, v18;
	v19 =	vadd.f32 $1.000000000e+00, v19;
	v23 =	vmul.f32 v23, v11  }
0xe7: {  	v25 =	vmul.f32 v25, v13;
	v22 =	vmul.f32 v22, v10;
	v24 =	vadd.f32 $9.999998210e-01, v24  }
0xe8: {  	v20 =	vadd.f32 $1.000000000e+00, v20;
	v9 =	vmul.f32 v19, v9;
	v19 =	vadd.f32 $9.999998210e-01, v23  }
0xe9: {  	v63 =	vadd.f32 $9.999998210e-01, v25;
	v22 =	vadd.f32 $9.999998210e-01, v22;
	v12 =	vmul.f32 v24, v12  }
0xea: {  	v8 =	vmul.f32 v20, v8;
	v20 =	vadd.f32 $1.000000000e+00, v21;
	v11 =	vmul.f32 v19, v11  }
0xeb: {  	v13 =	vmul.f32 v63, v13;
	v10 =	vmul.f32 v22, v10;
	v12 =	vadd.f32 v12, v15  }
0xec: {  	v7 =	vmul.f32 v18, v7;
	v6 =	vmul.f32 v20, v6;
	v14 =	vadd.f32 v11, v14  }
0xed: {  	v10 =	vadd.f32 v10, v17;
	v8 =	vsel vm2, v8, v12;
	v12 =	vadd.f32 v13, v16  }
0xee: {  	vm2 =	vgt.u32 v5, $0xBFFFFFFF;
	v5 =	vsel vm0, v9, v14;
	v11 =	vsub.f32 $0.0e+00, v8  }
0xef: {  	v7 =	vsel vm1, v7, v10;
	v17 =	vsub.f32 $0.0e+00, v5;
	v6 =	vsel vm2, v6, v12  }
0xf0: {  	v15 =	vsub.f32 $0.0e+00, v7;
	v5 =	vand.u32 $0x7FFFFF, v11;
	v14 =	vsub.f32 $0.0e+00, v6  }
0xf1: {  	v6 =	vand.u32 $0x7FFFFF, v17;
	v5 =	vor.u32 $0x3F800000, v5  }
0xf2: {  	v9 =	vand.u32 $0x7FFFFF, v15;
	v7 =	vmul.f32 $5.000000000e-01, v5;
	v8 =	vand.u32 $0x7FFFFF, v14  }
0xf3: {  	v6 =	vor.u32 $0x3F800000, v6;
	vm0 =	vge.f32 v5, $1.414213540e+00;
	v8 =	vor.u32 $0x3F800000, v8  }
0xf4: {  	_ =	swait.ge [sflag:s15], $0x4000;
	v12 =	vor.u32 $0x3F800000, v9;
	v5 =	vsel vm0, v7, v5;
	v7 =	vmul.f32 $5.000000000e-01, v8  }
0xf5: {  	s28 =	sadd.s32 $0x0, s22;
	[sflag:s15] =	ssyncset.done $0x0;
	s26 =	smov.u32 s23;
	vm1 =	vge.f32 v8, $1.414213540e+00;
	v10 =	vadd.f32 $-1.000000000e+00, v5;
	v5 =	vmul.f32 $5.000000000e-01, v12  }
0xf6: {  	s30 =	sadd.s32 $0xC0030, s28;
	s23 =	sadd.s32 $0x1, s23;
	p0 =	seq.s32 s26, $0xC;
	vm2 =	vge.f32 v12, $1.414213540e+00;
	v13 =	vmul.f32 $5.000000000e-01, v6;
	v7 =	vsel vm1, v7, v8  }
0xf7: {  	s31 =	sadd.s32 $0xC0020, s28;
	s29 =	sadd.s32 $0xC0010, s28;
	s24 =	sadd.s32 @!p0 s4, s23;
	v16 =	vmul.f32 $1.144908290e-01, v10;
	v9 =	vadd.f32 $-1.000000000e+00, v7;
	v5 =	vsel vm2, v5, v12  }
0xf8: {  	[sflag:s15] =	ssyncadd.s32 $0xFFFFC000;
	s25 =	sshll.u32 @!p0 s23, $0xE;
	s24 =	sshll.u32 @!p0 s24, $0xE;
	vm3 =	vge.f32 v6, $1.414213540e+00;
	v8 =	vadd.f32 $-1.000000000e+00, v5  }
0xf9: {  	s26 =	simm.s32 @!p0 $0x0;
	s25 =	sand.u32 @!p0 $0x4000, s25;
	s24 =	sadd.s32 @!p0 s24, s5;
	v5 =	vsel vm3, v13, v6;
	v16 =	vadd.f32 $-1.877920780e-01, v16;
	v19 =	vmul.f32 $1.144908290e-01, v9  }
0xfa: {  	[tilespmem:s25], [sflag:$0x1] =	stream.linear.gather @!p0 [hbm4b:s24+s26], $0x4000, $0x38;
	v6 =	vor.u32 s31, v0;
	v7 =	vadd.f32 $-1.000000000e+00, v5;
	v12 =	vmul.f32 $1.144908290e-01, v8;
	[tilespmem:$0x8100] =	vst v63  }
0xfb: {  	s24 =	simm.s32 $0x0;
	s25 =	simm.s32 $0x0;
	s26 =	simm.s32 $0x40;
	v5 =	vor.u32 s30, v0;
	v18 =	vmul.f32 v16, v10;
	v13 =	vadd.f32 $-1.877920780e-01, v19  }
.LBB2_4:
0xfc: {  	s30 =	sadd.s32 s26, s21;
	s31 =	sadd.s32 $0xC0000, s28;
	v16 =	vor.u32 s29, v0;
	v19 =	vadd.f32 $-1.877920780e-01, v12;
	v20 =	vmul.f32 $1.144908290e-01, v7  }
0xfd: {  	s29 =	sadd.s32 s26, s20;
	s30 =	sadd.s32 $0xC0030, s30;
	v21 =	vadd.f32 $2.067383530e-01, v18;
	v18 =	vor.u32 s31, v0;
	v22 =	vmul.f32 v13, v9  }
0xfe: {  	s31 =	sadd.s32 $0xC0020, s29;
	v12 =	vadd.s32 s30, v1;
	v19 =	vmul.f32 v19, v8;
	v20 =	vadd.f32 $-1.877920780e-01, v20  }
0xff: {  	v13 =	vadd.s32 s31, v1;
	v21 =	vmul.f32 v21, v10;
	v22 =	vadd.f32 $2.067383530e-01, v22  }
0x100: {  	v17 =	vshrl.u32 v17, $0x17;
	v19 =	vadd.f32 $2.067383530e-01, v19;
	v20 =	vmul.f32 v20, v7  }
0x101: {  	v15 =	vshrl.u32 v15, $0x17;
	v21 =	vadd.f32 $-2.489812080e-01, v21;
	v22 =	vmul.f32 v22, v9  }
0x102: {  	v14 =	vshrl.u32 v14, $0x17;
	v19 =	vmul.f32 v19, v8;
	v20 =	vadd.f32 $2.067383530e-01, v20  }
0x103: {  	v11 =	vshrl.u32 v11, $0x17;
	v21 =	vmul.f32 v21, v10;
	v22 =	vadd.f32 $-2.489812080e-01, v22  }
0x104: {  	v23 =	vsel vm3, $0xFFFFFF82, v2;
	v19 =	vadd.f32 $-2.489812080e-01, v19;
	v20 =	vmul.f32 v20, v7  }
0x105: {  	v24 =	vsel vm2, $0xFFFFFF82, v2;
	v21 =	vadd.f32 $3.329895440e-01, v21;
	v22 =	vmul.f32 v22, v9  }
0x106: {  	v25 =	vsel vm1, $0xFFFFFF82, v2;
	v19 =	vmul.f32 v19, v8;
	v20 =	vadd.f32 $-2.489812080e-01, v20  }
0x107: {  	v26 =	vsel vm0, $0xFFFFFF82, v2;
	v21 =	vmul.f32 v21, v10;
	v22 =	vadd.f32 $3.329895440e-01, v22  }
0x108: {  	v17 =	vadd.s32 v17, v23;
	v19 =	vadd.f32 $3.329895440e-01, v19;
	v20 =	vmul.f32 v20, v7  }
0x109: {  	v15 =	vadd.s32 v15, v24;
	v21 =	vadd.f32 $-5.000144840e-01, v21;
	v22 =	vmul.f32 v22, v9  }
0x10a: {  	v14 =	vadd.s32 v14, v25;
	v19 =	vmul.f32 v19, v8;
	v20 =	vadd.f32 $3.329895440e-01, v20  }
0x10b: {  	v11 =	vadd.s32 v11, v26;
	v21 =	vmul.f32 v21, v10;
	v22 =	vadd.f32 $-5.000144840e-01, v22  }
0x10c: {  	v17 =	vcvt.s32.f32 v17;
	v19 =	vadd.f32 $-5.000144840e-01, v19;
	v20 =	vmul.f32 v20, v7  }
0x10d: {  	v11 =	vcvt.s32.f32 v11;
	v21 =	vadd.f32 $1.000004170e+00, v21;
	v22 =	vmul.f32 v22, v9  }
0x10e: {  	s28 =	sand.u32 $0x7F80, s28;
	s30 =	sand.u32 $0x40, s24;
	v14 =	vcvt.s32.f32 v14;
	v19 =	vmul.f32 v19, v8;
	v20 =	vadd.f32 $-5.000144840e-01, v20  }
0x10f: {  	s31 =	sadd.s32 $0x10, s24;
	s30 =	sor.u32 s30, s28;
	v11 =	vmul.f32 $6.931471820e-01, v11;
	v10 =	vmul.f32 v21, v10;
	v21 =	vadd.f32 $1.000004170e+00, v22  }
0x110: {  	v15 =	vcvt.s32.f32 v15;
	v22 =	vld [tilespmem:s30+$0x0];
	s30 =	sand.u32 $0x50, s31;
	v19 =	vadd.f32 $1.000004170e+00, v19;
	v20 =	vmul.f32 v20, v7  }
0x111: {  	s31 =	sadd.s32 $0x20, s24;
	v10 =	vadd.f32 v10, v11;
	s30 =	sor.u32 s30, s28;
	v9 =	vmul.f32 v21, v9;
	v11 =	vmul.f32 $6.931471820e-01, v14  }
0x112: {  	s0 =	sadd.s32 $0xC0010, s29;
	v15 =	vmul.f32 $6.931471820e-01, v15;
	v14 =	vld [tilespmem:s30+$0x0];
	s30 =	sand.u32 $0x60, s31;
	v8 =	vmul.f32 v19, v8;
	v19 =	vadd.f32 $1.000004170e+00, v20  }
0x113: {  	v20 =	vadd.s32 s0, v1;
	v10 =	vsub.f32 $0.0e+00, v10;
	v9 =	vadd.f32 v9, v11;
	s0 =	sor.u32 s30, s28;
	s30 =	sadd.s32 $0x30, s24;
	s24 =	smov.u32 s26  }
0x114: {  	s29 =	sadd.s32 $0xC0000, s29;
	v11 =	vld [tilespmem:s0+$0x0];
	v8 =	vadd.f32 v8, v15;
	s0 =	sand.u32 $0x70, s30;
	v7 =	vmul.f32 v19, v7;
	v15 =	vmul.f32 $6.931471820e-01, v17  }
0x115: {  	v17 =	vmov s29;
	v10 =	vadd.f32 v22, v10;
	v9 =	vsub.f32 $0.0e+00, v9;
	s0 =	sor.u32 s0, s28  }
0x116: {  	v21 =	vshrl.u32 v12, $0x13;
	v19 =	vor.u32 s29, v1;
	v22 =	vld [tilespmem:s0+$0x0];
	v7 =	vadd.f32 v7, v15  }
0x117: {  	v8 =	vsub.f32 $0.0e+00, v8;
	vm0 =	vgt.f32 v10, v4;
	v9 =	vadd.f32 v14, v9  }
0x118: {  	v14 =	vshll.u32 v12, $0xD;
	v4 =	vsel vm0, v10, v4;
	v3 =	vsel vm0, v18, v3  }
0x119: {  	v7 =	vsub.f32 $0.0e+00, v7;
	vm0 =	vgt.f32 v9, v4;
	v8 =	vadd.f32 v11, v8  }
0x11a: {  	v10 =	vshrl.u32 v13, $0x13;
	v4 =	vsel vm0, v9, v4;
	v3 =	vsel vm0, v16, v3  }
0x11b: {  	v9 =	vshll.u32 v13, $0xD;
	vm0 =	vgt.f32 v8, v4;
	v7 =	vadd.f32 v22, v7  }
0x11c: {  	v11 =	vshrl.u32 v20, $0x13;
	v4 =	vsel vm0, v8, v4;
	v3 =	vsel vm0, v6, v3  }
0x11d: {  	v6 =	vshrl.u32 v17, $0x13;
	v8 =	vshll.u32 v20, $0xD;
	vm0 =	vgt.f32 v7, v4  }
0x11e: {  	v15 =	vshll.u32 v19, $0xD;
	v4 =	vsel vm0, v7, v4;
	v3 =	vsel vm0, v5, v3  }
0x11f: {  	v5 =	vor.u32 v11, v8;
	v7 =	vor.u32 v10, v9;
	v8 =	vor.u32 v21, v14  }
0x120: {  	v6 =	vor.u32 v6, v15;
	v7 =	vxor.u32 v13, v7;
	v8 =	vxor.u32 v12, v8  }
0x121: {  	v6 =	vxor.u32 v19, v6;
	v5 =	vxor.u32 v20, v5;
	v9 =	vadd.s32 v12, v8  }
0x122: {  	v10 =	vadd.s32 v13, v7;
	v11 =	vshrl.u32 v8, $0x11;
	v8 =	vshll.u32 v8, $0xF  }
0x123: {  	v12 =	vadd.s32 v20, v5;
	v13 =	vshrl.u32 v7, $0x11;
	v7 =	vshll.u32 v7, $0xF  }
0x124: {  	v14 =	vadd.s32 v19, v6;
	v15 =	vshrl.u32 v5, $0x11;
	v5 =	vshll.u32 v5, $0xF  }
0x125: {  	v16 =	vshrl.u32 v6, $0x11;
	v6 =	vshll.u32 v6, $0xF;
	v8 =	vor.u32 v11, v8  }
0x126: {  	v6 =	vor.u32 v16, v6;
	v5 =	vor.u32 v15, v5;
	v7 =	vor.u32 v13, v7  }
0x127: {  	v5 =	vxor.u32 v12, v5;
	v7 =	vxor.u32 v10, v7;
	v8 =	vxor.u32 v9, v8  }
0x128: {  	v6 =	vxor.u32 v14, v6;
	v9 =	vadd.s32 v9, v8;
	v11 =	vshrl.u32 v8, $0x6  }
0x129: {  	v10 =	vadd.s32 v10, v7;
	v13 =	vshrl.u32 v7, $0x6;
	v8 =	vshll.u32 v8, $0x1A  }
0x12a: {  	v12 =	vadd.s32 v12, v5;
	v15 =	vshrl.u32 v5, $0x6;
	v7 =	vshll.u32 v7, $0x1A  }
0x12b: {  	v14 =	vadd.s32 v14, v6;
	v16 =	vshrl.u32 v6, $0x6;
	v5 =	vshll.u32 v5, $0x1A  }
0x12c: {  	v6 =	vshll.u32 v6, $0x1A;
	v7 =	vor.u32 v13, v7;
	v8 =	vor.u32 v11, v8  }
0x12d: {  	v6 =	vor.u32 v16, v6;
	v5 =	vor.u32 v15, v5;
	v8 =	vxor.u32 v9, v8  }
0x12e: {  	v6 =	vxor.u32 v14, v6;
	v5 =	vxor.u32 v12, v5;
	v7 =	vxor.u32 v10, v7  }
0x12f: {  	v9 =	vadd.s32 v9, v8;
	v11 =	vshrl.u32 v8, $0x1A;
	v8 =	vshll.u32 v8, $0x6  }
0x130: {  	v10 =	vadd.s32 v10, v7;
	v13 =	vshrl.u32 v7, $0x1A;
	v7 =	vshll.u32 v7, $0x6  }
0x131: {  	v12 =	vadd.s32 v12, v5;
	v15 =	vshrl.u32 v5, $0x1A;
	v5 =	vshll.u32 v5, $0x6  }
0x132: {  	v14 =	vadd.s32 v14, v6;
	v16 =	vshrl.u32 v6, $0x1A;
	v6 =	vshll.u32 v6, $0x6  }
0x133: {  	v5 =	vor.u32 v15, v5;
	v7 =	vor.u32 v13, v7;
	v8 =	vor.u32 v11, v8  }
0x134: {  	v6 =	vor.u32 v16, v6;
	v7 =	vxor.u32 v10, v7;
	v8 =	vxor.u32 v9, v8  }
0x135: {  	v6 =	vxor.u32 v14, v6;
	v5 =	vxor.u32 v12, v5;
	v8 =	vadd.s32 $0x1BD11BF1, v8  }
0x136: {  	v6 =	vadd.s32 $0x1BD11BF1, v6;
	v5 =	vadd.s32 $0x1BD11BF1, v5;
	v7 =	vadd.s32 $0x1BD11BF1, v7  }
0x137: {  	v9 =	vadd.s32 v8, v9;
	v11 =	vshrl.u32 v8, $0xF;
	v8 =	vshll.u32 v8, $0x11  }
0x138: {  	v10 =	vadd.s32 v7, v10;
	v13 =	vshrl.u32 v7, $0xF;
	v7 =	vshll.u32 v7, $0x11  }
0x139: {  	v12 =	vadd.s32 v5, v12;
	v15 =	vshrl.u32 v5, $0xF;
	v5 =	vshll.u32 v5, $0x11  }
0x13a: {  	v14 =	vadd.s32 v6, v14;
	v16 =	vshrl.u32 v6, $0xF;
	v6 =	vshll.u32 v6, $0x11  }
0x13b: {  	v10 =	vadd.s32 $0x2A, v10;
	v9 =	vadd.s32 $0x2A, v9;
	v8 =	vor.u32 v11, v8  }
0x13c: {  	v11 =	vadd.s32 $0x2A, v12;
	v5 =	vor.u32 v15, v5;
	v7 =	vor.u32 v13, v7  }
0x13d: {  	v6 =	vor.u32 v16, v6;
	v12 =	vadd.s32 $0x2A, v14;
	v8 =	vxor.u32 v9, v8  }
0x13e: {  	v6 =	vxor.u32 v12, v6;
	v5 =	vxor.u32 v11, v5;
	v7 =	vxor.u32 v10, v7  }
0x13f: {  	v9 =	vadd.s32 v9, v8;
	v13 =	vshrl.u32 v8, $0x3;
	v8 =	vshll.u32 v8, $0x1D  }
0x140: {  	v10 =	vadd.s32 v10, v7;
	v14 =	vshrl.u32 v7, $0x3;
	v7 =	vshll.u32 v7, $0x1D  }
0x141: {  	v11 =	vadd.s32 v11, v5;
	v15 =	vshrl.u32 v5, $0x3;
	v5 =	vshll.u32 v5, $0x1D  }
0x142: {  	v12 =	vadd.s32 v12, v6;
	v16 =	vshrl.u32 v6, $0x3;
	v6 =	vshll.u32 v6, $0x1D  }
0x143: {  	v5 =	vor.u32 v15, v5;
	v7 =	vor.u32 v14, v7;
	v8 =	vor.u32 v13, v8  }
0x144: {  	v6 =	vor.u32 v16, v6;
	v7 =	vxor.u32 v10, v7;
	v8 =	vxor.u32 v9, v8  }
0x145: {  	v6 =	vxor.u32 v12, v6;
	v5 =	vxor.u32 v11, v5;
	v9 =	vadd.s32 v9, v8  }
0x146: {  	v10 =	vadd.s32 v10, v7;
	v13 =	vshrl.u32 v8, $0x10;
	v8 =	vshll.u32 v8, $0x10  }
0x147: {  	v11 =	vadd.s32 v11, v5;
	v14 =	vshrl.u32 v7, $0x10;
	v7 =	vshll.u32 v7, $0x10  }
0x148: {  	v12 =	vadd.s32 v12, v6;
	v15 =	vshrl.u32 v5, $0x10;
	v5 =	vshll.u32 v5, $0x10  }
0x149: {  	v16 =	vshrl.u32 v6, $0x10;
	v6 =	vshll.u32 v6, $0x10;
	v8 =	vor.u32 v13, v8  }
0x14a: {  	v6 =	vor.u32 v16, v6;
	v5 =	vor.u32 v15, v5;
	v7 =	vor.u32 v14, v7  }
0x14b: {  	v5 =	vxor.u32 v11, v5;
	v7 =	vxor.u32 v10, v7;
	v8 =	vxor.u32 v9, v8  }
0x14c: {  	v6 =	vxor.u32 v12, v6;
	v9 =	vadd.s32 v9, v8;
	v13 =	vshrl.u32 v8, $0x8  }
0x14d: {  	v10 =	vadd.s32 v10, v7;
	v14 =	vshrl.u32 v7, $0x8;
	v8 =	vshll.u32 v8, $0x18  }
0x14e: {  	v11 =	vadd.s32 v11, v5;
	v15 =	vshrl.u32 v5, $0x8;
	v7 =	vshll.u32 v7, $0x18  }
0x14f: {  	v12 =	vadd.s32 v12, v6;
	v16 =	vshrl.u32 v6, $0x8;
	v5 =	vshll.u32 v5, $0x18  }
0x150: {  	v6 =	vshll.u32 v6, $0x18;
	v7 =	vor.u32 v14, v7;
	v8 =	vor.u32 v13, v8  }
0x151: {  	v6 =	vor.u32 v16, v6;
	v5 =	vor.u32 v15, v5;
	v8 =	vxor.u32 v9, v8  }
0x152: {  	v6 =	vxor.u32 v12, v6;
	v5 =	vxor.u32 v11, v5;
	v7 =	vxor.u32 v10, v7  }
0x153: {  	v5 =	vadd.s32 $0x2, v5;
	v7 =	vadd.s32 $0x2, v7;
	v8 =	vadd.s32 $0x2, v8  }
0x154: {  	v6 =	vadd.s32 $0x2, v6;
	v9 =	vadd.s32 v8, v9;
	v13 =	vshrl.u32 v8, $0x13  }
0x155: {  	v10 =	vadd.s32 v7, v10;
	v14 =	vshrl.u32 v7, $0x13;
	v8 =	vshll.u32 v8, $0xD  }
0x156: {  	v11 =	vadd.s32 v5, v11;
	v15 =	vshrl.u32 v5, $0x13;
	v7 =	vshll.u32 v7, $0xD  }
0x157: {  	v12 =	vadd.s32 v6, v12;
	v16 =	vshrl.u32 v6, $0x13;
	v5 =	vshll.u32 v5, $0xD  }
0x158: {  	v6 =	vshll.u32 v6, $0xD;
	v9 =	vadd.s32 $0x1BD11BF0, v9;
	v8 =	vor.u32 v13, v8  }
0x159: {  	v11 =	vadd.s32 $0x1BD11BF0, v11;
	v10 =	vadd.s32 $0x1BD11BF0, v10;
	v7 =	vor.u32 v14, v7  }
0x15a: {  	v12 =	vadd.s32 $0x1BD11BF0, v12;
	v6 =	vor.u32 v16, v6;
	v5 =	vor.u32 v15, v5  }
0x15b: {  	v5 =	vxor.u32 v11, v5;
	v7 =	vxor.u32 v10, v7;
	v8 =	vxor.u32 v9, v8  }
0x15c: {  	v6 =	vxor.u32 v12, v6;
	v9 =	vadd.s32 v9, v8;
	v13 =	vshrl.u32 v8, $0x11  }
0x15d: {  	v10 =	vadd.s32 v10, v7;
	v14 =	vshrl.u32 v7, $0x11;
	v8 =	vshll.u32 v8, $0xF  }
0x15e: {  	v11 =	vadd.s32 v11, v5;
	v15 =	vshrl.u32 v5, $0x11;
	v7 =	vshll.u32 v7, $0xF  }
0x15f: {  	v12 =	vadd.s32 v12, v6;
	v16 =	vshrl.u32 v6, $0x11;
	v5 =	vshll.u32 v5, $0xF  }
0x160: {  	v6 =	vshll.u32 v6, $0xF;
	v7 =	vor.u32 v14, v7;
	v8 =	vor.u32 v13, v8  }
0x161: {  	v6 =	vor.u32 v16, v6;
	v5 =	vor.u32 v15, v5;
	v8 =	vxor.u32 v9, v8  }
0x162: {  	v6 =	vxor.u32 v12, v6;
	v5 =	vxor.u32 v11, v5;
	v7 =	vxor.u32 v10, v7  }
0x163: {  	v9 =	vadd.s32 v9, v8;
	v13 =	vshrl.u32 v8, $0x6;
	v8 =	vshll.u32 v8, $0x1A  }
0x164: {  	v10 =	vadd.s32 v10, v7;
	v14 =	vshrl.u32 v7, $0x6;
	v7 =	vshll.u32 v7, $0x1A  }
0x165: {  	v11 =	vadd.s32 v11, v5;
	v15 =	vshrl.u32 v5, $0x6;
	v5 =	vshll.u32 v5, $0x1A  }
0x166: {  	v12 =	vadd.s32 v12, v6;
	v16 =	vshrl.u32 v6, $0x6;
	v6 =	vshll.u32 v6, $0x1A  }
0x167: {  	v5 =	vor.u32 v15, v5;
	v7 =	vor.u32 v14, v7;
	v8 =	vor.u32 v13, v8  }
0x168: {  	v6 =	vor.u32 v16, v6;
	v7 =	vxor.u32 v10, v7;
	v8 =	vxor.u32 v9, v8  }
0x169: {  	v6 =	vxor.u32 v12, v6;
	v5 =	vxor.u32 v11, v5;
	v9 =	vadd.s32 v9, v8  }
0x16a: {  	v10 =	vadd.s32 v10, v7;
	v13 =	vshrl.u32 v8, $0x1A;
	v8 =	vshll.u32 v8, $0x6  }
0x16b: {  	v11 =	vadd.s32 v11, v5;
	v14 =	vshrl.u32 v7, $0x1A;
	v7 =	vshll.u32 v7, $0x6  }
0x16c: {  	v12 =	vadd.s32 v12, v6;
	v15 =	vshrl.u32 v5, $0x1A;
	v5 =	vshll.u32 v5, $0x6  }
0x16d: {  	v16 =	vshrl.u32 v6, $0x1A;
	v6 =	vshll.u32 v6, $0x6;
	v8 =	vor.u32 v13, v8  }
0x16e: {  	v6 =	vor.u32 v16, v6;
	v5 =	vor.u32 v15, v5;
	v7 =	vor.u32 v14, v7  }
0x16f: {  	v5 =	vxor.u32 v11, v5;
	v7 =	vxor.u32 v10, v7;
	v8 =	vxor.u32 v9, v8  }
0x170: {  	v6 =	vxor.u32 v12, v6;
	v7 =	vadd.s32 $0x2D, v7;
	v8 =	vadd.s32 $0x2D, v8  }
0x171: {  	v6 =	vadd.s32 $0x2D, v6;
	v5 =	vadd.s32 $0x2D, v5;
	v9 =	vadd.s32 v9, v8  }
0x172: {  	v10 =	vadd.s32 v10, v7;
	v13 =	vshrl.u32 v8, $0xF;
	v8 =	vshll.u32 v8, $0x11  }
0x173: {  	v11 =	vadd.s32 v11, v5;
	v14 =	vshrl.u32 v7, $0xF;
	v7 =	vshll.u32 v7, $0x11  }
0x174: {  	v12 =	vadd.s32 v12, v6;
	v15 =	vshrl.u32 v5, $0xF;
	v5 =	vshll.u32 v5, $0x11  }
0x175: {  	v16 =	vshrl.u32 v6, $0xF;
	v6 =	vshll.u32 v6, $0x11;
	v8 =	vor.u32 v13, v8  }
0x176: {  	v6 =	vor.u32 v16, v6;
	v5 =	vor.u32 v15, v5;
	v7 =	vor.u32 v14, v7  }
0x177: {  	v5 =	vxor.u32 v11, v5;
	v7 =	vxor.u32 v10, v7;
	v8 =	vxor.u32 v9, v8  }
0x178: {  	v6 =	vxor.u32 v12, v6;
	v9 =	vadd.s32 v9, v8;
	v13 =	vshrl.u32 v8, $0x3  }
0x179: {  	v10 =	vadd.s32 v10, v7;
	v14 =	vshrl.u32 v7, $0x3;
	v8 =	vshll.u32 v8, $0x1D  }
0x17a: {  	v11 =	vadd.s32 v11, v5;
	v15 =	vshrl.u32 v5, $0x3;
	v7 =	vshll.u32 v7, $0x1D  }
0x17b: {  	v12 =	vadd.s32 v12, v6;
	v16 =	vshrl.u32 v6, $0x3;
	v5 =	vshll.u32 v5, $0x1D  }
0x17c: {  	s25 =	sadd.s32 $0x4, s25;
	v6 =	vshll.u32 v6, $0x1D;
	v7 =	vor.u32 v14, v7;
	v8 =	vor.u32 v13, v8  }
0x17d: {  	p0 =	slt.u32 s25, $0x3FC;
	v6 =	vor.u32 v16, v6;
	v5 =	vor.u32 v15, v5;
	v8 =	vxor.u32 v9, v8  }
0x17e: {  	v6 =	vxor.u32 v12, v6;
	v5 =	vxor.u32 v11, v5;
	v7 =	vxor.u32 v10, v7  }
0x17f: {  	v9 =	vadd.s32 v9, v8;
	v13 =	vshrl.u32 v8, $0x10;
	v8 =	vshll.u32 v8, $0x10  }
0x180: {  	v10 =	vadd.s32 v10, v7;
	v14 =	vshrl.u32 v7, $0x10;
	v7 =	vshll.u32 v7, $0x10  }
0x181: {  	v11 =	vadd.s32 v11, v5;
	v15 =	vshrl.u32 v5, $0x10;
	v5 =	vshll.u32 v5, $0x10  }
0x182: {  	v12 =	vadd.s32 v12, v6;
	v16 =	vshrl.u32 v6, $0x10;
	v6 =	vshll.u32 v6, $0x10  }
0x183: {  	v5 =	vor.u32 v15, v5;
	v7 =	vor.u32 v14, v7;
	v8 =	vor.u32 v13, v8  }
0x184: {  	v6 =	vor.u32 v16, v6;
	v7 =	vxor.u32 v10, v7;
	v8 =	vxor.u32 v9, v8  }
0x185: {  	v6 =	vxor.u32 v12, v6;
	v5 =	vxor.u32 v11, v5;
	v9 =	vadd.s32 v9, v8  }
0x186: {  	v10 =	vadd.s32 v10, v7;
	v13 =	vshrl.u32 v8, $0x8;
	v8 =	vshll.u32 v8, $0x18  }
0x187: {  	v11 =	vadd.s32 v11, v5;
	v14 =	vshrl.u32 v7, $0x8;
	v7 =	vshll.u32 v7, $0x18  }
0x188: {  	v12 =	vadd.s32 v12, v6;
	v15 =	vshrl.u32 v5, $0x8;
	v5 =	vshll.u32 v5, $0x18  }
0x189: {  	v16 =	vshrl.u32 v6, $0x8;
	v6 =	vshll.u32 v6, $0x18;
	v8 =	vor.u32 v13, v8  }
0x18a: {  	v6 =	vor.u32 v16, v6;
	v5 =	vor.u32 v15, v5;
	v7 =	vor.u32 v14, v7  }
0x18b: {  	v5 =	vxor.u32 v11, v5;
	v7 =	vxor.u32 v10, v7;
	v8 =	vxor.u32 v9, v8  }
0x18c: {  	v6 =	vxor.u32 v12, v6;
	v7 =	vadd.s32 $0x1BD11BF4, v7;
	v8 =	vadd.s32 $0x1BD11BF4, v8  }
0x18d: {  	v6 =	vadd.s32 $0x1BD11BF4, v6;
	v5 =	vadd.s32 $0x1BD11BF4, v5;
	v9 =	vadd.s32 v8, v9  }
0x18e: {  	v10 =	vadd.s32 v7, v10;
	v13 =	vshrl.u32 v8, $0x13;
	v8 =	vshll.u32 v8, $0xD  }
0x18f: {  	v11 =	vadd.s32 v5, v11;
	v14 =	vshrl.u32 v7, $0x13;
	v7 =	vshll.u32 v7, $0xD  }
0x190: {  	v12 =	vadd.s32 v6, v12;
	v15 =	vshrl.u32 v5, $0x13;
	v5 =	vshll.u32 v5, $0xD  }
0x191: {  	v16 =	vshrl.u32 v6, $0x13;
	v6 =	vshll.u32 v6, $0xD;
	v9 =	vadd.s32 $0x2A, v9  }
0x192: {  	v10 =	vadd.s32 $0x2A, v10;
	v7 =	vor.u32 v14, v7;
	v8 =	vor.u32 v13, v8  }
0x193: {  	v12 =	vadd.s32 $0x2A, v12;
	v11 =	vadd.s32 $0x2A, v11;
	v5 =	vor.u32 v15, v5  }
0x194: {  	v6 =	vor.u32 v16, v6;
	v7 =	vxor.u32 v10, v7;
	v8 =	vxor.u32 v9, v8  }
0x195: {  	v6 =	vxor.u32 v12, v6;
	v5 =	vxor.u32 v11, v5;
	v9 =	vadd.s32 v9, v8  }
0x196: {  	v10 =	vadd.s32 v10, v7;
	v13 =	vshrl.u32 v8, $0x11;
	v8 =	vshll.u32 v8, $0xF  }
0x197: {  	v11 =	vadd.s32 v11, v5;
	v14 =	vshrl.u32 v7, $0x11;
	v7 =	vshll.u32 v7, $0xF  }
0x198: {  	v12 =	vadd.s32 v12, v6;
	v15 =	vshrl.u32 v5, $0x11;
	v5 =	vshll.u32 v5, $0xF  }
0x199: {  	v16 =	vshrl.u32 v6, $0x11;
	v6 =	vshll.u32 v6, $0xF;
	v8 =	vor.u32 v13, v8  }
0x19a: {  	v6 =	vor.u32 v16, v6;
	v5 =	vor.u32 v15, v5;
	v7 =	vor.u32 v14, v7  }
0x19b: {  	v5 =	vxor.u32 v11, v5;
	v7 =	vxor.u32 v10, v7;
	v8 =	vxor.u32 v9, v8  }
0x19c: {  	v6 =	vxor.u32 v12, v6;
	v9 =	vadd.s32 v9, v8;
	v13 =	vshrl.u32 v8, $0x6  }
0x19d: {  	v10 =	vadd.s32 v10, v7;
	v14 =	vshrl.u32 v7, $0x6;
	v8 =	vshll.u32 v8, $0x1A  }
0x19e: {  	v11 =	vadd.s32 v11, v5;
	v15 =	vshrl.u32 v5, $0x6;
	v7 =	vshll.u32 v7, $0x1A  }
0x19f: {  	v12 =	vadd.s32 v12, v6;
	v16 =	vshrl.u32 v6, $0x6;
	v5 =	vshll.u32 v5, $0x1A  }
0x1a0: {  	v6 =	vshll.u32 v6, $0x1A;
	v7 =	vor.u32 v14, v7;
	v8 =	vor.u32 v13, v8  }
0x1a1: {  	v6 =	vor.u32 v16, v6;
	v5 =	vor.u32 v15, v5;
	v8 =	vxor.u32 v9, v8  }
0x1a2: {  	v6 =	vxor.u32 v12, v6;
	v5 =	vxor.u32 v11, v5;
	v7 =	vxor.u32 v10, v7  }
0x1a3: {  	v9 =	vadd.s32 v9, v8;
	v13 =	vshrl.u32 v8, $0x1A;
	v8 =	vshll.u32 v8, $0x6  }
0x1a4: {  	v10 =	vadd.s32 v10, v7;
	v14 =	vshrl.u32 v7, $0x1A;
	v7 =	vshll.u32 v7, $0x6  }
0x1a5: {  	v11 =	vadd.s32 v11, v5;
	v15 =	vshrl.u32 v5, $0x1A;
	v5 =	vshll.u32 v5, $0x6  }
0x1a6: {  	v12 =	vadd.s32 v12, v6;
	v16 =	vshrl.u32 v6, $0x1A;
	v6 =	vshll.u32 v6, $0x6  }
0x1a7: {  	v17 =	vadd.s32 $0x1BD11BF0, v10;
	v8 =	vor.u32 v13, v8;
	v13 =	vadd.s32 $0x1BD11BF0, v9  }
0x1a8: {  	v18 =	vadd.s32 $0x1BD11BF0, v12;
	v19 =	vadd.s32 $0x1BD11BF0, v11;
	v7 =	vor.u32 v14, v7  }
0x1a9: {  	v6 =	vor.u32 v16, v6;
	v5 =	vor.u32 v15, v5;
	v8 =	vxor.u32 v9, v8  }
0x1aa: {  	v6 =	vxor.u32 v12, v6;
	v5 =	vxor.u32 v11, v5;
	v7 =	vxor.u32 v10, v7  }
0x1ab: {  	v5 =	vadd.s32 $0x5, v5;
	v7 =	vadd.s32 $0x5, v7;
	v8 =	vadd.s32 $0x5, v8  }
0x1ac: {  	v6 =	vadd.s32 $0x5, v6;
	v7 =	vxor.u32 v17, v7;
	v8 =	vxor.u32 v13, v8  }
0x1ad: {  	v6 =	vxor.u32 v18, v6;
	v5 =	vxor.u32 v19, v5;
	vm0 =	vgt.u32 v8, $0xBFFFFFFF  }
0x1ae: {  	v9 =	vshrl.u32 v5, $0x9;
	v10 =	vshrl.u32 v7, $0x9;
	v8 =	vshrl.u32 v8, $0x9  }
0x1af: {  	v11 =	vshrl.u32 v6, $0x9;
	v10 =	vcvt.s32.f32 v10;
	v8 =	vcvt.s32.f32 v8  }
0x1b0: {  	vm1 =	vgt.u32 v7, $0xBFFFFFFF;
	v11 =	vcvt.s32.f32 v11;
	v9 =	vcvt.s32.f32 v9  }
0x1b1: {  	v7 =	vadd.f32 $-8.388608000e+06, v10;
	v12 =	vmul.f32 $1.192092900e-07, v8;
	v8 =	vadd.f32 $-8.388608000e+06, v8  }
0x1b2: {  	v13 =	vmul.f32 $1.192092900e-07, v9;
	v14 =	vadd.f32 $-8.388608000e+06, v9;
	v10 =	vmul.f32 $1.192092900e-07, v10  }
0x1b3: {  	v15 =	vmul.f32 $1.192092900e-07, v11;
	v11 =	vadd.f32 $-8.388608000e+06, v11;
	v9 =	vmul.f32 $1.192092900e-07, v8  }
0x1b4: {  	vm2 =	vgt.u32 v6, $0xBFFFFFFF;
	v6 =	vmul.f32 $1.192092900e-07, v14;
	v7 =	vmul.f32 $1.192092900e-07, v7  }
0x1b5: {  	v8 =	vmul.f32 $1.192092900e-07, v11;
	v10 =	vmax.f32 v10, $1.175494350e-38;
	v11 =	vmax.f32 v12, $1.175494350e-38  }
0x1b6: {  	v12 =	vmax.f32 v15, $1.175494350e-38;
	v13 =	vmax.f32 v13, $1.175494350e-38;
	v14 =	vshrl.u32 v11, $0x17  }
0x1b7: {  	v15 =	vshrl.u32 v12, $0x17;
	v16 =	vshrl.u32 v13, $0x17;
	v17 =	vshrl.u32 v10, $0x17  }
0x1b8: {  	v13 =	vand.u32 $0x7FFFFF, v13;
	v10 =	vand.u32 $0x7FFFFF, v10;
	v11 =	vand.u32 $0x7FFFFF, v11  }
0x1b9: {  	v12 =	vand.u32 $0x7FFFFF, v12;
	v18 =	vmul.f32 $3.342634740e-01, v7;
	v19 =	vmul.f32 $3.342634740e-01, v9  }
0x1ba: {  	v20 =	vmul.f32 $3.342634740e-01, v8;
	v21 =	vmul.f32 $3.342634740e-01, v6;
	v11 =	vor.u32 $0x3F800000, v11  }
0x1bb: {  	v12 =	vor.u32 $0x3F800000, v12;
	v13 =	vor.u32 $0x3F800000, v13;
	v10 =	vor.u32 $0x3F800000, v10  }
0x1bc: {  	vm3 =	vge.f32 v10, $1.414213540e+00;
	vm4 =	vge.f32 v11, $1.414213540e+00;
	v22 =	vmul.f32 $5.000000000e-01, v11  }
0x1bd: {  	vm5 =	vge.f32 v13, $1.414213540e+00;
	v23 =	vmul.f32 $5.000000000e-01, v13;
	v24 =	vmul.f32 $5.000000000e-01, v10  }
0x1be: {  	vm6 =	vge.f32 v12, $1.414213540e+00;
	v25 =	vmul.f32 $5.000000000e-01, v12;
	v26 =	vsel vm4, $0xFFFFFF82, v2  }
0x1bf: {  	v27 =	vsel vm5, $0xFFFFFF82, v2;
	v28 =	vsel vm3, $0xFFFFFF82, v2;
	v19 =	vsub.f32 $4.071872310e-02, v19  }
0x1c0: {  	v29 =	vsel vm6, $0xFFFFFF82, v2;
	v21 =	vsub.f32 $4.071872310e-02, v21;
	v18 =	vsub.f32 $4.071872310e-02, v18  }
0x1c1: {  	v20 =	vsub.f32 $4.071872310e-02, v20;
	v17 =	vadd.s32 v17, v28;
	v14 =	vadd.s32 v14, v26  }
0x1c2: {  	v15 =	vadd.s32 v15, v29;
	v16 =	vadd.s32 v16, v27;
	v11 =	vsel vm4, v22, v11  }
0x1c3: {  	v10 =	vsel vm3, v24, v10;
	v22 =	vcvt.s32.f32 v17;
	v17 =	vcvt.s32.f32 v14  }
0x1c4: {  	v13 =	vsel vm5, v23, v13;
	v24 =	vcvt.s32.f32 v15;
	v16 =	vcvt.s32.f32 v16  }
0x1c5: {  	v23 =	vsel vm6, v25, v12;
	v18 =	vmul.f32 v18, v7;
	v19 =	vmul.f32 v19, v9  }
0x1c6: {  	v20 =	vmul.f32 v20, v8;
	v21 =	vmul.f32 v21, v6;
	v15 =	vadd.f32 $-1.000000000e+00, v11  }
0x1c7: {  	v13 =	vadd.f32 $-1.000000000e+00, v13;
	v14 =	vadd.f32 $-1.000000000e+00, v10;
	v12 =	vmul.f32 $6.931471820e-01, v17  }
0x1c8: {  	v17 =	vadd.f32 $-1.000000000e+00, v23;
	v10 =	vmul.f32 $6.931471820e-01, v16;
	v11 =	vmul.f32 $6.931471820e-01, v22  }
0x1c9: {  	v16 =	vmul.f32 $6.931471820e-01, v24;
	v18 =	vadd.f32 $-1.905906650e-01, v18;
	v19 =	vadd.f32 $-1.905906650e-01, v19  }
0x1ca: {  	v21 =	vadd.f32 $-1.905906650e-01, v21;
	v22 =	vmul.f32 $9.913656110e-02, v14;
	v23 =	vmul.f32 $9.913656110e-02, v15  }
0x1cb: {  	v20 =	vadd.f32 $-1.905906650e-01, v20;
	v25 =	vmul.f32 $9.913656110e-02, v13;
	v24 =	vmul.f32 $9.913656110e-02, v17  }
0x1cc: {  	v18 =	vmul.f32 v18, v7;
	v19 =	vmul.f32 v19, v9;
	v23 =	vsub.f32 $1.633855550e-01, v23  }
0x1cd: {  	v21 =	vmul.f32 v21, v6;
	v25 =	vsub.f32 $1.633855550e-01, v25;
	v22 =	vsub.f32 $1.633855550e-01, v22  }
0x1ce: {  	v20 =	vmul.f32 v20, v8;
	v24 =	vsub.f32 $1.633855550e-01, v24;
	v19 =	vadd.f32 $1.969643830e-01, v19  }
0x1cf: {  	v18 =	vadd.f32 $1.969643830e-01, v18;
	v22 =	vmul.f32 v22, v14;
	v23 =	vmul.f32 v23, v15  }
0x1d0: {  	v21 =	vadd.f32 $1.969643830e-01, v21;
	v25 =	vmul.f32 v25, v13;
	v24 =	vmul.f32 v24, v17  }
0x1d1: {  	v20 =	vadd.f32 $1.969643830e-01, v20;
	v18 =	vmul.f32 v18, v7;
	v19 =	vmul.f32 v19, v9  }
0x1d2: {  	v21 =	vmul.f32 v21, v6;
	v22 =	vadd.f32 $-1.736315340e-01, v22;
	v23 =	vadd.f32 $-1.736315340e-01, v23  }
0x1d3: {  	v20 =	vmul.f32 v20, v8;
	v25 =	vadd.f32 $-1.736315340e-01, v25;
	v24 =	vadd.f32 $-1.736315340e-01, v24  }
0x1d4: {  	v18 =	vadd.f32 $-2.502099280e-01, v18;
	v19 =	vadd.f32 $-2.502099280e-01, v19;
	v23 =	vmul.f32 v23, v15  }
0x1d5: {  	v21 =	vadd.f32 $-2.502099280e-01, v21;
	v25 =	vmul.f32 v25, v13;
	v22 =	vmul.f32 v22, v14  }
0x1d6: {  	v20 =	vadd.f32 $-2.502099280e-01, v20;
	v24 =	vmul.f32 v24, v17;
	v19 =	vmul.f32 v19, v9  }
0x1d7: {  	v18 =	vmul.f32 v18, v7;
	v22 =	vadd.f32 $1.988536120e-01, v22;
	v23 =	vadd.f32 $1.988536120e-01, v23  }
0x1d8: {  	v21 =	vmul.f32 v21, v6;
	v25 =	vadd.f32 $1.988536120e-01, v25;
	v24 =	vadd.f32 $1.988536120e-01, v24  }
0x1d9: {  	v20 =	vmul.f32 v20, v8;
	v18 =	vadd.f32 $3.333259820e-01, v18;
	v19 =	vadd.f32 $3.333259820e-01, v19  }
0x1da: {  	v21 =	vadd.f32 $3.333259820e-01, v21;
	v23 =	vmul.f32 v23, v15;
	v24 =	vmul.f32 v24, v17  }
0x1db: {  	v20 =	vadd.f32 $3.333259820e-01, v20;
	v25 =	vmul.f32 v25, v13;
	v22 =	vmul.f32 v22, v14  }
0x1dc: {  	v18 =	vmul.f32 v18, v7;
	v19 =	vmul.f32 v19, v9;
	v24 =	vadd.f32 $-2.495778050e-01, v24  }
0x1dd: {  	v20 =	vmul.f32 v20, v8;
	v21 =	vmul.f32 v21, v6;
	v23 =	vadd.f32 $-2.495778050e-01, v23  }
0x1de: {  	v25 =	vadd.f32 $-2.495778050e-01, v25;
	v22 =	vadd.f32 $-2.495778050e-01, v22;
	v24 =	vmul.f32 v24, v17  }
0x1df: {  	v18 =	vadd.f32 $-5.000001190e-01, v18;
	v19 =	vadd.f32 $-5.000001190e-01, v19;
	v23 =	vmul.f32 v23, v15  }
0x1e0: {  	v25 =	vmul.f32 v25, v13;
	v22 =	vmul.f32 v22, v14;
	v24 =	vadd.f32 $3.333568870e-01, v24  }
0x1e1: {  	v21 =	vadd.f32 $-5.000001190e-01, v21;
	v19 =	vmul.f32 v19, v9;
	v23 =	vadd.f32 $3.333568870e-01, v23  }
0x1e2: {  	v25 =	vadd.f32 $3.333568870e-01, v25;
	v22 =	vadd.f32 $3.333568870e-01, v22;
	v24 =	vmul.f32 v24, v17  }
0x1e3: {  	v20 =	vadd.f32 $-5.000001190e-01, v20;
	v18 =	vmul.f32 v18, v7;
	v23 =	vmul.f32 v23, v15  }
0x1e4: {  	v25 =	vmul.f32 v25, v13;
	v22 =	vmul.f32 v22, v14;
	v24 =	vadd.f32 $-5.000069740e-01, v24  }
0x1e5: {  	v20 =	vmul.f32 v20, v8;
	v21 =	vmul.f32 v21, v6;
	v23 =	vadd.f32 $-5.000069740e-01, v23  }
0x1e6: {  	v25 =	vadd.f32 $-5.000069740e-01, v25;
	v22 =	vadd.f32 $-5.000069740e-01, v22;
	v24 =	vmul.f32 v24, v17  }
0x1e7: {  	v18 =	vadd.f32 $1.000000000e+00, v18;
	v19 =	vadd.f32 $1.000000000e+00, v19;
	v23 =	vmul.f32 v23, v15  }
0x1e8: {  	v25 =	vmul.f32 v25, v13;
	v22 =	vmul.f32 v22, v14;
	v24 =	vadd.f32 $9.999998210e-01, v24  }
0x1e9: {  	v20 =	vadd.f32 $1.000000000e+00, v20;
	v9 =	vmul.f32 v19, v9;
	v19 =	vadd.f32 $9.999998210e-01, v23  }
0x1ea: {  	v23 =	vadd.f32 $9.999998210e-01, v25;
	v22 =	vadd.f32 $9.999998210e-01, v22;
	v17 =	vmul.f32 v24, v17  }
0x1eb: {  	v8 =	vmul.f32 v20, v8;
	v20 =	vadd.f32 $1.000000000e+00, v21;
	v15 =	vmul.f32 v19, v15  }
0x1ec: {  	v13 =	vmul.f32 v23, v13;
	v14 =	vmul.f32 v22, v14;
	v16 =	vadd.f32 v17, v16  }
0x1ed: {  	v7 =	vmul.f32 v18, v7;
	v6 =	vmul.f32 v20, v6;
	v12 =	vadd.f32 v15, v12  }
0x1ee: {  	v10 =	vadd.f32 v13, v10;
	v13 =	vadd.f32 v14, v11;
	v8 =	vsel vm2, v8, v16  }
0x1ef: {  	vm2 =	vgt.u32 v5, $0xBFFFFFFF;
	v5 =	vsel vm0, v9, v12;
	v11 =	vsub.f32 $0.0e+00, v8  }
0x1f0: {  	v7 =	vsel vm1, v7, v13;
	v6 =	vsel vm2, v6, v10;
	v17 =	vsub.f32 $0.0e+00, v5  }
0x1f1: {  	v15 =	vsub.f32 $0.0e+00, v7;
	v14 =	vsub.f32 $0.0e+00, v6;
	v5 =	vand.u32 $0x7FFFFF, v11  }
0x1f2: {  	v6 =	vand.u32 $0x7FFFFF, v17;
	v5 =	vor.u32 $0x3F800000, v5  }
0x1f3: {  	v9 =	vand.u32 $0x7FFFFF, v15;
	v8 =	vand.u32 $0x7FFFFF, v14;
	v7 =	vmul.f32 $5.000000000e-01, v5  }
0x1f4: {  	v6 =	vor.u32 $0x3F800000, v6;
	vm0 =	vge.f32 v5, $1.414213540e+00;
	v8 =	vor.u32 $0x3F800000, v8  }
0x1f5: {  	v12 =	vor.u32 $0x3F800000, v9;
	v5 =	vsel vm0, v7, v5;
	v7 =	vmul.f32 $5.000000000e-01, v8  }
0x1f6: {  	vm1 =	vge.f32 v8, $1.414213540e+00;
	v10 =	vadd.f32 $-1.000000000e+00, v5;
	v5 =	vmul.f32 $5.000000000e-01, v12  }
0x1f7: {  	vm2 =	vge.f32 v12, $1.414213540e+00;
	v13 =	vmul.f32 $5.000000000e-01, v6;
	v7 =	vsel vm1, v7, v8  }
.Ltmp0:
0x1f8: {  	v16 =	vmul.f32 $1.144908290e-01, v10;
	v9 =	vadd.f32 $-1.000000000e+00, v7;
	v5 =	vsel vm2, v5, v12;
	(pc) =	sbr.rel @p0 .LBB2_4-.Ltmp0, $4  }
0x1f9: {  	s28 =	sadd.s32 s26, s22;
	vm3 =	vge.f32 v6, $1.414213540e+00;
	v8 =	vadd.f32 $-1.000000000e+00, v5  }
0x1fa: {  	s0 =	sadd.s32 $0xC0030, s28;
	v5 =	vsel vm3, v13, v6;
	v16 =	vadd.f32 $-1.877920780e-01, v16;
	v19 =	vmul.f32 $1.144908290e-01, v9  }
0x1fb: {  	s30 =	sadd.s32 $0xC0020, s28;
	v7 =	vadd.f32 $-1.000000000e+00, v5;
	v5 =	vor.u32 s0, v0;
	v12 =	vmul.f32 $1.144908290e-01, v8  }
0x1fc: {  	s26 =	sadd.s32 $0x40, s26;
	s29 =	sadd.s32 $0xC0010, s28;
	v6 =	vor.u32 s30, v0;
	v18 =	vmul.f32 v16, v10;
	v13 =	vadd.f32 $-1.877920780e-01, v19  }
0x1fd: {  	v12 =	vadd.f32 $-1.877920780e-01, v12;
	v16 =	vmul.f32 $1.144908290e-01, v7  }
0x1fe: {  	v18 =	vadd.f32 $2.067383530e-01, v18;
	v13 =	vmul.f32 v13, v9  }
0x1ff: {  	v12 =	vmul.f32 v12, v8;
	v16 =	vadd.f32 $-1.877920780e-01, v16  }
0x200: {  	v18 =	vmul.f32 v18, v10;
	v13 =	vadd.f32 $2.067383530e-01, v13  }
0x201: {  	v17 =	vshrl.u32 v17, $0x17;
	v12 =	vadd.f32 $2.067383530e-01, v12;
	v16 =	vmul.f32 v16, v7  }
0x202: {  	v15 =	vshrl.u32 v15, $0x17;
	v18 =	vadd.f32 $-2.489812080e-01, v18;
	v13 =	vmul.f32 v13, v9  }
0x203: {  	v14 =	vshrl.u32 v14, $0x17;
	v12 =	vmul.f32 v12, v8;
	v16 =	vadd.f32 $2.067383530e-01, v16  }
0x204: {  	v11 =	vshrl.u32 v11, $0x17;
	v18 =	vmul.f32 v18, v10;
	v13 =	vadd.f32 $-2.489812080e-01, v13  }
0x205: {  	v19 =	vsel vm3, $0xFFFFFF82, v2;
	v12 =	vadd.f32 $-2.489812080e-01, v12;
	v16 =	vmul.f32 v16, v7  }
0x206: {  	v20 =	vsel vm2, $0xFFFFFF82, v2;
	v18 =	vadd.f32 $3.329895440e-01, v18;
	v13 =	vmul.f32 v13, v9  }
0x207: {  	v21 =	vsel vm1, $0xFFFFFF82, v2;
	v12 =	vmul.f32 v12, v8;
	v16 =	vadd.f32 $-2.489812080e-01, v16  }
0x208: {  	v22 =	vsel vm0, $0xFFFFFF82, v2;
	v18 =	vmul.f32 v18, v10;
	v13 =	vadd.f32 $3.329895440e-01, v13  }
0x209: {  	v17 =	vadd.s32 v17, v19;
	v12 =	vadd.f32 $3.329895440e-01, v12;
	v16 =	vmul.f32 v16, v7  }
0x20a: {  	v15 =	vadd.s32 v15, v20;
	v18 =	vadd.f32 $-5.000144840e-01, v18;
	v13 =	vmul.f32 v13, v9  }
0x20b: {  	v14 =	vadd.s32 v14, v21;
	v12 =	vmul.f32 v12, v8;
	v16 =	vadd.f32 $3.329895440e-01, v16  }
0x20c: {  	v11 =	vadd.s32 v11, v22;
	v18 =	vmul.f32 v18, v10;
	v13 =	vadd.f32 $-5.000144840e-01, v13  }
0x20d: {  	v17 =	vcvt.s32.f32 v17;
	v12 =	vadd.f32 $-5.000144840e-01, v12;
	v16 =	vmul.f32 v16, v7  }
0x20e: {  	v11 =	vcvt.s32.f32 v11;
	v18 =	vadd.f32 $1.000004170e+00, v18;
	v13 =	vmul.f32 v13, v9  }
0x20f: {  	s0 =	sand.u32 $0x7F80, s28;
	s25 =	sand.u32 $0x40, s24;
	v14 =	vcvt.s32.f32 v14;
	v12 =	vmul.f32 v12, v8;
	v16 =	vadd.f32 $-5.000144840e-01, v16  }
0x210: {  	s26 =	sadd.s32 $0x10, s24;
	s25 =	sor.u32 s25, s0;
	v11 =	vmul.f32 $6.931471820e-01, v11;
	v51 =	vmul.f32 v18, v10;
	v13 =	vadd.f32 $1.000004170e+00, v13  }
0x211: {  	s30 =	sand.u32 $0x50, s26;
	v52 =	vld [tilespmem:s25+$0x0];
	v15 =	vcvt.s32.f32 v15;
	v12 =	vadd.f32 $1.000004170e+00, v12;
	v16 =	vmul.f32 v16, v7  }
0x212: {  	s31 =	sadd.s32 $0x20, s24;
	s25 =	sor.u32 s30, s0;
	v54 =	vmul.f32 $6.931471820e-01, v14;
	v10 =	vadd.f32 v51, v11;
	v53 =	vmul.f32 v13, v9  }
0x213: {  	s26 =	sand.u32 $0x60, s31;
	v55 =	vld [tilespmem:s25+$0x0];
	v57 =	vmul.f32 $6.931471820e-01, v15;
	v56 =	vmul.f32 v12, v8;
	v58 =	vadd.f32 $1.000004170e+00, v16  }
0x214: {  	s30 =	sadd.s32 $0x30, s24;
	s25 =	sor.u32 s26, s0;
	v10 =	vsub.f32 $0.0e+00, v10;
	v9 =	vadd.f32 v53, v54  }
0x215: {  	s24 =	sand.u32 $0x70, s30;
	v59 =	vld [tilespmem:s25+$0x0];
	v60 =	vmul.f32 $6.931471820e-01, v17;
	v8 =	vadd.f32 v56, v57;
	v7 =	vmul.f32 v58, v7  }
0x216: {  	s0 =	sor.u32 s24, s0;
	v10 =	vadd.f32 v52, v10;
	v9 =	vsub.f32 $0.0e+00, v9  }
0x217: {  	v61 =	vld [tilespmem:s0+$0x0];
	v7 =	vadd.f32 v7, v60  }
0x218: {  	v8 =	vsub.f32 $0.0e+00, v8;
	vm12 =	vgt.f32 v10, v4;
	v9 =	vadd.f32 v55, v9  }
0x219: {  	v4 =	vsel vm12, v10, v4  }
0x21a: {  	s31 =	sadd.s32 $0xC0000, s28;
	v8 =	vadd.f32 v59, v8;
	v7 =	vsub.f32 $0.0e+00, v7;
	vm13 =	vgt.f32 v9, v4  }
0x21b: {  	v62 =	vor.u32 s29, v0;
	v63 =	vor.u32 s31, v0;
	v4 =	vsel vm13, v9, v4  }
0x21c: {  	v3 =	vsel vm12, v63, v3;
	v7 =	vadd.f32 v61, v7;
	vm14 =	vgt.f32 v8, v4  }
0x21d: {  	v3 =	vsel vm13, v62, v3;
	v4 =	vsel vm14, v8, v4  }
0x21e: {  	v3 =	vsel vm14, v6, v3;
	vm15 =	vgt.f32 v7, v4  }
0x21f: {  	v4 =	vsel vm15, v7, v4;
	v3 =	vsel vm15, v5, v3  }
0x220: {  	p0 =	seq.s32 s23, $0xD  }
.Ltmp1:
0x221: {  	_ = 	snop;
	(pc) =	sbr.rel @!p0 .LBB2_3-.Ltmp1, $2  }
0x222: {  	_ =	sdelay $0x2  }
0x223: {  	s22 =	sadd.s32 $0x4000, s22;
	s21 =	sadd.s32 $0x4000, s21;
	s20 =	sadd.s32 $0x4000, s20  }
0x224: {  	[tilespmem:$0x8000] =	vst v4  }
0x225: {  	[tilespmem:$0x8080] =	vst v3;
	s20 =	simm.s32 $0x0  }
0x226: {  	[hbm4b:s6+s20] =	stream.linear.scatter [tilespmem:s16], [sflag:$0x2], $0x10, $0x38;
	[tilespmem:$0x8100] =	vst v63  }
0x227: {  	_ =	swait.ge [sflag:s17], $0x10  }
0x228: {  	[sflag:s17] =	ssyncset.done $0x0  }
0x229: {  	[sflag:s17] =	ssyncadd.s32 $0xFFFFFFF0  }
0x22a: {  	[hbm4b:s7+s20] =	stream.linear.scatter [tilespmem:s18], [sflag:$0x2], $0x10, $0x38;
	[tilespmem:$0x8100] =	vst v63  }
0x22b: {  	_ =	swait.ge [sflag:s17], $0x10  }
0x22c: {  	[sflag:s17] =	ssyncset.done $0x0  }
0x22d: {  	s21 =	smov.u32 s13;
	s22 =	simm.s32 $0x0;
	[sflag:s17] =	ssyncadd.s32 $0xFFFFFFF0  }
0x22e: {  	v4 =	vimm.f32 $-Inf;
	v3 =	vimm.s32 $0x0;
	[tilespmem:s20], [sflag:$0x1] =	stream.linear.gather [hbm4b:s8+s20], $0x4000, $0x38;
	[tilespmem:$0x8100] =	vst v63  }
.LBB2_8:
0x22f: {  	s0 =	sadd.s32 $0x0, s21  }
0x230: {  	s23 =	sadd.s32 $0x1B4270, s0;
	s24 =	sadd.s32 $0x1B4260, s0  }
0x231: {  	s26 =	sadd.s32 $0x1B4250, s0;
	s0 =	sadd.s32 $0x1B4240, s0;
	v5 =	vadd.s32 s23, v1  }
0x232: {  	v6 =	vadd.s32 s24, v1;
	v7 =	vadd.s32 s26, v1;
	v8 =	vmov s0  }
0x233: {  	v9 =	vor.u32 s0, v1;
	v10 =	vshrl.u32 v5, $0x13;
	v11 =	vshll.u32 v5, $0xD  }
0x234: {  	v12 =	vshrl.u32 v6, $0x13;
	v13 =	vshll.u32 v6, $0xD;
	v14 =	vshrl.u32 v7, $0x13  }
0x235: {  	v8 =	vshrl.u32 v8, $0x13;
	v15 =	vshll.u32 v7, $0xD;
	v16 =	vshll.u32 v9, $0xD  }
0x236: {  	v14 =	vor.u32 v14, v15;
	v12 =	vor.u32 v12, v13;
	v10 =	vor.u32 v10, v11  }
0x237: {  	v8 =	vor.u32 v8, v16;
	v11 =	vxor.u32 v6, v12;
	v10 =	vxor.u32 v5, v10  }
0x238: {  	v8 =	vxor.u32 v9, v8;
	v12 =	vxor.u32 v7, v14;
	v5 =	vadd.s32 v5, v10  }
0x239: {  	v6 =	vadd.s32 v6, v11;
	v13 =	vshrl.u32 v10, $0x11;
	v10 =	vshll.u32 v10, $0xF  }
0x23a: {  	v7 =	vadd.s32 v7, v12;
	v14 =	vshrl.u32 v11, $0x11;
	v11 =	vshll.u32 v11, $0xF  }
0x23b: {  	v9 =	vadd.s32 v9, v8;
	v15 =	vshrl.u32 v12, $0x11;
	v12 =	vshll.u32 v12, $0xF  }
0x23c: {  	v16 =	vshrl.u32 v8, $0x11;
	v8 =	vshll.u32 v8, $0xF;
	v10 =	vor.u32 v13, v10  }
0x23d: {  	v8 =	vor.u32 v16, v8;
	v12 =	vor.u32 v15, v12;
	v11 =	vor.u32 v14, v11  }
0x23e: {  	v12 =	vxor.u32 v7, v12;
	v11 =	vxor.u32 v6, v11;
	v10 =	vxor.u32 v5, v10  }
0x23f: {  	v8 =	vxor.u32 v9, v8;
	v5 =	vadd.s32 v5, v10;
	v13 =	vshrl.u32 v10, $0x6  }
0x240: {  	v6 =	vadd.s32 v6, v11;
	v14 =	vshrl.u32 v11, $0x6;
	v10 =	vshll.u32 v10, $0x1A  }
0x241: {  	v7 =	vadd.s32 v7, v12;
	v15 =	vshrl.u32 v12, $0x6;
	v11 =	vshll.u32 v11, $0x1A  }
0x242: {  	v9 =	vadd.s32 v9, v8;
	v16 =	vshrl.u32 v8, $0x6;
	v12 =	vshll.u32 v12, $0x1A  }
0x243: {  	v8 =	vshll.u32 v8, $0x1A;
	v11 =	vor.u32 v14, v11;
	v10 =	vor.u32 v13, v10  }
0x244: {  	v8 =	vor.u32 v16, v8;
	v12 =	vor.u32 v15, v12;
	v10 =	vxor.u32 v5, v10  }
0x245: {  	v8 =	vxor.u32 v9, v8;
	v12 =	vxor.u32 v7, v12;
	v11 =	vxor.u32 v6, v11  }
0x246: {  	v5 =	vadd.s32 v5, v10;
	v13 =	vshrl.u32 v10, $0x1A;
	v10 =	vshll.u32 v10, $0x6  }
0x247: {  	v6 =	vadd.s32 v6, v11;
	v14 =	vshrl.u32 v11, $0x1A;
	v11 =	vshll.u32 v11, $0x6  }
0x248: {  	v7 =	vadd.s32 v7, v12;
	v15 =	vshrl.u32 v12, $0x1A;
	v12 =	vshll.u32 v12, $0x6  }
0x249: {  	v9 =	vadd.s32 v9, v8;
	v16 =	vshrl.u32 v8, $0x1A;
	v8 =	vshll.u32 v8, $0x6  }
0x24a: {  	v12 =	vor.u32 v15, v12;
	v11 =	vor.u32 v14, v11;
	v10 =	vor.u32 v13, v10  }
0x24b: {  	v8 =	vor.u32 v16, v8;
	v11 =	vxor.u32 v6, v11;
	v10 =	vxor.u32 v5, v10  }
0x24c: {  	v8 =	vxor.u32 v9, v8;
	v12 =	vxor.u32 v7, v12;
	v10 =	vadd.s32 $0x1BD11BF1, v10  }
0x24d: {  	v8 =	vadd.s32 $0x1BD11BF1, v8;
	v12 =	vadd.s32 $0x1BD11BF1, v12;
	v11 =	vadd.s32 $0x1BD11BF1, v11  }
0x24e: {  	v5 =	vadd.s32 v10, v5;
	v13 =	vshrl.u32 v10, $0xF;
	v10 =	vshll.u32 v10, $0x11  }
0x24f: {  	v6 =	vadd.s32 v11, v6;
	v14 =	vshrl.u32 v11, $0xF;
	v11 =	vshll.u32 v11, $0x11  }
0x250: {  	v7 =	vadd.s32 v12, v7;
	v15 =	vshrl.u32 v12, $0xF;
	v12 =	vshll.u32 v12, $0x11  }
0x251: {  	v9 =	vadd.s32 v8, v9;
	v16 =	vshrl.u32 v8, $0xF;
	v8 =	vshll.u32 v8, $0x11  }
0x252: {  	v6 =	vadd.s32 $0x2A, v6;
	v5 =	vadd.s32 $0x2A, v5;
	v10 =	vor.u32 v13, v10  }
0x253: {  	v7 =	vadd.s32 $0x2A, v7;
	v12 =	vor.u32 v15, v12;
	v11 =	vor.u32 v14, v11  }
0x254: {  	v9 =	vadd.s32 $0x2A, v9;
	v8 =	vor.u32 v16, v8;
	v10 =	vxor.u32 v5, v10  }
0x255: {  	v8 =	vxor.u32 v9, v8;
	v12 =	vxor.u32 v7, v12;
	v11 =	vxor.u32 v6, v11  }
0x256: {  	v5 =	vadd.s32 v5, v10;
	v13 =	vshrl.u32 v10, $0x3;
	v10 =	vshll.u32 v10, $0x1D  }
0x257: {  	v6 =	vadd.s32 v6, v11;
	v14 =	vshrl.u32 v11, $0x3;
	v11 =	vshll.u32 v11, $0x1D  }
0x258: {  	v7 =	vadd.s32 v7, v12;
	v15 =	vshrl.u32 v12, $0x3;
	v12 =	vshll.u32 v12, $0x1D  }
0x259: {  	v9 =	vadd.s32 v9, v8;
	v16 =	vshrl.u32 v8, $0x3;
	v8 =	vshll.u32 v8, $0x1D  }
0x25a: {  	v12 =	vor.u32 v15, v12;
	v11 =	vor.u32 v14, v11;
	v10 =	vor.u32 v13, v10  }
0x25b: {  	v8 =	vor.u32 v16, v8;
	v11 =	vxor.u32 v6, v11;
	v10 =	vxor.u32 v5, v10  }
0x25c: {  	v8 =	vxor.u32 v9, v8;
	v12 =	vxor.u32 v7, v12;
	v5 =	vadd.s32 v5, v10  }
0x25d: {  	v6 =	vadd.s32 v6, v11;
	v13 =	vshrl.u32 v10, $0x10;
	v10 =	vshll.u32 v10, $0x10  }
0x25e: {  	v7 =	vadd.s32 v7, v12;
	v14 =	vshrl.u32 v11, $0x10;
	v11 =	vshll.u32 v11, $0x10  }
0x25f: {  	v9 =	vadd.s32 v9, v8;
	v15 =	vshrl.u32 v12, $0x10;
	v12 =	vshll.u32 v12, $0x10  }
0x260: {  	v16 =	vshrl.u32 v8, $0x10;
	v8 =	vshll.u32 v8, $0x10;
	v10 =	vor.u32 v13, v10  }
0x261: {  	v8 =	vor.u32 v16, v8;
	v12 =	vor.u32 v15, v12;
	v11 =	vor.u32 v14, v11  }
0x262: {  	v12 =	vxor.u32 v7, v12;
	v11 =	vxor.u32 v6, v11;
	v10 =	vxor.u32 v5, v10  }
0x263: {  	v8 =	vxor.u32 v9, v8;
	v5 =	vadd.s32 v5, v10;
	v13 =	vshrl.u32 v10, $0x8  }
0x264: {  	v6 =	vadd.s32 v6, v11;
	v14 =	vshrl.u32 v11, $0x8;
	v10 =	vshll.u32 v10, $0x18  }
0x265: {  	v7 =	vadd.s32 v7, v12;
	v15 =	vshrl.u32 v12, $0x8;
	v11 =	vshll.u32 v11, $0x18  }
0x266: {  	v9 =	vadd.s32 v9, v8;
	v16 =	vshrl.u32 v8, $0x8;
	v12 =	vshll.u32 v12, $0x18  }
0x267: {  	v8 =	vshll.u32 v8, $0x18;
	v11 =	vor.u32 v14, v11;
	v10 =	vor.u32 v13, v10  }
0x268: {  	v8 =	vor.u32 v16, v8;
	v12 =	vor.u32 v15, v12;
	v10 =	vxor.u32 v5, v10  }
0x269: {  	v8 =	vxor.u32 v9, v8;
	v12 =	vxor.u32 v7, v12;
	v11 =	vxor.u32 v6, v11  }
0x26a: {  	v12 =	vadd.s32 $0x2, v12;
	v11 =	vadd.s32 $0x2, v11;
	v10 =	vadd.s32 $0x2, v10  }
0x26b: {  	v8 =	vadd.s32 $0x2, v8;
	v5 =	vadd.s32 v10, v5;
	v13 =	vshrl.u32 v10, $0x13  }
0x26c: {  	v6 =	vadd.s32 v11, v6;
	v14 =	vshrl.u32 v11, $0x13;
	v10 =	vshll.u32 v10, $0xD  }
0x26d: {  	v7 =	vadd.s32 v12, v7;
	v15 =	vshrl.u32 v12, $0x13;
	v11 =	vshll.u32 v11, $0xD  }
0x26e: {  	v9 =	vadd.s32 v8, v9;
	v16 =	vshrl.u32 v8, $0x13;
	v12 =	vshll.u32 v12, $0xD  }
0x26f: {  	v8 =	vshll.u32 v8, $0xD;
	v5 =	vadd.s32 $0x1BD11BF0, v5;
	v10 =	vor.u32 v13, v10  }
0x270: {  	v7 =	vadd.s32 $0x1BD11BF0, v7;
	v6 =	vadd.s32 $0x1BD11BF0, v6;
	v11 =	vor.u32 v14, v11  }
0x271: {  	v9 =	vadd.s32 $0x1BD11BF0, v9;
	v8 =	vor.u32 v16, v8;
	v12 =	vor.u32 v15, v12  }
0x272: {  	v12 =	vxor.u32 v7, v12;
	v11 =	vxor.u32 v6, v11;
	v10 =	vxor.u32 v5, v10  }
0x273: {  	v8 =	vxor.u32 v9, v8;
	v5 =	vadd.s32 v5, v10;
	v13 =	vshrl.u32 v10, $0x11  }
0x274: {  	v6 =	vadd.s32 v6, v11;
	v14 =	vshrl.u32 v11, $0x11;
	v10 =	vshll.u32 v10, $0xF  }
0x275: {  	v7 =	vadd.s32 v7, v12;
	v15 =	vshrl.u32 v12, $0x11;
	v11 =	vshll.u32 v11, $0xF  }
0x276: {  	v9 =	vadd.s32 v9, v8;
	v16 =	vshrl.u32 v8, $0x11;
	v12 =	vshll.u32 v12, $0xF  }
0x277: {  	v8 =	vshll.u32 v8, $0xF;
	v11 =	vor.u32 v14, v11;
	v10 =	vor.u32 v13, v10  }
0x278: {  	v8 =	vor.u32 v16, v8;
	v12 =	vor.u32 v15, v12;
	v10 =	vxor.u32 v5, v10  }
0x279: {  	v8 =	vxor.u32 v9, v8;
	v12 =	vxor.u32 v7, v12;
	v11 =	vxor.u32 v6, v11  }
0x27a: {  	v5 =	vadd.s32 v5, v10;
	v13 =	vshrl.u32 v10, $0x6;
	v10 =	vshll.u32 v10, $0x1A  }
0x27b: {  	v6 =	vadd.s32 v6, v11;
	v14 =	vshrl.u32 v11, $0x6;
	v11 =	vshll.u32 v11, $0x1A  }
0x27c: {  	v7 =	vadd.s32 v7, v12;
	v15 =	vshrl.u32 v12, $0x6;
	v12 =	vshll.u32 v12, $0x1A  }
0x27d: {  	v9 =	vadd.s32 v9, v8;
	v16 =	vshrl.u32 v8, $0x6;
	v8 =	vshll.u32 v8, $0x1A  }
0x27e: {  	v12 =	vor.u32 v15, v12;
	v11 =	vor.u32 v14, v11;
	v10 =	vor.u32 v13, v10  }
0x27f: {  	v8 =	vor.u32 v16, v8;
	v11 =	vxor.u32 v6, v11;
	v10 =	vxor.u32 v5, v10  }
0x280: {  	v8 =	vxor.u32 v9, v8;
	v12 =	vxor.u32 v7, v12;
	v5 =	vadd.s32 v5, v10  }
0x281: {  	v6 =	vadd.s32 v6, v11;
	v13 =	vshrl.u32 v10, $0x1A;
	v10 =	vshll.u32 v10, $0x6  }
0x282: {  	v7 =	vadd.s32 v7, v12;
	v14 =	vshrl.u32 v11, $0x1A;
	v11 =	vshll.u32 v11, $0x6  }
0x283: {  	v9 =	vadd.s32 v9, v8;
	v15 =	vshrl.u32 v12, $0x1A;
	v12 =	vshll.u32 v12, $0x6  }
0x284: {  	v16 =	vshrl.u32 v8, $0x1A;
	v8 =	vshll.u32 v8, $0x6;
	v10 =	vor.u32 v13, v10  }
0x285: {  	v8 =	vor.u32 v16, v8;
	v12 =	vor.u32 v15, v12;
	v11 =	vor.u32 v14, v11  }
0x286: {  	v12 =	vxor.u32 v7, v12;
	v11 =	vxor.u32 v6, v11;
	v10 =	vxor.u32 v5, v10  }
0x287: {  	v8 =	vxor.u32 v9, v8;
	v11 =	vadd.s32 $0x2D, v11;
	v10 =	vadd.s32 $0x2D, v10  }
0x288: {  	v8 =	vadd.s32 $0x2D, v8;
	v12 =	vadd.s32 $0x2D, v12;
	v5 =	vadd.s32 v5, v10  }
0x289: {  	v6 =	vadd.s32 v6, v11;
	v13 =	vshrl.u32 v10, $0xF;
	v10 =	vshll.u32 v10, $0x11  }
0x28a: {  	v7 =	vadd.s32 v7, v12;
	v14 =	vshrl.u32 v11, $0xF;
	v11 =	vshll.u32 v11, $0x11  }
0x28b: {  	v9 =	vadd.s32 v9, v8;
	v15 =	vshrl.u32 v12, $0xF;
	v12 =	vshll.u32 v12, $0x11  }
0x28c: {  	v16 =	vshrl.u32 v8, $0xF;
	v8 =	vshll.u32 v8, $0x11;
	v10 =	vor.u32 v13, v10  }
0x28d: {  	v8 =	vor.u32 v16, v8;
	v12 =	vor.u32 v15, v12;
	v11 =	vor.u32 v14, v11  }
0x28e: {  	v12 =	vxor.u32 v7, v12;
	v11 =	vxor.u32 v6, v11;
	v10 =	vxor.u32 v5, v10  }
0x28f: {  	v8 =	vxor.u32 v9, v8;
	v5 =	vadd.s32 v5, v10;
	v13 =	vshrl.u32 v10, $0x3  }
0x290: {  	v6 =	vadd.s32 v6, v11;
	v14 =	vshrl.u32 v11, $0x3;
	v10 =	vshll.u32 v10, $0x1D  }
0x291: {  	v7 =	vadd.s32 v7, v12;
	v15 =	vshrl.u32 v12, $0x3;
	v11 =	vshll.u32 v11, $0x1D  }
0x292: {  	v9 =	vadd.s32 v9, v8;
	v16 =	vshrl.u32 v8, $0x3;
	v12 =	vshll.u32 v12, $0x1D  }
0x293: {  	v8 =	vshll.u32 v8, $0x1D;
	v11 =	vor.u32 v14, v11;
	v10 =	vor.u32 v13, v10  }
0x294: {  	v8 =	vor.u32 v16, v8;
	v12 =	vor.u32 v15, v12;
	v10 =	vxor.u32 v5, v10  }
0x295: {  	v8 =	vxor.u32 v9, v8;
	v12 =	vxor.u32 v7, v12;
	v11 =	vxor.u32 v6, v11  }
0x296: {  	v5 =	vadd.s32 v5, v10;
	v13 =	vshrl.u32 v10, $0x10;
	v10 =	vshll.u32 v10, $0x10  }
0x297: {  	v6 =	vadd.s32 v6, v11;
	v14 =	vshrl.u32 v11, $0x10;
	v11 =	vshll.u32 v11, $0x10  }
0x298: {  	v7 =	vadd.s32 v7, v12;
	v15 =	vshrl.u32 v12, $0x10;
	v12 =	vshll.u32 v12, $0x10  }
0x299: {  	v9 =	vadd.s32 v9, v8;
	v16 =	vshrl.u32 v8, $0x10;
	v8 =	vshll.u32 v8, $0x10  }
0x29a: {  	v12 =	vor.u32 v15, v12;
	v11 =	vor.u32 v14, v11;
	v10 =	vor.u32 v13, v10  }
0x29b: {  	v8 =	vor.u32 v16, v8;
	v11 =	vxor.u32 v6, v11;
	v10 =	vxor.u32 v5, v10  }
0x29c: {  	v8 =	vxor.u32 v9, v8;
	v12 =	vxor.u32 v7, v12;
	v5 =	vadd.s32 v5, v10  }
0x29d: {  	v6 =	vadd.s32 v6, v11;
	v13 =	vshrl.u32 v10, $0x8;
	v10 =	vshll.u32 v10, $0x18  }
0x29e: {  	v7 =	vadd.s32 v7, v12;
	v14 =	vshrl.u32 v11, $0x8;
	v11 =	vshll.u32 v11, $0x18  }
0x29f: {  	v9 =	vadd.s32 v9, v8;
	v15 =	vshrl.u32 v12, $0x8;
	v12 =	vshll.u32 v12, $0x18  }
0x2a0: {  	v16 =	vshrl.u32 v8, $0x8;
	v8 =	vshll.u32 v8, $0x18;
	v10 =	vor.u32 v13, v10  }
0x2a1: {  	v8 =	vor.u32 v16, v8;
	v12 =	vor.u32 v15, v12;
	v11 =	vor.u32 v14, v11  }
0x2a2: {  	v12 =	vxor.u32 v7, v12;
	v11 =	vxor.u32 v6, v11;
	v10 =	vxor.u32 v5, v10  }
0x2a3: {  	v8 =	vxor.u32 v9, v8;
	v11 =	vadd.s32 $0x1BD11BF4, v11;
	v10 =	vadd.s32 $0x1BD11BF4, v10  }
0x2a4: {  	v8 =	vadd.s32 $0x1BD11BF4, v8;
	v12 =	vadd.s32 $0x1BD11BF4, v12;
	v5 =	vadd.s32 v10, v5  }
0x2a5: {  	v6 =	vadd.s32 v11, v6;
	v13 =	vshrl.u32 v10, $0x13;
	v10 =	vshll.u32 v10, $0xD  }
0x2a6: {  	v7 =	vadd.s32 v12, v7;
	v14 =	vshrl.u32 v11, $0x13;
	v11 =	vshll.u32 v11, $0xD  }
0x2a7: {  	v9 =	vadd.s32 v8, v9;
	v15 =	vshrl.u32 v12, $0x13;
	v12 =	vshll.u32 v12, $0xD  }
0x2a8: {  	v16 =	vshrl.u32 v8, $0x13;
	v8 =	vshll.u32 v8, $0xD;
	v5 =	vadd.s32 $0x2A, v5  }
0x2a9: {  	v6 =	vadd.s32 $0x2A, v6;
	v11 =	vor.u32 v14, v11;
	v10 =	vor.u32 v13, v10  }
0x2aa: {  	v9 =	vadd.s32 $0x2A, v9;
	v7 =	vadd.s32 $0x2A, v7;
	v12 =	vor.u32 v15, v12  }
0x2ab: {  	v8 =	vor.u32 v16, v8;
	v11 =	vxor.u32 v6, v11;
	v10 =	vxor.u32 v5, v10  }
0x2ac: {  	v8 =	vxor.u32 v9, v8;
	v12 =	vxor.u32 v7, v12;
	v5 =	vadd.s32 v5, v10  }
0x2ad: {  	v6 =	vadd.s32 v6, v11;
	v13 =	vshrl.u32 v10, $0x11;
	v10 =	vshll.u32 v10, $0xF  }
0x2ae: {  	v7 =	vadd.s32 v7, v12;
	v14 =	vshrl.u32 v11, $0x11;
	v11 =	vshll.u32 v11, $0xF  }
0x2af: {  	v9 =	vadd.s32 v9, v8;
	v15 =	vshrl.u32 v12, $0x11;
	v12 =	vshll.u32 v12, $0xF  }
0x2b0: {  	v16 =	vshrl.u32 v8, $0x11;
	v8 =	vshll.u32 v8, $0xF;
	v10 =	vor.u32 v13, v10  }
0x2b1: {  	v8 =	vor.u32 v16, v8;
	v12 =	vor.u32 v15, v12;
	v11 =	vor.u32 v14, v11  }
0x2b2: {  	v12 =	vxor.u32 v7, v12;
	v11 =	vxor.u32 v6, v11;
	v10 =	vxor.u32 v5, v10  }
0x2b3: {  	v8 =	vxor.u32 v9, v8;
	v5 =	vadd.s32 v5, v10;
	v13 =	vshrl.u32 v10, $0x6  }
0x2b4: {  	v6 =	vadd.s32 v6, v11;
	v14 =	vshrl.u32 v11, $0x6;
	v10 =	vshll.u32 v10, $0x1A  }
0x2b5: {  	v7 =	vadd.s32 v7, v12;
	v15 =	vshrl.u32 v12, $0x6;
	v11 =	vshll.u32 v11, $0x1A  }
0x2b6: {  	v9 =	vadd.s32 v9, v8;
	v16 =	vshrl.u32 v8, $0x6;
	v12 =	vshll.u32 v12, $0x1A  }
0x2b7: {  	v8 =	vshll.u32 v8, $0x1A;
	v11 =	vor.u32 v14, v11;
	v10 =	vor.u32 v13, v10  }
0x2b8: {  	v8 =	vor.u32 v16, v8;
	v12 =	vor.u32 v15, v12;
	v10 =	vxor.u32 v5, v10  }
0x2b9: {  	v8 =	vxor.u32 v9, v8;
	v12 =	vxor.u32 v7, v12;
	v11 =	vxor.u32 v6, v11  }
0x2ba: {  	v5 =	vadd.s32 v5, v10;
	v13 =	vshrl.u32 v10, $0x1A;
	v10 =	vshll.u32 v10, $0x6  }
0x2bb: {  	v6 =	vadd.s32 v6, v11;
	v14 =	vshrl.u32 v11, $0x1A;
	v11 =	vshll.u32 v11, $0x6  }
0x2bc: {  	v7 =	vadd.s32 v7, v12;
	v15 =	vshrl.u32 v12, $0x1A;
	v12 =	vshll.u32 v12, $0x6  }
0x2bd: {  	v9 =	vadd.s32 v9, v8;
	v16 =	vshrl.u32 v8, $0x1A;
	v8 =	vshll.u32 v8, $0x6  }
0x2be: {  	v17 =	vadd.s32 $0x1BD11BF0, v6;
	v10 =	vor.u32 v13, v10;
	v13 =	vadd.s32 $0x1BD11BF0, v5  }
0x2bf: {  	v18 =	vadd.s32 $0x1BD11BF0, v9;
	v19 =	vadd.s32 $0x1BD11BF0, v7;
	v11 =	vor.u32 v14, v11  }
0x2c0: {  	v8 =	vor.u32 v16, v8;
	v12 =	vor.u32 v15, v12;
	v5 =	vxor.u32 v5, v10  }
0x2c1: {  	v8 =	vxor.u32 v9, v8;
	v7 =	vxor.u32 v7, v12;
	v6 =	vxor.u32 v6, v11  }
0x2c2: {  	v7 =	vadd.s32 $0x5, v7;
	v6 =	vadd.s32 $0x5, v6;
	v5 =	vadd.s32 $0x5, v5  }
0x2c3: {  	v8 =	vadd.s32 $0x5, v8;
	v6 =	vxor.u32 v17, v6;
	v9 =	vxor.u32 v13, v5  }
0x2c4: {  	v8 =	vxor.u32 v18, v8;
	v5 =	vxor.u32 v19, v7;
	vm0 =	vgt.u32 v9, $0xBFFFFFFF  }
0x2c5: {  	v7 =	vshrl.u32 v5, $0x9;
	v10 =	vshrl.u32 v6, $0x9;
	v9 =	vshrl.u32 v9, $0x9  }
0x2c6: {  	v11 =	vshrl.u32 v8, $0x9;
	v10 =	vcvt.s32.f32 v10;
	v9 =	vcvt.s32.f32 v9  }
0x2c7: {  	vm1 =	vgt.u32 v6, $0xBFFFFFFF;
	v11 =	vcvt.s32.f32 v11;
	v7 =	vcvt.s32.f32 v7  }
0x2c8: {  	v12 =	vadd.f32 $-8.388608000e+06, v10;
	v13 =	vmul.f32 $1.192092900e-07, v9;
	v6 =	vadd.f32 $-8.388608000e+06, v9  }
0x2c9: {  	v14 =	vmul.f32 $1.192092900e-07, v7;
	v7 =	vadd.f32 $-8.388608000e+06, v7;
	v10 =	vmul.f32 $1.192092900e-07, v10  }
0x2ca: {  	v15 =	vmul.f32 $1.192092900e-07, v11;
	v11 =	vadd.f32 $-8.388608000e+06, v11;
	v9 =	vmul.f32 $1.192092900e-07, v6  }
0x2cb: {  	vm2 =	vgt.u32 v8, $0xBFFFFFFF;
	v6 =	vmul.f32 $1.192092900e-07, v7;
	v7 =	vmul.f32 $1.192092900e-07, v12  }
0x2cc: {  	v8 =	vmul.f32 $1.192092900e-07, v11;
	v10 =	vmax.f32 v10, $1.175494350e-38;
	v11 =	vmax.f32 v13, $1.175494350e-38  }
0x2cd: {  	v12 =	vmax.f32 v15, $1.175494350e-38;
	v13 =	vmax.f32 v14, $1.175494350e-38;
	v14 =	vshrl.u32 v11, $0x17  }
0x2ce: {  	v15 =	vshrl.u32 v12, $0x17;
	v16 =	vshrl.u32 v13, $0x17;
	v17 =	vshrl.u32 v10, $0x17  }
0x2cf: {  	v13 =	vand.u32 $0x7FFFFF, v13;
	v10 =	vand.u32 $0x7FFFFF, v10;
	v11 =	vand.u32 $0x7FFFFF, v11  }
0x2d0: {  	v12 =	vand.u32 $0x7FFFFF, v12;
	v18 =	vmul.f32 $3.342634740e-01, v7;
	v19 =	vmul.f32 $3.342634740e-01, v9  }
0x2d1: {  	v20 =	vmul.f32 $3.342634740e-01, v8;
	v21 =	vmul.f32 $3.342634740e-01, v6;
	v11 =	vor.u32 $0x3F800000, v11  }
0x2d2: {  	v12 =	vor.u32 $0x3F800000, v12;
	v13 =	vor.u32 $0x3F800000, v13;
	v10 =	vor.u32 $0x3F800000, v10  }
0x2d3: {  	vm3 =	vge.f32 v10, $1.414213540e+00;
	vm4 =	vge.f32 v11, $1.414213540e+00;
	v22 =	vmul.f32 $5.000000000e-01, v11  }
0x2d4: {  	vm5 =	vge.f32 v13, $1.414213540e+00;
	v23 =	vmul.f32 $5.000000000e-01, v13;
	v24 =	vmul.f32 $5.000000000e-01, v10  }
0x2d5: {  	vm6 =	vge.f32 v12, $1.414213540e+00;
	v25 =	vmul.f32 $5.000000000e-01, v12;
	v26 =	vsel vm4, $0xFFFFFF82, v2  }
0x2d6: {  	v27 =	vsel vm5, $0xFFFFFF82, v2;
	v28 =	vsel vm3, $0xFFFFFF82, v2;
	v19 =	vsub.f32 $4.071872310e-02, v19  }
0x2d7: {  	v29 =	vsel vm6, $0xFFFFFF82, v2;
	v21 =	vsub.f32 $4.071872310e-02, v21;
	v18 =	vsub.f32 $4.071872310e-02, v18  }
0x2d8: {  	v20 =	vsub.f32 $4.071872310e-02, v20;
	v17 =	vadd.s32 v17, v28;
	v14 =	vadd.s32 v14, v26  }
0x2d9: {  	v15 =	vadd.s32 v15, v29;
	v16 =	vadd.s32 v16, v27;
	v11 =	vsel vm4, v22, v11  }
0x2da: {  	v10 =	vsel vm3, v24, v10;
	v17 =	vcvt.s32.f32 v17;
	v14 =	vcvt.s32.f32 v14  }
0x2db: {  	v13 =	vsel vm5, v23, v13;
	v15 =	vcvt.s32.f32 v15;
	v16 =	vcvt.s32.f32 v16  }
0x2dc: {  	v12 =	vsel vm6, v25, v12;
	v18 =	vmul.f32 v18, v7;
	v19 =	vmul.f32 v19, v9  }
0x2dd: {  	v20 =	vmul.f32 v20, v8;
	v21 =	vmul.f32 v21, v6;
	v11 =	vadd.f32 $-1.000000000e+00, v11  }
0x2de: {  	v13 =	vadd.f32 $-1.000000000e+00, v13;
	v10 =	vadd.f32 $-1.000000000e+00, v10;
	v14 =	vmul.f32 $6.931471820e-01, v14  }
0x2df: {  	v12 =	vadd.f32 $-1.000000000e+00, v12;
	v16 =	vmul.f32 $6.931471820e-01, v16;
	v17 =	vmul.f32 $6.931471820e-01, v17  }
0x2e0: {  	v15 =	vmul.f32 $6.931471820e-01, v15;
	v18 =	vadd.f32 $-1.905906650e-01, v18;
	v19 =	vadd.f32 $-1.905906650e-01, v19  }
0x2e1: {  	v21 =	vadd.f32 $-1.905906650e-01, v21;
	v59 =	vmul.f32 $9.913656110e-02, v10;
	v60 =	vmul.f32 $9.913656110e-02, v11  }
0x2e2: {  	v20 =	vadd.f32 $-1.905906650e-01, v20;
	v61 =	vmul.f32 $9.913656110e-02, v12;
	v62 =	vmul.f32 $9.913656110e-02, v13  }
0x2e3: {  	v18 =	vmul.f32 v18, v7;
	v19 =	vmul.f32 v19, v9;
	v23 =	vsub.f32 $1.633855550e-01, v60  }
0x2e4: {  	v21 =	vmul.f32 v21, v6;
	v25 =	vsub.f32 $1.633855550e-01, v62;
	v22 =	vsub.f32 $1.633855550e-01, v59  }
0x2e5: {  	v20 =	vmul.f32 v20, v8;
	v24 =	vsub.f32 $1.633855550e-01, v61;
	v19 =	vadd.f32 $1.969643830e-01, v19  }
0x2e6: {  	v18 =	vadd.f32 $1.969643830e-01, v18;
	v22 =	vmul.f32 v22, v10;
	v23 =	vmul.f32 v23, v11  }
0x2e7: {  	v24 =	vmul.f32 v24, v12;
	v21 =	vadd.f32 $1.969643830e-01, v21;
	v25 =	vmul.f32 v25, v13  }
0x2e8: {  	v20 =	vadd.f32 $1.969643830e-01, v20;
	v18 =	vmul.f32 v18, v7;
	v19 =	vmul.f32 v19, v9  }
0x2e9: {  	v21 =	vmul.f32 v21, v6;
	v22 =	vadd.f32 $-1.736315340e-01, v22;
	v23 =	vadd.f32 $-1.736315340e-01, v23  }
0x2ea: {  	v20 =	vmul.f32 v20, v8;
	v24 =	vadd.f32 $-1.736315340e-01, v24;
	v25 =	vadd.f32 $-1.736315340e-01, v25  }
0x2eb: {  	v18 =	vadd.f32 $-2.502099280e-01, v18;
	v19 =	vadd.f32 $-2.502099280e-01, v19;
	v23 =	vmul.f32 v23, v11  }
0x2ec: {  	v21 =	vadd.f32 $-2.502099280e-01, v21;
	v25 =	vmul.f32 v25, v13;
	v22 =	vmul.f32 v22, v10  }
0x2ed: {  	v20 =	vadd.f32 $-2.502099280e-01, v20;
	v24 =	vmul.f32 v24, v12;
	v19 =	vmul.f32 v19, v9  }
0x2ee: {  	v18 =	vmul.f32 v18, v7;
	v22 =	vadd.f32 $1.988536120e-01, v22;
	v23 =	vadd.f32 $1.988536120e-01, v23  }
0x2ef: {  	v24 =	vadd.f32 $1.988536120e-01, v24;
	v21 =	vmul.f32 v21, v6;
	v25 =	vadd.f32 $1.988536120e-01, v25  }
0x2f0: {  	v20 =	vmul.f32 v20, v8;
	v18 =	vadd.f32 $3.333259820e-01, v18;
	v19 =	vadd.f32 $3.333259820e-01, v19  }
0x2f1: {  	v24 =	vmul.f32 v24, v12;
	v21 =	vadd.f32 $3.333259820e-01, v21;
	v23 =	vmul.f32 v23, v11  }
0x2f2: {  	v20 =	vadd.f32 $3.333259820e-01, v20;
	v25 =	vmul.f32 v25, v13;
	v22 =	vmul.f32 v22, v10  }
0x2f3: {  	v24 =	vadd.f32 $-2.495778050e-01, v24;
	v18 =	vmul.f32 v18, v7;
	v19 =	vmul.f32 v19, v9  }
0x2f4: {  	v20 =	vmul.f32 v20, v8;
	v21 =	vmul.f32 v21, v6;
	v23 =	vadd.f32 $-2.495778050e-01, v23  }
0x2f5: {  	v25 =	vadd.f32 $-2.495778050e-01, v25;
	v22 =	vadd.f32 $-2.495778050e-01, v22;
	v24 =	vmul.f32 v24, v12  }
0x2f6: {  	v18 =	vadd.f32 $-5.000001190e-01, v18;
	v19 =	vadd.f32 $-5.000001190e-01, v19;
	v23 =	vmul.f32 v23, v11  }
0x2f7: {  	v25 =	vmul.f32 v25, v13;
	v22 =	vmul.f32 v22, v10;
	v24 =	vadd.f32 $3.333568870e-01, v24  }
0x2f8: {  	v21 =	vadd.f32 $-5.000001190e-01, v21;
	v19 =	vmul.f32 v19, v9;
	v23 =	vadd.f32 $3.333568870e-01, v23  }
0x2f9: {  	v25 =	vadd.f32 $3.333568870e-01, v25;
	v22 =	vadd.f32 $3.333568870e-01, v22;
	v24 =	vmul.f32 v24, v12  }
0x2fa: {  	v20 =	vadd.f32 $-5.000001190e-01, v20;
	v18 =	vmul.f32 v18, v7;
	v23 =	vmul.f32 v23, v11  }
0x2fb: {  	v25 =	vmul.f32 v25, v13;
	v22 =	vmul.f32 v22, v10;
	v24 =	vadd.f32 $-5.000069740e-01, v24  }
0x2fc: {  	v20 =	vmul.f32 v20, v8;
	v21 =	vmul.f32 v21, v6;
	v23 =	vadd.f32 $-5.000069740e-01, v23  }
0x2fd: {  	v25 =	vadd.f32 $-5.000069740e-01, v25;
	v22 =	vadd.f32 $-5.000069740e-01, v22;
	v24 =	vmul.f32 v24, v12  }
0x2fe: {  	v18 =	vadd.f32 $1.000000000e+00, v18;
	v19 =	vadd.f32 $1.000000000e+00, v19;
	v23 =	vmul.f32 v23, v11  }
0x2ff: {  	v25 =	vmul.f32 v25, v13;
	v22 =	vmul.f32 v22, v10;
	v24 =	vadd.f32 $9.999998210e-01, v24  }
0x300: {  	v20 =	vadd.f32 $1.000000000e+00, v20;
	v9 =	vmul.f32 v19, v9;
	v19 =	vadd.f32 $9.999998210e-01, v23  }
0x301: {  	v63 =	vadd.f32 $9.999998210e-01, v25;
	v22 =	vadd.f32 $9.999998210e-01, v22;
	v12 =	vmul.f32 v24, v12  }
0x302: {  	v8 =	vmul.f32 v20, v8;
	v20 =	vadd.f32 $1.000000000e+00, v21;
	v11 =	vmul.f32 v19, v11  }
0x303: {  	v13 =	vmul.f32 v63, v13;
	v10 =	vmul.f32 v22, v10;
	v12 =	vadd.f32 v12, v15  }
0x304: {  	v7 =	vmul.f32 v18, v7;
	v6 =	vmul.f32 v20, v6;
	v14 =	vadd.f32 v11, v14  }
0x305: {  	v10 =	vadd.f32 v10, v17;
	v8 =	vsel vm2, v8, v12;
	v12 =	vadd.f32 v13, v16  }
0x306: {  	vm2 =	vgt.u32 v5, $0xBFFFFFFF;
	v5 =	vsel vm0, v9, v14;
	v11 =	vsub.f32 $0.0e+00, v8  }
0x307: {  	v7 =	vsel vm1, v7, v10;
	v17 =	vsub.f32 $0.0e+00, v5;
	v6 =	vsel vm2, v6, v12  }
0x308: {  	v15 =	vsub.f32 $0.0e+00, v7;
	v5 =	vand.u32 $0x7FFFFF, v11;
	v14 =	vsub.f32 $0.0e+00, v6  }
0x309: {  	v6 =	vand.u32 $0x7FFFFF, v17;
	v5 =	vor.u32 $0x3F800000, v5  }
0x30a: {  	v9 =	vand.u32 $0x7FFFFF, v15;
	v7 =	vmul.f32 $5.000000000e-01, v5;
	v8 =	vand.u32 $0x7FFFFF, v14  }
0x30b: {  	v6 =	vor.u32 $0x3F800000, v6;
	vm0 =	vge.f32 v5, $1.414213540e+00;
	v8 =	vor.u32 $0x3F800000, v8  }
0x30c: {  	s28 =	smov.u32 s20;
	v12 =	vor.u32 $0x3F800000, v9;
	v5 =	vsel vm0, v7, v5;
	v7 =	vmul.f32 $5.000000000e-01, v8  }
0x30d: {  	_ =	swait.ge [sflag:s15], $0x4000;
	s20 =	sadd.s32 $0x1, s20;
	p0 =	seq.s32 s28, $0xC;
	vm1 =	vge.f32 v8, $1.414213540e+00;
	v10 =	vadd.f32 $-1.000000000e+00, v5;
	v5 =	vmul.f32 $5.000000000e-01, v12  }
0x30e: {  	s25 =	simm.s32 $0x40;
	[sflag:s15] =	ssyncset.done $0x0;
	s0 =	sadd.s32 @!p0 s4, s20;
	vm2 =	vge.f32 v12, $1.414213540e+00;
	v13 =	vmul.f32 $5.000000000e-01, v6;
	v7 =	vsel vm1, v7, v8  }
0x30f: {  	[sflag:s15] =	ssyncadd.s32 $0xFFFFC000;
	s23 =	sshll.u32 @!p0 s20, $0xE;
	s24 =	simm.s32 @!p0 $0x0;
	v16 =	vmul.f32 $1.144908290e-01, v10;
	v9 =	vadd.f32 $-1.000000000e+00, v7;
	v5 =	vsel vm2, v5, v12  }
0x310: {  	s26 =	sadd.s32 $0x0, s22;
	s0 =	sshll.u32 @!p0 s0, $0xE;
	s23 =	sand.u32 @!p0 $0x4000, s23;
	vm3 =	vge.f32 v6, $1.414213540e+00;
	v8 =	vadd.f32 $-1.000000000e+00, v5  }
0x311: {  	s30 =	sadd.s32 $0xC0030, s26;
	s31 =	sadd.s32 $0xC0020, s26;
	s0 =	sadd.s32 @!p0 s0, s9;
	v5 =	vsel vm3, v13, v6;
	v16 =	vadd.f32 $-1.877920780e-01, v16;
	v19 =	vmul.f32 $1.144908290e-01, v9  }
0x312: {  	[tilespmem:s23], [sflag:$0x1] =	stream.linear.gather @!p0 [hbm4b:s0+s24], $0x4000, $0x38;
	v6 =	vor.u32 s31, v0;
	v7 =	vadd.f32 $-1.000000000e+00, v5;
	v12 =	vmul.f32 $1.144908290e-01, v8;
	[tilespmem:$0x8100] =	vst v63  }
0x313: {  	s29 =	sadd.s32 $0xC0010, s26;
	s24 =	simm.s32 $0x0;
	s23 =	simm.s32 $0x0;
	v5 =	vor.u32 s30, v0;
	v18 =	vmul.f32 v16, v10;
	v13 =	vadd.f32 $-1.877920780e-01, v19  }
.LBB2_9:
0x314: {  	s28 =	sadd.s32 s25, s21;
	s0 =	sadd.s32 $0xC0000, s26;
	v16 =	vor.u32 s29, v0;
	v19 =	vadd.f32 $-1.877920780e-01, v12;
	v20 =	vmul.f32 $1.144908290e-01, v7  }
0x315: {  	s29 =	sadd.s32 $0x1B4270, s28;
	v21 =	vadd.f32 $2.067383530e-01, v18;
	v18 =	vor.u32 s0, v0;
	v22 =	vmul.f32 v13, v9  }
0x316: {  	s0 =	sadd.s32 $0x1B4260, s28;
	v12 =	vadd.s32 s29, v1;
	v19 =	vmul.f32 v19, v8;
	v20 =	vadd.f32 $-1.877920780e-01, v20  }
0x317: {  	v13 =	vadd.s32 s0, v1;
	v21 =	vmul.f32 v21, v10;
	v22 =	vadd.f32 $2.067383530e-01, v22  }
0x318: {  	v17 =	vshrl.u32 v17, $0x17;
	v19 =	vadd.f32 $2.067383530e-01, v19;
	v20 =	vmul.f32 v20, v7  }
0x319: {  	v15 =	vshrl.u32 v15, $0x17;
	v21 =	vadd.f32 $-2.489812080e-01, v21;
	v22 =	vmul.f32 v22, v9  }
0x31a: {  	v14 =	vshrl.u32 v14, $0x17;
	v19 =	vmul.f32 v19, v8;
	v20 =	vadd.f32 $2.067383530e-01, v20  }
0x31b: {  	v11 =	vshrl.u32 v11, $0x17;
	v21 =	vmul.f32 v21, v10;
	v22 =	vadd.f32 $-2.489812080e-01, v22  }
0x31c: {  	v23 =	vsel vm3, $0xFFFFFF82, v2;
	v19 =	vadd.f32 $-2.489812080e-01, v19;
	v20 =	vmul.f32 v20, v7  }
0x31d: {  	v24 =	vsel vm2, $0xFFFFFF82, v2;
	v21 =	vadd.f32 $3.329895440e-01, v21;
	v22 =	vmul.f32 v22, v9  }
0x31e: {  	v25 =	vsel vm1, $0xFFFFFF82, v2;
	v19 =	vmul.f32 v19, v8;
	v20 =	vadd.f32 $-2.489812080e-01, v20  }
0x31f: {  	v26 =	vsel vm0, $0xFFFFFF82, v2;
	v21 =	vmul.f32 v21, v10;
	v22 =	vadd.f32 $3.329895440e-01, v22  }
0x320: {  	v17 =	vadd.s32 v17, v23;
	v19 =	vadd.f32 $3.329895440e-01, v19;
	v20 =	vmul.f32 v20, v7  }
0x321: {  	v15 =	vadd.s32 v15, v24;
	v21 =	vadd.f32 $-5.000144840e-01, v21;
	v22 =	vmul.f32 v22, v9  }
0x322: {  	v14 =	vadd.s32 v14, v25;
	v19 =	vmul.f32 v19, v8;
	v20 =	vadd.f32 $3.329895440e-01, v20  }
0x323: {  	v11 =	vadd.s32 v11, v26;
	v21 =	vmul.f32 v21, v10;
	v22 =	vadd.f32 $-5.000144840e-01, v22  }
0x324: {  	v17 =	vcvt.s32.f32 v17;
	v19 =	vadd.f32 $-5.000144840e-01, v19;
	v20 =	vmul.f32 v20, v7  }
0x325: {  	v11 =	vcvt.s32.f32 v11;
	v21 =	vadd.f32 $1.000004170e+00, v21;
	v22 =	vmul.f32 v22, v9  }
0x326: {  	s0 =	sand.u32 $0x7F80, s26;
	s26 =	sand.u32 $0x40, s23;
	v14 =	vcvt.s32.f32 v14;
	v19 =	vmul.f32 v19, v8;
	v20 =	vadd.f32 $-5.000144840e-01, v20  }
0x327: {  	s29 =	sadd.s32 $0x10, s23;
	s26 =	sor.u32 s26, s0;
	v11 =	vmul.f32 $6.931471820e-01, v11;
	v10 =	vmul.f32 v21, v10;
	v21 =	vadd.f32 $1.000004170e+00, v22  }
0x328: {  	v15 =	vcvt.s32.f32 v15;
	v22 =	vld [tilespmem:s26+$0x0];
	s26 =	sand.u32 $0x50, s29;
	v19 =	vadd.f32 $1.000004170e+00, v19;
	v20 =	vmul.f32 v20, v7  }
0x329: {  	s29 =	sadd.s32 $0x20, s23;
	v10 =	vadd.f32 v10, v11;
	s26 =	sor.u32 s26, s0;
	v9 =	vmul.f32 v21, v9;
	v11 =	vmul.f32 $6.931471820e-01, v14  }
0x32a: {  	s30 =	sadd.s32 $0x1B4250, s28;
	v15 =	vmul.f32 $6.931471820e-01, v15;
	v14 =	vld [tilespmem:s26+$0x0];
	s26 =	sand.u32 $0x60, s29;
	v8 =	vmul.f32 v19, v8;
	v19 =	vadd.f32 $1.000004170e+00, v20  }
0x32b: {  	v20 =	vadd.s32 s30, v1;
	s29 =	sadd.s32 $0x30, s23;
	s23 =	smov.u32 s25;
	v10 =	vsub.f32 $0.0e+00, v10;
	v9 =	vadd.f32 v9, v11;
	s26 =	sor.u32 s26, s0  }
0x32c: {  	s28 =	sadd.s32 $0x1B4240, s28;
	v11 =	vld [tilespmem:s26+$0x0];
	v8 =	vadd.f32 v8, v15;
	s26 =	sand.u32 $0x70, s29;
	v7 =	vmul.f32 v19, v7;
	v15 =	vmul.f32 $6.931471820e-01, v17  }
0x32d: {  	v17 =	vmov s28;
	v10 =	vadd.f32 v22, v10;
	v9 =	vsub.f32 $0.0e+00, v9;
	s0 =	sor.u32 s26, s0  }
0x32e: {  	v21 =	vshrl.u32 v12, $0x13;
	v19 =	vor.u32 s28, v1;
	v22 =	vld [tilespmem:s0+$0x0];
	v7 =	vadd.f32 v7, v15  }
0x32f: {  	v8 =	vsub.f32 $0.0e+00, v8;
	vm0 =	vgt.f32 v10, v4;
	v9 =	vadd.f32 v14, v9  }
0x330: {  	v14 =	vshll.u32 v12, $0xD;
	v4 =	vsel vm0, v10, v4;
	v3 =	vsel vm0, v18, v3  }
0x331: {  	v7 =	vsub.f32 $0.0e+00, v7;
	vm0 =	vgt.f32 v9, v4;
	v8 =	vadd.f32 v11, v8  }
0x332: {  	v10 =	vshrl.u32 v13, $0x13;
	v4 =	vsel vm0, v9, v4;
	v3 =	vsel vm0, v16, v3  }
0x333: {  	v9 =	vshll.u32 v13, $0xD;
	vm0 =	vgt.f32 v8, v4;
	v7 =	vadd.f32 v22, v7  }
0x334: {  	v11 =	vshrl.u32 v20, $0x13;
	v4 =	vsel vm0, v8, v4;
	v3 =	vsel vm0, v6, v3  }
0x335: {  	v6 =	vshrl.u32 v17, $0x13;
	v8 =	vshll.u32 v20, $0xD;
	vm0 =	vgt.f32 v7, v4  }
0x336: {  	v15 =	vshll.u32 v19, $0xD;
	v4 =	vsel vm0, v7, v4;
	v3 =	vsel vm0, v5, v3  }
0x337: {  	v5 =	vor.u32 v11, v8;
	v7 =	vor.u32 v10, v9;
	v8 =	vor.u32 v21, v14  }
0x338: {  	v6 =	vor.u32 v6, v15;
	v7 =	vxor.u32 v13, v7;
	v8 =	vxor.u32 v12, v8  }
0x339: {  	v6 =	vxor.u32 v19, v6;
	v5 =	vxor.u32 v20, v5;
	v9 =	vadd.s32 v12, v8  }
0x33a: {  	v10 =	vadd.s32 v13, v7;
	v11 =	vshrl.u32 v8, $0x11;
	v8 =	vshll.u32 v8, $0xF  }
0x33b: {  	v12 =	vadd.s32 v20, v5;
	v13 =	vshrl.u32 v7, $0x11;
	v7 =	vshll.u32 v7, $0xF  }
0x33c: {  	v14 =	vadd.s32 v19, v6;
	v15 =	vshrl.u32 v5, $0x11;
	v5 =	vshll.u32 v5, $0xF  }
0x33d: {  	v16 =	vshrl.u32 v6, $0x11;
	v6 =	vshll.u32 v6, $0xF;
	v8 =	vor.u32 v11, v8  }
0x33e: {  	v6 =	vor.u32 v16, v6;
	v5 =	vor.u32 v15, v5;
	v7 =	vor.u32 v13, v7  }
0x33f: {  	v5 =	vxor.u32 v12, v5;
	v7 =	vxor.u32 v10, v7;
	v8 =	vxor.u32 v9, v8  }
0x340: {  	v6 =	vxor.u32 v14, v6;
	v9 =	vadd.s32 v9, v8;
	v11 =	vshrl.u32 v8, $0x6  }
0x341: {  	v10 =	vadd.s32 v10, v7;
	v13 =	vshrl.u32 v7, $0x6;
	v8 =	vshll.u32 v8, $0x1A  }
0x342: {  	v12 =	vadd.s32 v12, v5;
	v15 =	vshrl.u32 v5, $0x6;
	v7 =	vshll.u32 v7, $0x1A  }
0x343: {  	v14 =	vadd.s32 v14, v6;
	v16 =	vshrl.u32 v6, $0x6;
	v5 =	vshll.u32 v5, $0x1A  }
0x344: {  	v6 =	vshll.u32 v6, $0x1A;
	v7 =	vor.u32 v13, v7;
	v8 =	vor.u32 v11, v8  }
0x345: {  	v6 =	vor.u32 v16, v6;
	v5 =	vor.u32 v15, v5;
	v8 =	vxor.u32 v9, v8  }
0x346: {  	v6 =	vxor.u32 v14, v6;
	v5 =	vxor.u32 v12, v5;
	v7 =	vxor.u32 v10, v7  }
0x347: {  	v9 =	vadd.s32 v9, v8;
	v11 =	vshrl.u32 v8, $0x1A;
	v8 =	vshll.u32 v8, $0x6  }
0x348: {  	v10 =	vadd.s32 v10, v7;
	v13 =	vshrl.u32 v7, $0x1A;
	v7 =	vshll.u32 v7, $0x6  }
0x349: {  	v12 =	vadd.s32 v12, v5;
	v15 =	vshrl.u32 v5, $0x1A;
	v5 =	vshll.u32 v5, $0x6  }
0x34a: {  	v14 =	vadd.s32 v14, v6;
	v16 =	vshrl.u32 v6, $0x1A;
	v6 =	vshll.u32 v6, $0x6  }
0x34b: {  	v5 =	vor.u32 v15, v5;
	v7 =	vor.u32 v13, v7;
	v8 =	vor.u32 v11, v8  }
0x34c: {  	v6 =	vor.u32 v16, v6;
	v7 =	vxor.u32 v10, v7;
	v8 =	vxor.u32 v9, v8  }
0x34d: {  	v6 =	vxor.u32 v14, v6;
	v5 =	vxor.u32 v12, v5;
	v8 =	vadd.s32 $0x1BD11BF1, v8  }
0x34e: {  	v6 =	vadd.s32 $0x1BD11BF1, v6;
	v5 =	vadd.s32 $0x1BD11BF1, v5;
	v7 =	vadd.s32 $0x1BD11BF1, v7  }
0x34f: {  	v9 =	vadd.s32 v8, v9;
	v11 =	vshrl.u32 v8, $0xF;
	v8 =	vshll.u32 v8, $0x11  }
0x350: {  	v10 =	vadd.s32 v7, v10;
	v13 =	vshrl.u32 v7, $0xF;
	v7 =	vshll.u32 v7, $0x11  }
0x351: {  	v12 =	vadd.s32 v5, v12;
	v15 =	vshrl.u32 v5, $0xF;
	v5 =	vshll.u32 v5, $0x11  }
0x352: {  	v14 =	vadd.s32 v6, v14;
	v16 =	vshrl.u32 v6, $0xF;
	v6 =	vshll.u32 v6, $0x11  }
0x353: {  	v10 =	vadd.s32 $0x2A, v10;
	v9 =	vadd.s32 $0x2A, v9;
	v8 =	vor.u32 v11, v8  }
0x354: {  	v11 =	vadd.s32 $0x2A, v12;
	v5 =	vor.u32 v15, v5;
	v7 =	vor.u32 v13, v7  }
0x355: {  	v6 =	vor.u32 v16, v6;
	v12 =	vadd.s32 $0x2A, v14;
	v8 =	vxor.u32 v9, v8  }
0x356: {  	v6 =	vxor.u32 v12, v6;
	v5 =	vxor.u32 v11, v5;
	v7 =	vxor.u32 v10, v7  }
0x357: {  	v9 =	vadd.s32 v9, v8;
	v13 =	vshrl.u32 v8, $0x3;
	v8 =	vshll.u32 v8, $0x1D  }
0x358: {  	v10 =	vadd.s32 v10, v7;
	v14 =	vshrl.u32 v7, $0x3;
	v7 =	vshll.u32 v7, $0x1D  }
0x359: {  	v11 =	vadd.s32 v11, v5;
	v15 =	vshrl.u32 v5, $0x3;
	v5 =	vshll.u32 v5, $0x1D  }
0x35a: {  	v12 =	vadd.s32 v12, v6;
	v16 =	vshrl.u32 v6, $0x3;
	v6 =	vshll.u32 v6, $0x1D  }
0x35b: {  	v5 =	vor.u32 v15, v5;
	v7 =	vor.u32 v14, v7;
	v8 =	vor.u32 v13, v8  }
0x35c: {  	v6 =	vor.u32 v16, v6;
	v7 =	vxor.u32 v10, v7;
	v8 =	vxor.u32 v9, v8  }
0x35d: {  	v6 =	vxor.u32 v12, v6;
	v5 =	vxor.u32 v11, v5;
	v9 =	vadd.s32 v9, v8  }
0x35e: {  	v10 =	vadd.s32 v10, v7;
	v13 =	vshrl.u32 v8, $0x10;
	v8 =	vshll.u32 v8, $0x10  }
0x35f: {  	v11 =	vadd.s32 v11, v5;
	v14 =	vshrl.u32 v7, $0x10;
	v7 =	vshll.u32 v7, $0x10  }
0x360: {  	v12 =	vadd.s32 v12, v6;
	v15 =	vshrl.u32 v5, $0x10;
	v5 =	vshll.u32 v5, $0x10  }
0x361: {  	v16 =	vshrl.u32 v6, $0x10;
	v6 =	vshll.u32 v6, $0x10;
	v8 =	vor.u32 v13, v8  }
0x362: {  	v6 =	vor.u32 v16, v6;
	v5 =	vor.u32 v15, v5;
	v7 =	vor.u32 v14, v7  }
0x363: {  	v5 =	vxor.u32 v11, v5;
	v7 =	vxor.u32 v10, v7;
	v8 =	vxor.u32 v9, v8  }
0x364: {  	v6 =	vxor.u32 v12, v6;
	v9 =	vadd.s32 v9, v8;
	v13 =	vshrl.u32 v8, $0x8  }
0x365: {  	v10 =	vadd.s32 v10, v7;
	v14 =	vshrl.u32 v7, $0x8;
	v8 =	vshll.u32 v8, $0x18  }
0x366: {  	v11 =	vadd.s32 v11, v5;
	v15 =	vshrl.u32 v5, $0x8;
	v7 =	vshll.u32 v7, $0x18  }
0x367: {  	v12 =	vadd.s32 v12, v6;
	v16 =	vshrl.u32 v6, $0x8;
	v5 =	vshll.u32 v5, $0x18  }
0x368: {  	v6 =	vshll.u32 v6, $0x18;
	v7 =	vor.u32 v14, v7;
	v8 =	vor.u32 v13, v8  }
0x369: {  	v6 =	vor.u32 v16, v6;
	v5 =	vor.u32 v15, v5;
	v8 =	vxor.u32 v9, v8  }
0x36a: {  	v6 =	vxor.u32 v12, v6;
	v5 =	vxor.u32 v11, v5;
	v7 =	vxor.u32 v10, v7  }
0x36b: {  	v5 =	vadd.s32 $0x2, v5;
	v7 =	vadd.s32 $0x2, v7;
	v8 =	vadd.s32 $0x2, v8  }
0x36c: {  	v6 =	vadd.s32 $0x2, v6;
	v9 =	vadd.s32 v8, v9;
	v13 =	vshrl.u32 v8, $0x13  }
0x36d: {  	v10 =	vadd.s32 v7, v10;
	v14 =	vshrl.u32 v7, $0x13;
	v8 =	vshll.u32 v8, $0xD  }
0x36e: {  	v11 =	vadd.s32 v5, v11;
	v15 =	vshrl.u32 v5, $0x13;
	v7 =	vshll.u32 v7, $0xD  }
0x36f: {  	v12 =	vadd.s32 v6, v12;
	v16 =	vshrl.u32 v6, $0x13;
	v5 =	vshll.u32 v5, $0xD  }
0x370: {  	v6 =	vshll.u32 v6, $0xD;
	v9 =	vadd.s32 $0x1BD11BF0, v9;
	v8 =	vor.u32 v13, v8  }
0x371: {  	v11 =	vadd.s32 $0x1BD11BF0, v11;
	v10 =	vadd.s32 $0x1BD11BF0, v10;
	v7 =	vor.u32 v14, v7  }
0x372: {  	v12 =	vadd.s32 $0x1BD11BF0, v12;
	v6 =	vor.u32 v16, v6;
	v5 =	vor.u32 v15, v5  }
0x373: {  	v5 =	vxor.u32 v11, v5;
	v7 =	vxor.u32 v10, v7;
	v8 =	vxor.u32 v9, v8  }
0x374: {  	v6 =	vxor.u32 v12, v6;
	v9 =	vadd.s32 v9, v8;
	v13 =	vshrl.u32 v8, $0x11  }
0x375: {  	v10 =	vadd.s32 v10, v7;
	v14 =	vshrl.u32 v7, $0x11;
	v8 =	vshll.u32 v8, $0xF  }
0x376: {  	v11 =	vadd.s32 v11, v5;
	v15 =	vshrl.u32 v5, $0x11;
	v7 =	vshll.u32 v7, $0xF  }
0x377: {  	v12 =	vadd.s32 v12, v6;
	v16 =	vshrl.u32 v6, $0x11;
	v5 =	vshll.u32 v5, $0xF  }
0x378: {  	v6 =	vshll.u32 v6, $0xF;
	v7 =	vor.u32 v14, v7;
	v8 =	vor.u32 v13, v8  }
0x379: {  	v6 =	vor.u32 v16, v6;
	v5 =	vor.u32 v15, v5;
	v8 =	vxor.u32 v9, v8  }
0x37a: {  	v6 =	vxor.u32 v12, v6;
	v5 =	vxor.u32 v11, v5;
	v7 =	vxor.u32 v10, v7  }
0x37b: {  	v9 =	vadd.s32 v9, v8;
	v13 =	vshrl.u32 v8, $0x6;
	v8 =	vshll.u32 v8, $0x1A  }
0x37c: {  	v10 =	vadd.s32 v10, v7;
	v14 =	vshrl.u32 v7, $0x6;
	v7 =	vshll.u32 v7, $0x1A  }
0x37d: {  	v11 =	vadd.s32 v11, v5;
	v15 =	vshrl.u32 v5, $0x6;
	v5 =	vshll.u32 v5, $0x1A  }
0x37e: {  	v12 =	vadd.s32 v12, v6;
	v16 =	vshrl.u32 v6, $0x6;
	v6 =	vshll.u32 v6, $0x1A  }
0x37f: {  	v5 =	vor.u32 v15, v5;
	v7 =	vor.u32 v14, v7;
	v8 =	vor.u32 v13, v8  }
0x380: {  	v6 =	vor.u32 v16, v6;
	v7 =	vxor.u32 v10, v7;
	v8 =	vxor.u32 v9, v8  }
0x381: {  	v6 =	vxor.u32 v12, v6;
	v5 =	vxor.u32 v11, v5;
	v9 =	vadd.s32 v9, v8  }
0x382: {  	v10 =	vadd.s32 v10, v7;
	v13 =	vshrl.u32 v8, $0x1A;
	v8 =	vshll.u32 v8, $0x6  }
0x383: {  	v11 =	vadd.s32 v11, v5;
	v14 =	vshrl.u32 v7, $0x1A;
	v7 =	vshll.u32 v7, $0x6  }
0x384: {  	v12 =	vadd.s32 v12, v6;
	v15 =	vshrl.u32 v5, $0x1A;
	v5 =	vshll.u32 v5, $0x6  }
0x385: {  	v16 =	vshrl.u32 v6, $0x1A;
	v6 =	vshll.u32 v6, $0x6;
	v8 =	vor.u32 v13, v8  }
0x386: {  	v6 =	vor.u32 v16, v6;
	v5 =	vor.u32 v15, v5;
	v7 =	vor.u32 v14, v7  }
0x387: {  	v5 =	vxor.u32 v11, v5;
	v7 =	vxor.u32 v10, v7;
	v8 =	vxor.u32 v9, v8  }
0x388: {  	v6 =	vxor.u32 v12, v6;
	v7 =	vadd.s32 $0x2D, v7;
	v8 =	vadd.s32 $0x2D, v8  }
0x389: {  	v6 =	vadd.s32 $0x2D, v6;
	v5 =	vadd.s32 $0x2D, v5;
	v9 =	vadd.s32 v9, v8  }
0x38a: {  	v10 =	vadd.s32 v10, v7;
	v13 =	vshrl.u32 v8, $0xF;
	v8 =	vshll.u32 v8, $0x11  }
0x38b: {  	v11 =	vadd.s32 v11, v5;
	v14 =	vshrl.u32 v7, $0xF;
	v7 =	vshll.u32 v7, $0x11  }
0x38c: {  	v12 =	vadd.s32 v12, v6;
	v15 =	vshrl.u32 v5, $0xF;
	v5 =	vshll.u32 v5, $0x11  }
0x38d: {  	v16 =	vshrl.u32 v6, $0xF;
	v6 =	vshll.u32 v6, $0x11;
	v8 =	vor.u32 v13, v8  }
0x38e: {  	v6 =	vor.u32 v16, v6;
	v5 =	vor.u32 v15, v5;
	v7 =	vor.u32 v14, v7  }
0x38f: {  	v5 =	vxor.u32 v11, v5;
	v7 =	vxor.u32 v10, v7;
	v8 =	vxor.u32 v9, v8  }
0x390: {  	v6 =	vxor.u32 v12, v6;
	v9 =	vadd.s32 v9, v8;
	v13 =	vshrl.u32 v8, $0x3  }
0x391: {  	v10 =	vadd.s32 v10, v7;
	v14 =	vshrl.u32 v7, $0x3;
	v8 =	vshll.u32 v8, $0x1D  }
0x392: {  	v11 =	vadd.s32 v11, v5;
	v15 =	vshrl.u32 v5, $0x3;
	v7 =	vshll.u32 v7, $0x1D  }
0x393: {  	v12 =	vadd.s32 v12, v6;
	v16 =	vshrl.u32 v6, $0x3;
	v5 =	vshll.u32 v5, $0x1D  }
0x394: {  	s24 =	sadd.s32 $0x4, s24;
	v6 =	vshll.u32 v6, $0x1D;
	v7 =	vor.u32 v14, v7;
	v8 =	vor.u32 v13, v8  }
0x395: {  	p0 =	slt.u32 s24, $0x3FC;
	v6 =	vor.u32 v16, v6;
	v5 =	vor.u32 v15, v5;
	v8 =	vxor.u32 v9, v8  }
0x396: {  	v6 =	vxor.u32 v12, v6;
	v5 =	vxor.u32 v11, v5;
	v7 =	vxor.u32 v10, v7  }
0x397: {  	v9 =	vadd.s32 v9, v8;
	v13 =	vshrl.u32 v8, $0x10;
	v8 =	vshll.u32 v8, $0x10  }
0x398: {  	v10 =	vadd.s32 v10, v7;
	v14 =	vshrl.u32 v7, $0x10;
	v7 =	vshll.u32 v7, $0x10  }
0x399: {  	v11 =	vadd.s32 v11, v5;
	v15 =	vshrl.u32 v5, $0x10;
	v5 =	vshll.u32 v5, $0x10  }
0x39a: {  	v12 =	vadd.s32 v12, v6;
	v16 =	vshrl.u32 v6, $0x10;
	v6 =	vshll.u32 v6, $0x10  }
0x39b: {  	v5 =	vor.u32 v15, v5;
	v7 =	vor.u32 v14, v7;
	v8 =	vor.u32 v13, v8  }
0x39c: {  	v6 =	vor.u32 v16, v6;
	v7 =	vxor.u32 v10, v7;
	v8 =	vxor.u32 v9, v8  }
0x39d: {  	v6 =	vxor.u32 v12, v6;
	v5 =	vxor.u32 v11, v5;
	v9 =	vadd.s32 v9, v8  }
0x39e: {  	v10 =	vadd.s32 v10, v7;
	v13 =	vshrl.u32 v8, $0x8;
	v8 =	vshll.u32 v8, $0x18  }
0x39f: {  	v11 =	vadd.s32 v11, v5;
	v14 =	vshrl.u32 v7, $0x8;
	v7 =	vshll.u32 v7, $0x18  }
0x3a0: {  	v12 =	vadd.s32 v12, v6;
	v15 =	vshrl.u32 v5, $0x8;
	v5 =	vshll.u32 v5, $0x18  }
0x3a1: {  	v16 =	vshrl.u32 v6, $0x8;
	v6 =	vshll.u32 v6, $0x18;
	v8 =	vor.u32 v13, v8  }
0x3a2: {  	v6 =	vor.u32 v16, v6;
	v5 =	vor.u32 v15, v5;
	v7 =	vor.u32 v14, v7  }
0x3a3: {  	v5 =	vxor.u32 v11, v5;
	v7 =	vxor.u32 v10, v7;
	v8 =	vxor.u32 v9, v8  }
0x3a4: {  	v6 =	vxor.u32 v12, v6;
	v7 =	vadd.s32 $0x1BD11BF4, v7;
	v8 =	vadd.s32 $0x1BD11BF4, v8  }
0x3a5: {  	v6 =	vadd.s32 $0x1BD11BF4, v6;
	v5 =	vadd.s32 $0x1BD11BF4, v5;
	v9 =	vadd.s32 v8, v9  }
0x3a6: {  	v10 =	vadd.s32 v7, v10;
	v13 =	vshrl.u32 v8, $0x13;
	v8 =	vshll.u32 v8, $0xD  }
0x3a7: {  	v11 =	vadd.s32 v5, v11;
	v14 =	vshrl.u32 v7, $0x13;
	v7 =	vshll.u32 v7, $0xD  }
0x3a8: {  	v12 =	vadd.s32 v6, v12;
	v15 =	vshrl.u32 v5, $0x13;
	v5 =	vshll.u32 v5, $0xD  }
0x3a9: {  	v16 =	vshrl.u32 v6, $0x13;
	v6 =	vshll.u32 v6, $0xD;
	v9 =	vadd.s32 $0x2A, v9  }
0x3aa: {  	v10 =	vadd.s32 $0x2A, v10;
	v7 =	vor.u32 v14, v7;
	v8 =	vor.u32 v13, v8  }
0x3ab: {  	v12 =	vadd.s32 $0x2A, v12;
	v11 =	vadd.s32 $0x2A, v11;
	v5 =	vor.u32 v15, v5  }
0x3ac: {  	v6 =	vor.u32 v16, v6;
	v7 =	vxor.u32 v10, v7;
	v8 =	vxor.u32 v9, v8  }
0x3ad: {  	v6 =	vxor.u32 v12, v6;
	v5 =	vxor.u32 v11, v5;
	v9 =	vadd.s32 v9, v8  }
0x3ae: {  	v10 =	vadd.s32 v10, v7;
	v13 =	vshrl.u32 v8, $0x11;
	v8 =	vshll.u32 v8, $0xF  }
0x3af: {  	v11 =	vadd.s32 v11, v5;
	v14 =	vshrl.u32 v7, $0x11;
	v7 =	vshll.u32 v7, $0xF  }
0x3b0: {  	v12 =	vadd.s32 v12, v6;
	v15 =	vshrl.u32 v5, $0x11;
	v5 =	vshll.u32 v5, $0xF  }
0x3b1: {  	v16 =	vshrl.u32 v6, $0x11;
	v6 =	vshll.u32 v6, $0xF;
	v8 =	vor.u32 v13, v8  }
0x3b2: {  	v6 =	vor.u32 v16, v6;
	v5 =	vor.u32 v15, v5;
	v7 =	vor.u32 v14, v7  }
0x3b3: {  	v5 =	vxor.u32 v11, v5;
	v7 =	vxor.u32 v10, v7;
	v8 =	vxor.u32 v9, v8  }
0x3b4: {  	v6 =	vxor.u32 v12, v6;
	v9 =	vadd.s32 v9, v8;
	v13 =	vshrl.u32 v8, $0x6  }
0x3b5: {  	v10 =	vadd.s32 v10, v7;
	v14 =	vshrl.u32 v7, $0x6;
	v8 =	vshll.u32 v8, $0x1A  }
0x3b6: {  	v11 =	vadd.s32 v11, v5;
	v15 =	vshrl.u32 v5, $0x6;
	v7 =	vshll.u32 v7, $0x1A  }
0x3b7: {  	v12 =	vadd.s32 v12, v6;
	v16 =	vshrl.u32 v6, $0x6;
	v5 =	vshll.u32 v5, $0x1A  }
0x3b8: {  	v6 =	vshll.u32 v6, $0x1A;
	v7 =	vor.u32 v14, v7;
	v8 =	vor.u32 v13, v8  }
0x3b9: {  	v6 =	vor.u32 v16, v6;
	v5 =	vor.u32 v15, v5;
	v8 =	vxor.u32 v9, v8  }
0x3ba: {  	v6 =	vxor.u32 v12, v6;
	v5 =	vxor.u32 v11, v5;
	v7 =	vxor.u32 v10, v7  }
0x3bb: {  	v9 =	vadd.s32 v9, v8;
	v13 =	vshrl.u32 v8, $0x1A;
	v8 =	vshll.u32 v8, $0x6  }
0x3bc: {  	v10 =	vadd.s32 v10, v7;
	v14 =	vshrl.u32 v7, $0x1A;
	v7 =	vshll.u32 v7, $0x6  }
0x3bd: {  	v11 =	vadd.s32 v11, v5;
	v15 =	vshrl.u32 v5, $0x1A;
	v5 =	vshll.u32 v5, $0x6  }
0x3be: {  	v12 =	vadd.s32 v12, v6;
	v16 =	vshrl.u32 v6, $0x1A;
	v6 =	vshll.u32 v6, $0x6  }
0x3bf: {  	v17 =	vadd.s32 $0x1BD11BF0, v10;
	v8 =	vor.u32 v13, v8;
	v13 =	vadd.s32 $0x1BD11BF0, v9  }
0x3c0: {  	v18 =	vadd.s32 $0x1BD11BF0, v12;
	v19 =	vadd.s32 $0x1BD11BF0, v11;
	v7 =	vor.u32 v14, v7  }
0x3c1: {  	v6 =	vor.u32 v16, v6;
	v5 =	vor.u32 v15, v5;
	v8 =	vxor.u32 v9, v8  }
0x3c2: {  	v6 =	vxor.u32 v12, v6;
	v5 =	vxor.u32 v11, v5;
	v7 =	vxor.u32 v10, v7  }
0x3c3: {  	v5 =	vadd.s32 $0x5, v5;
	v7 =	vadd.s32 $0x5, v7;
	v8 =	vadd.s32 $0x5, v8  }
0x3c4: {  	v6 =	vadd.s32 $0x5, v6;
	v7 =	vxor.u32 v17, v7;
	v8 =	vxor.u32 v13, v8  }
0x3c5: {  	v6 =	vxor.u32 v18, v6;
	v5 =	vxor.u32 v19, v5;
	vm0 =	vgt.u32 v8, $0xBFFFFFFF  }
0x3c6: {  	v9 =	vshrl.u32 v5, $0x9;
	v10 =	vshrl.u32 v7, $0x9;
	v8 =	vshrl.u32 v8, $0x9  }
0x3c7: {  	v11 =	vshrl.u32 v6, $0x9;
	v10 =	vcvt.s32.f32 v10;
	v8 =	vcvt.s32.f32 v8  }
0x3c8: {  	vm1 =	vgt.u32 v7, $0xBFFFFFFF;
	v11 =	vcvt.s32.f32 v11;
	v9 =	vcvt.s32.f32 v9  }
0x3c9: {  	v7 =	vadd.f32 $-8.388608000e+06, v10;
	v12 =	vmul.f32 $1.192092900e-07, v8;
	v8 =	vadd.f32 $-8.388608000e+06, v8  }
0x3ca: {  	v13 =	vmul.f32 $1.192092900e-07, v9;
	v14 =	vadd.f32 $-8.388608000e+06, v9;
	v10 =	vmul.f32 $1.192092900e-07, v10  }
0x3cb: {  	v15 =	vmul.f32 $1.192092900e-07, v11;
	v11 =	vadd.f32 $-8.388608000e+06, v11;
	v9 =	vmul.f32 $1.192092900e-07, v8  }
0x3cc: {  	vm2 =	vgt.u32 v6, $0xBFFFFFFF;
	v6 =	vmul.f32 $1.192092900e-07, v14;
	v7 =	vmul.f32 $1.192092900e-07, v7  }
0x3cd: {  	v8 =	vmul.f32 $1.192092900e-07, v11;
	v10 =	vmax.f32 v10, $1.175494350e-38;
	v11 =	vmax.f32 v12, $1.175494350e-38  }
0x3ce: {  	v12 =	vmax.f32 v15, $1.175494350e-38;
	v13 =	vmax.f32 v13, $1.175494350e-38;
	v14 =	vshrl.u32 v11, $0x17  }
0x3cf: {  	v15 =	vshrl.u32 v12, $0x17;
	v16 =	vshrl.u32 v13, $0x17;
	v17 =	vshrl.u32 v10, $0x17  }
0x3d0: {  	v13 =	vand.u32 $0x7FFFFF, v13;
	v10 =	vand.u32 $0x7FFFFF, v10;
	v11 =	vand.u32 $0x7FFFFF, v11  }
0x3d1: {  	v12 =	vand.u32 $0x7FFFFF, v12;
	v18 =	vmul.f32 $3.342634740e-01, v7;
	v19 =	vmul.f32 $3.342634740e-01, v9  }
0x3d2: {  	v20 =	vmul.f32 $3.342634740e-01, v8;
	v21 =	vmul.f32 $3.342634740e-01, v6;
	v11 =	vor.u32 $0x3F800000, v11  }
0x3d3: {  	v12 =	vor.u32 $0x3F800000, v12;
	v13 =	vor.u32 $0x3F800000, v13;
	v10 =	vor.u32 $0x3F800000, v10  }
0x3d4: {  	vm3 =	vge.f32 v10, $1.414213540e+00;
	vm4 =	vge.f32 v11, $1.414213540e+00;
	v22 =	vmul.f32 $5.000000000e-01, v11  }
0x3d5: {  	vm5 =	vge.f32 v13, $1.414213540e+00;
	v23 =	vmul.f32 $5.000000000e-01, v13;
	v24 =	vmul.f32 $5.000000000e-01, v10  }
0x3d6: {  	vm6 =	vge.f32 v12, $1.414213540e+00;
	v25 =	vmul.f32 $5.000000000e-01, v12;
	v26 =	vsel vm4, $0xFFFFFF82, v2  }
0x3d7: {  	v27 =	vsel vm5, $0xFFFFFF82, v2;
	v28 =	vsel vm3, $0xFFFFFF82, v2;
	v19 =	vsub.f32 $4.071872310e-02, v19  }
0x3d8: {  	v29 =	vsel vm6, $0xFFFFFF82, v2;
	v21 =	vsub.f32 $4.071872310e-02, v21;
	v18 =	vsub.f32 $4.071872310e-02, v18  }
0x3d9: {  	v20 =	vsub.f32 $4.071872310e-02, v20;
	v17 =	vadd.s32 v17, v28;
	v14 =	vadd.s32 v14, v26  }
0x3da: {  	v15 =	vadd.s32 v15, v29;
	v16 =	vadd.s32 v16, v27;
	v11 =	vsel vm4, v22, v11  }
0x3db: {  	v10 =	vsel vm3, v24, v10;
	v22 =	vcvt.s32.f32 v17;
	v17 =	vcvt.s32.f32 v14  }
0x3dc: {  	v13 =	vsel vm5, v23, v13;
	v24 =	vcvt.s32.f32 v15;
	v16 =	vcvt.s32.f32 v16  }
0x3dd: {  	v23 =	vsel vm6, v25, v12;
	v18 =	vmul.f32 v18, v7;
	v19 =	vmul.f32 v19, v9  }
0x3de: {  	v20 =	vmul.f32 v20, v8;
	v21 =	vmul.f32 v21, v6;
	v15 =	vadd.f32 $-1.000000000e+00, v11  }
0x3df: {  	v13 =	vadd.f32 $-1.000000000e+00, v13;
	v14 =	vadd.f32 $-1.000000000e+00, v10;
	v12 =	vmul.f32 $6.931471820e-01, v17  }
0x3e0: {  	v17 =	vadd.f32 $-1.000000000e+00, v23;
	v10 =	vmul.f32 $6.931471820e-01, v16;
	v11 =	vmul.f32 $6.931471820e-01, v22  }
0x3e1: {  	v16 =	vmul.f32 $6.931471820e-01, v24;
	v18 =	vadd.f32 $-1.905906650e-01, v18;
	v19 =	vadd.f32 $-1.905906650e-01, v19  }
0x3e2: {  	v21 =	vadd.f32 $-1.905906650e-01, v21;
	v22 =	vmul.f32 $9.913656110e-02, v14;
	v23 =	vmul.f32 $9.913656110e-02, v15  }
0x3e3: {  	v20 =	vadd.f32 $-1.905906650e-01, v20;
	v25 =	vmul.f32 $9.913656110e-02, v13;
	v24 =	vmul.f32 $9.913656110e-02, v17  }
0x3e4: {  	v18 =	vmul.f32 v18, v7;
	v19 =	vmul.f32 v19, v9;
	v23 =	vsub.f32 $1.633855550e-01, v23  }
0x3e5: {  	v21 =	vmul.f32 v21, v6;
	v25 =	vsub.f32 $1.633855550e-01, v25;
	v22 =	vsub.f32 $1.633855550e-01, v22  }
0x3e6: {  	v20 =	vmul.f32 v20, v8;
	v24 =	vsub.f32 $1.633855550e-01, v24;
	v19 =	vadd.f32 $1.969643830e-01, v19  }
0x3e7: {  	v18 =	vadd.f32 $1.969643830e-01, v18;
	v22 =	vmul.f32 v22, v14;
	v23 =	vmul.f32 v23, v15  }
0x3e8: {  	v21 =	vadd.f32 $1.969643830e-01, v21;
	v25 =	vmul.f32 v25, v13;
	v24 =	vmul.f32 v24, v17  }
0x3e9: {  	v20 =	vadd.f32 $1.969643830e-01, v20;
	v18 =	vmul.f32 v18, v7;
	v19 =	vmul.f32 v19, v9  }
0x3ea: {  	v21 =	vmul.f32 v21, v6;
	v22 =	vadd.f32 $-1.736315340e-01, v22;
	v23 =	vadd.f32 $-1.736315340e-01, v23  }
0x3eb: {  	v20 =	vmul.f32 v20, v8;
	v25 =	vadd.f32 $-1.736315340e-01, v25;
	v24 =	vadd.f32 $-1.736315340e-01, v24  }
0x3ec: {  	v18 =	vadd.f32 $-2.502099280e-01, v18;
	v19 =	vadd.f32 $-2.502099280e-01, v19;
	v23 =	vmul.f32 v23, v15  }
0x3ed: {  	v21 =	vadd.f32 $-2.502099280e-01, v21;
	v25 =	vmul.f32 v25, v13;
	v22 =	vmul.f32 v22, v14  }
0x3ee: {  	v20 =	vadd.f32 $-2.502099280e-01, v20;
	v24 =	vmul.f32 v24, v17;
	v19 =	vmul.f32 v19, v9  }
0x3ef: {  	v18 =	vmul.f32 v18, v7;
	v22 =	vadd.f32 $1.988536120e-01, v22;
	v23 =	vadd.f32 $1.988536120e-01, v23  }
0x3f0: {  	v21 =	vmul.f32 v21, v6;
	v25 =	vadd.f32 $1.988536120e-01, v25;
	v24 =	vadd.f32 $1.988536120e-01, v24  }
0x3f1: {  	v20 =	vmul.f32 v20, v8;
	v18 =	vadd.f32 $3.333259820e-01, v18;
	v19 =	vadd.f32 $3.333259820e-01, v19  }
0x3f2: {  	v21 =	vadd.f32 $3.333259820e-01, v21;
	v23 =	vmul.f32 v23, v15;
	v24 =	vmul.f32 v24, v17  }
0x3f3: {  	v20 =	vadd.f32 $3.333259820e-01, v20;
	v25 =	vmul.f32 v25, v13;
	v22 =	vmul.f32 v22, v14  }
0x3f4: {  	v18 =	vmul.f32 v18, v7;
	v19 =	vmul.f32 v19, v9;
	v24 =	vadd.f32 $-2.495778050e-01, v24  }
0x3f5: {  	v20 =	vmul.f32 v20, v8;
	v21 =	vmul.f32 v21, v6;
	v23 =	vadd.f32 $-2.495778050e-01, v23  }
0x3f6: {  	v25 =	vadd.f32 $-2.495778050e-01, v25;
	v22 =	vadd.f32 $-2.495778050e-01, v22;
	v24 =	vmul.f32 v24, v17  }
0x3f7: {  	v18 =	vadd.f32 $-5.000001190e-01, v18;
	v19 =	vadd.f32 $-5.000001190e-01, v19;
	v23 =	vmul.f32 v23, v15  }
0x3f8: {  	v25 =	vmul.f32 v25, v13;
	v22 =	vmul.f32 v22, v14;
	v24 =	vadd.f32 $3.333568870e-01, v24  }
0x3f9: {  	v21 =	vadd.f32 $-5.000001190e-01, v21;
	v19 =	vmul.f32 v19, v9;
	v23 =	vadd.f32 $3.333568870e-01, v23  }
0x3fa: {  	v25 =	vadd.f32 $3.333568870e-01, v25;
	v22 =	vadd.f32 $3.333568870e-01, v22;
	v24 =	vmul.f32 v24, v17  }
0x3fb: {  	v20 =	vadd.f32 $-5.000001190e-01, v20;
	v18 =	vmul.f32 v18, v7;
	v23 =	vmul.f32 v23, v15  }
0x3fc: {  	v25 =	vmul.f32 v25, v13;
	v22 =	vmul.f32 v22, v14;
	v24 =	vadd.f32 $-5.000069740e-01, v24  }
0x3fd: {  	v20 =	vmul.f32 v20, v8;
	v21 =	vmul.f32 v21, v6;
	v23 =	vadd.f32 $-5.000069740e-01, v23  }
0x3fe: {  	v25 =	vadd.f32 $-5.000069740e-01, v25;
	v22 =	vadd.f32 $-5.000069740e-01, v22;
	v24 =	vmul.f32 v24, v17  }
0x3ff: {  	v18 =	vadd.f32 $1.000000000e+00, v18;
	v19 =	vadd.f32 $1.000000000e+00, v19;
	v23 =	vmul.f32 v23, v15  }
0x400: {  	v25 =	vmul.f32 v25, v13;
	v22 =	vmul.f32 v22, v14;
	v24 =	vadd.f32 $9.999998210e-01, v24  }
0x401: {  	v20 =	vadd.f32 $1.000000000e+00, v20;
	v9 =	vmul.f32 v19, v9;
	v19 =	vadd.f32 $9.999998210e-01, v23  }
0x402: {  	v23 =	vadd.f32 $9.999998210e-01, v25;
	v22 =	vadd.f32 $9.999998210e-01, v22;
	v17 =	vmul.f32 v24, v17  }
0x403: {  	v8 =	vmul.f32 v20, v8;
	v20 =	vadd.f32 $1.000000000e+00, v21;
	v15 =	vmul.f32 v19, v15  }
0x404: {  	v13 =	vmul.f32 v23, v13;
	v14 =	vmul.f32 v22, v14;
	v16 =	vadd.f32 v17, v16  }
0x405: {  	v7 =	vmul.f32 v18, v7;
	v6 =	vmul.f32 v20, v6;
	v12 =	vadd.f32 v15, v12  }
0x406: {  	v10 =	vadd.f32 v13, v10;
	v13 =	vadd.f32 v14, v11;
	v8 =	vsel vm2, v8, v16  }
0x407: {  	vm2 =	vgt.u32 v5, $0xBFFFFFFF;
	v5 =	vsel vm0, v9, v12;
	v11 =	vsub.f32 $0.0e+00, v8  }
0x408: {  	v7 =	vsel vm1, v7, v13;
	v6 =	vsel vm2, v6, v10;
	v17 =	vsub.f32 $0.0e+00, v5  }
0x409: {  	v15 =	vsub.f32 $0.0e+00, v7;
	v14 =	vsub.f32 $0.0e+00, v6;
	v5 =	vand.u32 $0x7FFFFF, v11  }
0x40a: {  	v6 =	vand.u32 $0x7FFFFF, v17;
	v5 =	vor.u32 $0x3F800000, v5  }
0x40b: {  	v9 =	vand.u32 $0x7FFFFF, v15;
	v8 =	vand.u32 $0x7FFFFF, v14;
	v7 =	vmul.f32 $5.000000000e-01, v5  }
0x40c: {  	v6 =	vor.u32 $0x3F800000, v6;
	vm0 =	vge.f32 v5, $1.414213540e+00;
	v8 =	vor.u32 $0x3F800000, v8  }
0x40d: {  	v12 =	vor.u32 $0x3F800000, v9;
	v5 =	vsel vm0, v7, v5;
	v7 =	vmul.f32 $5.000000000e-01, v8  }
0x40e: {  	vm1 =	vge.f32 v8, $1.414213540e+00;
	v10 =	vadd.f32 $-1.000000000e+00, v5;
	v5 =	vmul.f32 $5.000000000e-01, v12  }
0x40f: {  	vm2 =	vge.f32 v12, $1.414213540e+00;
	v13 =	vmul.f32 $5.000000000e-01, v6;
	v7 =	vsel vm1, v7, v8  }
.Ltmp2:
0x410: {  	v16 =	vmul.f32 $1.144908290e-01, v10;
	v9 =	vadd.f32 $-1.000000000e+00, v7;
	v5 =	vsel vm2, v5, v12;
	(pc) =	sbr.rel @p0 .LBB2_9-.Ltmp2, $4  }
0x411: {  	s26 =	sadd.s32 s25, s22;
	vm3 =	vge.f32 v6, $1.414213540e+00;
	v8 =	vadd.f32 $-1.000000000e+00, v5  }
0x412: {  	s0 =	sadd.s32 $0xC0030, s26;
	v5 =	vsel vm3, v13, v6;
	v16 =	vadd.f32 $-1.877920780e-01, v16;
	v19 =	vmul.f32 $1.144908290e-01, v9  }
0x413: {  	s28 =	sadd.s32 $0xC0020, s26;
	v7 =	vadd.f32 $-1.000000000e+00, v5;
	v5 =	vor.u32 s0, v0;
	v12 =	vmul.f32 $1.144908290e-01, v8  }
0x414: {  	s25 =	sadd.s32 $0x40, s25;
	s29 =	sadd.s32 $0xC0010, s26;
	v6 =	vor.u32 s28, v0;
	v18 =	vmul.f32 v16, v10;
	v13 =	vadd.f32 $-1.877920780e-01, v19  }
0x415: {  	v12 =	vadd.f32 $-1.877920780e-01, v12;
	v16 =	vmul.f32 $1.144908290e-01, v7  }
0x416: {  	v18 =	vadd.f32 $2.067383530e-01, v18;
	v13 =	vmul.f32 v13, v9  }
0x417: {  	v12 =	vmul.f32 v12, v8;
	v16 =	vadd.f32 $-1.877920780e-01, v16  }
0x418: {  	v18 =	vmul.f32 v18, v10;
	v13 =	vadd.f32 $2.067383530e-01, v13  }
0x419: {  	v17 =	vshrl.u32 v17, $0x17;
	v12 =	vadd.f32 $2.067383530e-01, v12;
	v16 =	vmul.f32 v16, v7  }
0x41a: {  	v15 =	vshrl.u32 v15, $0x17;
	v18 =	vadd.f32 $-2.489812080e-01, v18;
	v13 =	vmul.f32 v13, v9  }
0x41b: {  	v14 =	vshrl.u32 v14, $0x17;
	v12 =	vmul.f32 v12, v8;
	v16 =	vadd.f32 $2.067383530e-01, v16  }
0x41c: {  	v11 =	vshrl.u32 v11, $0x17;
	v18 =	vmul.f32 v18, v10;
	v13 =	vadd.f32 $-2.489812080e-01, v13  }
0x41d: {  	v19 =	vsel vm3, $0xFFFFFF82, v2;
	v12 =	vadd.f32 $-2.489812080e-01, v12;
	v16 =	vmul.f32 v16, v7  }
0x41e: {  	v20 =	vsel vm2, $0xFFFFFF82, v2;
	v18 =	vadd.f32 $3.329895440e-01, v18;
	v13 =	vmul.f32 v13, v9  }
0x41f: {  	v21 =	vsel vm1, $0xFFFFFF82, v2;
	v12 =	vmul.f32 v12, v8;
	v16 =	vadd.f32 $-2.489812080e-01, v16  }
0x420: {  	v22 =	vsel vm0, $0xFFFFFF82, v2;
	v18 =	vmul.f32 v18, v10;
	v13 =	vadd.f32 $3.329895440e-01, v13  }
0x421: {  	v17 =	vadd.s32 v17, v19;
	v12 =	vadd.f32 $3.329895440e-01, v12;
	v16 =	vmul.f32 v16, v7  }
0x422: {  	v15 =	vadd.s32 v15, v20;
	v18 =	vadd.f32 $-5.000144840e-01, v18;
	v13 =	vmul.f32 v13, v9  }
0x423: {  	v14 =	vadd.s32 v14, v21;
	v12 =	vmul.f32 v12, v8;
	v16 =	vadd.f32 $3.329895440e-01, v16  }
0x424: {  	v11 =	vadd.s32 v11, v22;
	v18 =	vmul.f32 v18, v10;
	v13 =	vadd.f32 $-5.000144840e-01, v13  }
0x425: {  	v17 =	vcvt.s32.f32 v17;
	v12 =	vadd.f32 $-5.000144840e-01, v12;
	v16 =	vmul.f32 v16, v7  }
0x426: {  	v11 =	vcvt.s32.f32 v11;
	v18 =	vadd.f32 $1.000004170e+00, v18;
	v13 =	vmul.f32 v13, v9  }
0x427: {  	s0 =	sand.u32 $0x7F80, s26;
	s24 =	sand.u32 $0x40, s23;
	v14 =	vcvt.s32.f32 v14;
	v12 =	vmul.f32 v12, v8;
	v16 =	vadd.f32 $-5.000144840e-01, v16  }
0x428: {  	s25 =	sadd.s32 $0x10, s23;
	s24 =	sor.u32 s24, s0;
	v11 =	vmul.f32 $6.931471820e-01, v11;
	v51 =	vmul.f32 v18, v10;
	v13 =	vadd.f32 $1.000004170e+00, v13  }
0x429: {  	s30 =	sand.u32 $0x50, s25;
	v52 =	vld [tilespmem:s24+$0x0];
	v15 =	vcvt.s32.f32 v15;
	v12 =	vadd.f32 $1.000004170e+00, v12;
	v16 =	vmul.f32 v16, v7  }
0x42a: {  	s31 =	sadd.s32 $0x20, s23;
	s24 =	sor.u32 s30, s0;
	v54 =	vmul.f32 $6.931471820e-01, v14;
	v10 =	vadd.f32 v51, v11;
	v53 =	vmul.f32 v13, v9  }
0x42b: {  	s28 =	sand.u32 $0x60, s31;
	v55 =	vld [tilespmem:s24+$0x0];
	v57 =	vmul.f32 $6.931471820e-01, v15;
	v56 =	vmul.f32 v12, v8;
	v58 =	vadd.f32 $1.000004170e+00, v16  }
0x42c: {  	s30 =	sadd.s32 $0x30, s23;
	s24 =	sor.u32 s28, s0;
	v10 =	vsub.f32 $0.0e+00, v10;
	v9 =	vadd.f32 v53, v54  }
0x42d: {  	s23 =	sand.u32 $0x70, s30;
	v59 =	vld [tilespmem:s24+$0x0];
	v60 =	vmul.f32 $6.931471820e-01, v17;
	v8 =	vadd.f32 v56, v57;
	v7 =	vmul.f32 v58, v7  }
0x42e: {  	s0 =	sor.u32 s23, s0;
	v10 =	vadd.f32 v52, v10;
	v9 =	vsub.f32 $0.0e+00, v9  }
0x42f: {  	v61 =	vld [tilespmem:s0+$0x0];
	v7 =	vadd.f32 v7, v60  }
0x430: {  	v8 =	vsub.f32 $0.0e+00, v8;
	vm12 =	vgt.f32 v10, v4;
	v9 =	vadd.f32 v55, v9  }
0x431: {  	v4 =	vsel vm12, v10, v4  }
0x432: {  	s31 =	sadd.s32 $0xC0000, s26;
	v8 =	vadd.f32 v59, v8;
	v7 =	vsub.f32 $0.0e+00, v7;
	vm13 =	vgt.f32 v9, v4  }
0x433: {  	v62 =	vor.u32 s29, v0;
	v63 =	vor.u32 s31, v0;
	v4 =	vsel vm13, v9, v4  }
0x434: {  	v3 =	vsel vm12, v63, v3;
	v7 =	vadd.f32 v61, v7;
	vm14 =	vgt.f32 v8, v4  }
0x435: {  	v3 =	vsel vm13, v62, v3;
	v4 =	vsel vm14, v8, v4  }
0x436: {  	v3 =	vsel vm14, v6, v3;
	vm15 =	vgt.f32 v7, v4  }
0x437: {  	v4 =	vsel vm15, v7, v4;
	v3 =	vsel vm15, v5, v3  }
0x438: {  	p0 =	seq.s32 s20, $0xD  }
.Ltmp3:
0x439: {  	_ = 	snop;
	(pc) =	sbr.rel @!p0 .LBB2_8-.Ltmp3, $2  }
0x43a: {  	_ =	sdelay $0x2  }
0x43b: {  	s22 =	sadd.s32 $0x4000, s22;
	s21 =	sadd.s32 $0x4000, s21  }
0x43c: {  	[tilespmem:$0x8000] =	vst v4  }
0x43d: {  	[tilespmem:$0x8080] =	vst v3  }
0x43e: {  	[hbm4b:s10+s2] =	stream.linear.scatter [tilespmem:s16], [sflag:$0x2], $0x10, $0x38;
	[tilespmem:$0x8100] =	vst v63  }
0x43f: {  	s19 =	sadd.s32 $0x1, s19;
	_ =	swait.ge [sflag:s17], $0x10  }
0x440: {  	p0 =	sne.s32 s19, s12;
	[sflag:s17] =	ssyncset.done $0x0  }
.Ltmp4:
0x441: {  	[sflag:s17] =	ssyncadd.s32 $0xFFFFFFF0;
	(pc) =	sbr.rel @p0 .LBB2_1-.Ltmp4, $4  }
0x442: {  	[hbm4b:s11+s2] =	stream.linear.scatter [tilespmem:s18], [sflag:$0x2], $0x10, $0x38;
	[tilespmem:$0x8100] =	vst v63  }
0x443: {  	_ =	swait.ge [sflag:s17], $0x10  }
0x444: {  	[sflag:s17] =	ssyncset.done $0x0  }
0x445: {  	[sflag:s17] =	ssyncadd.s32 $0xFFFFFFF0  }
0x446: {  	_ =	sfence.sel $0x180000  }
0x447: {  	[bflag:$0x0] =	sbarrier.arrive $0xFFFF  }
0x448: {  	_ =	strace $0x90000047  }
0x449: {  	[bflag:$0x2] =	sbarrier.arrive $0xFFFF  }
0x44a: {  	p0 =	sne.s32 s1, $0x0;
	s0 =	rddreg [dreg:$0x1]  }
0x44b: {  	s0 =	sadd.s32 @!p0 $0x100000, s0  }
0x44c: {  	[sflag:s0] =	ssyncadd.tile.s32 @!p0 $0x1;
	_ =	shalt  }
.Lfunc_end2:
_tile_overlayer_lowered:
.L_overlay_start_2:
0x44d: {  	(tag) =	ssettag $0x2  }
0x44e: {  	s0 =	rddreg [dreg:$0x0];
	s2 =	stileid.u32  }
0x44f: {  	s1 =	rddreg [dreg:$0x1];
	p0 =	sne.s32 s2, $0x0  }
0x450: {  	s3 =	rddreg [dreg:$0x2];
	[bflag:$0x3] =	sbarrier.arrive $0xFFFF;
	s2 =	simm.s32 @!p0 $0x1C02  }
0x451: {  	[timem:s3], [sflag:s2] =	dma.local @!p0 [hbm:s0], s1  }
0x452: {  	s0 =	simm.s32 @!p0 $0x2  }
0x453: {  	_ =	swait.ge @!p0 [sflag:s0], s1  }
0x454: {  	s1 =	ssub.s32 @!p0 $0x0, s1;
	[sflag:s0] =	ssyncset.done @!p0 $0x0  }
0x455: {  	[sflag:s0] =	ssyncadd.s32 @!p0 s1  }
0x456: {  	[bflag:$0x3] =	sbarrier.arrive $0xFFFF  }
0x457: {  	_ =	shalt  }

</sc_bundles>
